<compile_context>
chip_gen: v7x
topology: tpu7x:2x2x1
jax: 0.10.2.dev20260603
libtpu: 0.0.44.dev20260713+nightly
codegen_flags: <defaults>
</compile_context>

<pallas_src>
import functools

import jax
import jax.numpy as jnp
from jax import lax
from jax.experimental import pallas as pl
from jax.experimental.pallas import tpu as pltpu
from jax.experimental.pallas import tpu_sc as plsc

N = 10000
D = 256
E = 160000
L = 4
HALF = D // 2

NC = 2
NS = 16

CHUNK = 112
EPT = E // NS
NCHUNK = 90
EPT_PAD = NCHUNK * CHUNK
GRPC = 3 * CHUNK
NGROUP = NCHUNK // 3
ACC_ROWS = 10112
ZROWS = ACC_ROWS // NS
OROWS = 632
OLAST = N - 15 * OROWS

BT = 400
GRID = N // BT


def _copy_out(acc, out_hbm, s):
    @pl.when(s < NS - 1)
    def _():
        pltpu.sync_copy(acc.at[pl.ds(s * OROWS, OROWS)],
                        out_hbm.at[pl.ds(s * OROWS, OROWS)])

    @pl.when(s == NS - 1)
    def _():
        pltpu.sync_copy(acc.at[pl.ds((NS - 1) * OROWS, OLAST)],
                        out_hbm.at[pl.ds((NS - 1) * OROWS, OLAST)])


@functools.cache
def _segsum_kernel():
    mesh = plsc.VectorSubcoreMesh(core_axis_name="c", subcore_axis_name="s",
                                  num_cores=NC, num_subcores=NS)
    return functools.partial(
        pl.kernel,
        out_type=(jax.ShapeDtypeStruct((N, HALF), jnp.float32),
                  jax.ShapeDtypeStruct((N, HALF), jnp.float32)),
        mesh=mesh,
        scratch_types=[
            pltpu.VMEM((2 * GRPC,), jnp.int32),
            pltpu.VMEM((2 * GRPC,), jnp.int32),
            pltpu.VMEM((CHUNK, HALF), jnp.float32),
            pltpu.VMEM((CHUNK, HALF), jnp.float32),
            pltpu.VMEM((CHUNK, HALF), jnp.float32),
            pltpu.VMEM_SHARED((ACC_ROWS, HALF), jnp.float32),
            pltpu.SemaphoreType.DMA,
            pltpu.SemaphoreType.DMA,
            pltpu.SemaphoreType.DMA,
            pltpu.SemaphoreType.DMA,
            pltpu.SemaphoreType.DMA,
        ],
    )(_segsum_body)


def _segsum_body(src_hbm, dst_hbm, z_hbm, ya_hbm, yb_hbm, s0_hbm, s1_hbm,
                 srcr, dstr, rows0, rows1, rows2, acc, gsem0, gsem1, gsem2,
                 ssem, isem):
    c = lax.axis_index("c")
    s = lax.axis_index("s")
    base = s * EPT_PAD

    pltpu.sync_copy(z_hbm, acc.at[pl.ds(s * ZROWS, ZROWS)])
    pltpu.sync_copy(src_hbm.at[pl.ds(base, GRPC)], srcr.at[pl.ds(0, GRPC)])
    pltpu.sync_copy(dst_hbm.at[pl.ds(base, GRPC)], dstr.at[pl.ds(0, GRPC)])
    plsc.subcore_barrier()

    def run(y_hbm):
        bufs = (rows0, rows1, rows2)
        gsems = (gsem0, gsem1, gsem2)

        def roff(k, ch):
            return pl.multiple_of(lax.rem(k, 2) * GRPC + ch * CHUNK, 8)

        def g(k, ch, b):
            idx = srcr.at[pl.ds(roff(k, ch), CHUNK)]
            return pltpu.make_async_copy(y_hbm.at[idx], bufs[b], gsems[b])

        def didx(k, ch):
            return dstr.at[pl.ds(roff(k, ch), CHUNK)]

        def sc(k, ch, b):
            return pltpu.make_async_copy(bufs[b], acc.at[didx(k, ch)], ssem)

        def refill(gn, start):
            hb = pl.multiple_of(base + gn * GRPC, 8)
            ho = pl.multiple_of(lax.rem(gn, 2) * GRPC, 8)
            for hbm, ring in ((src_hbm, srcr), (dst_hbm, dstr)):
                d = pltpu.make_async_copy(hbm.at[pl.ds(hb, GRPC)],
                                          ring.at[pl.ds(ho, GRPC)], isem)
                d.start() if start else d.wait()

        g(0, 0, 0).start()
        g(0, 1, 1).start()

        def body(k, _):
            g(k, 0, 0).wait()

            @pl.when(k >= 1)
            def _():
                sc(k - 1, 2, 2).wait()

            @pl.when(k + 1 < NGROUP)
            def _():
                refill(k + 1, True)

            g(k, 2, 2).start()
            pltpu.async_copy(bufs[0], acc.at[didx(k, 0)], ssem, add=True)
            g(k, 1, 1).wait()
            sc(k, 0, 0).wait()

            @pl.when(k + 1 < NGROUP)
            def _():
                refill(k + 1, False)
                g(k + 1, 0, 0).start()

            pltpu.async_copy(bufs[1], acc.at[didx(k, 1)], ssem, add=True)
            g(k, 2, 2).wait()
            sc(k, 1, 1).wait()

            @pl.when(k + 1 < NGROUP)
            def _():
                g(k + 1, 1, 1).start()

            pltpu.async_copy(bufs[2], acc.at[didx(k, 2)], ssem, add=True)
            return ()

        lax.fori_loop(0, NGROUP, body, (), unroll=False)
        sc(NGROUP - 1, 2, 2).wait()

    @pl.when(c == 0)
    def _():
        run(ya_hbm)

    @pl.when(c == 1)
    def _():
        run(yb_hbm)

    plsc.subcore_barrier()

    @pl.when(c == 0)
    def _():
        _copy_out(acc, s0_hbm, s)

    @pl.when(c == 1)
    def _():
        _copy_out(acc, s1_hbm, s)


DEG_RING = 4


@functools.cache
def _deg_kernel():
    mesh = plsc.VectorSubcoreMesh(core_axis_name="c", subcore_axis_name="s",
                                  num_cores=NC, num_subcores=NS)
    return functools.partial(
        pl.kernel,
        out_type=(jax.ShapeDtypeStruct((N, HALF), jnp.float32),
                  jax.ShapeDtypeStruct((N, HALF), jnp.float32)),
        mesh=mesh,
        scratch_types=[
            pltpu.VMEM((NCHUNK, CHUNK), jnp.int32),
            pltpu.VMEM((CHUNK, HALF), jnp.float32),
            pltpu.VMEM_SHARED((ACC_ROWS, HALF), jnp.float32),
            pltpu.SemaphoreType.DMA,
        ],
    )(_deg_body)


def _deg_body(dst_hbm, ones_hbm, z_hbm, da_hbm, db_hbm, dstv, onesv, acc, ssem):
    c = lax.axis_index("c")
    s = lax.axis_index("s")

    pltpu.sync_copy(z_hbm, acc.at[pl.ds(s * ZROWS, ZROWS)])
    pltpu.sync_copy(ones_hbm, onesv)
    pltpu.sync_copy(dst_hbm.at[s], dstv)
    plsc.subcore_barrier()

    lo = c * (NCHUNK // 2)
    hi = lax.select(c == 0, NCHUNK // 2, NCHUNK)

    def scatter(j):
        return pltpu.make_async_copy(onesv, acc.at[dstv.at[j]], ssem)

    def body(j, _):
        @pl.when(j - DEG_RING >= lo)
        def _():
            scatter(j - DEG_RING).wait()

        pltpu.async_copy(onesv, acc.at[dstv.at[j]], ssem, add=True)
        return ()

    lax.fori_loop(lo, hi, body, (), unroll=False)

    def drain(j, _):
        @pl.when(j >= lo)
        def _():
            scatter(j).wait()
        return ()

    lax.fori_loop(hi - DEG_RING, hi, drain, (), unroll=False)
    plsc.subcore_barrier()

    @pl.when(c == 0)
    def _():
        _copy_out(acc, da_hbm, s)

    @pl.when(c == 1)
    def _():
        _copy_out(acc, db_hbm, s)



def _silu(v):
    return v * jax.nn.sigmoid(v)


def _fdot(a, w):
    return jnp.dot(a, w, preferred_element_type=jnp.float32)


def _dinv_of(da_blk, db_blk):
    return lax.rsqrt(da_blk[:, 0:1] + db_blk[:, 0:1] + 1.0)


def _tc_in_kernel(x_r, da_r, db_r, wi_r, bi_r, wg_r, h_r, ya_r, yb_r):
    dinv = _dinv_of(da_r, db_r)
    h = _fdot(x_r[...], wi_r[...]) + bi_r[...]
    xw = _fdot(h, wg_r[...])
    y = xw * dinv
    h_r[...] = h
    ya_r[...] = y[:, :HALF]
    yb_r[...] = y[:, HALF:]


def _post_common(h_r, s0_r, s1_r, ya_r, yb_r, da_r, db_r, bg_r, bng_r, bnb_r,
                 lng_r, lnb_r, w1_r, w2_r):
    dinv = _dinv_of(da_r, db_r)
    S = jnp.concatenate([s0_r[...], s1_r[...]], axis=1)
    y = jnp.concatenate([ya_r[...], yb_r[...]], axis=1)
    agg = dinv * (S + y) + bg_r[...]
    bn = agg * lax.rsqrt(jnp.float32(1.0 + 1e-5)) * bng_r[...] + bnb_r[...]
    hm = _silu(bn) + h_r[...]
    mu = jnp.mean(hm, axis=-1, keepdims=True)
    var = jnp.mean((hm - mu) ** 2, axis=-1, keepdims=True)
    xn = (hm - mu) * lax.rsqrt(var + 1e-5) * lng_r[...] + lnb_r[...]
    u = _silu(_fdot(xn, w1_r[...]))
    return _fdot(u, w2_r[...]) + hm


def _tc_mid_kernel(h_r, s0_r, s1_r, ya_r, yb_r, da_r, db_r, bg_r, bng_r, bnb_r,
                   lng_r, lnb_r, w1_r, w2_r, wgn_r,
                   ho_r, yao_r, ybo_r):
    h2 = _post_common(h_r, s0_r, s1_r, ya_r, yb_r, da_r, db_r, bg_r, bng_r,
                      bnb_r, lng_r, lnb_r, w1_r, w2_r)
    dinv = _dinv_of(da_r, db_r)
    y2 = _fdot(h2, wgn_r[...]) * dinv
    ho_r[...] = h2
    yao_r[...] = y2[:, :HALF]
    ybo_r[...] = y2[:, HALF:]


def _tc_last_kernel(h_r, s0_r, s1_r, ya_r, yb_r, da_r, db_r, bg_r, bng_r,
                    bnb_r, lng_r, lnb_r, w1_r, w2_r, wo_r, bo_r, out_r):
    h2 = _post_common(h_r, s0_r, s1_r, ya_r, yb_r, da_r, db_r, bg_r, bng_r,
                      bnb_r, lng_r, lnb_r, w1_r, w2_r)
    out_r[...] = _fdot(h2, wo_r[...]) + bo_r[...]


def _row_spec(w):
    return pl.BlockSpec((BT, w), lambda i: (i, 0))


def _full_spec(r, w):
    return pl.BlockSpec((r, w), lambda i: (0, 0))


def _sds(r, w):
    return jax.ShapeDtypeStruct((r, w), jnp.float32)



def kernel(x, edge_index, W_in, b_in, W_gcn, b_gcn, bn_gamma, bn_beta,
           ln_gamma, ln_beta, W1, W2, W_out, b_out):
    src = edge_index[0].reshape(NS, EPT)
    dst = edge_index[1].reshape(NS, EPT)
    src_pad = jnp.pad(src, ((0, 0), (0, EPT_PAD - EPT))).reshape(-1)
    dst_pad = jnp.pad(dst, ((0, 0), (0, EPT_PAD - EPT)), constant_values=N)
    dst_pad3 = dst_pad.reshape(NS, NCHUNK, CHUNK)
    dst_pad = dst_pad.reshape(-1)
    z_half = jnp.zeros((ZROWS, HALF), jnp.float32)
    ones_chunk = jnp.ones((CHUNK, HALF), jnp.float32)

    da, db = _deg_kernel()(dst_pad3, ones_chunk, z_half)

    b_in2 = b_in.reshape(1, D)
    b_out2 = b_out.reshape(1, D)

    h, ya, yb = pl.pallas_call(
        _tc_in_kernel,
        grid=(GRID,),
        in_specs=[_row_spec(D), _row_spec(HALF), _row_spec(HALF),
                  _full_spec(D, D), _full_spec(1, D), _full_spec(D, D)],
        out_specs=[_row_spec(D), _row_spec(HALF), _row_spec(HALF)],
        out_shape=[_sds(N, D), _sds(N, HALF), _sds(N, HALF)],
    )(x, da, db, W_in, b_in2, W_gcn[0])

    mid = pl.pallas_call(
        _tc_mid_kernel,
        grid=(GRID,),
        in_specs=[_row_spec(D)] + [_row_spec(HALF)] * 6
                 + [_full_spec(1, D)] * 5
                 + [_full_spec(D, D)] * 3,
        out_specs=[_row_spec(D), _row_spec(HALF), _row_spec(HALF)],
        out_shape=[_sds(N, D), _sds(N, HALF), _sds(N, HALF)],
    )

    last = pl.pallas_call(
        _tc_last_kernel,
        grid=(GRID,),
        in_specs=[_row_spec(D)] + [_row_spec(HALF)] * 6
                 + [_full_spec(1, D)] * 5
                 + [_full_spec(D, D)] * 2
                 + [_full_spec(D, D), _full_spec(1, D)],
        out_specs=_row_spec(D),
        out_shape=_sds(N, D),
    )

    for i in range(L):
        s0, s1 = _segsum_kernel()(src_pad, dst_pad, z_half, ya, yb)
        norms = (b_gcn[i].reshape(1, D), bn_gamma[i].reshape(1, D),
                 bn_beta[i].reshape(1, D), ln_gamma[i].reshape(1, D),
                 ln_beta[i].reshape(1, D))
        if i < L - 1:
            h, ya, yb = mid(h, s0, s1, ya, yb, da, db, *norms,
                            W1[i], W2[i], W_gcn[i + 1])
        else:
            out = last(h, s0, s1, ya, yb, da, db, *norms,
                       W1[i], W2[i], W_out, b_out2)
    return out

# --- scband reference (transcript-rebuilt; emitter-appended) ---
"""Pipeline reference for scband-smpnn-79577154060717 (READ-ONLY COPY).

The authoritative reference and input builder live on the scoring server;
editing this copy changes nothing except your own understanding.
"""

import jax, jax.numpy as jnp
import numpy as np

N = 10000
E = 160000
D = 256
L = 4


def setup_inputs(seed: int = 0) -> dict:
    key = jax.random.key(seed)
    ks = jax.random.split(key, 12)
    s = 1.0 / np.sqrt(D)
    inp = {}
    inp["x"] = jax.random.normal(ks[0], (N, D), dtype=jnp.float32)
    inp["edge_index"] = jax.random.randint(ks[1], (2, E), 0, N, dtype=jnp.int32)
    inp["W_in"] = jax.random.normal(ks[2], (D, D), dtype=jnp.float32) * s
    inp["b_in"] = jnp.zeros((D,), jnp.float32)
    inp["W_gcn"] = jax.random.normal(ks[3], (L, D, D), dtype=jnp.float32) * s
    inp["b_gcn"] = jnp.zeros((L, D), jnp.float32)
    inp["bn_gamma"] = jnp.ones((L, D), jnp.float32)
    inp["bn_beta"] = jnp.zeros((L, D), jnp.float32)
    inp["ln_gamma"] = jnp.ones((L, D), jnp.float32)
    inp["ln_beta"] = jnp.zeros((L, D), jnp.float32)
    inp["W1"] = jax.random.normal(ks[4], (L, D, D), dtype=jnp.float32) * s
    inp["W2"] = jax.random.normal(ks[5], (L, D, D), dtype=jnp.float32) * s
    inp["W_out"] = jax.random.normal(ks[6], (D, D), dtype=jnp.float32) * s
    inp["b_out"] = jnp.zeros((D,), jnp.float32)
    return inp


def reference(x, edge_index, W_in, b_in, W_gcn, b_gcn, bn_gamma, bn_beta,
              ln_gamma, ln_beta, W1, W2, W_out, b_out):
    n = x.shape[0]
    loops = jnp.arange(n, dtype=edge_index.dtype)
    src = jnp.concatenate([edge_index[0], loops])
    dst = jnp.concatenate([edge_index[1], loops])
    # GCN symmetric normalization with self-loops
    deg = jnp.zeros((n,), jnp.float32).at[dst].add(1.0)
    dinv = jax.lax.rsqrt(jnp.clip(deg, 1.0, None))
    coef = (dinv[src] * dinv[dst])[:, None]

    h = x @ W_in + b_in
    for i in range(L):
        # GCNConv: out = D^-1/2 (A+I) D^-1/2 X W + b
        xw = h @ W_gcn[i]
        msg = xw[src] * coef
        agg = jnp.zeros_like(xw).at[dst].add(msg) + b_gcn[i]
        # BatchNorm1d in eval mode (running_mean=0, running_var=1)
        bn = (agg * jax.lax.rsqrt(jnp.float32(1.0 + 1e-5))) * bn_gamma[i] + bn_beta[i]
        h = jax.nn.silu(bn) + h  # dropout_rate=0 -> identity
        # FeedForward: LayerNorm -> w2(silu(w1(x))) with residual
        mu = jnp.mean(h, axis=-1, keepdims=True)
        var = jnp.mean((h - mu) ** 2, axis=-1, keepdims=True)
        xn = (h - mu) * jax.lax.rsqrt(var + 1e-5) * ln_gamma[i] + ln_beta[i]
        h = jax.nn.silu(xn @ W1[i]) @ W2[i] + h
    # ReadoutHead (no batch -> plain linear)
    return h @ W_out + b_out

if __name__ == "__main__":
    import jax
    _d = setup_inputs()
    print(jax.jit(kernel)(*tuple(_d.values())))

</pallas_src>

<mosaic_0001>
#map = affine_map<(d0, d1) -> (0)>
#map1 = affine_map<(d0, d1) -> (0, 0)>
module attributes {stable_mosaic.version = 14 : i64} {
  func.func @_segsum_body(%arg0: i32, %arg1: i32, %arg2: memref<161280xi32, #tpu.memory_space<hbm>>, %arg3: memref<161280xi32, #tpu.memory_space<hbm>>, %arg4: memref<632x128xf32, #tpu.memory_space<hbm>>, %arg5: memref<10000x128xf32, #tpu.memory_space<hbm>>, %arg6: memref<10000x128xf32, #tpu.memory_space<hbm>>, %arg7: memref<10000x128xf32, #tpu.memory_space<hbm>>, %arg8: memref<10000x128xf32, #tpu.memory_space<hbm>>, %arg9: memref<672xi32, #tpu.memory_space<vmem>>, %arg10: memref<672xi32, #tpu.memory_space<vmem>>, %arg11: memref<112x128xf32, #tpu.memory_space<vmem>>, %arg12: memref<112x128xf32, #tpu.memory_space<vmem>>, %arg13: memref<112x128xf32, #tpu.memory_space<vmem>>, %arg14: memref<10112x128xf32, #tpu.memory_space<vmem_shared>>, %arg15: memref<!tpu.dma_semaphore, #tpu.memory_space<semaphore_mem>>, %arg16: memref<!tpu.dma_semaphore, #tpu.memory_space<semaphore_mem>>, %arg17: memref<!tpu.dma_semaphore, #tpu.memory_space<semaphore_mem>>, %arg18: memref<!tpu.dma_semaphore, #tpu.memory_space<semaphore_mem>>, %arg19: memref<!tpu.dma_semaphore, #tpu.memory_space<semaphore_mem>>) attributes {dimension_semantics = [#tpu.dimension_semantics<core_parallel>, #tpu.dimension_semantics<subcore_parallel>], iteration_bounds = array<i64: 2, 16>, scalar_prefetch = 0 : i64, scratch_operands = 11 : i64, tpu.core_type = #tpu.core_type<sc_vector_subcore>, window_params = [{transform_indices = #map}, {transform_indices = #map}, {transform_indices = #map1}, {transform_indices = #map1}, {transform_indices = #map1}, {transform_indices = #map1}, {transform_indices = #map1}]} {
    %mul3A = arith.constant 10080 : i32
    %mul3A_0 = arith.muli %arg1, %mul3A : i32
    %mul3A_1 = arith.constant 632 : i32
    %mul3A_2 = arith.muli %arg1, %mul3A_1 : i32
    "tpu.region"() ({
      %run_scoped3A = tpu.sem_alloc : memref<!tpu.dma_semaphore, #tpu.memory_space<semaphore_mem>>
      %dma_start3A = arith.constant 0 : i32
      %dma_start3A_21 = tpu.memref_slice %arg14[%mul3A_2, %dma_start3A] : memref<10112x128xf32, #tpu.memory_space<vmem_shared>> -> memref<632x128xf32, #tpu.memory_space<vmem_shared>>
      tpu.enqueue_dma source(%arg4 : memref<632x128xf32, #tpu.memory_space<hbm>>) target(%dma_start3A_21 : memref<632x128xf32, #tpu.memory_space<vmem_shared>>) target_semaphore(%run_scoped3A : memref<!tpu.dma_semaphore, #tpu.memory_space<semaphore_mem>>)
      %dma_wait3A = arith.constant 0 : i32
      %dma_wait3A_22 = tpu.memref_slice %arg14[%mul3A_2, %dma_wait3A] : memref<10112x128xf32, #tpu.memory_space<vmem_shared>> -> memref<632x128xf32, #tpu.memory_space<vmem_shared>>
      tpu.wait_dma2 semaphore(%run_scoped3A : memref<!tpu.dma_semaphore, #tpu.memory_space<semaphore_mem>>) src(%arg4 : memref<632x128xf32, #tpu.memory_space<hbm>>) dst(%dma_wait3A_22 : memref<632x128xf32, #tpu.memory_space<vmem_shared>>)
      tpu.yield
    }) : () -> ()
    "tpu.region"() ({
      %run_scoped3A = tpu.sem_alloc : memref<!tpu.dma_semaphore, #tpu.memory_space<semaphore_mem>>
      %dma_start3A = arith.constant 0 : i32
      %dma_start3A_21 = tpu.memref_slice %arg9[%dma_start3A] : memref<672xi32, #tpu.memory_space<vmem>> -> memref<336xi32, #tpu.memory_space<vmem>>
      %dma_start3A_22 = tpu.memref_slice %arg2[%mul3A_0] : memref<161280xi32, #tpu.memory_space<hbm>> -> memref<336xi32, #tpu.memory_space<hbm>>
      %dma_start3A_23 = arith.constant 0 : i32
      %dma_start3A_24 = tpu.memref_slice %arg9[%dma_start3A_23] : memref<672xi32, #tpu.memory_space<vmem>> -> memref<336xi32, #tpu.memory_space<vmem>>
      %dma_start3A_25 = tpu.memref_slice %arg2[%mul3A_0] : memref<161280xi32, #tpu.memory_space<hbm>> -> memref<336xi32, #tpu.memory_space<hbm>>
      tpu.enqueue_dma source(%dma_start3A_25 : memref<336xi32, #tpu.memory_space<hbm>>) target(%dma_start3A_24 : memref<336xi32, #tpu.memory_space<vmem>>) target_semaphore(%run_scoped3A : memref<!tpu.dma_semaphore, #tpu.memory_space<semaphore_mem>>)
      %dma_wait3A = arith.constant 0 : i32
      %dma_wait3A_26 = tpu.memref_slice %arg9[%dma_wait3A] : memref<672xi32, #tpu.memory_space<vmem>> -> memref<336xi32, #tpu.memory_space<vmem>>
      %dma_wait3A_27 = tpu.memref_slice %arg2[%mul3A_0] : memref<161280xi32, #tpu.memory_space<hbm>> -> memref<336xi32, #tpu.memory_space<hbm>>
      %dma_wait3A_28 = arith.constant 0 : i32
      %dma_wait3A_29 = tpu.memref_slice %arg9[%dma_wait3A_28] : memref<672xi32, #tpu.memory_space<vmem>> -> memref<336xi32, #tpu.memory_space<vmem>>
      %dma_wait3A_30 = tpu.memref_slice %arg2[%mul3A_0] : memref<161280xi32, #tpu.memory_space<hbm>> -> memref<336xi32, #tpu.memory_space<hbm>>
      tpu.wait_dma2 semaphore(%run_scoped3A : memref<!tpu.dma_semaphore, #tpu.memory_space<semaphore_mem>>) src(%dma_wait3A_30 : memref<336xi32, #tpu.memory_space<hbm>>) dst(%dma_wait3A_29 : memref<336xi32, #tpu.memory_space<vmem>>)
      tpu.yield
    }) : () -> ()
    "tpu.region"() ({
      %run_scoped3A = tpu.sem_alloc : memref<!tpu.dma_semaphore, #tpu.memory_space<semaphore_mem>>
      %dma_start3A = arith.constant 0 : i32
      %dma_start3A_21 = tpu.memref_slice %arg10[%dma_start3A] : memref<672xi32, #tpu.memory_space<vmem>> -> memref<336xi32, #tpu.memory_space<vmem>>
      %dma_start3A_22 = tpu.memref_slice %arg3[%mul3A_0] : memref<161280xi32, #tpu.memory_space<hbm>> -> memref<336xi32, #tpu.memory_space<hbm>>
      %dma_start3A_23 = arith.constant 0 : i32
      %dma_start3A_24 = tpu.memref_slice %arg10[%dma_start3A_23] : memref<672xi32, #tpu.memory_space<vmem>> -> memref<336xi32, #tpu.memory_space<vmem>>
      %dma_start3A_25 = tpu.memref_slice %arg3[%mul3A_0] : memref<161280xi32, #tpu.memory_space<hbm>> -> memref<336xi32, #tpu.memory_space<hbm>>
      tpu.enqueue_dma source(%dma_start3A_25 : memref<336xi32, #tpu.memory_space<hbm>>) target(%dma_start3A_24 : memref<336xi32, #tpu.memory_space<vmem>>) target_semaphore(%run_scoped3A : memref<!tpu.dma_semaphore, #tpu.memory_space<semaphore_mem>>)
      %dma_wait3A = arith.constant 0 : i32
      %dma_wait3A_26 = tpu.memref_slice %arg10[%dma_wait3A] : memref<672xi32, #tpu.memory_space<vmem>> -> memref<336xi32, #tpu.memory_space<vmem>>
      %dma_wait3A_27 = tpu.memref_slice %arg3[%mul3A_0] : memref<161280xi32, #tpu.memory_space<hbm>> -> memref<336xi32, #tpu.memory_space<hbm>>
      %dma_wait3A_28 = arith.constant 0 : i32
      %dma_wait3A_29 = tpu.memref_slice %arg10[%dma_wait3A_28] : memref<672xi32, #tpu.memory_space<vmem>> -> memref<336xi32, #tpu.memory_space<vmem>>
      %dma_wait3A_30 = tpu.memref_slice %arg3[%mul3A_0] : memref<161280xi32, #tpu.memory_space<hbm>> -> memref<336xi32, #tpu.memory_space<hbm>>
      tpu.wait_dma2 semaphore(%run_scoped3A : memref<!tpu.dma_semaphore, #tpu.memory_space<semaphore_mem>>) src(%dma_wait3A_30 : memref<336xi32, #tpu.memory_space<hbm>>) dst(%dma_wait3A_29 : memref<336xi32, #tpu.memory_space<vmem>>)
      tpu.yield
    }) : () -> ()
    %barrier3A = arith.constant 0 : index
    tpu.barrier barrier_id(%barrier3A)
    %eq3A = arith.constant 0 : i32
    %eq3A_3 = arith.cmpi eq, %arg0, %eq3A : i32
    %convert_element_type3A = arith.extui %eq3A_3 : i1 to i32
    %cond3A = arith.constant 0 : i32
    %cond3A_4 = arith.cmpi ne, %convert_element_type3A, %cond3A : i32
    scf.if %cond3A_4 {
      %rem3A = arith.constant 0 : i32
      %rem3A_21 = arith.constant 2 : i32
      %rem3A_22 = arith.remsi %rem3A, %rem3A_21 : i32
      %mul3A_23 = arith.constant 336 : i32
      %mul3A_24 = arith.muli %rem3A_22, %mul3A_23 : i32
      %add3A = arith.constant 0 : i32
      %add3A_25 = arith.addi %mul3A_24, %add3A : i32
      %multiple_of3A = tpu.assume_multiple %add3A_25, 8 : i32
      %dma_start3A = tpu.memref_slice %arg9[%multiple_of3A] : memref<672xi32, #tpu.memory_space<vmem>> -> memref<112xi32, #tpu.memory_space<vmem>>
      %dma_start3A_26 = arith.constant 0 : i32
      %dma_start3A_27 = arith.constant 0 : i32
      %dma_start3A_28 = tpu.memref_slice %arg5[%dma_start3A_26, %dma_start3A_27] : memref<10000x128xf32, #tpu.memory_space<hbm>> -> memref<10000x128xf32, #tpu.memory_space<hbm>>
      tpu.enqueue_indirect_dma source(%dma_start3A_28 : memref<10000x128xf32, #tpu.memory_space<hbm>>) target(%arg11 : memref<112x128xf32, #tpu.memory_space<vmem>>) offsets(%dma_start3A : memref<112xi32, #tpu.memory_space<vmem>>) semaphore(%arg15 : memref<!tpu.dma_semaphore, #tpu.memory_space<semaphore_mem>>)
      %rem3A_29 = arith.constant 0 : i32
      %rem3A_30 = arith.constant 2 : i32
      %rem3A_31 = arith.remsi %rem3A_29, %rem3A_30 : i32
      %mul3A_32 = arith.constant 336 : i32
      %mul3A_33 = arith.muli %rem3A_31, %mul3A_32 : i32
      %add3A_34 = arith.constant 112 : i32
      %add3A_35 = arith.addi %mul3A_33, %add3A_34 : i32
      %multiple_of3A_36 = tpu.assume_multiple %add3A_35, 8 : i32
      %dma_start3A_37 = tpu.memref_slice %arg9[%multiple_of3A_36] : memref<672xi32, #tpu.memory_space<vmem>> -> memref<112xi32, #tpu.memory_space<vmem>>
      %dma_start3A_38 = arith.constant 0 : i32
      %dma_start3A_39 = arith.constant 0 : i32
      %dma_start3A_40 = tpu.memref_slice %arg5[%dma_start3A_38, %dma_start3A_39] : memref<10000x128xf32, #tpu.memory_space<hbm>> -> memref<10000x128xf32, #tpu.memory_space<hbm>>
      tpu.enqueue_indirect_dma source(%dma_start3A_40 : memref<10000x128xf32, #tpu.memory_space<hbm>>) target(%arg12 : memref<112x128xf32, #tpu.memory_space<vmem>>) offsets(%dma_start3A_37 : memref<112xi32, #tpu.memory_space<vmem>>) semaphore(%arg16 : memref<!tpu.dma_semaphore, #tpu.memory_space<semaphore_mem>>)
      %scan3A = arith.constant 0 : i32
      %scan3A_41 = arith.constant 30 : i32
      %scan3A_42 = arith.addi %scan3A, %scan3A_41 : i32
      %scan3A_43 = arith.constant 1 : i32
      scf.for %scan3A_56 = %scan3A to %scan3A_42 step %scan3A_43  : i32 {
        %rem3A_57 = arith.constant 2 : i32
        %rem3A_58 = arith.remsi %scan3A_56, %rem3A_57 : i32
        %mul3A_59 = arith.constant 336 : i32
        %mul3A_60 = arith.muli %rem3A_58, %mul3A_59 : i32
        %add3A_61 = arith.constant 0 : i32
        %add3A_62 = arith.addi %mul3A_60, %add3A_61 : i32
        %multiple_of3A_63 = tpu.assume_multiple %add3A_62, 8 : i32
        %dma_wait3A_64 = tpu.memref_slice %arg9[%multiple_of3A_63] : memref<672xi32, #tpu.memory_space<vmem>> -> memref<112xi32, #tpu.memory_space<vmem>>
        %dma_wait3A_65 = arith.constant 0 : i32
        %dma_wait3A_66 = arith.constant 0 : i32
        %dma_wait3A_67 = tpu.memref_slice %arg5[%dma_wait3A_65, %dma_wait3A_66] : memref<10000x128xf32, #tpu.memory_space<hbm>> -> memref<10000x128xf32, #tpu.memory_space<hbm>>
        tpu.wait_indirect_dma semaphore(%arg15 : memref<!tpu.dma_semaphore, #tpu.memory_space<semaphore_mem>>) src(%dma_wait3A_67 : memref<10000x128xf32, #tpu.memory_space<hbm>>) dst(%arg11 : memref<112x128xf32, #tpu.memory_space<vmem>>)
        %ge3A = arith.constant 1 : i32
        %ge3A_68 = arith.cmpi sge, %scan3A_56, %ge3A : i32
        %convert_element_type3A_69 = arith.extui %ge3A_68 : i1 to i32
        %cond3A_70 = arith.constant 0 : i32
        %cond3A_71 = arith.cmpi ne, %convert_element_type3A_69, %cond3A_70 : i32
        scf.if %cond3A_71 {
          %sub3A = arith.constant 1 : i32
          %sub3A_180 = arith.subi %scan3A_56, %sub3A : i32
          %rem3A_181 = arith.constant 2 : i32
          %rem3A_182 = arith.remsi %sub3A_180, %rem3A_181 : i32
          %mul3A_183 = arith.constant 336 : i32
          %mul3A_184 = arith.muli %rem3A_182, %mul3A_183 : i32
          %add3A_185 = arith.constant 224 : i32
          %add3A_186 = arith.addi %mul3A_184, %add3A_185 : i32
          %multiple_of3A_187 = tpu.assume_multiple %add3A_186, 8 : i32
          %dma_wait3A_188 = tpu.memref_slice %arg10[%multiple_of3A_187] : memref<672xi32, #tpu.memory_space<vmem>> -> memref<112xi32, #tpu.memory_space<vmem>>
          %dma_wait3A_189 = arith.constant 0 : i32
          %dma_wait3A_190 = arith.constant 0 : i32
          %dma_wait3A_191 = tpu.memref_slice %arg14[%dma_wait3A_189, %dma_wait3A_190] : memref<10112x128xf32, #tpu.memory_space<vmem_shared>> -> memref<10112x128xf32, #tpu.memory_space<vmem_shared>>
          tpu.wait_indirect_dma semaphore(%arg18 : memref<!tpu.dma_semaphore, #tpu.memory_space<semaphore_mem>>) src(%arg13 : memref<112x128xf32, #tpu.memory_space<vmem>>) dst(%dma_wait3A_191 : memref<10112x128xf32, #tpu.memory_space<vmem_shared>>)
        } else {
        }
        %add3A_72 = arith.constant 1 : i32
        %add3A_73 = arith.addi %scan3A_56, %add3A_72 : i32
        %lt3A = arith.constant 30 : i32
        %lt3A_74 = arith.cmpi slt, %add3A_73, %lt3A : i32
        %convert_element_type3A_75 = arith.extui %lt3A_74 : i1 to i32
        %cond3A_76 = arith.constant 0 : i32
        %cond3A_77 = arith.cmpi ne, %convert_element_type3A_75, %cond3A_76 : i32
        scf.if %cond3A_77 {
          %add3A_180 = arith.constant 1 : i32
          %add3A_181 = arith.addi %scan3A_56, %add3A_180 : i32
          %mul3A_182 = arith.constant 336 : i32
          %mul3A_183 = arith.muli %add3A_181, %mul3A_182 : i32
          %add3A_184 = arith.addi %mul3A_0, %mul3A_183 : i32
          %multiple_of3A_185 = tpu.assume_multiple %add3A_184, 8 : i32
          %rem3A_186 = arith.constant 2 : i32
          %rem3A_187 = arith.remsi %add3A_181, %rem3A_186 : i32
          %mul3A_188 = arith.constant 336 : i32
          %mul3A_189 = arith.muli %rem3A_187, %mul3A_188 : i32
          %multiple_of3A_190 = tpu.assume_multiple %mul3A_189, 8 : i32
          %dma_start3A_191 = tpu.memref_slice %arg9[%multiple_of3A_190] : memref<672xi32, #tpu.memory_space<vmem>> -> memref<336xi32, #tpu.memory_space<vmem>>
          %dma_start3A_192 = tpu.memref_slice %arg2[%multiple_of3A_185] : memref<161280xi32, #tpu.memory_space<hbm>> -> memref<336xi32, #tpu.memory_space<hbm>>
          %dma_start3A_193 = tpu.memref_slice %arg9[%multiple_of3A_190] : memref<672xi32, #tpu.memory_space<vmem>> -> memref<336xi32, #tpu.memory_space<vmem>>
          %dma_start3A_194 = tpu.memref_slice %arg2[%multiple_of3A_185] : memref<161280xi32, #tpu.memory_space<hbm>> -> memref<336xi32, #tpu.memory_space<hbm>>
          tpu.enqueue_dma source(%dma_start3A_194 : memref<336xi32, #tpu.memory_space<hbm>>) target(%dma_start3A_193 : memref<336xi32, #tpu.memory_space<vmem>>) target_semaphore(%arg19 : memref<!tpu.dma_semaphore, #tpu.memory_space<semaphore_mem>>)
          %dma_start3A_195 = tpu.memref_slice %arg10[%multiple_of3A_190] : memref<672xi32, #tpu.memory_space<vmem>> -> memref<336xi32, #tpu.memory_space<vmem>>
          %dma_start3A_196 = tpu.memref_slice %arg3[%multiple_of3A_185] : memref<161280xi32, #tpu.memory_space<hbm>> -> memref<336xi32, #tpu.memory_space<hbm>>
          %dma_start3A_197 = tpu.memref_slice %arg10[%multiple_of3A_190] : memref<672xi32, #tpu.memory_space<vmem>> -> memref<336xi32, #tpu.memory_space<vmem>>
          %dma_start3A_198 = tpu.memref_slice %arg3[%multiple_of3A_185] : memref<161280xi32, #tpu.memory_space<hbm>> -> memref<336xi32, #tpu.memory_space<hbm>>
          tpu.enqueue_dma source(%dma_start3A_198 : memref<336xi32, #tpu.memory_space<hbm>>) target(%dma_start3A_197 : memref<336xi32, #tpu.memory_space<vmem>>) target_semaphore(%arg19 : memref<!tpu.dma_semaphore, #tpu.memory_space<semaphore_mem>>)
        } else {
        }
        %rem3A_78 = arith.constant 2 : i32
        %rem3A_79 = arith.remsi %scan3A_56, %rem3A_78 : i32
        %mul3A_80 = arith.constant 336 : i32
        %mul3A_81 = arith.muli %rem3A_79, %mul3A_80 : i32
        %add3A_82 = arith.constant 224 : i32
        %add3A_83 = arith.addi %mul3A_81, %add3A_82 : i32
        %multiple_of3A_84 = tpu.assume_multiple %add3A_83, 8 : i32
        %dma_start3A_85 = tpu.memref_slice %arg9[%multiple_of3A_84] : memref<672xi32, #tpu.memory_space<vmem>> -> memref<112xi32, #tpu.memory_space<vmem>>
        %dma_start3A_86 = arith.constant 0 : i32
        %dma_start3A_87 = arith.constant 0 : i32
        %dma_start3A_88 = tpu.memref_slice %arg5[%dma_start3A_86, %dma_start3A_87] : memref<10000x128xf32, #tpu.memory_space<hbm>> -> memref<10000x128xf32, #tpu.memory_space<hbm>>
        tpu.enqueue_indirect_dma source(%dma_start3A_88 : memref<10000x128xf32, #tpu.memory_space<hbm>>) target(%arg13 : memref<112x128xf32, #tpu.memory_space<vmem>>) offsets(%dma_start3A_85 : memref<112xi32, #tpu.memory_space<vmem>>) semaphore(%arg17 : memref<!tpu.dma_semaphore, #tpu.memory_space<semaphore_mem>>)
        %rem3A_89 = arith.constant 2 : i32
        %rem3A_90 = arith.remsi %scan3A_56, %rem3A_89 : i32
        %mul3A_91 = arith.constant 336 : i32
        %mul3A_92 = arith.muli %rem3A_90, %mul3A_91 : i32
        %add3A_93 = arith.constant 0 : i32
        %add3A_94 = arith.addi %mul3A_92, %add3A_93 : i32
        %multiple_of3A_95 = tpu.assume_multiple %add3A_94, 8 : i32
        %dma_start3A_96 = tpu.memref_slice %arg10[%multiple_of3A_95] : memref<672xi32, #tpu.memory_space<vmem>> -> memref<112xi32, #tpu.memory_space<vmem>>
        %dma_start3A_97 = arith.constant 0 : i32
        %dma_start3A_98 = arith.constant 0 : i32
        %dma_start3A_99 = tpu.memref_slice %arg14[%dma_start3A_97, %dma_start3A_98] : memref<10112x128xf32, #tpu.memory_space<vmem_shared>> -> memref<10112x128xf32, #tpu.memory_space<vmem_shared>>
        tpu.enqueue_indirect_dma source(%arg11 : memref<112x128xf32, #tpu.memory_space<vmem>>) target(%dma_start3A_99 : memref<10112x128xf32, #tpu.memory_space<vmem_shared>>) offsets(%dma_start3A_96 : memref<112xi32, #tpu.memory_space<vmem>>) semaphore(%arg18 : memref<!tpu.dma_semaphore, #tpu.memory_space<semaphore_mem>>) {add = true}
        %rem3A_100 = arith.constant 2 : i32
        %rem3A_101 = arith.remsi %scan3A_56, %rem3A_100 : i32
        %mul3A_102 = arith.constant 336 : i32
        %mul3A_103 = arith.muli %rem3A_101, %mul3A_102 : i32
        %add3A_104 = arith.constant 112 : i32
        %add3A_105 = arith.addi %mul3A_103, %add3A_104 : i32
        %multiple_of3A_106 = tpu.assume_multiple %add3A_105, 8 : i32
        %dma_wait3A_107 = tpu.memref_slice %arg9[%multiple_of3A_106] : memref<672xi32, #tpu.memory_space<vmem>> -> memref<112xi32, #tpu.memory_space<vmem>>
        %dma_wait3A_108 = arith.constant 0 : i32
        %dma_wait3A_109 = arith.constant 0 : i32
        %dma_wait3A_110 = tpu.memref_slice %arg5[%dma_wait3A_108, %dma_wait3A_109] : memref<10000x128xf32, #tpu.memory_space<hbm>> -> memref<10000x128xf32, #tpu.memory_space<hbm>>
        tpu.wait_indirect_dma semaphore(%arg16 : memref<!tpu.dma_semaphore, #tpu.memory_space<semaphore_mem>>) src(%dma_wait3A_110 : memref<10000x128xf32, #tpu.memory_space<hbm>>) dst(%arg12 : memref<112x128xf32, #tpu.memory_space<vmem>>)
        %rem3A_111 = arith.constant 2 : i32
        %rem3A_112 = arith.remsi %scan3A_56, %rem3A_111 : i32
        %mul3A_113 = arith.constant 336 : i32
        %mul3A_114 = arith.muli %rem3A_112, %mul3A_113 : i32
        %add3A_115 = arith.constant 0 : i32
        %add3A_116 = arith.addi %mul3A_114, %add3A_115 : i32
        %multiple_of3A_117 = tpu.assume_multiple %add3A_116, 8 : i32
        %dma_wait3A_118 = tpu.memref_slice %arg10[%multiple_of3A_117] : memref<672xi32, #tpu.memory_space<vmem>> -> memref<112xi32, #tpu.memory_space<vmem>>
        %dma_wait3A_119 = arith.constant 0 : i32
        %dma_wait3A_120 = arith.constant 0 : i32
        %dma_wait3A_121 = tpu.memref_slice %arg14[%dma_wait3A_119, %dma_wait3A_120] : memref<10112x128xf32, #tpu.memory_space<vmem_shared>> -> memref<10112x128xf32, #tpu.memory_space<vmem_shared>>
        tpu.wait_indirect_dma semaphore(%arg18 : memref<!tpu.dma_semaphore, #tpu.memory_space<semaphore_mem>>) src(%arg11 : memref<112x128xf32, #tpu.memory_space<vmem>>) dst(%dma_wait3A_121 : memref<10112x128xf32, #tpu.memory_space<vmem_shared>>)
        %add3A_122 = arith.constant 1 : i32
        %add3A_123 = arith.addi %scan3A_56, %add3A_122 : i32
        %lt3A_124 = arith.constant 30 : i32
        %lt3A_125 = arith.cmpi slt, %add3A_123, %lt3A_124 : i32
        %convert_element_type3A_126 = arith.extui %lt3A_125 : i1 to i32
        %cond3A_127 = arith.constant 0 : i32
        %cond3A_128 = arith.cmpi ne, %convert_element_type3A_126, %cond3A_127 : i32
        scf.if %cond3A_128 {
          %add3A_180 = arith.constant 1 : i32
          %add3A_181 = arith.addi %scan3A_56, %add3A_180 : i32
          %mul3A_182 = arith.constant 336 : i32
          %mul3A_183 = arith.muli %add3A_181, %mul3A_182 : i32
          %add3A_184 = arith.addi %mul3A_0, %mul3A_183 : i32
          %multiple_of3A_185 = tpu.assume_multiple %add3A_184, 8 : i32
          %rem3A_186 = arith.constant 2 : i32
          %rem3A_187 = arith.remsi %add3A_181, %rem3A_186 : i32
          %mul3A_188 = arith.constant 336 : i32
          %mul3A_189 = arith.muli %rem3A_187, %mul3A_188 : i32
          %multiple_of3A_190 = tpu.assume_multiple %mul3A_189, 8 : i32
          %dma_wait3A_191 = tpu.memref_slice %arg9[%multiple_of3A_190] : memref<672xi32, #tpu.memory_space<vmem>> -> memref<336xi32, #tpu.memory_space<vmem>>
          %dma_wait3A_192 = tpu.memref_slice %arg2[%multiple_of3A_185] : memref<161280xi32, #tpu.memory_space<hbm>> -> memref<336xi32, #tpu.memory_space<hbm>>
          %dma_wait3A_193 = tpu.memref_slice %arg9[%multiple_of3A_190] : memref<672xi32, #tpu.memory_space<vmem>> -> memref<336xi32, #tpu.memory_space<vmem>>
          %dma_wait3A_194 = tpu.memref_slice %arg2[%multiple_of3A_185] : memref<161280xi32, #tpu.memory_space<hbm>> -> memref<336xi32, #tpu.memory_space<hbm>>
          tpu.wait_dma2 semaphore(%arg19 : memref<!tpu.dma_semaphore, #tpu.memory_space<semaphore_mem>>) src(%dma_wait3A_194 : memref<336xi32, #tpu.memory_space<hbm>>) dst(%dma_wait3A_193 : memref<336xi32, #tpu.memory_space<vmem>>)
          %dma_wait3A_195 = tpu.memref_slice %arg10[%multiple_of3A_190] : memref<672xi32, #tpu.memory_space<vmem>> -> memref<336xi32, #tpu.memory_space<vmem>>
          %dma_wait3A_196 = tpu.memref_slice %arg3[%multiple_of3A_185] : memref<161280xi32, #tpu.memory_space<hbm>> -> memref<336xi32, #tpu.memory_space<hbm>>
          %dma_wait3A_197 = tpu.memref_slice %arg10[%multiple_of3A_190] : memref<672xi32, #tpu.memory_space<vmem>> -> memref<336xi32, #tpu.memory_space<vmem>>
          %dma_wait3A_198 = tpu.memref_slice %arg3[%multiple_of3A_185] : memref<161280xi32, #tpu.memory_space<hbm>> -> memref<336xi32, #tpu.memory_space<hbm>>
          tpu.wait_dma2 semaphore(%arg19 : memref<!tpu.dma_semaphore, #tpu.memory_space<semaphore_mem>>) src(%dma_wait3A_198 : memref<336xi32, #tpu.memory_space<hbm>>) dst(%dma_wait3A_197 : memref<336xi32, #tpu.memory_space<vmem>>)
          %add3A_199 = arith.constant 1 : i32
          %add3A_200 = arith.addi %scan3A_56, %add3A_199 : i32
          %rem3A_201 = arith.constant 2 : i32
          %rem3A_202 = arith.remsi %add3A_200, %rem3A_201 : i32
          %mul3A_203 = arith.constant 336 : i32
          %mul3A_204 = arith.muli %rem3A_202, %mul3A_203 : i32
          %add3A_205 = arith.constant 0 : i32
          %add3A_206 = arith.addi %mul3A_204, %add3A_205 : i32
          %multiple_of3A_207 = tpu.assume_multiple %add3A_206, 8 : i32
          %dma_start3A_208 = tpu.memref_slice %arg9[%multiple_of3A_207] : memref<672xi32, #tpu.memory_space<vmem>> -> memref<112xi32, #tpu.memory_space<vmem>>
          %dma_start3A_209 = arith.constant 0 : i32
          %dma_start3A_210 = arith.constant 0 : i32
          %dma_start3A_211 = tpu.memref_slice %arg5[%dma_start3A_209, %dma_start3A_210] : memref<10000x128xf32, #tpu.memory_space<hbm>> -> memref<10000x128xf32, #tpu.memory_space<hbm>>
          tpu.enqueue_indirect_dma source(%dma_start3A_211 : memref<10000x128xf32, #tpu.memory_space<hbm>>) target(%arg11 : memref<112x128xf32, #tpu.memory_space<vmem>>) offsets(%dma_start3A_208 : memref<112xi32, #tpu.memory_space<vmem>>) semaphore(%arg15 : memref<!tpu.dma_semaphore, #tpu.memory_space<semaphore_mem>>)
        } else {
        }
        %rem3A_129 = arith.constant 2 : i32
        %rem3A_130 = arith.remsi %scan3A_56, %rem3A_129 : i32
        %mul3A_131 = arith.constant 336 : i32
        %mul3A_132 = arith.muli %rem3A_130, %mul3A_131 : i32
        %add3A_133 = arith.constant 112 : i32
        %add3A_134 = arith.addi %mul3A_132, %add3A_133 : i32
        %multiple_of3A_135 = tpu.assume_multiple %add3A_134, 8 : i32
        %dma_start3A_136 = tpu.memref_slice %arg10[%multiple_of3A_135] : memref<672xi32, #tpu.memory_space<vmem>> -> memref<112xi32, #tpu.memory_space<vmem>>
        %dma_start3A_137 = arith.constant 0 : i32
        %dma_start3A_138 = arith.constant 0 : i32
        %dma_start3A_139 = tpu.memref_slice %arg14[%dma_start3A_137, %dma_start3A_138] : memref<10112x128xf32, #tpu.memory_space<vmem_shared>> -> memref<10112x128xf32, #tpu.memory_space<vmem_shared>>
        tpu.enqueue_indirect_dma source(%arg12 : memref<112x128xf32, #tpu.memory_space<vmem>>) target(%dma_start3A_139 : memref<10112x128xf32, #tpu.memory_space<vmem_shared>>) offsets(%dma_start3A_136 : memref<112xi32, #tpu.memory_space<vmem>>) semaphore(%arg18 : memref<!tpu.dma_semaphore, #tpu.memory_space<semaphore_mem>>) {add = true}
        %rem3A_140 = arith.constant 2 : i32
        %rem3A_141 = arith.remsi %scan3A_56, %rem3A_140 : i32
        %mul3A_142 = arith.constant 336 : i32
        %mul3A_143 = arith.muli %rem3A_141, %mul3A_142 : i32
        %add3A_144 = arith.constant 224 : i32
        %add3A_145 = arith.addi %mul3A_143, %add3A_144 : i32
        %multiple_of3A_146 = tpu.assume_multiple %add3A_145, 8 : i32
        %dma_wait3A_147 = tpu.memref_slice %arg9[%multiple_of3A_146] : memref<672xi32, #tpu.memory_space<vmem>> -> memref<112xi32, #tpu.memory_space<vmem>>
        %dma_wait3A_148 = arith.constant 0 : i32
        %dma_wait3A_149 = arith.constant 0 : i32
        %dma_wait3A_150 = tpu.memref_slice %arg5[%dma_wait3A_148, %dma_wait3A_149] : memref<10000x128xf32, #tpu.memory_space<hbm>> -> memref<10000x128xf32, #tpu.memory_space<hbm>>
        tpu.wait_indirect_dma semaphore(%arg17 : memref<!tpu.dma_semaphore, #tpu.memory_space<semaphore_mem>>) src(%dma_wait3A_150 : memref<10000x128xf32, #tpu.memory_space<hbm>>) dst(%arg13 : memref<112x128xf32, #tpu.memory_space<vmem>>)
        %rem3A_151 = arith.constant 2 : i32
        %rem3A_152 = arith.remsi %scan3A_56, %rem3A_151 : i32
        %mul3A_153 = arith.constant 336 : i32
        %mul3A_154 = arith.muli %rem3A_152, %mul3A_153 : i32
        %add3A_155 = arith.constant 112 : i32
        %add3A_156 = arith.addi %mul3A_154, %add3A_155 : i32
        %multiple_of3A_157 = tpu.assume_multiple %add3A_156, 8 : i32
        %dma_wait3A_158 = tpu.memref_slice %arg10[%multiple_of3A_157] : memref<672xi32, #tpu.memory_space<vmem>> -> memref<112xi32, #tpu.memory_space<vmem>>
        %dma_wait3A_159 = arith.constant 0 : i32
        %dma_wait3A_160 = arith.constant 0 : i32
        %dma_wait3A_161 = tpu.memref_slice %arg14[%dma_wait3A_159, %dma_wait3A_160] : memref<10112x128xf32, #tpu.memory_space<vmem_shared>> -> memref<10112x128xf32, #tpu.memory_space<vmem_shared>>
        tpu.wait_indirect_dma semaphore(%arg18 : memref<!tpu.dma_semaphore, #tpu.memory_space<semaphore_mem>>) src(%arg12 : memref<112x128xf32, #tpu.memory_space<vmem>>) dst(%dma_wait3A_161 : memref<10112x128xf32, #tpu.memory_space<vmem_shared>>)
        %add3A_162 = arith.constant 1 : i32
        %add3A_163 = arith.addi %scan3A_56, %add3A_162 : i32
        %lt3A_164 = arith.constant 30 : i32
        %lt3A_165 = arith.cmpi slt, %add3A_163, %lt3A_164 : i32
        %convert_element_type3A_166 = arith.extui %lt3A_165 : i1 to i32
        %cond3A_167 = arith.constant 0 : i32
        %cond3A_168 = arith.cmpi ne, %convert_element_type3A_166, %cond3A_167 : i32
        scf.if %cond3A_168 {
          %add3A_180 = arith.constant 1 : i32
          %add3A_181 = arith.addi %scan3A_56, %add3A_180 : i32
          %rem3A_182 = arith.constant 2 : i32
          %rem3A_183 = arith.remsi %add3A_181, %rem3A_182 : i32
          %mul3A_184 = arith.constant 336 : i32
          %mul3A_185 = arith.muli %rem3A_183, %mul3A_184 : i32
          %add3A_186 = arith.constant 112 : i32
          %add3A_187 = arith.addi %mul3A_185, %add3A_186 : i32
          %multiple_of3A_188 = tpu.assume_multiple %add3A_187, 8 : i32
          %dma_start3A_189 = tpu.memref_slice %arg9[%multiple_of3A_188] : memref<672xi32, #tpu.memory_space<vmem>> -> memref<112xi32, #tpu.memory_space<vmem>>
          %dma_start3A_190 = arith.constant 0 : i32
          %dma_start3A_191 = arith.constant 0 : i32
          %dma_start3A_192 = tpu.memref_slice %arg5[%dma_start3A_190, %dma_start3A_191] : memref<10000x128xf32, #tpu.memory_space<hbm>> -> memref<10000x128xf32, #tpu.memory_space<hbm>>
          tpu.enqueue_indirect_dma source(%dma_start3A_192 : memref<10000x128xf32, #tpu.memory_space<hbm>>) target(%arg12 : memref<112x128xf32, #tpu.memory_space<vmem>>) offsets(%dma_start3A_189 : memref<112xi32, #tpu.memory_space<vmem>>) semaphore(%arg16 : memref<!tpu.dma_semaphore, #tpu.memory_space<semaphore_mem>>)
        } else {
        }
        %rem3A_169 = arith.constant 2 : i32
        %rem3A_170 = arith.remsi %scan3A_56, %rem3A_169 : i32
        %mul3A_171 = arith.constant 336 : i32
        %mul3A_172 = arith.muli %rem3A_170, %mul3A_171 : i32
        %add3A_173 = arith.constant 224 : i32
        %add3A_174 = arith.addi %mul3A_172, %add3A_173 : i32
        %multiple_of3A_175 = tpu.assume_multiple %add3A_174, 8 : i32
        %dma_start3A_176 = tpu.memref_slice %arg10[%multiple_of3A_175] : memref<672xi32, #tpu.memory_space<vmem>> -> memref<112xi32, #tpu.memory_space<vmem>>
        %dma_start3A_177 = arith.constant 0 : i32
        %dma_start3A_178 = arith.constant 0 : i32
        %dma_start3A_179 = tpu.memref_slice %arg14[%dma_start3A_177, %dma_start3A_178] : memref<10112x128xf32, #tpu.memory_space<vmem_shared>> -> memref<10112x128xf32, #tpu.memory_space<vmem_shared>>
        tpu.enqueue_indirect_dma source(%arg13 : memref<112x128xf32, #tpu.memory_space<vmem>>) target(%dma_start3A_179 : memref<10112x128xf32, #tpu.memory_space<vmem_shared>>) offsets(%dma_start3A_176 : memref<112xi32, #tpu.memory_space<vmem>>) semaphore(%arg18 : memref<!tpu.dma_semaphore, #tpu.memory_space<semaphore_mem>>) {add = true}
      }
      %scan3A_44 = arith.constant 30 : i32
      %rem3A_45 = arith.constant 29 : i32
      %rem3A_46 = arith.constant 2 : i32
      %rem3A_47 = arith.remsi %rem3A_45, %rem3A_46 : i32
      %mul3A_48 = arith.constant 336 : i32
      %mul3A_49 = arith.muli %rem3A_47, %mul3A_48 : i32
      %add3A_50 = arith.constant 224 : i32
      %add3A_51 = arith.addi %mul3A_49, %add3A_50 : i32
      %multiple_of3A_52 = tpu.assume_multiple %add3A_51, 8 : i32
      %dma_wait3A = tpu.memref_slice %arg10[%multiple_of3A_52] : memref<672xi32, #tpu.memory_space<vmem>> -> memref<112xi32, #tpu.memory_space<vmem>>
      %dma_wait3A_53 = arith.constant 0 : i32
      %dma_wait3A_54 = arith.constant 0 : i32
      %dma_wait3A_55 = tpu.memref_slice %arg14[%dma_wait3A_53, %dma_wait3A_54] : memref<10112x128xf32, #tpu.memory_space<vmem_shared>> -> memref<10112x128xf32, #tpu.memory_space<vmem_shared>>
      tpu.wait_indirect_dma semaphore(%arg18 : memref<!tpu.dma_semaphore, #tpu.memory_space<semaphore_mem>>) src(%arg13 : memref<112x128xf32, #tpu.memory_space<vmem>>) dst(%dma_wait3A_55 : memref<10112x128xf32, #tpu.memory_space<vmem_shared>>)
    } else {
    }
    %eq3A_5 = arith.constant 1 : i32
    %eq3A_6 = arith.cmpi eq, %arg0, %eq3A_5 : i32
    %convert_element_type3A_7 = arith.extui %eq3A_6 : i1 to i32
    %cond3A_8 = arith.constant 0 : i32
    %cond3A_9 = arith.cmpi ne, %convert_element_type3A_7, %cond3A_8 : i32
    scf.if %cond3A_9 {
      %rem3A = arith.constant 0 : i32
      %rem3A_21 = arith.constant 2 : i32
      %rem3A_22 = arith.remsi %rem3A, %rem3A_21 : i32
      %mul3A_23 = arith.constant 336 : i32
      %mul3A_24 = arith.muli %rem3A_22, %mul3A_23 : i32
      %add3A = arith.constant 0 : i32
      %add3A_25 = arith.addi %mul3A_24, %add3A : i32
      %multiple_of3A = tpu.assume_multiple %add3A_25, 8 : i32
      %dma_start3A = tpu.memref_slice %arg9[%multiple_of3A] : memref<672xi32, #tpu.memory_space<vmem>> -> memref<112xi32, #tpu.memory_space<vmem>>
      %dma_start3A_26 = arith.constant 0 : i32
      %dma_start3A_27 = arith.constant 0 : i32
      %dma_start3A_28 = tpu.memref_slice %arg6[%dma_start3A_26, %dma_start3A_27] : memref<10000x128xf32, #tpu.memory_space<hbm>> -> memref<10000x128xf32, #tpu.memory_space<hbm>>
      tpu.enqueue_indirect_dma source(%dma_start3A_28 : memref<10000x128xf32, #tpu.memory_space<hbm>>) target(%arg11 : memref<112x128xf32, #tpu.memory_space<vmem>>) offsets(%dma_start3A : memref<112xi32, #tpu.memory_space<vmem>>) semaphore(%arg15 : memref<!tpu.dma_semaphore, #tpu.memory_space<semaphore_mem>>)
      %rem3A_29 = arith.constant 0 : i32
      %rem3A_30 = arith.constant 2 : i32
      %rem3A_31 = arith.remsi %rem3A_29, %rem3A_30 : i32
      %mul3A_32 = arith.constant 336 : i32
      %mul3A_33 = arith.muli %rem3A_31, %mul3A_32 : i32
      %add3A_34 = arith.constant 112 : i32
      %add3A_35 = arith.addi %mul3A_33, %add3A_34 : i32
      %multiple_of3A_36 = tpu.assume_multiple %add3A_35, 8 : i32
      %dma_start3A_37 = tpu.memref_slice %arg9[%multiple_of3A_36] : memref<672xi32, #tpu.memory_space<vmem>> -> memref<112xi32, #tpu.memory_space<vmem>>
      %dma_start3A_38 = arith.constant 0 : i32
      %dma_start3A_39 = arith.constant 0 : i32
      %dma_start3A_40 = tpu.memref_slice %arg6[%dma_start3A_38, %dma_start3A_39] : memref<10000x128xf32, #tpu.memory_space<hbm>> -> memref<10000x128xf32, #tpu.memory_space<hbm>>
      tpu.enqueue_indirect_dma source(%dma_start3A_40 : memref<10000x128xf32, #tpu.memory_space<hbm>>) target(%arg12 : memref<112x128xf32, #tpu.memory_space<vmem>>) offsets(%dma_start3A_37 : memref<112xi32, #tpu.memory_space<vmem>>) semaphore(%arg16 : memref<!tpu.dma_semaphore, #tpu.memory_space<semaphore_mem>>)
      %scan3A = arith.constant 0 : i32
      %scan3A_41 = arith.constant 30 : i32
      %scan3A_42 = arith.addi %scan3A, %scan3A_41 : i32
      %scan3A_43 = arith.constant 1 : i32
      scf.for %scan3A_56 = %scan3A to %scan3A_42 step %scan3A_43  : i32 {
        %rem3A_57 = arith.constant 2 : i32
        %rem3A_58 = arith.remsi %scan3A_56, %rem3A_57 : i32
        %mul3A_59 = arith.constant 336 : i32
        %mul3A_60 = arith.muli %rem3A_58, %mul3A_59 : i32
        %add3A_61 = arith.constant 0 : i32
        %add3A_62 = arith.addi %mul3A_60, %add3A_61 : i32
        %multiple_of3A_63 = tpu.assume_multiple %add3A_62, 8 : i32
        %dma_wait3A_64 = tpu.memref_slice %arg9[%multiple_of3A_63] : memref<672xi32, #tpu.memory_space<vmem>> -> memref<112xi32, #tpu.memory_space<vmem>>
        %dma_wait3A_65 = arith.constant 0 : i32
        %dma_wait3A_66 = arith.constant 0 : i32
        %dma_wait3A_67 = tpu.memref_slice %arg6[%dma_wait3A_65, %dma_wait3A_66] : memref<10000x128xf32, #tpu.memory_space<hbm>> -> memref<10000x128xf32, #tpu.memory_space<hbm>>
        tpu.wait_indirect_dma semaphore(%arg15 : memref<!tpu.dma_semaphore, #tpu.memory_space<semaphore_mem>>) src(%dma_wait3A_67 : memref<10000x128xf32, #tpu.memory_space<hbm>>) dst(%arg11 : memref<112x128xf32, #tpu.memory_space<vmem>>)
        %ge3A = arith.constant 1 : i32
        %ge3A_68 = arith.cmpi sge, %scan3A_56, %ge3A : i32
        %convert_element_type3A_69 = arith.extui %ge3A_68 : i1 to i32
        %cond3A_70 = arith.constant 0 : i32
        %cond3A_71 = arith.cmpi ne, %convert_element_type3A_69, %cond3A_70 : i32
        scf.if %cond3A_71 {
          %sub3A = arith.constant 1 : i32
          %sub3A_180 = arith.subi %scan3A_56, %sub3A : i32
          %rem3A_181 = arith.constant 2 : i32
          %rem3A_182 = arith.remsi %sub3A_180, %rem3A_181 : i32
          %mul3A_183 = arith.constant 336 : i32
          %mul3A_184 = arith.muli %rem3A_182, %mul3A_183 : i32
          %add3A_185 = arith.constant 224 : i32
          %add3A_186 = arith.addi %mul3A_184, %add3A_185 : i32
          %multiple_of3A_187 = tpu.assume_multiple %add3A_186, 8 : i32
          %dma_wait3A_188 = tpu.memref_slice %arg10[%multiple_of3A_187] : memref<672xi32, #tpu.memory_space<vmem>> -> memref<112xi32, #tpu.memory_space<vmem>>
          %dma_wait3A_189 = arith.constant 0 : i32
          %dma_wait3A_190 = arith.constant 0 : i32
          %dma_wait3A_191 = tpu.memref_slice %arg14[%dma_wait3A_189, %dma_wait3A_190] : memref<10112x128xf32, #tpu.memory_space<vmem_shared>> -> memref<10112x128xf32, #tpu.memory_space<vmem_shared>>
          tpu.wait_indirect_dma semaphore(%arg18 : memref<!tpu.dma_semaphore, #tpu.memory_space<semaphore_mem>>) src(%arg13 : memref<112x128xf32, #tpu.memory_space<vmem>>) dst(%dma_wait3A_191 : memref<10112x128xf32, #tpu.memory_space<vmem_shared>>)
        } else {
        }
        %add3A_72 = arith.constant 1 : i32
        %add3A_73 = arith.addi %scan3A_56, %add3A_72 : i32
        %lt3A = arith.constant 30 : i32
        %lt3A_74 = arith.cmpi slt, %add3A_73, %lt3A : i32
        %convert_element_type3A_75 = arith.extui %lt3A_74 : i1 to i32
        %cond3A_76 = arith.constant 0 : i32
        %cond3A_77 = arith.cmpi ne, %convert_element_type3A_75, %cond3A_76 : i32
        scf.if %cond3A_77 {
          %add3A_180 = arith.constant 1 : i32
          %add3A_181 = arith.addi %scan3A_56, %add3A_180 : i32
          %mul3A_182 = arith.constant 336 : i32
          %mul3A_183 = arith.muli %add3A_181, %mul3A_182 : i32
          %add3A_184 = arith.addi %mul3A_0, %mul3A_183 : i32
          %multiple_of3A_185 = tpu.assume_multiple %add3A_184, 8 : i32
          %rem3A_186 = arith.constant 2 : i32
          %rem3A_187 = arith.remsi %add3A_181, %rem3A_186 : i32
          %mul3A_188 = arith.constant 336 : i32
          %mul3A_189 = arith.muli %rem3A_187, %mul3A_188 : i32
          %multiple_of3A_190 = tpu.assume_multiple %mul3A_189, 8 : i32
          %dma_start3A_191 = tpu.memref_slice %arg9[%multiple_of3A_190] : memref<672xi32, #tpu.memory_space<vmem>> -> memref<336xi32, #tpu.memory_space<vmem>>
          %dma_start3A_192 = tpu.memref_slice %arg2[%multiple_of3A_185] : memref<161280xi32, #tpu.memory_space<hbm>> -> memref<336xi32, #tpu.memory_space<hbm>>
          %dma_start3A_193 = tpu.memref_slice %arg9[%multiple_of3A_190] : memref<672xi32, #tpu.memory_space<vmem>> -> memref<336xi32, #tpu.memory_space<vmem>>
          %dma_start3A_194 = tpu.memref_slice %arg2[%multiple_of3A_185] : memref<161280xi32, #tpu.memory_space<hbm>> -> memref<336xi32, #tpu.memory_space<hbm>>
          tpu.enqueue_dma source(%dma_start3A_194 : memref<336xi32, #tpu.memory_space<hbm>>) target(%dma_start3A_193 : memref<336xi32, #tpu.memory_space<vmem>>) target_semaphore(%arg19 : memref<!tpu.dma_semaphore, #tpu.memory_space<semaphore_mem>>)
          %dma_start3A_195 = tpu.memref_slice %arg10[%multiple_of3A_190] : memref<672xi32, #tpu.memory_space<vmem>> -> memref<336xi32, #tpu.memory_space<vmem>>
          %dma_start3A_196 = tpu.memref_slice %arg3[%multiple_of3A_185] : memref<161280xi32, #tpu.memory_space<hbm>> -> memref<336xi32, #tpu.memory_space<hbm>>
          %dma_start3A_197 = tpu.memref_slice %arg10[%multiple_of3A_190] : memref<672xi32, #tpu.memory_space<vmem>> -> memref<336xi32, #tpu.memory_space<vmem>>
          %dma_start3A_198 = tpu.memref_slice %arg3[%multiple_of3A_185] : memref<161280xi32, #tpu.memory_space<hbm>> -> memref<336xi32, #tpu.memory_space<hbm>>
          tpu.enqueue_dma source(%dma_start3A_198 : memref<336xi32, #tpu.memory_space<hbm>>) target(%dma_start3A_197 : memref<336xi32, #tpu.memory_space<vmem>>) target_semaphore(%arg19 : memref<!tpu.dma_semaphore, #tpu.memory_space<semaphore_mem>>)
        } else {
        }
        %rem3A_78 = arith.constant 2 : i32
        %rem3A_79 = arith.remsi %scan3A_56, %rem3A_78 : i32
        %mul3A_80 = arith.constant 336 : i32
        %mul3A_81 = arith.muli %rem3A_79, %mul3A_80 : i32
        %add3A_82 = arith.constant 224 : i32
        %add3A_83 = arith.addi %mul3A_81, %add3A_82 : i32
        %multiple_of3A_84 = tpu.assume_multiple %add3A_83, 8 : i32
        %dma_start3A_85 = tpu.memref_slice %arg9[%multiple_of3A_84] : memref<672xi32, #tpu.memory_space<vmem>> -> memref<112xi32, #tpu.memory_space<vmem>>
        %dma_start3A_86 = arith.constant 0 : i32
        %dma_start3A_87 = arith.constant 0 : i32
        %dma_start3A_88 = tpu.memref_slice %arg6[%dma_start3A_86, %dma_start3A_87] : memref<10000x128xf32, #tpu.memory_space<hbm>> -> memref<10000x128xf32, #tpu.memory_space<hbm>>
        tpu.enqueue_indirect_dma source(%dma_start3A_88 : memref<10000x128xf32, #tpu.memory_space<hbm>>) target(%arg13 : memref<112x128xf32, #tpu.memory_space<vmem>>) offsets(%dma_start3A_85 : memref<112xi32, #tpu.memory_space<vmem>>) semaphore(%arg17 : memref<!tpu.dma_semaphore, #tpu.memory_space<semaphore_mem>>)
        %rem3A_89 = arith.constant 2 : i32
        %rem3A_90 = arith.remsi %scan3A_56, %rem3A_89 : i32
        %mul3A_91 = arith.constant 336 : i32
        %mul3A_92 = arith.muli %rem3A_90, %mul3A_91 : i32
        %add3A_93 = arith.constant 0 : i32
        %add3A_94 = arith.addi %mul3A_92, %add3A_93 : i32
        %multiple_of3A_95 = tpu.assume_multiple %add3A_94, 8 : i32
        %dma_start3A_96 = tpu.memref_slice %arg10[%multiple_of3A_95] : memref<672xi32, #tpu.memory_space<vmem>> -> memref<112xi32, #tpu.memory_space<vmem>>
        %dma_start3A_97 = arith.constant 0 : i32
        %dma_start3A_98 = arith.constant 0 : i32
        %dma_start3A_99 = tpu.memref_slice %arg14[%dma_start3A_97, %dma_start3A_98] : memref<10112x128xf32, #tpu.memory_space<vmem_shared>> -> memref<10112x128xf32, #tpu.memory_space<vmem_shared>>
        tpu.enqueue_indirect_dma source(%arg11 : memref<112x128xf32, #tpu.memory_space<vmem>>) target(%dma_start3A_99 : memref<10112x128xf32, #tpu.memory_space<vmem_shared>>) offsets(%dma_start3A_96 : memref<112xi32, #tpu.memory_space<vmem>>) semaphore(%arg18 : memref<!tpu.dma_semaphore, #tpu.memory_space<semaphore_mem>>) {add = true}
        %rem3A_100 = arith.constant 2 : i32
        %rem3A_101 = arith.remsi %scan3A_56, %rem3A_100 : i32
        %mul3A_102 = arith.constant 336 : i32
        %mul3A_103 = arith.muli %rem3A_101, %mul3A_102 : i32
        %add3A_104 = arith.constant 112 : i32
        %add3A_105 = arith.addi %mul3A_103, %add3A_104 : i32
        %multiple_of3A_106 = tpu.assume_multiple %add3A_105, 8 : i32
        %dma_wait3A_107 = tpu.memref_slice %arg9[%multiple_of3A_106] : memref<672xi32, #tpu.memory_space<vmem>> -> memref<112xi32, #tpu.memory_space<vmem>>
        %dma_wait3A_108 = arith.constant 0 : i32
        %dma_wait3A_109 = arith.constant 0 : i32
        %dma_wait3A_110 = tpu.memref_slice %arg6[%dma_wait3A_108, %dma_wait3A_109] : memref<10000x128xf32, #tpu.memory_space<hbm>> -> memref<10000x128xf32, #tpu.memory_space<hbm>>
        tpu.wait_indirect_dma semaphore(%arg16 : memref<!tpu.dma_semaphore, #tpu.memory_space<semaphore_mem>>) src(%dma_wait3A_110 : memref<10000x128xf32, #tpu.memory_space<hbm>>) dst(%arg12 : memref<112x128xf32, #tpu.memory_space<vmem>>)
        %rem3A_111 = arith.constant 2 : i32
        %rem3A_112 = arith.remsi %scan3A_56, %rem3A_111 : i32
        %mul3A_113 = arith.constant 336 : i32
        %mul3A_114 = arith.muli %rem3A_112, %mul3A_113 : i32
        %add3A_115 = arith.constant 0 : i32
        %add3A_116 = arith.addi %mul3A_114, %add3A_115 : i32
        %multiple_of3A_117 = tpu.assume_multiple %add3A_116, 8 : i32
        %dma_wait3A_118 = tpu.memref_slice %arg10[%multiple_of3A_117] : memref<672xi32, #tpu.memory_space<vmem>> -> memref<112xi32, #tpu.memory_space<vmem>>
        %dma_wait3A_119 = arith.constant 0 : i32
        %dma_wait3A_120 = arith.constant 0 : i32
        %dma_wait3A_121 = tpu.memref_slice %arg14[%dma_wait3A_119, %dma_wait3A_120] : memref<10112x128xf32, #tpu.memory_space<vmem_shared>> -> memref<10112x128xf32, #tpu.memory_space<vmem_shared>>
        tpu.wait_indirect_dma semaphore(%arg18 : memref<!tpu.dma_semaphore, #tpu.memory_space<semaphore_mem>>) src(%arg11 : memref<112x128xf32, #tpu.memory_space<vmem>>) dst(%dma_wait3A_121 : memref<10112x128xf32, #tpu.memory_space<vmem_shared>>)
        %add3A_122 = arith.constant 1 : i32
        %add3A_123 = arith.addi %scan3A_56, %add3A_122 : i32
        %lt3A_124 = arith.constant 30 : i32
        %lt3A_125 = arith.cmpi slt, %add3A_123, %lt3A_124 : i32
        %convert_element_type3A_126 = arith.extui %lt3A_125 : i1 to i32
        %cond3A_127 = arith.constant 0 : i32
        %cond3A_128 = arith.cmpi ne, %convert_element_type3A_126, %cond3A_127 : i32
        scf.if %cond3A_128 {
          %add3A_180 = arith.constant 1 : i32
          %add3A_181 = arith.addi %scan3A_56, %add3A_180 : i32
          %mul3A_182 = arith.constant 336 : i32
          %mul3A_183 = arith.muli %add3A_181, %mul3A_182 : i32
          %add3A_184 = arith.addi %mul3A_0, %mul3A_183 : i32
          %multiple_of3A_185 = tpu.assume_multiple %add3A_184, 8 : i32
          %rem3A_186 = arith.constant 2 : i32
          %rem3A_187 = arith.remsi %add3A_181, %rem3A_186 : i32
          %mul3A_188 = arith.constant 336 : i32
          %mul3A_189 = arith.muli %rem3A_187, %mul3A_188 : i32
          %multiple_of3A_190 = tpu.assume_multiple %mul3A_189, 8 : i32
          %dma_wait3A_191 = tpu.memref_slice %arg9[%multiple_of3A_190] : memref<672xi32, #tpu.memory_space<vmem>> -> memref<336xi32, #tpu.memory_space<vmem>>
          %dma_wait3A_192 = tpu.memref_slice %arg2[%multiple_of3A_185] : memref<161280xi32, #tpu.memory_space<hbm>> -> memref<336xi32, #tpu.memory_space<hbm>>
          %dma_wait3A_193 = tpu.memref_slice %arg9[%multiple_of3A_190] : memref<672xi32, #tpu.memory_space<vmem>> -> memref<336xi32, #tpu.memory_space<vmem>>
          %dma_wait3A_194 = tpu.memref_slice %arg2[%multiple_of3A_185] : memref<161280xi32, #tpu.memory_space<hbm>> -> memref<336xi32, #tpu.memory_space<hbm>>
          tpu.wait_dma2 semaphore(%arg19 : memref<!tpu.dma_semaphore, #tpu.memory_space<semaphore_mem>>) src(%dma_wait3A_194 : memref<336xi32, #tpu.memory_space<hbm>>) dst(%dma_wait3A_193 : memref<336xi32, #tpu.memory_space<vmem>>)
          %dma_wait3A_195 = tpu.memref_slice %arg10[%multiple_of3A_190] : memref<672xi32, #tpu.memory_space<vmem>> -> memref<336xi32, #tpu.memory_space<vmem>>
          %dma_wait3A_196 = tpu.memref_slice %arg3[%multiple_of3A_185] : memref<161280xi32, #tpu.memory_space<hbm>> -> memref<336xi32, #tpu.memory_space<hbm>>
          %dma_wait3A_197 = tpu.memref_slice %arg10[%multiple_of3A_190] : memref<672xi32, #tpu.memory_space<vmem>> -> memref<336xi32, #tpu.memory_space<vmem>>
          %dma_wait3A_198 = tpu.memref_slice %arg3[%multiple_of3A_185] : memref<161280xi32, #tpu.memory_space<hbm>> -> memref<336xi32, #tpu.memory_space<hbm>>
          tpu.wait_dma2 semaphore(%arg19 : memref<!tpu.dma_semaphore, #tpu.memory_space<semaphore_mem>>) src(%dma_wait3A_198 : memref<336xi32, #tpu.memory_space<hbm>>) dst(%dma_wait3A_197 : memref<336xi32, #tpu.memory_space<vmem>>)
          %add3A_199 = arith.constant 1 : i32
          %add3A_200 = arith.addi %scan3A_56, %add3A_199 : i32
          %rem3A_201 = arith.constant 2 : i32
          %rem3A_202 = arith.remsi %add3A_200, %rem3A_201 : i32
          %mul3A_203 = arith.constant 336 : i32
          %mul3A_204 = arith.muli %rem3A_202, %mul3A_203 : i32
          %add3A_205 = arith.constant 0 : i32
          %add3A_206 = arith.addi %mul3A_204, %add3A_205 : i32
          %multiple_of3A_207 = tpu.assume_multiple %add3A_206, 8 : i32
          %dma_start3A_208 = tpu.memref_slice %arg9[%multiple_of3A_207] : memref<672xi32, #tpu.memory_space<vmem>> -> memref<112xi32, #tpu.memory_space<vmem>>
          %dma_start3A_209 = arith.constant 0 : i32
          %dma_start3A_210 = arith.constant 0 : i32
          %dma_start3A_211 = tpu.memref_slice %arg6[%dma_start3A_209, %dma_start3A_210] : memref<10000x128xf32, #tpu.memory_space<hbm>> -> memref<10000x128xf32, #tpu.memory_space<hbm>>
          tpu.enqueue_indirect_dma source(%dma_start3A_211 : memref<10000x128xf32, #tpu.memory_space<hbm>>) target(%arg11 : memref<112x128xf32, #tpu.memory_space<vmem>>) offsets(%dma_start3A_208 : memref<112xi32, #tpu.memory_space<vmem>>) semaphore(%arg15 : memref<!tpu.dma_semaphore, #tpu.memory_space<semaphore_mem>>)
        } else {
        }
        %rem3A_129 = arith.constant 2 : i32
        %rem3A_130 = arith.remsi %scan3A_56, %rem3A_129 : i32
        %mul3A_131 = arith.constant 336 : i32
        %mul3A_132 = arith.muli %rem3A_130, %mul3A_131 : i32
        %add3A_133 = arith.constant 112 : i32
        %add3A_134 = arith.addi %mul3A_132, %add3A_133 : i32
        %multiple_of3A_135 = tpu.assume_multiple %add3A_134, 8 : i32
        %dma_start3A_136 = tpu.memref_slice %arg10[%multiple_of3A_135] : memref<672xi32, #tpu.memory_space<vmem>> -> memref<112xi32, #tpu.memory_space<vmem>>
        %dma_start3A_137 = arith.constant 0 : i32
        %dma_start3A_138 = arith.constant 0 : i32
        %dma_start3A_139 = tpu.memref_slice %arg14[%dma_start3A_137, %dma_start3A_138] : memref<10112x128xf32, #tpu.memory_space<vmem_shared>> -> memref<10112x128xf32, #tpu.memory_space<vmem_shared>>
        tpu.enqueue_indirect_dma source(%arg12 : memref<112x128xf32, #tpu.memory_space<vmem>>) target(%dma_start3A_139 : memref<10112x128xf32, #tpu.memory_space<vmem_shared>>) offsets(%dma_start3A_136 : memref<112xi32, #tpu.memory_space<vmem>>) semaphore(%arg18 : memref<!tpu.dma_semaphore, #tpu.memory_space<semaphore_mem>>) {add = true}
        %rem3A_140 = arith.constant 2 : i32
        %rem3A_141 = arith.remsi %scan3A_56, %rem3A_140 : i32
        %mul3A_142 = arith.constant 336 : i32
        %mul3A_143 = arith.muli %rem3A_141, %mul3A_142 : i32
        %add3A_144 = arith.constant 224 : i32
        %add3A_145 = arith.addi %mul3A_143, %add3A_144 : i32
        %multiple_of3A_146 = tpu.assume_multiple %add3A_145, 8 : i32
        %dma_wait3A_147 = tpu.memref_slice %arg9[%multiple_of3A_146] : memref<672xi32, #tpu.memory_space<vmem>> -> memref<112xi32, #tpu.memory_space<vmem>>
        %dma_wait3A_148 = arith.constant 0 : i32
        %dma_wait3A_149 = arith.constant 0 : i32
        %dma_wait3A_150 = tpu.memref_slice %arg6[%dma_wait3A_148, %dma_wait3A_149] : memref<10000x128xf32, #tpu.memory_space<hbm>> -> memref<10000x128xf32, #tpu.memory_space<hbm>>
        tpu.wait_indirect_dma semaphore(%arg17 : memref<!tpu.dma_semaphore, #tpu.memory_space<semaphore_mem>>) src(%dma_wait3A_150 : memref<10000x128xf32, #tpu.memory_space<hbm>>) dst(%arg13 : memref<112x128xf32, #tpu.memory_space<vmem>>)
        %rem3A_151 = arith.constant 2 : i32
        %rem3A_152 = arith.remsi %scan3A_56, %rem3A_151 : i32
        %mul3A_153 = arith.constant 336 : i32
        %mul3A_154 = arith.muli %rem3A_152, %mul3A_153 : i32
        %add3A_155 = arith.constant 112 : i32
        %add3A_156 = arith.addi %mul3A_154, %add3A_155 : i32
        %multiple_of3A_157 = tpu.assume_multiple %add3A_156, 8 : i32
        %dma_wait3A_158 = tpu.memref_slice %arg10[%multiple_of3A_157] : memref<672xi32, #tpu.memory_space<vmem>> -> memref<112xi32, #tpu.memory_space<vmem>>
        %dma_wait3A_159 = arith.constant 0 : i32
        %dma_wait3A_160 = arith.constant 0 : i32
        %dma_wait3A_161 = tpu.memref_slice %arg14[%dma_wait3A_159, %dma_wait3A_160] : memref<10112x128xf32, #tpu.memory_space<vmem_shared>> -> memref<10112x128xf32, #tpu.memory_space<vmem_shared>>
        tpu.wait_indirect_dma semaphore(%arg18 : memref<!tpu.dma_semaphore, #tpu.memory_space<semaphore_mem>>) src(%arg12 : memref<112x128xf32, #tpu.memory_space<vmem>>) dst(%dma_wait3A_161 : memref<10112x128xf32, #tpu.memory_space<vmem_shared>>)
        %add3A_162 = arith.constant 1 : i32
        %add3A_163 = arith.addi %scan3A_56, %add3A_162 : i32
        %lt3A_164 = arith.constant 30 : i32
        %lt3A_165 = arith.cmpi slt, %add3A_163, %lt3A_164 : i32
        %convert_element_type3A_166 = arith.extui %lt3A_165 : i1 to i32
        %cond3A_167 = arith.constant 0 : i32
        %cond3A_168 = arith.cmpi ne, %convert_element_type3A_166, %cond3A_167 : i32
        scf.if %cond3A_168 {
          %add3A_180 = arith.constant 1 : i32
          %add3A_181 = arith.addi %scan3A_56, %add3A_180 : i32
          %rem3A_182 = arith.constant 2 : i32
          %rem3A_183 = arith.remsi %add3A_181, %rem3A_182 : i32
          %mul3A_184 = arith.constant 336 : i32
          %mul3A_185 = arith.muli %rem3A_183, %mul3A_184 : i32
          %add3A_186 = arith.constant 112 : i32
          %add3A_187 = arith.addi %mul3A_185, %add3A_186 : i32
          %multiple_of3A_188 = tpu.assume_multiple %add3A_187, 8 : i32
          %dma_start3A_189 = tpu.memref_slice %arg9[%multiple_of3A_188] : memref<672xi32, #tpu.memory_space<vmem>> -> memref<112xi32, #tpu.memory_space<vmem>>
          %dma_start3A_190 = arith.constant 0 : i32
          %dma_start3A_191 = arith.constant 0 : i32
          %dma_start3A_192 = tpu.memref_slice %arg6[%dma_start3A_190, %dma_start3A_191] : memref<10000x128xf32, #tpu.memory_space<hbm>> -> memref<10000x128xf32, #tpu.memory_space<hbm>>
          tpu.enqueue_indirect_dma source(%dma_start3A_192 : memref<10000x128xf32, #tpu.memory_space<hbm>>) target(%arg12 : memref<112x128xf32, #tpu.memory_space<vmem>>) offsets(%dma_start3A_189 : memref<112xi32, #tpu.memory_space<vmem>>) semaphore(%arg16 : memref<!tpu.dma_semaphore, #tpu.memory_space<semaphore_mem>>)
        } else {
        }
        %rem3A_169 = arith.constant 2 : i32
        %rem3A_170 = arith.remsi %scan3A_56, %rem3A_169 : i32
        %mul3A_171 = arith.constant 336 : i32
        %mul3A_172 = arith.muli %rem3A_170, %mul3A_171 : i32
        %add3A_173 = arith.constant 224 : i32
        %add3A_174 = arith.addi %mul3A_172, %add3A_173 : i32
        %multiple_of3A_175 = tpu.assume_multiple %add3A_174, 8 : i32
        %dma_start3A_176 = tpu.memref_slice %arg10[%multiple_of3A_175] : memref<672xi32, #tpu.memory_space<vmem>> -> memref<112xi32, #tpu.memory_space<vmem>>
        %dma_start3A_177 = arith.constant 0 : i32
        %dma_start3A_178 = arith.constant 0 : i32
        %dma_start3A_179 = tpu.memref_slice %arg14[%dma_start3A_177, %dma_start3A_178] : memref<10112x128xf32, #tpu.memory_space<vmem_shared>> -> memref<10112x128xf32, #tpu.memory_space<vmem_shared>>
        tpu.enqueue_indirect_dma source(%arg13 : memref<112x128xf32, #tpu.memory_space<vmem>>) target(%dma_start3A_179 : memref<10112x128xf32, #tpu.memory_space<vmem_shared>>) offsets(%dma_start3A_176 : memref<112xi32, #tpu.memory_space<vmem>>) semaphore(%arg18 : memref<!tpu.dma_semaphore, #tpu.memory_space<semaphore_mem>>) {add = true}
      }
      %scan3A_44 = arith.constant 30 : i32
      %rem3A_45 = arith.constant 29 : i32
      %rem3A_46 = arith.constant 2 : i32
      %rem3A_47 = arith.remsi %rem3A_45, %rem3A_46 : i32
      %mul3A_48 = arith.constant 336 : i32
      %mul3A_49 = arith.muli %rem3A_47, %mul3A_48 : i32
      %add3A_50 = arith.constant 224 : i32
      %add3A_51 = arith.addi %mul3A_49, %add3A_50 : i32
      %multiple_of3A_52 = tpu.assume_multiple %add3A_51, 8 : i32
      %dma_wait3A = tpu.memref_slice %arg10[%multiple_of3A_52] : memref<672xi32, #tpu.memory_space<vmem>> -> memref<112xi32, #tpu.memory_space<vmem>>
      %dma_wait3A_53 = arith.constant 0 : i32
      %dma_wait3A_54 = arith.constant 0 : i32
      %dma_wait3A_55 = tpu.memref_slice %arg14[%dma_wait3A_53, %dma_wait3A_54] : memref<10112x128xf32, #tpu.memory_space<vmem_shared>> -> memref<10112x128xf32, #tpu.memory_space<vmem_shared>>
      tpu.wait_indirect_dma semaphore(%arg18 : memref<!tpu.dma_semaphore, #tpu.memory_space<semaphore_mem>>) src(%arg13 : memref<112x128xf32, #tpu.memory_space<vmem>>) dst(%dma_wait3A_55 : memref<10112x128xf32, #tpu.memory_space<vmem_shared>>)
    } else {
    }
    %barrier3A_10 = arith.constant 0 : index
    tpu.barrier barrier_id(%barrier3A_10)
    %eq3A_11 = arith.constant 0 : i32
    %eq3A_12 = arith.cmpi eq, %arg0, %eq3A_11 : i32
    %convert_element_type3A_13 = arith.extui %eq3A_12 : i1 to i32
    %cond3A_14 = arith.constant 0 : i32
    %cond3A_15 = arith.cmpi ne, %convert_element_type3A_13, %cond3A_14 : i32
    scf.if %cond3A_15 {
      %lt3A = arith.constant 15 : i32
      %lt3A_21 = arith.cmpi slt, %arg1, %lt3A : i32
      %convert_element_type3A_22 = arith.extui %lt3A_21 : i1 to i32
      %cond3A_23 = arith.constant 0 : i32
      %cond3A_24 = arith.cmpi ne, %convert_element_type3A_22, %cond3A_23 : i32
      scf.if %cond3A_24 {
        %mul3A_30 = arith.constant 632 : i32
        %mul3A_31 = arith.muli %arg1, %mul3A_30 : i32
        %mul3A_32 = arith.constant 632 : i32
        %mul3A_33 = arith.muli %arg1, %mul3A_32 : i32
        "tpu.region"() ({
          %run_scoped3A = tpu.sem_alloc : memref<!tpu.dma_semaphore, #tpu.memory_space<semaphore_mem>>
          %dma_start3A = arith.constant 0 : i32
          %dma_start3A_34 = tpu.memref_slice %arg7[%mul3A_33, %dma_start3A] : memref<10000x128xf32, #tpu.memory_space<hbm>> -> memref<632x128xf32, #tpu.memory_space<hbm>>
          %dma_start3A_35 = arith.constant 0 : i32
          %dma_start3A_36 = tpu.memref_slice %arg14[%mul3A_31, %dma_start3A_35] : memref<10112x128xf32, #tpu.memory_space<vmem_shared>> -> memref<632x128xf32, #tpu.memory_space<vmem_shared>>
          tpu.enqueue_dma source(%dma_start3A_36 : memref<632x128xf32, #tpu.memory_space<vmem_shared>>) target(%dma_start3A_34 : memref<632x128xf32, #tpu.memory_space<hbm>>) target_semaphore(%run_scoped3A : memref<!tpu.dma_semaphore, #tpu.memory_space<semaphore_mem>>)
          %dma_wait3A = arith.constant 0 : i32
          %dma_wait3A_37 = tpu.memref_slice %arg7[%mul3A_33, %dma_wait3A] : memref<10000x128xf32, #tpu.memory_space<hbm>> -> memref<632x128xf32, #tpu.memory_space<hbm>>
          %dma_wait3A_38 = arith.constant 0 : i32
          %dma_wait3A_39 = tpu.memref_slice %arg14[%mul3A_31, %dma_wait3A_38] : memref<10112x128xf32, #tpu.memory_space<vmem_shared>> -> memref<632x128xf32, #tpu.memory_space<vmem_shared>>
          tpu.wait_dma2 semaphore(%run_scoped3A : memref<!tpu.dma_semaphore, #tpu.memory_space<semaphore_mem>>) src(%dma_wait3A_39 : memref<632x128xf32, #tpu.memory_space<vmem_shared>>) dst(%dma_wait3A_37 : memref<632x128xf32, #tpu.memory_space<hbm>>)
          tpu.yield
        }) : () -> ()
      } else {
      }
      %eq3A_25 = arith.constant 15 : i32
      %eq3A_26 = arith.cmpi eq, %arg1, %eq3A_25 : i32
      %convert_element_type3A_27 = arith.extui %eq3A_26 : i1 to i32
      %cond3A_28 = arith.constant 0 : i32
      %cond3A_29 = arith.cmpi ne, %convert_element_type3A_27, %cond3A_28 : i32
      scf.if %cond3A_29 {
        "tpu.region"() ({
          %run_scoped3A = tpu.sem_alloc : memref<!tpu.dma_semaphore, #tpu.memory_space<semaphore_mem>>
          %dma_start3A = arith.constant 9480 : i32
          %dma_start3A_30 = arith.constant 0 : i32
          %dma_start3A_31 = tpu.memref_slice %arg7[%dma_start3A, %dma_start3A_30] : memref<10000x128xf32, #tpu.memory_space<hbm>> -> memref<520x128xf32, #tpu.memory_space<hbm>>
          %dma_start3A_32 = arith.constant 9480 : i32
          %dma_start3A_33 = arith.constant 0 : i32
          %dma_start3A_34 = tpu.memref_slice %arg14[%dma_start3A_32, %dma_start3A_33] : memref<10112x128xf32, #tpu.memory_space<vmem_shared>> -> memref<520x128xf32, #tpu.memory_space<vmem_shared>>
          tpu.enqueue_dma source(%dma_start3A_34 : memref<520x128xf32, #tpu.memory_space<vmem_shared>>) target(%dma_start3A_31 : memref<520x128xf32, #tpu.memory_space<hbm>>) target_semaphore(%run_scoped3A : memref<!tpu.dma_semaphore, #tpu.memory_space<semaphore_mem>>)
          %dma_wait3A = arith.constant 9480 : i32
          %dma_wait3A_35 = arith.constant 0 : i32
          %dma_wait3A_36 = tpu.memref_slice %arg7[%dma_wait3A, %dma_wait3A_35] : memref<10000x128xf32, #tpu.memory_space<hbm>> -> memref<520x128xf32, #tpu.memory_space<hbm>>
          %dma_wait3A_37 = arith.constant 9480 : i32
          %dma_wait3A_38 = arith.constant 0 : i32
          %dma_wait3A_39 = tpu.memref_slice %arg14[%dma_wait3A_37, %dma_wait3A_38] : memref<10112x128xf32, #tpu.memory_space<vmem_shared>> -> memref<520x128xf32, #tpu.memory_space<vmem_shared>>
          tpu.wait_dma2 semaphore(%run_scoped3A : memref<!tpu.dma_semaphore, #tpu.memory_space<semaphore_mem>>) src(%dma_wait3A_39 : memref<520x128xf32, #tpu.memory_space<vmem_shared>>) dst(%dma_wait3A_36 : memref<520x128xf32, #tpu.memory_space<hbm>>)
          tpu.yield
        }) : () -> ()
      } else {
      }
    } else {
    }
    %eq3A_16 = arith.constant 1 : i32
    %eq3A_17 = arith.cmpi eq, %arg0, %eq3A_16 : i32
    %convert_element_type3A_18 = arith.extui %eq3A_17 : i1 to i32
    %cond3A_19 = arith.constant 0 : i32
    %cond3A_20 = arith.cmpi ne, %convert_element_type3A_18, %cond3A_19 : i32
    scf.if %cond3A_20 {
      %lt3A = arith.constant 15 : i32
      %lt3A_21 = arith.cmpi slt, %arg1, %lt3A : i32
      %convert_element_type3A_22 = arith.extui %lt3A_21 : i1 to i32
      %cond3A_23 = arith.constant 0 : i32
      %cond3A_24 = arith.cmpi ne, %convert_element_type3A_22, %cond3A_23 : i32
      scf.if %cond3A_24 {
        %mul3A_30 = arith.constant 632 : i32
        %mul3A_31 = arith.muli %arg1, %mul3A_30 : i32
        %mul3A_32 = arith.constant 632 : i32
        %mul3A_33 = arith.muli %arg1, %mul3A_32 : i32
        "tpu.region"() ({
          %run_scoped3A = tpu.sem_alloc : memref<!tpu.dma_semaphore, #tpu.memory_space<semaphore_mem>>
          %dma_start3A = arith.constant 0 : i32
          %dma_start3A_34 = tpu.memref_slice %arg8[%mul3A_33, %dma_start3A] : memref<10000x128xf32, #tpu.memory_space<hbm>> -> memref<632x128xf32, #tpu.memory_space<hbm>>
          %dma_start3A_35 = arith.constant 0 : i32
          %dma_start3A_36 = tpu.memref_slice %arg14[%mul3A_31, %dma_start3A_35] : memref<10112x128xf32, #tpu.memory_space<vmem_shared>> -> memref<632x128xf32, #tpu.memory_space<vmem_shared>>
          tpu.enqueue_dma source(%dma_start3A_36 : memref<632x128xf32, #tpu.memory_space<vmem_shared>>) target(%dma_start3A_34 : memref<632x128xf32, #tpu.memory_space<hbm>>) target_semaphore(%run_scoped3A : memref<!tpu.dma_semaphore, #tpu.memory_space<semaphore_mem>>)
          %dma_wait3A = arith.constant 0 : i32
          %dma_wait3A_37 = tpu.memref_slice %arg8[%mul3A_33, %dma_wait3A] : memref<10000x128xf32, #tpu.memory_space<hbm>> -> memref<632x128xf32, #tpu.memory_space<hbm>>
          %dma_wait3A_38 = arith.constant 0 : i32
          %dma_wait3A_39 = tpu.memref_slice %arg14[%mul3A_31, %dma_wait3A_38] : memref<10112x128xf32, #tpu.memory_space<vmem_shared>> -> memref<632x128xf32, #tpu.memory_space<vmem_shared>>
          tpu.wait_dma2 semaphore(%run_scoped3A : memref<!tpu.dma_semaphore, #tpu.memory_space<semaphore_mem>>) src(%dma_wait3A_39 : memref<632x128xf32, #tpu.memory_space<vmem_shared>>) dst(%dma_wait3A_37 : memref<632x128xf32, #tpu.memory_space<hbm>>)
          tpu.yield
        }) : () -> ()
      } else {
      }
      %eq3A_25 = arith.constant 15 : i32
      %eq3A_26 = arith.cmpi eq, %arg1, %eq3A_25 : i32
      %convert_element_type3A_27 = arith.extui %eq3A_26 : i1 to i32
      %cond3A_28 = arith.constant 0 : i32
      %cond3A_29 = arith.cmpi ne, %convert_element_type3A_27, %cond3A_28 : i32
      scf.if %cond3A_29 {
        "tpu.region"() ({
          %run_scoped3A = tpu.sem_alloc : memref<!tpu.dma_semaphore, #tpu.memory_space<semaphore_mem>>
          %dma_start3A = arith.constant 9480 : i32
          %dma_start3A_30 = arith.constant 0 : i32
          %dma_start3A_31 = tpu.memref_slice %arg8[%dma_start3A, %dma_start3A_30] : memref<10000x128xf32, #tpu.memory_space<hbm>> -> memref<520x128xf32, #tpu.memory_space<hbm>>
          %dma_start3A_32 = arith.constant 9480 : i32
          %dma_start3A_33 = arith.constant 0 : i32
          %dma_start3A_34 = tpu.memref_slice %arg14[%dma_start3A_32, %dma_start3A_33] : memref<10112x128xf32, #tpu.memory_space<vmem_shared>> -> memref<520x128xf32, #tpu.memory_space<vmem_shared>>
          tpu.enqueue_dma source(%dma_start3A_34 : memref<520x128xf32, #tpu.memory_space<vmem_shared>>) target(%dma_start3A_31 : memref<520x128xf32, #tpu.memory_space<hbm>>) target_semaphore(%run_scoped3A : memref<!tpu.dma_semaphore, #tpu.memory_space<semaphore_mem>>)
          %dma_wait3A = arith.constant 9480 : i32
          %dma_wait3A_35 = arith.constant 0 : i32
          %dma_wait3A_36 = tpu.memref_slice %arg8[%dma_wait3A, %dma_wait3A_35] : memref<10000x128xf32, #tpu.memory_space<hbm>> -> memref<520x128xf32, #tpu.memory_space<hbm>>
          %dma_wait3A_37 = arith.constant 9480 : i32
          %dma_wait3A_38 = arith.constant 0 : i32
          %dma_wait3A_39 = tpu.memref_slice %arg14[%dma_wait3A_37, %dma_wait3A_38] : memref<10112x128xf32, #tpu.memory_space<vmem_shared>> -> memref<520x128xf32, #tpu.memory_space<vmem_shared>>
          tpu.wait_dma2 semaphore(%run_scoped3A : memref<!tpu.dma_semaphore, #tpu.memory_space<semaphore_mem>>) src(%dma_wait3A_39 : memref<520x128xf32, #tpu.memory_space<vmem_shared>>) dst(%dma_wait3A_36 : memref<520x128xf32, #tpu.memory_space<hbm>>)
          tpu.yield
        }) : () -> ()
      } else {
      }
    } else {
    }
    return
  }
}

#map = affine_map<(d0, d1) -> (0, 0, 0)>
#map1 = affine_map<(d0, d1) -> (0, 0)>
module attributes {stable_mosaic.version = 14 : i64} {
  func.func @_deg_body(%arg0: i32, %arg1: i32, %arg2: memref<16x90x112xi32, #tpu.memory_space<hbm>>, %arg3: memref<112x128xf32, #tpu.memory_space<hbm>>, %arg4: memref<632x128xf32, #tpu.memory_space<hbm>>, %arg5: memref<10000x128xf32, #tpu.memory_space<hbm>>, %arg6: memref<10000x128xf32, #tpu.memory_space<hbm>>, %arg7: memref<90x112xi32, #tpu.memory_space<vmem>>, %arg8: memref<112x128xf32, #tpu.memory_space<vmem>>, %arg9: memref<10112x128xf32, #tpu.memory_space<vmem_shared>>, %arg10: memref<!tpu.dma_semaphore, #tpu.memory_space<semaphore_mem>>) attributes {dimension_semantics = [#tpu.dimension_semantics<core_parallel>, #tpu.dimension_semantics<subcore_parallel>], iteration_bounds = array<i64: 2, 16>, scalar_prefetch = 0 : i64, scratch_operands = 4 : i64, tpu.core_type = #tpu.core_type<sc_vector_subcore>, window_params = [{transform_indices = #map}, {transform_indices = #map1}, {transform_indices = #map1}, {transform_indices = #map1}, {transform_indices = #map1}]} {
    %mul3A = arith.constant 632 : i32
    %mul3A_0 = arith.muli %arg1, %mul3A : i32
    "tpu.region"() ({
      %run_scoped3A = tpu.sem_alloc : memref<!tpu.dma_semaphore, #tpu.memory_space<semaphore_mem>>
      %dma_start3A = arith.constant 0 : i32
      %dma_start3A_31 = tpu.memref_slice %arg9[%mul3A_0, %dma_start3A] : memref<10112x128xf32, #tpu.memory_space<vmem_shared>> -> memref<632x128xf32, #tpu.memory_space<vmem_shared>>
      tpu.enqueue_dma source(%arg4 : memref<632x128xf32, #tpu.memory_space<hbm>>) target(%dma_start3A_31 : memref<632x128xf32, #tpu.memory_space<vmem_shared>>) target_semaphore(%run_scoped3A : memref<!tpu.dma_semaphore, #tpu.memory_space<semaphore_mem>>)
      %dma_wait3A = arith.constant 0 : i32
      %dma_wait3A_32 = tpu.memref_slice %arg9[%mul3A_0, %dma_wait3A] : memref<10112x128xf32, #tpu.memory_space<vmem_shared>> -> memref<632x128xf32, #tpu.memory_space<vmem_shared>>
      tpu.wait_dma2 semaphore(%run_scoped3A : memref<!tpu.dma_semaphore, #tpu.memory_space<semaphore_mem>>) src(%arg4 : memref<632x128xf32, #tpu.memory_space<hbm>>) dst(%dma_wait3A_32 : memref<632x128xf32, #tpu.memory_space<vmem_shared>>)
      tpu.yield
    }) : () -> ()
    "tpu.region"() ({
      %run_scoped3A = tpu.sem_alloc : memref<!tpu.dma_semaphore, #tpu.memory_space<semaphore_mem>>
      tpu.enqueue_dma source(%arg3 : memref<112x128xf32, #tpu.memory_space<hbm>>) target(%arg8 : memref<112x128xf32, #tpu.memory_space<vmem>>) target_semaphore(%run_scoped3A : memref<!tpu.dma_semaphore, #tpu.memory_space<semaphore_mem>>)
      tpu.wait_dma2 semaphore(%run_scoped3A : memref<!tpu.dma_semaphore, #tpu.memory_space<semaphore_mem>>) src(%arg3 : memref<112x128xf32, #tpu.memory_space<hbm>>) dst(%arg8 : memref<112x128xf32, #tpu.memory_space<vmem>>)
      tpu.yield
    }) : () -> ()
    "tpu.region"() ({
      %run_scoped3A = tpu.sem_alloc : memref<!tpu.dma_semaphore, #tpu.memory_space<semaphore_mem>>
      %dma_start3A = arith.constant 0 : i32
      %dma_start3A_31 = arith.constant 0 : i32
      %dma_start3A_32 = tpu.memref_slice %arg2[%arg1, %dma_start3A, %dma_start3A_31] : memref<16x90x112xi32, #tpu.memory_space<hbm>> -> memref<1x90x112xi32, #tpu.memory_space<hbm>>
      %dma_start3A_33 = tpu.memref_squeeze %dma_start3A_32 : memref<1x90x112xi32, #tpu.memory_space<hbm>> -> memref<90x112xi32, #tpu.memory_space<hbm>>
      %dma_start3A_34 = arith.constant 0 : i32
      %dma_start3A_35 = arith.constant 0 : i32
      %dma_start3A_36 = tpu.memref_slice %arg2[%arg1, %dma_start3A_34, %dma_start3A_35] : memref<16x90x112xi32, #tpu.memory_space<hbm>> -> memref<1x90x112xi32, #tpu.memory_space<hbm>>
      %dma_start3A_37 = tpu.memref_squeeze %dma_start3A_36 : memref<1x90x112xi32, #tpu.memory_space<hbm>> -> memref<90x112xi32, #tpu.memory_space<hbm>>
      tpu.enqueue_dma source(%dma_start3A_37 : memref<90x112xi32, #tpu.memory_space<hbm>>) target(%arg7 : memref<90x112xi32, #tpu.memory_space<vmem>>) target_semaphore(%run_scoped3A : memref<!tpu.dma_semaphore, #tpu.memory_space<semaphore_mem>>)
      %dma_wait3A = arith.constant 0 : i32
      %dma_wait3A_38 = arith.constant 0 : i32
      %dma_wait3A_39 = tpu.memref_slice %arg2[%arg1, %dma_wait3A, %dma_wait3A_38] : memref<16x90x112xi32, #tpu.memory_space<hbm>> -> memref<1x90x112xi32, #tpu.memory_space<hbm>>
      %dma_wait3A_40 = tpu.memref_squeeze %dma_wait3A_39 : memref<1x90x112xi32, #tpu.memory_space<hbm>> -> memref<90x112xi32, #tpu.memory_space<hbm>>
      %dma_wait3A_41 = arith.constant 0 : i32
      %dma_wait3A_42 = arith.constant 0 : i32
      %dma_wait3A_43 = tpu.memref_slice %arg2[%arg1, %dma_wait3A_41, %dma_wait3A_42] : memref<16x90x112xi32, #tpu.memory_space<hbm>> -> memref<1x90x112xi32, #tpu.memory_space<hbm>>
      %dma_wait3A_44 = tpu.memref_squeeze %dma_wait3A_43 : memref<1x90x112xi32, #tpu.memory_space<hbm>> -> memref<90x112xi32, #tpu.memory_space<hbm>>
      tpu.wait_dma2 semaphore(%run_scoped3A : memref<!tpu.dma_semaphore, #tpu.memory_space<semaphore_mem>>) src(%dma_wait3A_44 : memref<90x112xi32, #tpu.memory_space<hbm>>) dst(%arg7 : memref<90x112xi32, #tpu.memory_space<vmem>>)
      tpu.yield
    }) : () -> ()
    %barrier3A = arith.constant 0 : index
    tpu.barrier barrier_id(%barrier3A)
    %mul3A_1 = arith.constant 45 : i32
    %mul3A_2 = arith.muli %arg0, %mul3A_1 : i32
    %eq3A = arith.constant 0 : i32
    %eq3A_3 = arith.cmpi eq, %arg0, %eq3A : i32
    %select_n3A = arith.constant 90 : i32
    %select_n3A_4 = arith.constant 45 : i32
    %select_n3A_5 = arith.select %eq3A_3, %select_n3A_4, %select_n3A : i32
    %while3A = arith.subi %select_n3A_5, %mul3A_2 : i32
    %while3A_6 = arith.addi %mul3A_2, %while3A : i32
    %while3A_7 = arith.constant 1 : i32
    %while3A_8 = arith.divsi %while3A, %while3A_7 : i32
    %while3A_9 = arith.muli %while3A_8, %while3A_7 : i32
    %while3A_10 = arith.addi %mul3A_2, %while3A_9 : i32
    %while3A_11 = arith.constant 1 : i32
    scf.for %while3A_31 = %mul3A_2 to %while3A_10 step %while3A_11  : i32 {
      %sub3A_32 = arith.constant 4 : i32
      %sub3A_33 = arith.subi %while3A_31, %sub3A_32 : i32
      %ge3A = arith.cmpi sge, %sub3A_33, %mul3A_2 : i32
      %convert_element_type3A_34 = arith.extui %ge3A : i1 to i32
      %cond3A_35 = arith.constant 0 : i32
      %cond3A_36 = arith.cmpi ne, %convert_element_type3A_34, %cond3A_35 : i32
      scf.if %cond3A_36 {
        %sub3A_42 = arith.constant 4 : i32
        %sub3A_43 = arith.subi %while3A_31, %sub3A_42 : i32
        %dma_wait3A = arith.constant 0 : i32
        %dma_wait3A_44 = tpu.memref_slice %arg7[%sub3A_43, %dma_wait3A] : memref<90x112xi32, #tpu.memory_space<vmem>> -> memref<1x112xi32, #tpu.memory_space<vmem>>
        %dma_wait3A_45 = tpu.memref_squeeze %dma_wait3A_44 : memref<1x112xi32, #tpu.memory_space<vmem>> -> memref<112xi32, #tpu.memory_space<vmem>>
        %dma_wait3A_46 = arith.constant 0 : i32
        %dma_wait3A_47 = arith.constant 0 : i32
        %dma_wait3A_48 = tpu.memref_slice %arg9[%dma_wait3A_46, %dma_wait3A_47] : memref<10112x128xf32, #tpu.memory_space<vmem_shared>> -> memref<10112x128xf32, #tpu.memory_space<vmem_shared>>
        tpu.wait_indirect_dma semaphore(%arg10 : memref<!tpu.dma_semaphore, #tpu.memory_space<semaphore_mem>>) src(%arg8 : memref<112x128xf32, #tpu.memory_space<vmem>>) dst(%dma_wait3A_48 : memref<10112x128xf32, #tpu.memory_space<vmem_shared>>)
      } else {
      }
      %dma_start3A = arith.constant 0 : i32
      %dma_start3A_37 = tpu.memref_slice %arg7[%while3A_31, %dma_start3A] : memref<90x112xi32, #tpu.memory_space<vmem>> -> memref<1x112xi32, #tpu.memory_space<vmem>>
      %dma_start3A_38 = tpu.memref_squeeze %dma_start3A_37 : memref<1x112xi32, #tpu.memory_space<vmem>> -> memref<112xi32, #tpu.memory_space<vmem>>
      %dma_start3A_39 = arith.constant 0 : i32
      %dma_start3A_40 = arith.constant 0 : i32
      %dma_start3A_41 = tpu.memref_slice %arg9[%dma_start3A_39, %dma_start3A_40] : memref<10112x128xf32, #tpu.memory_space<vmem_shared>> -> memref<10112x128xf32, #tpu.memory_space<vmem_shared>>
      tpu.enqueue_indirect_dma source(%arg8 : memref<112x128xf32, #tpu.memory_space<vmem>>) target(%dma_start3A_41 : memref<10112x128xf32, #tpu.memory_space<vmem_shared>>) offsets(%dma_start3A_38 : memref<112xi32, #tpu.memory_space<vmem>>) semaphore(%arg10 : memref<!tpu.dma_semaphore, #tpu.memory_space<semaphore_mem>>) {add = true}
    }
    %while3A_12 = arith.constant 1 : i32
    scf.for %while3A_31 = %while3A_10 to %while3A_6 step %while3A_12  : i32 {
      %sub3A_32 = arith.constant 4 : i32
      %sub3A_33 = arith.subi %while3A_31, %sub3A_32 : i32
      %ge3A = arith.cmpi sge, %sub3A_33, %mul3A_2 : i32
      %convert_element_type3A_34 = arith.extui %ge3A : i1 to i32
      %cond3A_35 = arith.constant 0 : i32
      %cond3A_36 = arith.cmpi ne, %convert_element_type3A_34, %cond3A_35 : i32
      scf.if %cond3A_36 {
        %sub3A_42 = arith.constant 4 : i32
        %sub3A_43 = arith.subi %while3A_31, %sub3A_42 : i32
        %dma_wait3A = arith.constant 0 : i32
        %dma_wait3A_44 = tpu.memref_slice %arg7[%sub3A_43, %dma_wait3A] : memref<90x112xi32, #tpu.memory_space<vmem>> -> memref<1x112xi32, #tpu.memory_space<vmem>>
        %dma_wait3A_45 = tpu.memref_squeeze %dma_wait3A_44 : memref<1x112xi32, #tpu.memory_space<vmem>> -> memref<112xi32, #tpu.memory_space<vmem>>
        %dma_wait3A_46 = arith.constant 0 : i32
        %dma_wait3A_47 = arith.constant 0 : i32
        %dma_wait3A_48 = tpu.memref_slice %arg9[%dma_wait3A_46, %dma_wait3A_47] : memref<10112x128xf32, #tpu.memory_space<vmem_shared>> -> memref<10112x128xf32, #tpu.memory_space<vmem_shared>>
        tpu.wait_indirect_dma semaphore(%arg10 : memref<!tpu.dma_semaphore, #tpu.memory_space<semaphore_mem>>) src(%arg8 : memref<112x128xf32, #tpu.memory_space<vmem>>) dst(%dma_wait3A_48 : memref<10112x128xf32, #tpu.memory_space<vmem_shared>>)
      } else {
      }
      %dma_start3A = arith.constant 0 : i32
      %dma_start3A_37 = tpu.memref_slice %arg7[%while3A_31, %dma_start3A] : memref<90x112xi32, #tpu.memory_space<vmem>> -> memref<1x112xi32, #tpu.memory_space<vmem>>
      %dma_start3A_38 = tpu.memref_squeeze %dma_start3A_37 : memref<1x112xi32, #tpu.memory_space<vmem>> -> memref<112xi32, #tpu.memory_space<vmem>>
      %dma_start3A_39 = arith.constant 0 : i32
      %dma_start3A_40 = arith.constant 0 : i32
      %dma_start3A_41 = tpu.memref_slice %arg9[%dma_start3A_39, %dma_start3A_40] : memref<10112x128xf32, #tpu.memory_space<vmem_shared>> -> memref<10112x128xf32, #tpu.memory_space<vmem_shared>>
      tpu.enqueue_indirect_dma source(%arg8 : memref<112x128xf32, #tpu.memory_space<vmem>>) target(%dma_start3A_41 : memref<10112x128xf32, #tpu.memory_space<vmem_shared>>) offsets(%dma_start3A_38 : memref<112xi32, #tpu.memory_space<vmem>>) semaphore(%arg10 : memref<!tpu.dma_semaphore, #tpu.memory_space<semaphore_mem>>) {add = true}
    }
    %sub3A = arith.constant 4 : i32
    %sub3A_13 = arith.subi %select_n3A_5, %sub3A : i32
    %while3A_14 = arith.subi %select_n3A_5, %sub3A_13 : i32
    %while3A_15 = arith.addi %sub3A_13, %while3A_14 : i32
    %while3A_16 = arith.constant 1 : i32
    %while3A_17 = arith.divsi %while3A_14, %while3A_16 : i32
    %while3A_18 = arith.muli %while3A_17, %while3A_16 : i32
    %while3A_19 = arith.addi %sub3A_13, %while3A_18 : i32
    %while3A_20 = arith.constant 1 : i32
    scf.for %while3A_31 = %sub3A_13 to %while3A_19 step %while3A_20  : i32 {
      %ge3A = arith.cmpi sge, %while3A_31, %mul3A_2 : i32
      %convert_element_type3A_32 = arith.extui %ge3A : i1 to i32
      %cond3A_33 = arith.constant 0 : i32
      %cond3A_34 = arith.cmpi ne, %convert_element_type3A_32, %cond3A_33 : i32
      scf.if %cond3A_34 {
        %dma_wait3A = arith.constant 0 : i32
        %dma_wait3A_35 = tpu.memref_slice %arg7[%while3A_31, %dma_wait3A] : memref<90x112xi32, #tpu.memory_space<vmem>> -> memref<1x112xi32, #tpu.memory_space<vmem>>
        %dma_wait3A_36 = tpu.memref_squeeze %dma_wait3A_35 : memref<1x112xi32, #tpu.memory_space<vmem>> -> memref<112xi32, #tpu.memory_space<vmem>>
        %dma_wait3A_37 = arith.constant 0 : i32
        %dma_wait3A_38 = arith.constant 0 : i32
        %dma_wait3A_39 = tpu.memref_slice %arg9[%dma_wait3A_37, %dma_wait3A_38] : memref<10112x128xf32, #tpu.memory_space<vmem_shared>> -> memref<10112x128xf32, #tpu.memory_space<vmem_shared>>
        tpu.wait_indirect_dma semaphore(%arg10 : memref<!tpu.dma_semaphore, #tpu.memory_space<semaphore_mem>>) src(%arg8 : memref<112x128xf32, #tpu.memory_space<vmem>>) dst(%dma_wait3A_39 : memref<10112x128xf32, #tpu.memory_space<vmem_shared>>)
      } else {
      }
    }
    %while3A_21 = arith.constant 1 : i32
    scf.for %while3A_31 = %while3A_19 to %while3A_15 step %while3A_21  : i32 {
      %ge3A = arith.cmpi sge, %while3A_31, %mul3A_2 : i32
      %convert_element_type3A_32 = arith.extui %ge3A : i1 to i32
      %cond3A_33 = arith.constant 0 : i32
      %cond3A_34 = arith.cmpi ne, %convert_element_type3A_32, %cond3A_33 : i32
      scf.if %cond3A_34 {
        %dma_wait3A = arith.constant 0 : i32
        %dma_wait3A_35 = tpu.memref_slice %arg7[%while3A_31, %dma_wait3A] : memref<90x112xi32, #tpu.memory_space<vmem>> -> memref<1x112xi32, #tpu.memory_space<vmem>>
        %dma_wait3A_36 = tpu.memref_squeeze %dma_wait3A_35 : memref<1x112xi32, #tpu.memory_space<vmem>> -> memref<112xi32, #tpu.memory_space<vmem>>
        %dma_wait3A_37 = arith.constant 0 : i32
        %dma_wait3A_38 = arith.constant 0 : i32
        %dma_wait3A_39 = tpu.memref_slice %arg9[%dma_wait3A_37, %dma_wait3A_38] : memref<10112x128xf32, #tpu.memory_space<vmem_shared>> -> memref<10112x128xf32, #tpu.memory_space<vmem_shared>>
        tpu.wait_indirect_dma semaphore(%arg10 : memref<!tpu.dma_semaphore, #tpu.memory_space<semaphore_mem>>) src(%arg8 : memref<112x128xf32, #tpu.memory_space<vmem>>) dst(%dma_wait3A_39 : memref<10112x128xf32, #tpu.memory_space<vmem_shared>>)
      } else {
      }
    }
    %barrier3A_22 = arith.constant 0 : index
    tpu.barrier barrier_id(%barrier3A_22)
    %eq3A_23 = arith.constant 0 : i32
    %eq3A_24 = arith.cmpi eq, %arg0, %eq3A_23 : i32
    %convert_element_type3A = arith.extui %eq3A_24 : i1 to i32
    %cond3A = arith.constant 0 : i32
    %cond3A_25 = arith.cmpi ne, %convert_element_type3A, %cond3A : i32
    scf.if %cond3A_25 {
      %lt3A = arith.constant 15 : i32
      %lt3A_31 = arith.cmpi slt, %arg1, %lt3A : i32
      %convert_element_type3A_32 = arith.extui %lt3A_31 : i1 to i32
      %cond3A_33 = arith.constant 0 : i32
      %cond3A_34 = arith.cmpi ne, %convert_element_type3A_32, %cond3A_33 : i32
      scf.if %cond3A_34 {
        %mul3A_40 = arith.constant 632 : i32
        %mul3A_41 = arith.muli %arg1, %mul3A_40 : i32
        %mul3A_42 = arith.constant 632 : i32
        %mul3A_43 = arith.muli %arg1, %mul3A_42 : i32
        "tpu.region"() ({
          %run_scoped3A = tpu.sem_alloc : memref<!tpu.dma_semaphore, #tpu.memory_space<semaphore_mem>>
          %dma_start3A = arith.constant 0 : i32
          %dma_start3A_44 = tpu.memref_slice %arg5[%mul3A_43, %dma_start3A] : memref<10000x128xf32, #tpu.memory_space<hbm>> -> memref<632x128xf32, #tpu.memory_space<hbm>>
          %dma_start3A_45 = arith.constant 0 : i32
          %dma_start3A_46 = tpu.memref_slice %arg9[%mul3A_41, %dma_start3A_45] : memref<10112x128xf32, #tpu.memory_space<vmem_shared>> -> memref<632x128xf32, #tpu.memory_space<vmem_shared>>
          tpu.enqueue_dma source(%dma_start3A_46 : memref<632x128xf32, #tpu.memory_space<vmem_shared>>) target(%dma_start3A_44 : memref<632x128xf32, #tpu.memory_space<hbm>>) target_semaphore(%run_scoped3A : memref<!tpu.dma_semaphore, #tpu.memory_space<semaphore_mem>>)
          %dma_wait3A = arith.constant 0 : i32
          %dma_wait3A_47 = tpu.memref_slice %arg5[%mul3A_43, %dma_wait3A] : memref<10000x128xf32, #tpu.memory_space<hbm>> -> memref<632x128xf32, #tpu.memory_space<hbm>>
          %dma_wait3A_48 = arith.constant 0 : i32
          %dma_wait3A_49 = tpu.memref_slice %arg9[%mul3A_41, %dma_wait3A_48] : memref<10112x128xf32, #tpu.memory_space<vmem_shared>> -> memref<632x128xf32, #tpu.memory_space<vmem_shared>>
          tpu.wait_dma2 semaphore(%run_scoped3A : memref<!tpu.dma_semaphore, #tpu.memory_space<semaphore_mem>>) src(%dma_wait3A_49 : memref<632x128xf32, #tpu.memory_space<vmem_shared>>) dst(%dma_wait3A_47 : memref<632x128xf32, #tpu.memory_space<hbm>>)
          tpu.yield
        }) : () -> ()
      } else {
      }
      %eq3A_35 = arith.constant 15 : i32
      %eq3A_36 = arith.cmpi eq, %arg1, %eq3A_35 : i32
      %convert_element_type3A_37 = arith.extui %eq3A_36 : i1 to i32
      %cond3A_38 = arith.constant 0 : i32
      %cond3A_39 = arith.cmpi ne, %convert_element_type3A_37, %cond3A_38 : i32
      scf.if %cond3A_39 {
        "tpu.region"() ({
          %run_scoped3A = tpu.sem_alloc : memref<!tpu.dma_semaphore, #tpu.memory_space<semaphore_mem>>
          %dma_start3A = arith.constant 9480 : i32
          %dma_start3A_40 = arith.constant 0 : i32
          %dma_start3A_41 = tpu.memref_slice %arg5[%dma_start3A, %dma_start3A_40] : memref<10000x128xf32, #tpu.memory_space<hbm>> -> memref<520x128xf32, #tpu.memory_space<hbm>>
          %dma_start3A_42 = arith.constant 9480 : i32
          %dma_start3A_43 = arith.constant 0 : i32
          %dma_start3A_44 = tpu.memref_slice %arg9[%dma_start3A_42, %dma_start3A_43] : memref<10112x128xf32, #tpu.memory_space<vmem_shared>> -> memref<520x128xf32, #tpu.memory_space<vmem_shared>>
          tpu.enqueue_dma source(%dma_start3A_44 : memref<520x128xf32, #tpu.memory_space<vmem_shared>>) target(%dma_start3A_41 : memref<520x128xf32, #tpu.memory_space<hbm>>) target_semaphore(%run_scoped3A : memref<!tpu.dma_semaphore, #tpu.memory_space<semaphore_mem>>)
          %dma_wait3A = arith.constant 9480 : i32
          %dma_wait3A_45 = arith.constant 0 : i32
          %dma_wait3A_46 = tpu.memref_slice %arg5[%dma_wait3A, %dma_wait3A_45] : memref<10000x128xf32, #tpu.memory_space<hbm>> -> memref<520x128xf32, #tpu.memory_space<hbm>>
          %dma_wait3A_47 = arith.constant 9480 : i32
          %dma_wait3A_48 = arith.constant 0 : i32
          %dma_wait3A_49 = tpu.memref_slice %arg9[%dma_wait3A_47, %dma_wait3A_48] : memref<10112x128xf32, #tpu.memory_space<vmem_shared>> -> memref<520x128xf32, #tpu.memory_space<vmem_shared>>
          tpu.wait_dma2 semaphore(%run_scoped3A : memref<!tpu.dma_semaphore, #tpu.memory_space<semaphore_mem>>) src(%dma_wait3A_49 : memref<520x128xf32, #tpu.memory_space<vmem_shared>>) dst(%dma_wait3A_46 : memref<520x128xf32, #tpu.memory_space<hbm>>)
          tpu.yield
        }) : () -> ()
      } else {
      }
    } else {
    }
    %eq3A_26 = arith.constant 1 : i32
    %eq3A_27 = arith.cmpi eq, %arg0, %eq3A_26 : i32
    %convert_element_type3A_28 = arith.extui %eq3A_27 : i1 to i32
    %cond3A_29 = arith.constant 0 : i32
    %cond3A_30 = arith.cmpi ne, %convert_element_type3A_28, %cond3A_29 : i32
    scf.if %cond3A_30 {
      %lt3A = arith.constant 15 : i32
      %lt3A_31 = arith.cmpi slt, %arg1, %lt3A : i32
      %convert_element_type3A_32 = arith.extui %lt3A_31 : i1 to i32
      %cond3A_33 = arith.constant 0 : i32
      %cond3A_34 = arith.cmpi ne, %convert_element_type3A_32, %cond3A_33 : i32
      scf.if %cond3A_34 {
        %mul3A_40 = arith.constant 632 : i32
        %mul3A_41 = arith.muli %arg1, %mul3A_40 : i32
        %mul3A_42 = arith.constant 632 : i32
        %mul3A_43 = arith.muli %arg1, %mul3A_42 : i32
        "tpu.region"() ({
          %run_scoped3A = tpu.sem_alloc : memref<!tpu.dma_semaphore, #tpu.memory_space<semaphore_mem>>
          %dma_start3A = arith.constant 0 : i32
          %dma_start3A_44 = tpu.memref_slice %arg6[%mul3A_43, %dma_start3A] : memref<10000x128xf32, #tpu.memory_space<hbm>> -> memref<632x128xf32, #tpu.memory_space<hbm>>
          %dma_start3A_45 = arith.constant 0 : i32
          %dma_start3A_46 = tpu.memref_slice %arg9[%mul3A_41, %dma_start3A_45] : memref<10112x128xf32, #tpu.memory_space<vmem_shared>> -> memref<632x128xf32, #tpu.memory_space<vmem_shared>>
          tpu.enqueue_dma source(%dma_start3A_46 : memref<632x128xf32, #tpu.memory_space<vmem_shared>>) target(%dma_start3A_44 : memref<632x128xf32, #tpu.memory_space<hbm>>) target_semaphore(%run_scoped3A : memref<!tpu.dma_semaphore, #tpu.memory_space<semaphore_mem>>)
          %dma_wait3A = arith.constant 0 : i32
          %dma_wait3A_47 = tpu.memref_slice %arg6[%mul3A_43, %dma_wait3A] : memref<10000x128xf32, #tpu.memory_space<hbm>> -> memref<632x128xf32, #tpu.memory_space<hbm>>
          %dma_wait3A_48 = arith.constant 0 : i32
          %dma_wait3A_49 = tpu.memref_slice %arg9[%mul3A_41, %dma_wait3A_48] : memref<10112x128xf32, #tpu.memory_space<vmem_shared>> -> memref<632x128xf32, #tpu.memory_space<vmem_shared>>
          tpu.wait_dma2 semaphore(%run_scoped3A : memref<!tpu.dma_semaphore, #tpu.memory_space<semaphore_mem>>) src(%dma_wait3A_49 : memref<632x128xf32, #tpu.memory_space<vmem_shared>>) dst(%dma_wait3A_47 : memref<632x128xf32, #tpu.memory_space<hbm>>)
          tpu.yield
        }) : () -> ()
      } else {
      }
      %eq3A_35 = arith.constant 15 : i32
      %eq3A_36 = arith.cmpi eq, %arg1, %eq3A_35 : i32
      %convert_element_type3A_37 = arith.extui %eq3A_36 : i1 to i32
      %cond3A_38 = arith.constant 0 : i32
      %cond3A_39 = arith.cmpi ne, %convert_element_type3A_37, %cond3A_38 : i32
      scf.if %cond3A_39 {
        "tpu.region"() ({
          %run_scoped3A = tpu.sem_alloc : memref<!tpu.dma_semaphore, #tpu.memory_space<semaphore_mem>>
          %dma_start3A = arith.constant 9480 : i32
          %dma_start3A_40 = arith.constant 0 : i32
          %dma_start3A_41 = tpu.memref_slice %arg6[%dma_start3A, %dma_start3A_40] : memref<10000x128xf32, #tpu.memory_space<hbm>> -> memref<520x128xf32, #tpu.memory_space<hbm>>
          %dma_start3A_42 = arith.constant 9480 : i32
          %dma_start3A_43 = arith.constant 0 : i32
          %dma_start3A_44 = tpu.memref_slice %arg9[%dma_start3A_42, %dma_start3A_43] : memref<10112x128xf32, #tpu.memory_space<vmem_shared>> -> memref<520x128xf32, #tpu.memory_space<vmem_shared>>
          tpu.enqueue_dma source(%dma_start3A_44 : memref<520x128xf32, #tpu.memory_space<vmem_shared>>) target(%dma_start3A_41 : memref<520x128xf32, #tpu.memory_space<hbm>>) target_semaphore(%run_scoped3A : memref<!tpu.dma_semaphore, #tpu.memory_space<semaphore_mem>>)
          %dma_wait3A = arith.constant 9480 : i32
          %dma_wait3A_45 = arith.constant 0 : i32
          %dma_wait3A_46 = tpu.memref_slice %arg6[%dma_wait3A, %dma_wait3A_45] : memref<10000x128xf32, #tpu.memory_space<hbm>> -> memref<520x128xf32, #tpu.memory_space<hbm>>
          %dma_wait3A_47 = arith.constant 9480 : i32
          %dma_wait3A_48 = arith.constant 0 : i32
          %dma_wait3A_49 = tpu.memref_slice %arg9[%dma_wait3A_47, %dma_wait3A_48] : memref<10112x128xf32, #tpu.memory_space<vmem_shared>> -> memref<520x128xf32, #tpu.memory_space<vmem_shared>>
          tpu.wait_dma2 semaphore(%run_scoped3A : memref<!tpu.dma_semaphore, #tpu.memory_space<semaphore_mem>>) src(%dma_wait3A_49 : memref<520x128xf32, #tpu.memory_space<vmem_shared>>) dst(%dma_wait3A_46 : memref<520x128xf32, #tpu.memory_space<hbm>>)
          tpu.yield
        }) : () -> ()
      } else {
      }
    } else {
    }
    return
  }
}

#map = affine_map<(d0, d1) -> (0)>
#map1 = affine_map<(d0, d1) -> (0, 0)>
module attributes {stable_mosaic.version = 14 : i64} {
  func.func @_segsum_body(%arg0: i32, %arg1: i32, %arg2: memref<161280xi32, #tpu.memory_space<hbm>>, %arg3: memref<161280xi32, #tpu.memory_space<hbm>>, %arg4: memref<632x128xf32, #tpu.memory_space<hbm>>, %arg5: memref<10000x128xf32, #tpu.memory_space<hbm>>, %arg6: memref<10000x128xf32, #tpu.memory_space<hbm>>, %arg7: memref<10000x128xf32, #tpu.memory_space<hbm>>, %arg8: memref<10000x128xf32, #tpu.memory_space<hbm>>, %arg9: memref<672xi32, #tpu.memory_space<vmem>>, %arg10: memref<672xi32, #tpu.memory_space<vmem>>, %arg11: memref<112x128xf32, #tpu.memory_space<vmem>>, %arg12: memref<112x128xf32, #tpu.memory_space<vmem>>, %arg13: memref<112x128xf32, #tpu.memory_space<vmem>>, %arg14: memref<10112x128xf32, #tpu.memory_space<vmem_shared>>, %arg15: memref<!tpu.dma_semaphore, #tpu.memory_space<semaphore_mem>>, %arg16: memref<!tpu.dma_semaphore, #tpu.memory_space<semaphore_mem>>, %arg17: memref<!tpu.dma_semaphore, #tpu.memory_space<semaphore_mem>>, %arg18: memref<!tpu.dma_semaphore, #tpu.memory_space<semaphore_mem>>, %arg19: memref<!tpu.dma_semaphore, #tpu.memory_space<semaphore_mem>>) attributes {dimension_semantics = [#tpu.dimension_semantics<core_parallel>, #tpu.dimension_semantics<subcore_parallel>], iteration_bounds = array<i64: 2, 16>, scalar_prefetch = 0 : i64, scratch_operands = 11 : i64, tpu.core_type = #tpu.core_type<sc_vector_subcore>, window_params = [{transform_indices = #map}, {transform_indices = #map}, {transform_indices = #map1}, {transform_indices = #map1}, {transform_indices = #map1}, {transform_indices = #map1}, {transform_indices = #map1}]} {
    %mul3A = arith.constant 10080 : i32
    %mul3A_0 = arith.muli %arg1, %mul3A : i32
    %mul3A_1 = arith.constant 632 : i32
    %mul3A_2 = arith.muli %arg1, %mul3A_1 : i32
    "tpu.region"() ({
      %run_scoped3A = tpu.sem_alloc : memref<!tpu.dma_semaphore, #tpu.memory_space<semaphore_mem>>
      %dma_start3A = arith.constant 0 : i32
      %dma_start3A_21 = tpu.memref_slice %arg14[%mul3A_2, %dma_start3A] : memref<10112x128xf32, #tpu.memory_space<vmem_shared>> -> memref<632x128xf32, #tpu.memory_space<vmem_shared>>
      tpu.enqueue_dma source(%arg4 : memref<632x128xf32, #tpu.memory_space<hbm>>) target(%dma_start3A_21 : memref<632x128xf32, #tpu.memory_space<vmem_shared>>) target_semaphore(%run_scoped3A : memref<!tpu.dma_semaphore, #tpu.memory_space<semaphore_mem>>)
      %dma_wait3A = arith.constant 0 : i32
      %dma_wait3A_22 = tpu.memref_slice %arg14[%mul3A_2, %dma_wait3A] : memref<10112x128xf32, #tpu.memory_space<vmem_shared>> -> memref<632x128xf32, #tpu.memory_space<vmem_shared>>
      tpu.wait_dma2 semaphore(%run_scoped3A : memref<!tpu.dma_semaphore, #tpu.memory_space<semaphore_mem>>) src(%arg4 : memref<632x128xf32, #tpu.memory_space<hbm>>) dst(%dma_wait3A_22 : memref<632x128xf32, #tpu.memory_space<vmem_shared>>)
      tpu.yield
    }) : () -> ()
    "tpu.region"() ({
      %run_scoped3A = tpu.sem_alloc : memref<!tpu.dma_semaphore, #tpu.memory_space<semaphore_mem>>
      %dma_start3A = arith.constant 0 : i32
      %dma_start3A_21 = tpu.memref_slice %arg9[%dma_start3A] : memref<672xi32, #tpu.memory_space<vmem>> -> memref<336xi32, #tpu.memory_space<vmem>>
      %dma_start3A_22 = tpu.memref_slice %arg2[%mul3A_0] : memref<161280xi32, #tpu.memory_space<hbm>> -> memref<336xi32, #tpu.memory_space<hbm>>
      %dma_start3A_23 = arith.constant 0 : i32
      %dma_start3A_24 = tpu.memref_slice %arg9[%dma_start3A_23] : memref<672xi32, #tpu.memory_space<vmem>> -> memref<336xi32, #tpu.memory_space<vmem>>
      %dma_start3A_25 = tpu.memref_slice %arg2[%mul3A_0] : memref<161280xi32, #tpu.memory_space<hbm>> -> memref<336xi32, #tpu.memory_space<hbm>>
      tpu.enqueue_dma source(%dma_start3A_25 : memref<336xi32, #tpu.memory_space<hbm>>) target(%dma_start3A_24 : memref<336xi32, #tpu.memory_space<vmem>>) target_semaphore(%run_scoped3A : memref<!tpu.dma_semaphore, #tpu.memory_space<semaphore_mem>>)
      %dma_wait3A = arith.constant 0 : i32
      %dma_wait3A_26 = tpu.memref_slice %arg9[%dma_wait3A] : memref<672xi32, #tpu.memory_space<vmem>> -> memref<336xi32, #tpu.memory_space<vmem>>
      %dma_wait3A_27 = tpu.memref_slice %arg2[%mul3A_0] : memref<161280xi32, #tpu.memory_space<hbm>> -> memref<336xi32, #tpu.memory_space<hbm>>
      %dma_wait3A_28 = arith.constant 0 : i32
      %dma_wait3A_29 = tpu.memref_slice %arg9[%dma_wait3A_28] : memref<672xi32, #tpu.memory_space<vmem>> -> memref<336xi32, #tpu.memory_space<vmem>>
      %dma_wait3A_30 = tpu.memref_slice %arg2[%mul3A_0] : memref<161280xi32, #tpu.memory_space<hbm>> -> memref<336xi32, #tpu.memory_space<hbm>>
      tpu.wait_dma2 semaphore(%run_scoped3A : memref<!tpu.dma_semaphore, #tpu.memory_space<semaphore_mem>>) src(%dma_wait3A_30 : memref<336xi32, #tpu.memory_space<hbm>>) dst(%dma_wait3A_29 : memref<336xi32, #tpu.memory_space<vmem>>)
      tpu.yield
    }) : () -> ()
    "tpu.region"() ({
      %run_scoped3A = tpu.sem_alloc : memref<!tpu.dma_semaphore, #tpu.memory_space<semaphore_mem>>
      %dma_start3A = arith.constant 0 : i32
      %dma_start3A_21 = tpu.memref_slice %arg10[%dma_start3A] : memref<672xi32, #tpu.memory_space<vmem>> -> memref<336xi32, #tpu.memory_space<vmem>>
      %dma_start3A_22 = tpu.memref_slice %arg3[%mul3A_0] : memref<161280xi32, #tpu.memory_space<hbm>> -> memref<336xi32, #tpu.memory_space<hbm>>
      %dma_start3A_23 = arith.constant 0 : i32
      %dma_start3A_24 = tpu.memref_slice %arg10[%dma_start3A_23] : memref<672xi32, #tpu.memory_space<vmem>> -> memref<336xi32, #tpu.memory_space<vmem>>
      %dma_start3A_25 = tpu.memref_slice %arg3[%mul3A_0] : memref<161280xi32, #tpu.memory_space<hbm>> -> memref<336xi32, #tpu.memory_space<hbm>>
      tpu.enqueue_dma source(%dma_start3A_25 : memref<336xi32, #tpu.memory_space<hbm>>) target(%dma_start3A_24 : memref<336xi32, #tpu.memory_space<vmem>>) target_semaphore(%run_scoped3A : memref<!tpu.dma_semaphore, #tpu.memory_space<semaphore_mem>>)
      %dma_wait3A = arith.constant 0 : i32
      %dma_wait3A_26 = tpu.memref_slice %arg10[%dma_wait3A] : memref<672xi32, #tpu.memory_space<vmem>> -> memref<336xi32, #tpu.memory_space<vmem>>
      %dma_wait3A_27 = tpu.memref_slice %arg3[%mul3A_0] : memref<161280xi32, #tpu.memory_space<hbm>> -> memref<336xi32, #tpu.memory_space<hbm>>
      %dma_wait3A_28 = arith.constant 0 : i32
      %dma_wait3A_29 = tpu.memref_slice %arg10[%dma_wait3A_28] : memref<672xi32, #tpu.memory_space<vmem>> -> memref<336xi32, #tpu.memory_space<vmem>>
      %dma_wait3A_30 = tpu.memref_slice %arg3[%mul3A_0] : memref<161280xi32, #tpu.memory_space<hbm>> -> memref<336xi32, #tpu.memory_space<hbm>>
      tpu.wait_dma2 semaphore(%run_scoped3A : memref<!tpu.dma_semaphore, #tpu.memory_space<semaphore_mem>>) src(%dma_wait3A_30 : memref<336xi32, #tpu.memory_space<hbm>>) dst(%dma_wait3A_29 : memref<336xi32, #tpu.memory_space<vmem>>)
      tpu.yield
    }) : () -> ()
    %barrier3A = arith.constant 0 : index
    tpu.barrier barrier_id(%barrier3A)
    %eq3A = arith.constant 0 : i32
    %eq3A_3 = arith.cmpi eq, %arg0, %eq3A : i32
    %convert_element_type3A = arith.extui %eq3A_3 : i1 to i32
    %cond3A = arith.constant 0 : i32
    %cond3A_4 = arith.cmpi ne, %convert_element_type3A, %cond3A : i32
    scf.if %cond3A_4 {
      %rem3A = arith.constant 0 : i32
      %rem3A_21 = arith.constant 2 : i32
      %rem3A_22 = arith.remsi %rem3A, %rem3A_21 : i32
      %mul3A_23 = arith.constant 336 : i32
      %mul3A_24 = arith.muli %rem3A_22, %mul3A_23 : i32
      %add3A = arith.constant 0 : i32
      %add3A_25 = arith.addi %mul3A_24, %add3A : i32
      %multiple_of3A = tpu.assume_multiple %add3A_25, 8 : i32
      %dma_start3A = tpu.memref_slice %arg9[%multiple_of3A] : memref<672xi32, #tpu.memory_space<vmem>> -> memref<112xi32, #tpu.memory_space<vmem>>
      %dma_start3A_26 = arith.constant 0 : i32
      %dma_start3A_27 = arith.constant 0 : i32
      %dma_start3A_28 = tpu.memref_slice %arg5[%dma_start3A_26, %dma_start3A_27] : memref<10000x128xf32, #tpu.memory_space<hbm>> -> memref<10000x128xf32, #tpu.memory_space<hbm>>
      tpu.enqueue_indirect_dma source(%dma_start3A_28 : memref<10000x128xf32, #tpu.memory_space<hbm>>) target(%arg11 : memref<112x128xf32, #tpu.memory_space<vmem>>) offsets(%dma_start3A : memref<112xi32, #tpu.memory_space<vmem>>) semaphore(%arg15 : memref<!tpu.dma_semaphore, #tpu.memory_space<semaphore_mem>>)
      %rem3A_29 = arith.constant 0 : i32
      %rem3A_30 = arith.constant 2 : i32
      %rem3A_31 = arith.remsi %rem3A_29, %rem3A_30 : i32
      %mul3A_32 = arith.constant 336 : i32
      %mul3A_33 = arith.muli %rem3A_31, %mul3A_32 : i32
      %add3A_34 = arith.constant 112 : i32
      %add3A_35 = arith.addi %mul3A_33, %add3A_34 : i32
      %multiple_of3A_36 = tpu.assume_multiple %add3A_35, 8 : i32
      %dma_start3A_37 = tpu.memref_slice %arg9[%multiple_of3A_36] : memref<672xi32, #tpu.memory_space<vmem>> -> memref<112xi32, #tpu.memory_space<vmem>>
      %dma_start3A_38 = arith.constant 0 : i32
      %dma_start3A_39 = arith.constant 0 : i32
      %dma_start3A_40 = tpu.memref_slice %arg5[%dma_start3A_38, %dma_start3A_39] : memref<10000x128xf32, #tpu.memory_space<hbm>> -> memref<10000x128xf32, #tpu.memory_space<hbm>>
      tpu.enqueue_indirect_dma source(%dma_start3A_40 : memref<10000x128xf32, #tpu.memory_space<hbm>>) target(%arg12 : memref<112x128xf32, #tpu.memory_space<vmem>>) offsets(%dma_start3A_37 : memref<112xi32, #tpu.memory_space<vmem>>) semaphore(%arg16 : memref<!tpu.dma_semaphore, #tpu.memory_space<semaphore_mem>>)
      %scan3A = arith.constant 0 : i32
      %scan3A_41 = arith.constant 30 : i32
      %scan3A_42 = arith.addi %scan3A, %scan3A_41 : i32
      %scan3A_43 = arith.constant 1 : i32
      scf.for %scan3A_56 = %scan3A to %scan3A_42 step %scan3A_43  : i32 {
        %rem3A_57 = arith.constant 2 : i32
        %rem3A_58 = arith.remsi %scan3A_56, %rem3A_57 : i32
        %mul3A_59 = arith.constant 336 : i32
        %mul3A_60 = arith.muli %rem3A_58, %mul3A_59 : i32
        %add3A_61 = arith.constant 0 : i32
        %add3A_62 = arith.addi %mul3A_60, %add3A_61 : i32
        %multiple_of3A_63 = tpu.assume_multiple %add3A_62, 8 : i32
        %dma_wait3A_64 = tpu.memref_slice %arg9[%multiple_of3A_63] : memref<672xi32, #tpu.memory_space<vmem>> -> memref<112xi32, #tpu.memory_space<vmem>>
        %dma_wait3A_65 = arith.constant 0 : i32
        %dma_wait3A_66 = arith.constant 0 : i32
        %dma_wait3A_67 = tpu.memref_slice %arg5[%dma_wait3A_65, %dma_wait3A_66] : memref<10000x128xf32, #tpu.memory_space<hbm>> -> memref<10000x128xf32, #tpu.memory_space<hbm>>
        tpu.wait_indirect_dma semaphore(%arg15 : memref<!tpu.dma_semaphore, #tpu.memory_space<semaphore_mem>>) src(%dma_wait3A_67 : memref<10000x128xf32, #tpu.memory_space<hbm>>) dst(%arg11 : memref<112x128xf32, #tpu.memory_space<vmem>>)
        %ge3A = arith.constant 1 : i32
        %ge3A_68 = arith.cmpi sge, %scan3A_56, %ge3A : i32
        %convert_element_type3A_69 = arith.extui %ge3A_68 : i1 to i32
        %cond3A_70 = arith.constant 0 : i32
        %cond3A_71 = arith.cmpi ne, %convert_element_type3A_69, %cond3A_70 : i32
        scf.if %cond3A_71 {
          %sub3A = arith.constant 1 : i32
          %sub3A_180 = arith.subi %scan3A_56, %sub3A : i32
          %rem3A_181 = arith.constant 2 : i32
          %rem3A_182 = arith.remsi %sub3A_180, %rem3A_181 : i32
          %mul3A_183 = arith.constant 336 : i32
          %mul3A_184 = arith.muli %rem3A_182, %mul3A_183 : i32
          %add3A_185 = arith.constant 224 : i32
          %add3A_186 = arith.addi %mul3A_184, %add3A_185 : i32
          %multiple_of3A_187 = tpu.assume_multiple %add3A_186, 8 : i32
          %dma_wait3A_188 = tpu.memref_slice %arg10[%multiple_of3A_187] : memref<672xi32, #tpu.memory_space<vmem>> -> memref<112xi32, #tpu.memory_space<vmem>>
          %dma_wait3A_189 = arith.constant 0 : i32
          %dma_wait3A_190 = arith.constant 0 : i32
          %dma_wait3A_191 = tpu.memref_slice %arg14[%dma_wait3A_189, %dma_wait3A_190] : memref<10112x128xf32, #tpu.memory_space<vmem_shared>> -> memref<10112x128xf32, #tpu.memory_space<vmem_shared>>
          tpu.wait_indirect_dma semaphore(%arg18 : memref<!tpu.dma_semaphore, #tpu.memory_space<semaphore_mem>>) src(%arg13 : memref<112x128xf32, #tpu.memory_space<vmem>>) dst(%dma_wait3A_191 : memref<10112x128xf32, #tpu.memory_space<vmem_shared>>)
        } else {
        }
        %add3A_72 = arith.constant 1 : i32
        %add3A_73 = arith.addi %scan3A_56, %add3A_72 : i32
        %lt3A = arith.constant 30 : i32
        %lt3A_74 = arith.cmpi slt, %add3A_73, %lt3A : i32
        %convert_element_type3A_75 = arith.extui %lt3A_74 : i1 to i32
        %cond3A_76 = arith.constant 0 : i32
        %cond3A_77 = arith.cmpi ne, %convert_element_type3A_75, %cond3A_76 : i32
        scf.if %cond3A_77 {
          %add3A_180 = arith.constant 1 : i32
          %add3A_181 = arith.addi %scan3A_56, %add3A_180 : i32
          %mul3A_182 = arith.constant 336 : i32
          %mul3A_183 = arith.muli %add3A_181, %mul3A_182 : i32
          %add3A_184 = arith.addi %mul3A_0, %mul3A_183 : i32
          %multiple_of3A_185 = tpu.assume_multiple %add3A_184, 8 : i32
          %rem3A_186 = arith.constant 2 : i32
          %rem3A_187 = arith.remsi %add3A_181, %rem3A_186 : i32
          %mul3A_188 = arith.constant 336 : i32
          %mul3A_189 = arith.muli %rem3A_187, %mul3A_188 : i32
          %multiple_of3A_190 = tpu.assume_multiple %mul3A_189, 8 : i32
          %dma_start3A_191 = tpu.memref_slice %arg9[%multiple_of3A_190] : memref<672xi32, #tpu.memory_space<vmem>> -> memref<336xi32, #tpu.memory_space<vmem>>
          %dma_start3A_192 = tpu.memref_slice %arg2[%multiple_of3A_185] : memref<161280xi32, #tpu.memory_space<hbm>> -> memref<336xi32, #tpu.memory_space<hbm>>
          %dma_start3A_193 = tpu.memref_slice %arg9[%multiple_of3A_190] : memref<672xi32, #tpu.memory_space<vmem>> -> memref<336xi32, #tpu.memory_space<vmem>>
          %dma_start3A_194 = tpu.memref_slice %arg2[%multiple_of3A_185] : memref<161280xi32, #tpu.memory_space<hbm>> -> memref<336xi32, #tpu.memory_space<hbm>>
          tpu.enqueue_dma source(%dma_start3A_194 : memref<336xi32, #tpu.memory_space<hbm>>) target(%dma_start3A_193 : memref<336xi32, #tpu.memory_space<vmem>>) target_semaphore(%arg19 : memref<!tpu.dma_semaphore, #tpu.memory_space<semaphore_mem>>)
          %dma_start3A_195 = tpu.memref_slice %arg10[%multiple_of3A_190] : memref<672xi32, #tpu.memory_space<vmem>> -> memref<336xi32, #tpu.memory_space<vmem>>
          %dma_start3A_196 = tpu.memref_slice %arg3[%multiple_of3A_185] : memref<161280xi32, #tpu.memory_space<hbm>> -> memref<336xi32, #tpu.memory_space<hbm>>
          %dma_start3A_197 = tpu.memref_slice %arg10[%multiple_of3A_190] : memref<672xi32, #tpu.memory_space<vmem>> -> memref<336xi32, #tpu.memory_space<vmem>>
          %dma_start3A_198 = tpu.memref_slice %arg3[%multiple_of3A_185] : memref<161280xi32, #tpu.memory_space<hbm>> -> memref<336xi32, #tpu.memory_space<hbm>>
          tpu.enqueue_dma source(%dma_start3A_198 : memref<336xi32, #tpu.memory_space<hbm>>) target(%dma_start3A_197 : memref<336xi32, #tpu.memory_space<vmem>>) target_semaphore(%arg19 : memref<!tpu.dma_semaphore, #tpu.memory_space<semaphore_mem>>)
        } else {
        }
        %rem3A_78 = arith.constant 2 : i32
        %rem3A_79 = arith.remsi %scan3A_56, %rem3A_78 : i32
        %mul3A_80 = arith.constant 336 : i32
        %mul3A_81 = arith.muli %rem3A_79, %mul3A_80 : i32
        %add3A_82 = arith.constant 224 : i32
        %add3A_83 = arith.addi %mul3A_81, %add3A_82 : i32
        %multiple_of3A_84 = tpu.assume_multiple %add3A_83, 8 : i32
        %dma_start3A_85 = tpu.memref_slice %arg9[%multiple_of3A_84] : memref<672xi32, #tpu.memory_space<vmem>> -> memref<112xi32, #tpu.memory_space<vmem>>
        %dma_start3A_86 = arith.constant 0 : i32
        %dma_start3A_87 = arith.constant 0 : i32
        %dma_start3A_88 = tpu.memref_slice %arg5[%dma_start3A_86, %dma_start3A_87] : memref<10000x128xf32, #tpu.memory_space<hbm>> -> memref<10000x128xf32, #tpu.memory_space<hbm>>
        tpu.enqueue_indirect_dma source(%dma_start3A_88 : memref<10000x128xf32, #tpu.memory_space<hbm>>) target(%arg13 : memref<112x128xf32, #tpu.memory_space<vmem>>) offsets(%dma_start3A_85 : memref<112xi32, #tpu.memory_space<vmem>>) semaphore(%arg17 : memref<!tpu.dma_semaphore, #tpu.memory_space<semaphore_mem>>)
        %rem3A_89 = arith.constant 2 : i32
        %rem3A_90 = arith.remsi %scan3A_56, %rem3A_89 : i32
        %mul3A_91 = arith.constant 336 : i32
        %mul3A_92 = arith.muli %rem3A_90, %mul3A_91 : i32
        %add3A_93 = arith.constant 0 : i32
        %add3A_94 = arith.addi %mul3A_92, %add3A_93 : i32
        %multiple_of3A_95 = tpu.assume_multiple %add3A_94, 8 : i32
        %dma_start3A_96 = tpu.memref_slice %arg10[%multiple_of3A_95] : memref<672xi32, #tpu.memory_space<vmem>> -> memref<112xi32, #tpu.memory_space<vmem>>
        %dma_start3A_97 = arith.constant 0 : i32
        %dma_start3A_98 = arith.constant 0 : i32
        %dma_start3A_99 = tpu.memref_slice %arg14[%dma_start3A_97, %dma_start3A_98] : memref<10112x128xf32, #tpu.memory_space<vmem_shared>> -> memref<10112x128xf32, #tpu.memory_space<vmem_shared>>
        tpu.enqueue_indirect_dma source(%arg11 : memref<112x128xf32, #tpu.memory_space<vmem>>) target(%dma_start3A_99 : memref<10112x128xf32, #tpu.memory_space<vmem_shared>>) offsets(%dma_start3A_96 : memref<112xi32, #tpu.memory_space<vmem>>) semaphore(%arg18 : memref<!tpu.dma_semaphore, #tpu.memory_space<semaphore_mem>>) {add = true}
        %rem3A_100 = arith.constant 2 : i32
        %rem3A_101 = arith.remsi %scan3A_56, %rem3A_100 : i32
        %mul3A_102 = arith.constant 336 : i32
        %mul3A_103 = arith.muli %rem3A_101, %mul3A_102 : i32
        %add3A_104 = arith.constant 112 : i32
        %add3A_105 = arith.addi %mul3A_103, %add3A_104 : i32
        %multiple_of3A_106 = tpu.assume_multiple %add3A_105, 8 : i32
        %dma_wait3A_107 = tpu.memref_slice %arg9[%multiple_of3A_106] : memref<672xi32, #tpu.memory_space<vmem>> -> memref<112xi32, #tpu.memory_space<vmem>>
        %dma_wait3A_108 = arith.constant 0 : i32
        %dma_wait3A_109 = arith.constant 0 : i32
        %dma_wait3A_110 = tpu.memref_slice %arg5[%dma_wait3A_108, %dma_wait3A_109] : memref<10000x128xf32, #tpu.memory_space<hbm>> -> memref<10000x128xf32, #tpu.memory_space<hbm>>
        tpu.wait_indirect_dma semaphore(%arg16 : memref<!tpu.dma_semaphore, #tpu.memory_space<semaphore_mem>>) src(%dma_wait3A_110 : memref<10000x128xf32, #tpu.memory_space<hbm>>) dst(%arg12 : memref<112x128xf32, #tpu.memory_space<vmem>>)
        %rem3A_111 = arith.constant 2 : i32
        %rem3A_112 = arith.remsi %scan3A_56, %rem3A_111 : i32
        %mul3A_113 = arith.constant 336 : i32
        %mul3A_114 = arith.muli %rem3A_112, %mul3A_113 : i32
        %add3A_115 = arith.constant 0 : i32
        %add3A_116 = arith.addi %mul3A_114, %add3A_115 : i32
        %multiple_of3A_117 = tpu.assume_multiple %add3A_116, 8 : i32
        %dma_wait3A_118 = tpu.memref_slice %arg10[%multiple_of3A_117] : memref<672xi32, #tpu.memory_space<vmem>> -> memref<112xi32, #tpu.memory_space<vmem>>
        %dma_wait3A_119 = arith.constant 0 : i32
        %dma_wait3A_120 = arith.constant 0 : i32
        %dma_wait3A_121 = tpu.memref_slice %arg14[%dma_wait3A_119, %dma_wait3A_120] : memref<10112x128xf32, #tpu.memory_space<vmem_shared>> -> memref<10112x128xf32, #tpu.memory_space<vmem_shared>>
        tpu.wait_indirect_dma semaphore(%arg18 : memref<!tpu.dma_semaphore, #tpu.memory_space<semaphore_mem>>) src(%arg11 : memref<112x128xf32, #tpu.memory_space<vmem>>) dst(%dma_wait3A_121 : memref<10112x128xf32, #tpu.memory_space<vmem_shared>>)
        %add3A_122 = arith.constant 1 : i32
        %add3A_123 = arith.addi %scan3A_56, %add3A_122 : i32
        %lt3A_124 = arith.constant 30 : i32
        %lt3A_125 = arith.cmpi slt, %add3A_123, %lt3A_124 : i32
        %convert_element_type3A_126 = arith.extui %lt3A_125 : i1 to i32
        %cond3A_127 = arith.constant 0 : i32
        %cond3A_128 = arith.cmpi ne, %convert_element_type3A_126, %cond3A_127 : i32
        scf.if %cond3A_128 {
          %add3A_180 = arith.constant 1 : i32
          %add3A_181 = arith.addi %scan3A_56, %add3A_180 : i32
          %mul3A_182 = arith.constant 336 : i32
          %mul3A_183 = arith.muli %add3A_181, %mul3A_182 : i32
          %add3A_184 = arith.addi %mul3A_0, %mul3A_183 : i32
          %multiple_of3A_185 = tpu.assume_multiple %add3A_184, 8 : i32
          %rem3A_186 = arith.constant 2 : i32
          %rem3A_187 = arith.remsi %add3A_181, %rem3A_186 : i32
          %mul3A_188 = arith.constant 336 : i32
          %mul3A_189 = arith.muli %rem3A_187, %mul3A_188 : i32
          %multiple_of3A_190 = tpu.assume_multiple %mul3A_189, 8 : i32
          %dma_wait3A_191 = tpu.memref_slice %arg9[%multiple_of3A_190] : memref<672xi32, #tpu.memory_space<vmem>> -> memref<336xi32, #tpu.memory_space<vmem>>
          %dma_wait3A_192 = tpu.memref_slice %arg2[%multiple_of3A_185] : memref<161280xi32, #tpu.memory_space<hbm>> -> memref<336xi32, #tpu.memory_space<hbm>>
          %dma_wait3A_193 = tpu.memref_slice %arg9[%multiple_of3A_190] : memref<672xi32, #tpu.memory_space<vmem>> -> memref<336xi32, #tpu.memory_space<vmem>>
          %dma_wait3A_194 = tpu.memref_slice %arg2[%multiple_of3A_185] : memref<161280xi32, #tpu.memory_space<hbm>> -> memref<336xi32, #tpu.memory_space<hbm>>
          tpu.wait_dma2 semaphore(%arg19 : memref<!tpu.dma_semaphore, #tpu.memory_space<semaphore_mem>>) src(%dma_wait3A_194 : memref<336xi32, #tpu.memory_space<hbm>>) dst(%dma_wait3A_193 : memref<336xi32, #tpu.memory_space<vmem>>)
          %dma_wait3A_195 = tpu.memref_slice %arg10[%multiple_of3A_190] : memref<672xi32, #tpu.memory_space<vmem>> -> memref<336xi32, #tpu.memory_space<vmem>>
          %dma_wait3A_196 = tpu.memref_slice %arg3[%multiple_of3A_185] : memref<161280xi32, #tpu.memory_space<hbm>> -> memref<336xi32, #tpu.memory_space<hbm>>
          %dma_wait3A_197 = tpu.memref_slice %arg10[%multiple_of3A_190] : memref<672xi32, #tpu.memory_space<vmem>> -> memref<336xi32, #tpu.memory_space<vmem>>
          %dma_wait3A_198 = tpu.memref_slice %arg3[%multiple_of3A_185] : memref<161280xi32, #tpu.memory_space<hbm>> -> memref<336xi32, #tpu.memory_space<hbm>>
          tpu.wait_dma2 semaphore(%arg19 : memref<!tpu.dma_semaphore, #tpu.memory_space<semaphore_mem>>) src(%dma_wait3A_198 : memref<336xi32, #tpu.memory_space<hbm>>) dst(%dma_wait3A_197 : memref<336xi32, #tpu.memory_space<vmem>>)
          %add3A_199 = arith.constant 1 : i32
          %add3A_200 = arith.addi %scan3A_56, %add3A_199 : i32
          %rem3A_201 = arith.constant 2 : i32
          %rem3A_202 = arith.remsi %add3A_200, %rem3A_201 : i32
          %mul3A_203 = arith.constant 336 : i32
          %mul3A_204 = arith.muli %rem3A_202, %mul3A_203 : i32
          %add3A_205 = arith.constant 0 : i32
          %add3A_206 = arith.addi %mul3A_204, %add3A_205 : i32
          %multiple_of3A_207 = tpu.assume_multiple %add3A_206, 8 : i32
          %dma_start3A_208 = tpu.memref_slice %arg9[%multiple_of3A_207] : memref<672xi32, #tpu.memory_space<vmem>> -> memref<112xi32, #tpu.memory_space<vmem>>
          %dma_start3A_209 = arith.constant 0 : i32
          %dma_start3A_210 = arith.constant 0 : i32
          %dma_start3A_211 = tpu.memref_slice %arg5[%dma_start3A_209, %dma_start3A_210] : memref<10000x128xf32, #tpu.memory_space<hbm>> -> memref<10000x128xf32, #tpu.memory_space<hbm>>
          tpu.enqueue_indirect_dma source(%dma_start3A_211 : memref<10000x128xf32, #tpu.memory_space<hbm>>) target(%arg11 : memref<112x128xf32, #tpu.memory_space<vmem>>) offsets(%dma_start3A_208 : memref<112xi32, #tpu.memory_space<vmem>>) semaphore(%arg15 : memref<!tpu.dma_semaphore, #tpu.memory_space<semaphore_mem>>)
        } else {
        }
        %rem3A_129 = arith.constant 2 : i32
        %rem3A_130 = arith.remsi %scan3A_56, %rem3A_129 : i32
        %mul3A_131 = arith.constant 336 : i32
        %mul3A_132 = arith.muli %rem3A_130, %mul3A_131 : i32
        %add3A_133 = arith.constant 112 : i32
        %add3A_134 = arith.addi %mul3A_132, %add3A_133 : i32
        %multiple_of3A_135 = tpu.assume_multiple %add3A_134, 8 : i32
        %dma_start3A_136 = tpu.memref_slice %arg10[%multiple_of3A_135] : memref<672xi32, #tpu.memory_space<vmem>> -> memref<112xi32, #tpu.memory_space<vmem>>
        %dma_start3A_137 = arith.constant 0 : i32
        %dma_start3A_138 = arith.constant 0 : i32
        %dma_start3A_139 = tpu.memref_slice %arg14[%dma_start3A_137, %dma_start3A_138] : memref<10112x128xf32, #tpu.memory_space<vmem_shared>> -> memref<10112x128xf32, #tpu.memory_space<vmem_shared>>
        tpu.enqueue_indirect_dma source(%arg12 : memref<112x128xf32, #tpu.memory_space<vmem>>) target(%dma_start3A_139 : memref<10112x128xf32, #tpu.memory_space<vmem_shared>>) offsets(%dma_start3A_136 : memref<112xi32, #tpu.memory_space<vmem>>) semaphore(%arg18 : memref<!tpu.dma_semaphore, #tpu.memory_space<semaphore_mem>>) {add = true}
        %rem3A_140 = arith.constant 2 : i32
        %rem3A_141 = arith.remsi %scan3A_56, %rem3A_140 : i32
        %mul3A_142 = arith.constant 336 : i32
        %mul3A_143 = arith.muli %rem3A_141, %mul3A_142 : i32
        %add3A_144 = arith.constant 224 : i32
        %add3A_145 = arith.addi %mul3A_143, %add3A_144 : i32
        %multiple_of3A_146 = tpu.assume_multiple %add3A_145, 8 : i32
        %dma_wait3A_147 = tpu.memref_slice %arg9[%multiple_of3A_146] : memref<672xi32, #tpu.memory_space<vmem>> -> memref<112xi32, #tpu.memory_space<vmem>>
        %dma_wait3A_148 = arith.constant 0 : i32
        %dma_wait3A_149 = arith.constant 0 : i32
        %dma_wait3A_150 = tpu.memref_slice %arg5[%dma_wait3A_148, %dma_wait3A_149] : memref<10000x128xf32, #tpu.memory_space<hbm>> -> memref<10000x128xf32, #tpu.memory_space<hbm>>
        tpu.wait_indirect_dma semaphore(%arg17 : memref<!tpu.dma_semaphore, #tpu.memory_space<semaphore_mem>>) src(%dma_wait3A_150 : memref<10000x128xf32, #tpu.memory_space<hbm>>) dst(%arg13 : memref<112x128xf32, #tpu.memory_space<vmem>>)
        %rem3A_151 = arith.constant 2 : i32
        %rem3A_152 = arith.remsi %scan3A_56, %rem3A_151 : i32
        %mul3A_153 = arith.constant 336 : i32
        %mul3A_154 = arith.muli %rem3A_152, %mul3A_153 : i32
        %add3A_155 = arith.constant 112 : i32
        %add3A_156 = arith.addi %mul3A_154, %add3A_155 : i32
        %multiple_of3A_157 = tpu.assume_multiple %add3A_156, 8 : i32
        %dma_wait3A_158 = tpu.memref_slice %arg10[%multiple_of3A_157] : memref<672xi32, #tpu.memory_space<vmem>> -> memref<112xi32, #tpu.memory_space<vmem>>
        %dma_wait3A_159 = arith.constant 0 : i32
        %dma_wait3A_160 = arith.constant 0 : i32
        %dma_wait3A_161 = tpu.memref_slice %arg14[%dma_wait3A_159, %dma_wait3A_160] : memref<10112x128xf32, #tpu.memory_space<vmem_shared>> -> memref<10112x128xf32, #tpu.memory_space<vmem_shared>>
        tpu.wait_indirect_dma semaphore(%arg18 : memref<!tpu.dma_semaphore, #tpu.memory_space<semaphore_mem>>) src(%arg12 : memref<112x128xf32, #tpu.memory_space<vmem>>) dst(%dma_wait3A_161 : memref<10112x128xf32, #tpu.memory_space<vmem_shared>>)
        %add3A_162 = arith.constant 1 : i32
        %add3A_163 = arith.addi %scan3A_56, %add3A_162 : i32
        %lt3A_164 = arith.constant 30 : i32
        %lt3A_165 = arith.cmpi slt, %add3A_163, %lt3A_164 : i32
        %convert_element_type3A_166 = arith.extui %lt3A_165 : i1 to i32
        %cond3A_167 = arith.constant 0 : i32
        %cond3A_168 = arith.cmpi ne, %convert_element_type3A_166, %cond3A_167 : i32
        scf.if %cond3A_168 {
          %add3A_180 = arith.constant 1 : i32
          %add3A_181 = arith.addi %scan3A_56, %add3A_180 : i32
          %rem3A_182 = arith.constant 2 : i32
          %rem3A_183 = arith.remsi %add3A_181, %rem3A_182 : i32
          %mul3A_184 = arith.constant 336 : i32
          %mul3A_185 = arith.muli %rem3A_183, %mul3A_184 : i32
          %add3A_186 = arith.constant 112 : i32
          %add3A_187 = arith.addi %mul3A_185, %add3A_186 : i32
          %multiple_of3A_188 = tpu.assume_multiple %add3A_187, 8 : i32
          %dma_start3A_189 = tpu.memref_slice %arg9[%multiple_of3A_188] : memref<672xi32, #tpu.memory_space<vmem>> -> memref<112xi32, #tpu.memory_space<vmem>>
          %dma_start3A_190 = arith.constant 0 : i32
          %dma_start3A_191 = arith.constant 0 : i32
          %dma_start3A_192 = tpu.memref_slice %arg5[%dma_start3A_190, %dma_start3A_191] : memref<10000x128xf32, #tpu.memory_space<hbm>> -> memref<10000x128xf32, #tpu.memory_space<hbm>>
          tpu.enqueue_indirect_dma source(%dma_start3A_192 : memref<10000x128xf32, #tpu.memory_space<hbm>>) target(%arg12 : memref<112x128xf32, #tpu.memory_space<vmem>>) offsets(%dma_start3A_189 : memref<112xi32, #tpu.memory_space<vmem>>) semaphore(%arg16 : memref<!tpu.dma_semaphore, #tpu.memory_space<semaphore_mem>>)
        } else {
        }
        %rem3A_169 = arith.constant 2 : i32
        %rem3A_170 = arith.remsi %scan3A_56, %rem3A_169 : i32
        %mul3A_171 = arith.constant 336 : i32
        %mul3A_172 = arith.muli %rem3A_170, %mul3A_171 : i32
        %add3A_173 = arith.constant 224 : i32
        %add3A_174 = arith.addi %mul3A_172, %add3A_173 : i32
        %multiple_of3A_175 = tpu.assume_multiple %add3A_174, 8 : i32
        %dma_start3A_176 = tpu.memref_slice %arg10[%multiple_of3A_175] : memref<672xi32, #tpu.memory_space<vmem>> -> memref<112xi32, #tpu.memory_space<vmem>>
        %dma_start3A_177 = arith.constant 0 : i32
        %dma_start3A_178 = arith.constant 0 : i32
        %dma_start3A_179 = tpu.memref_slice %arg14[%dma_start3A_177, %dma_start3A_178] : memref<10112x128xf32, #tpu.memory_space<vmem_shared>> -> memref<10112x128xf32, #tpu.memory_space<vmem_shared>>
        tpu.enqueue_indirect_dma source(%arg13 : memref<112x128xf32, #tpu.memory_space<vmem>>) target(%dma_start3A_179 : memref<10112x128xf32, #tpu.memory_space<vmem_shared>>) offsets(%dma_start3A_176 : memref<112xi32, #tpu.memory_space<vmem>>) semaphore(%arg18 : memref<!tpu.dma_semaphore, #tpu.memory_space<semaphore_mem>>) {add = true}
      }
      %scan3A_44 = arith.constant 30 : i32
      %rem3A_45 = arith.constant 29 : i32
      %rem3A_46 = arith.constant 2 : i32
      %rem3A_47 = arith.remsi %rem3A_45, %rem3A_46 : i32
      %mul3A_48 = arith.constant 336 : i32
      %mul3A_49 = arith.muli %rem3A_47, %mul3A_48 : i32
      %add3A_50 = arith.constant 224 : i32
      %add3A_51 = arith.addi %mul3A_49, %add3A_50 : i32
      %multiple_of3A_52 = tpu.assume_multiple %add3A_51, 8 : i32
      %dma_wait3A = tpu.memref_slice %arg10[%multiple_of3A_52] : memref<672xi32, #tpu.memory_space<vmem>> -> memref<112xi32, #tpu.memory_space<vmem>>
      %dma_wait3A_53 = arith.constant 0 : i32
      %dma_wait3A_54 = arith.constant 0 : i32
      %dma_wait3A_55 = tpu.memref_slice %arg14[%dma_wait3A_53, %dma_wait3A_54] : memref<10112x128xf32, #tpu.memory_space<vmem_shared>> -> memref<10112x128xf32, #tpu.memory_space<vmem_shared>>
      tpu.wait_indirect_dma semaphore(%arg18 : memref<!tpu.dma_semaphore, #tpu.memory_space<semaphore_mem>>) src(%arg13 : memref<112x128xf32, #tpu.memory_space<vmem>>) dst(%dma_wait3A_55 : memref<10112x128xf32, #tpu.memory_space<vmem_shared>>)
    } else {
    }
    %eq3A_5 = arith.constant 1 : i32
    %eq3A_6 = arith.cmpi eq, %arg0, %eq3A_5 : i32
    %convert_element_type3A_7 = arith.extui %eq3A_6 : i1 to i32
    %cond3A_8 = arith.constant 0 : i32
    %cond3A_9 = arith.cmpi ne, %convert_element_type3A_7, %cond3A_8 : i32
    scf.if %cond3A_9 {
      %rem3A = arith.constant 0 : i32
      %rem3A_21 = arith.constant 2 : i32
      %rem3A_22 = arith.remsi %rem3A, %rem3A_21 : i32
      %mul3A_23 = arith.constant 336 : i32
      %mul3A_24 = arith.muli %rem3A_22, %mul3A_23 : i32
      %add3A = arith.constant 0 : i32
      %add3A_25 = arith.addi %mul3A_24, %add3A : i32
      %multiple_of3A = tpu.assume_multiple %add3A_25, 8 : i32
      %dma_start3A = tpu.memref_slice %arg9[%multiple_of3A] : memref<672xi32, #tpu.memory_space<vmem>> -> memref<112xi32, #tpu.memory_space<vmem>>
      %dma_start3A_26 = arith.constant 0 : i32
      %dma_start3A_27 = arith.constant 0 : i32
      %dma_start3A_28 = tpu.memref_slice %arg6[%dma_start3A_26, %dma_start3A_27] : memref<10000x128xf32, #tpu.memory_space<hbm>> -> memref<10000x128xf32, #tpu.memory_space<hbm>>
      tpu.enqueue_indirect_dma source(%dma_start3A_28 : memref<10000x128xf32, #tpu.memory_space<hbm>>) target(%arg11 : memref<112x128xf32, #tpu.memory_space<vmem>>) offsets(%dma_start3A : memref<112xi32, #tpu.memory_space<vmem>>) semaphore(%arg15 : memref<!tpu.dma_semaphore, #tpu.memory_space<semaphore_mem>>)
      %rem3A_29 = arith.constant 0 : i32
      %rem3A_30 = arith.constant 2 : i32
      %rem3A_31 = arith.remsi %rem3A_29, %rem3A_30 : i32
      %mul3A_32 = arith.constant 336 : i32
      %mul3A_33 = arith.muli %rem3A_31, %mul3A_32 : i32
      %add3A_34 = arith.constant 112 : i32
      %add3A_35 = arith.addi %mul3A_33, %add3A_34 : i32
      %multiple_of3A_36 = tpu.assume_multiple %add3A_35, 8 : i32
      %dma_start3A_37 = tpu.memref_slice %arg9[%multiple_of3A_36] : memref<672xi32, #tpu.memory_space<vmem>> -> memref<112xi32, #tpu.memory_space<vmem>>
      %dma_start3A_38 = arith.constant 0 : i32
      %dma_start3A_39 = arith.constant 0 : i32
      %dma_start3A_40 = tpu.memref_slice %arg6[%dma_start3A_38, %dma_start3A_39] : memref<10000x128xf32, #tpu.memory_space<hbm>> -> memref<10000x128xf32, #tpu.memory_space<hbm>>
      tpu.enqueue_indirect_dma source(%dma_start3A_40 : memref<10000x128xf32, #tpu.memory_space<hbm>>) target(%arg12 : memref<112x128xf32, #tpu.memory_space<vmem>>) offsets(%dma_start3A_37 : memref<112xi32, #tpu.memory_space<vmem>>) semaphore(%arg16 : memref<!tpu.dma_semaphore, #tpu.memory_space<semaphore_mem>>)
      %scan3A = arith.constant 0 : i32
      %scan3A_41 = arith.constant 30 : i32
      %scan3A_42 = arith.addi %scan3A, %scan3A_41 : i32
      %scan3A_43 = arith.constant 1 : i32
      scf.for %scan3A_56 = %scan3A to %scan3A_42 step %scan3A_43  : i32 {
        %rem3A_57 = arith.constant 2 : i32
        %rem3A_58 = arith.remsi %scan3A_56, %rem3A_57 : i32
        %mul3A_59 = arith.constant 336 : i32
        %mul3A_60 = arith.muli %rem3A_58, %mul3A_59 : i32
        %add3A_61 = arith.constant 0 : i32
        %add3A_62 = arith.addi %mul3A_60, %add3A_61 : i32
        %multiple_of3A_63 = tpu.assume_multiple %add3A_62, 8 : i32
        %dma_wait3A_64 = tpu.memref_slice %arg9[%multiple_of3A_63] : memref<672xi32, #tpu.memory_space<vmem>> -> memref<112xi32, #tpu.memory_space<vmem>>
        %dma_wait3A_65 = arith.constant 0 : i32
        %dma_wait3A_66 = arith.constant 0 : i32
        %dma_wait3A_67 = tpu.memref_slice %arg6[%dma_wait3A_65, %dma_wait3A_66] : memref<10000x128xf32, #tpu.memory_space<hbm>> -> memref<10000x128xf32, #tpu.memory_space<hbm>>
        tpu.wait_indirect_dma semaphore(%arg15 : memref<!tpu.dma_semaphore, #tpu.memory_space<semaphore_mem>>) src(%dma_wait3A_67 : memref<10000x128xf32, #tpu.memory_space<hbm>>) dst(%arg11 : memref<112x128xf32, #tpu.memory_space<vmem>>)
        %ge3A = arith.constant 1 : i32
        %ge3A_68 = arith.cmpi sge, %scan3A_56, %ge3A : i32
        %convert_element_type3A_69 = arith.extui %ge3A_68 : i1 to i32
        %cond3A_70 = arith.constant 0 : i32
        %cond3A_71 = arith.cmpi ne, %convert_element_type3A_69, %cond3A_70 : i32
        scf.if %cond3A_71 {
          %sub3A = arith.constant 1 : i32
          %sub3A_180 = arith.subi %scan3A_56, %sub3A : i32
          %rem3A_181 = arith.constant 2 : i32
          %rem3A_182 = arith.remsi %sub3A_180, %rem3A_181 : i32
          %mul3A_183 = arith.constant 336 : i32
          %mul3A_184 = arith.muli %rem3A_182, %mul3A_183 : i32
          %add3A_185 = arith.constant 224 : i32
          %add3A_186 = arith.addi %mul3A_184, %add3A_185 : i32
          %multiple_of3A_187 = tpu.assume_multiple %add3A_186, 8 : i32
          %dma_wait3A_188 = tpu.memref_slice %arg10[%multiple_of3A_187] : memref<672xi32, #tpu.memory_space<vmem>> -> memref<112xi32, #tpu.memory_space<vmem>>
          %dma_wait3A_189 = arith.constant 0 : i32
          %dma_wait3A_190 = arith.constant 0 : i32
          %dma_wait3A_191 = tpu.memref_slice %arg14[%dma_wait3A_189, %dma_wait3A_190] : memref<10112x128xf32, #tpu.memory_space<vmem_shared>> -> memref<10112x128xf32, #tpu.memory_space<vmem_shared>>
          tpu.wait_indirect_dma semaphore(%arg18 : memref<!tpu.dma_semaphore, #tpu.memory_space<semaphore_mem>>) src(%arg13 : memref<112x128xf32, #tpu.memory_space<vmem>>) dst(%dma_wait3A_191 : memref<10112x128xf32, #tpu.memory_space<vmem_shared>>)
        } else {
        }
        %add3A_72 = arith.constant 1 : i32
        %add3A_73 = arith.addi %scan3A_56, %add3A_72 : i32
        %lt3A = arith.constant 30 : i32
        %lt3A_74 = arith.cmpi slt, %add3A_73, %lt3A : i32
        %convert_element_type3A_75 = arith.extui %lt3A_74 : i1 to i32
        %cond3A_76 = arith.constant 0 : i32
        %cond3A_77 = arith.cmpi ne, %convert_element_type3A_75, %cond3A_76 : i32
        scf.if %cond3A_77 {
          %add3A_180 = arith.constant 1 : i32
          %add3A_181 = arith.addi %scan3A_56, %add3A_180 : i32
          %mul3A_182 = arith.constant 336 : i32
          %mul3A_183 = arith.muli %add3A_181, %mul3A_182 : i32
          %add3A_184 = arith.addi %mul3A_0, %mul3A_183 : i32
          %multiple_of3A_185 = tpu.assume_multiple %add3A_184, 8 : i32
          %rem3A_186 = arith.constant 2 : i32
          %rem3A_187 = arith.remsi %add3A_181, %rem3A_186 : i32
          %mul3A_188 = arith.constant 336 : i32
          %mul3A_189 = arith.muli %rem3A_187, %mul3A_188 : i32
          %multiple_of3A_190 = tpu.assume_multiple %mul3A_189, 8 : i32
          %dma_start3A_191 = tpu.memref_slice %arg9[%multiple_of3A_190] : memref<672xi32, #tpu.memory_space<vmem>> -> memref<336xi32, #tpu.memory_space<vmem>>
          %dma_start3A_192 = tpu.memref_slice %arg2[%multiple_of3A_185] : memref<161280xi32, #tpu.memory_space<hbm>> -> memref<336xi32, #tpu.memory_space<hbm>>
          %dma_start3A_193 = tpu.memref_slice %arg9[%multiple_of3A_190] : memref<672xi32, #tpu.memory_space<vmem>> -> memref<336xi32, #tpu.memory_space<vmem>>
          %dma_start3A_194 = tpu.memref_slice %arg2[%multiple_of3A_185] : memref<161280xi32, #tpu.memory_space<hbm>> -> memref<336xi32, #tpu.memory_space<hbm>>
          tpu.enqueue_dma source(%dma_start3A_194 : memref<336xi32, #tpu.memory_space<hbm>>) target(%dma_start3A_193 : memref<336xi32, #tpu.memory_space<vmem>>) target_semaphore(%arg19 : memref<!tpu.dma_semaphore, #tpu.memory_space<semaphore_mem>>)
          %dma_start3A_195 = tpu.memref_slice %arg10[%multiple_of3A_190] : memref<672xi32, #tpu.memory_space<vmem>> -> memref<336xi32, #tpu.memory_space<vmem>>
          %dma_start3A_196 = tpu.memref_slice %arg3[%multiple_of3A_185] : memref<161280xi32, #tpu.memory_space<hbm>> -> memref<336xi32, #tpu.memory_space<hbm>>
          %dma_start3A_197 = tpu.memref_slice %arg10[%multiple_of3A_190] : memref<672xi32, #tpu.memory_space<vmem>> -> memref<336xi32, #tpu.memory_space<vmem>>
          %dma_start3A_198 = tpu.memref_slice %arg3[%multiple_of3A_185] : memref<161280xi32, #tpu.memory_space<hbm>> -> memref<336xi32, #tpu.memory_space<hbm>>
          tpu.enqueue_dma source(%dma_start3A_198 : memref<336xi32, #tpu.memory_space<hbm>>) target(%dma_start3A_197 : memref<336xi32, #tpu.memory_space<vmem>>) target_semaphore(%arg19 : memref<!tpu.dma_semaphore, #tpu.memory_space<semaphore_mem>>)
        } else {
        }
        %rem3A_78 = arith.constant 2 : i32
        %rem3A_79 = arith.remsi %scan3A_56, %rem3A_78 : i32
        %mul3A_80 = arith.constant 336 : i32
        %mul3A_81 = arith.muli %rem3A_79, %mul3A_80 : i32
        %add3A_82 = arith.constant 224 : i32
        %add3A_83 = arith.addi %mul3A_81, %add3A_82 : i32
        %multiple_of3A_84 = tpu.assume_multiple %add3A_83, 8 : i32
        %dma_start3A_85 = tpu.memref_slice %arg9[%multiple_of3A_84] : memref<672xi32, #tpu.memory_space<vmem>> -> memref<112xi32, #tpu.memory_space<vmem>>
        %dma_start3A_86 = arith.constant 0 : i32
        %dma_start3A_87 = arith.constant 0 : i32
        %dma_start3A_88 = tpu.memref_slice %arg6[%dma_start3A_86, %dma_start3A_87] : memref<10000x128xf32, #tpu.memory_space<hbm>> -> memref<10000x128xf32, #tpu.memory_space<hbm>>
        tpu.enqueue_indirect_dma source(%dma_start3A_88 : memref<10000x128xf32, #tpu.memory_space<hbm>>) target(%arg13 : memref<112x128xf32, #tpu.memory_space<vmem>>) offsets(%dma_start3A_85 : memref<112xi32, #tpu.memory_space<vmem>>) semaphore(%arg17 : memref<!tpu.dma_semaphore, #tpu.memory_space<semaphore_mem>>)
        %rem3A_89 = arith.constant 2 : i32
        %rem3A_90 = arith.remsi %scan3A_56, %rem3A_89 : i32
        %mul3A_91 = arith.constant 336 : i32
        %mul3A_92 = arith.muli %rem3A_90, %mul3A_91 : i32
        %add3A_93 = arith.constant 0 : i32
        %add3A_94 = arith.addi %mul3A_92, %add3A_93 : i32
        %multiple_of3A_95 = tpu.assume_multiple %add3A_94, 8 : i32
        %dma_start3A_96 = tpu.memref_slice %arg10[%multiple_of3A_95] : memref<672xi32, #tpu.memory_space<vmem>> -> memref<112xi32, #tpu.memory_space<vmem>>
        %dma_start3A_97 = arith.constant 0 : i32
        %dma_start3A_98 = arith.constant 0 : i32
        %dma_start3A_99 = tpu.memref_slice %arg14[%dma_start3A_97, %dma_start3A_98] : memref<10112x128xf32, #tpu.memory_space<vmem_shared>> -> memref<10112x128xf32, #tpu.memory_space<vmem_shared>>
        tpu.enqueue_indirect_dma source(%arg11 : memref<112x128xf32, #tpu.memory_space<vmem>>) target(%dma_start3A_99 : memref<10112x128xf32, #tpu.memory_space<vmem_shared>>) offsets(%dma_start3A_96 : memref<112xi32, #tpu.memory_space<vmem>>) semaphore(%arg18 : memref<!tpu.dma_semaphore, #tpu.memory_space<semaphore_mem>>) {add = true}
        %rem3A_100 = arith.constant 2 : i32
        %rem3A_101 = arith.remsi %scan3A_56, %rem3A_100 : i32
        %mul3A_102 = arith.constant 336 : i32
        %mul3A_103 = arith.muli %rem3A_101, %mul3A_102 : i32
        %add3A_104 = arith.constant 112 : i32
        %add3A_105 = arith.addi %mul3A_103, %add3A_104 : i32
        %multiple_of3A_106 = tpu.assume_multiple %add3A_105, 8 : i32
        %dma_wait3A_107 = tpu.memref_slice %arg9[%multiple_of3A_106] : memref<672xi32, #tpu.memory_space<vmem>> -> memref<112xi32, #tpu.memory_space<vmem>>
        %dma_wait3A_108 = arith.constant 0 : i32
        %dma_wait3A_109 = arith.constant 0 : i32
        %dma_wait3A_110 = tpu.memref_slice %arg6[%dma_wait3A_108, %dma_wait3A_109] : memref<10000x128xf32, #tpu.memory_space<hbm>> -> memref<10000x128xf32, #tpu.memory_space<hbm>>
        tpu.wait_indirect_dma semaphore(%arg16 : memref<!tpu.dma_semaphore, #tpu.memory_space<semaphore_mem>>) src(%dma_wait3A_110 : memref<10000x128xf32, #tpu.memory_space<hbm>>) dst(%arg12 : memref<112x128xf32, #tpu.memory_space<vmem>>)
        %rem3A_111 = arith.constant 2 : i32
        %rem3A_112 = arith.remsi %scan3A_56, %rem3A_111 : i32
        %mul3A_113 = arith.constant 336 : i32
        %mul3A_114 = arith.muli %rem3A_112, %mul3A_113 : i32
        %add3A_115 = arith.constant 0 : i32
        %add3A_116 = arith.addi %mul3A_114, %add3A_115 : i32
        %multiple_of3A_117 = tpu.assume_multiple %add3A_116, 8 : i32
        %dma_wait3A_118 = tpu.memref_slice %arg10[%multiple_of3A_117] : memref<672xi32, #tpu.memory_space<vmem>> -> memref<112xi32, #tpu.memory_space<vmem>>
        %dma_wait3A_119 = arith.constant 0 : i32
        %dma_wait3A_120 = arith.constant 0 : i32
        %dma_wait3A_121 = tpu.memref_slice %arg14[%dma_wait3A_119, %dma_wait3A_120] : memref<10112x128xf32, #tpu.memory_space<vmem_shared>> -> memref<10112x128xf32, #tpu.memory_space<vmem_shared>>
        tpu.wait_indirect_dma semaphore(%arg18 : memref<!tpu.dma_semaphore, #tpu.memory_space<semaphore_mem>>) src(%arg11 : memref<112x128xf32, #tpu.memory_space<vmem>>) dst(%dma_wait3A_121 : memref<10112x128xf32, #tpu.memory_space<vmem_shared>>)
        %add3A_122 = arith.constant 1 : i32
        %add3A_123 = arith.addi %scan3A_56, %add3A_122 : i32
        %lt3A_124 = arith.constant 30 : i32
        %lt3A_125 = arith.cmpi slt, %add3A_123, %lt3A_124 : i32
        %convert_element_type3A_126 = arith.extui %lt3A_125 : i1 to i32
        %cond3A_127 = arith.constant 0 : i32
        %cond3A_128 = arith.cmpi ne, %convert_element_type3A_126, %cond3A_127 : i32
        scf.if %cond3A_128 {
          %add3A_180 = arith.constant 1 : i32
          %add3A_181 = arith.addi %scan3A_56, %add3A_180 : i32
          %mul3A_182 = arith.constant 336 : i32
          %mul3A_183 = arith.muli %add3A_181, %mul3A_182 : i32
          %add3A_184 = arith.addi %mul3A_0, %mul3A_183 : i32
          %multiple_of3A_185 = tpu.assume_multiple %add3A_184, 8 : i32
          %rem3A_186 = arith.constant 2 : i32
          %rem3A_187 = arith.remsi %add3A_181, %rem3A_186 : i32
          %mul3A_188 = arith.constant 336 : i32
          %mul3A_189 = arith.muli %rem3A_187, %mul3A_188 : i32
          %multiple_of3A_190 = tpu.assume_multiple %mul3A_189, 8 : i32
          %dma_wait3A_191 = tpu.memref_slice %arg9[%multiple_of3A_190] : memref<672xi32, #tpu.memory_space<vmem>> -> memref<336xi32, #tpu.memory_space<vmem>>
          %dma_wait3A_192 = tpu.memref_slice %arg2[%multiple_of3A_185] : memref<161280xi32, #tpu.memory_space<hbm>> -> memref<336xi32, #tpu.memory_space<hbm>>
          %dma_wait3A_193 = tpu.memref_slice %arg9[%multiple_of3A_190] : memref<672xi32, #tpu.memory_space<vmem>> -> memref<336xi32, #tpu.memory_space<vmem>>
          %dma_wait3A_194 = tpu.memref_slice %arg2[%multiple_of3A_185] : memref<161280xi32, #tpu.memory_space<hbm>> -> memref<336xi32, #tpu.memory_space<hbm>>
          tpu.wait_dma2 semaphore(%arg19 : memref<!tpu.dma_semaphore, #tpu.memory_space<semaphore_mem>>) src(%dma_wait3A_194 : memref<336xi32, #tpu.memory_space<hbm>>) dst(%dma_wait3A_193 : memref<336xi32, #tpu.memory_space<vmem>>)
          %dma_wait3A_195 = tpu.memref_slice %arg10[%multiple_of3A_190] : memref<672xi32, #tpu.memory_space<vmem>> -> memref<336xi32, #tpu.memory_space<vmem>>
          %dma_wait3A_196 = tpu.memref_slice %arg3[%multiple_of3A_185] : memref<161280xi32, #tpu.memory_space<hbm>> -> memref<336xi32, #tpu.memory_space<hbm>>
          %dma_wait3A_197 = tpu.memref_slice %arg10[%multiple_of3A_190] : memref<672xi32, #tpu.memory_space<vmem>> -> memref<336xi32, #tpu.memory_space<vmem>>
          %dma_wait3A_198 = tpu.memref_slice %arg3[%multiple_of3A_185] : memref<161280xi32, #tpu.memory_space<hbm>> -> memref<336xi32, #tpu.memory_space<hbm>>
          tpu.wait_dma2 semaphore(%arg19 : memref<!tpu.dma_semaphore, #tpu.memory_space<semaphore_mem>>) src(%dma_wait3A_198 : memref<336xi32, #tpu.memory_space<hbm>>) dst(%dma_wait3A_197 : memref<336xi32, #tpu.memory_space<vmem>>)
          %add3A_199 = arith.constant 1 : i32
          %add3A_200 = arith.addi %scan3A_56, %add3A_199 : i32
          %rem3A_201 = arith.constant 2 : i32
          %rem3A_202 = arith.remsi %add3A_200, %rem3A_201 : i32
          %mul3A_203 = arith.constant 336 : i32
          %mul3A_204 = arith.muli %rem3A_202, %mul3A_203 : i32
          %add3A_205 = arith.constant 0 : i32
          %add3A_206 = arith.addi %mul3A_204, %add3A_205 : i32
          %multiple_of3A_207 = tpu.assume_multiple %add3A_206, 8 : i32
          %dma_start3A_208 = tpu.memref_slice %arg9[%multiple_of3A_207] : memref<672xi32, #tpu.memory_space<vmem>> -> memref<112xi32, #tpu.memory_space<vmem>>
          %dma_start3A_209 = arith.constant 0 : i32
          %dma_start3A_210 = arith.constant 0 : i32
          %dma_start3A_211 = tpu.memref_slice %arg6[%dma_start3A_209, %dma_start3A_210] : memref<10000x128xf32, #tpu.memory_space<hbm>> -> memref<10000x128xf32, #tpu.memory_space<hbm>>
          tpu.enqueue_indirect_dma source(%dma_start3A_211 : memref<10000x128xf32, #tpu.memory_space<hbm>>) target(%arg11 : memref<112x128xf32, #tpu.memory_space<vmem>>) offsets(%dma_start3A_208 : memref<112xi32, #tpu.memory_space<vmem>>) semaphore(%arg15 : memref<!tpu.dma_semaphore, #tpu.memory_space<semaphore_mem>>)
        } else {
        }
        %rem3A_129 = arith.constant 2 : i32
        %rem3A_130 = arith.remsi %scan3A_56, %rem3A_129 : i32
        %mul3A_131 = arith.constant 336 : i32
        %mul3A_132 = arith.muli %rem3A_130, %mul3A_131 : i32
        %add3A_133 = arith.constant 112 : i32
        %add3A_134 = arith.addi %mul3A_132, %add3A_133 : i32
        %multiple_of3A_135 = tpu.assume_multiple %add3A_134, 8 : i32
        %dma_start3A_136 = tpu.memref_slice %arg10[%multiple_of3A_135] : memref<672xi32, #tpu.memory_space<vmem>> -> memref<112xi32, #tpu.memory_space<vmem>>
        %dma_start3A_137 = arith.constant 0 : i32
        %dma_start3A_138 = arith.constant 0 : i32
        %dma_start3A_139 = tpu.memref_slice %arg14[%dma_start3A_137, %dma_start3A_138] : memref<10112x128xf32, #tpu.memory_space<vmem_shared>> -> memref<10112x128xf32, #tpu.memory_space<vmem_shared>>
        tpu.enqueue_indirect_dma source(%arg12 : memref<112x128xf32, #tpu.memory_space<vmem>>) target(%dma_start3A_139 : memref<10112x128xf32, #tpu.memory_space<vmem_shared>>) offsets(%dma_start3A_136 : memref<112xi32, #tpu.memory_space<vmem>>) semaphore(%arg18 : memref<!tpu.dma_semaphore, #tpu.memory_space<semaphore_mem>>) {add = true}
        %rem3A_140 = arith.constant 2 : i32
        %rem3A_141 = arith.remsi %scan3A_56, %rem3A_140 : i32
        %mul3A_142 = arith.constant 336 : i32
        %mul3A_143 = arith.muli %rem3A_141, %mul3A_142 : i32
        %add3A_144 = arith.constant 224 : i32
        %add3A_145 = arith.addi %mul3A_143, %add3A_144 : i32
        %multiple_of3A_146 = tpu.assume_multiple %add3A_145, 8 : i32
        %dma_wait3A_147 = tpu.memref_slice %arg9[%multiple_of3A_146] : memref<672xi32, #tpu.memory_space<vmem>> -> memref<112xi32, #tpu.memory_space<vmem>>
        %dma_wait3A_148 = arith.constant 0 : i32
        %dma_wait3A_149 = arith.constant 0 : i32
        %dma_wait3A_150 = tpu.memref_slice %arg6[%dma_wait3A_148, %dma_wait3A_149] : memref<10000x128xf32, #tpu.memory_space<hbm>> -> memref<10000x128xf32, #tpu.memory_space<hbm>>
        tpu.wait_indirect_dma semaphore(%arg17 : memref<!tpu.dma_semaphore, #tpu.memory_space<semaphore_mem>>) src(%dma_wait3A_150 : memref<10000x128xf32, #tpu.memory_space<hbm>>) dst(%arg13 : memref<112x128xf32, #tpu.memory_space<vmem>>)
        %rem3A_151 = arith.constant 2 : i32
        %rem3A_152 = arith.remsi %scan3A_56, %rem3A_151 : i32
        %mul3A_153 = arith.constant 336 : i32
        %mul3A_154 = arith.muli %rem3A_152, %mul3A_153 : i32
        %add3A_155 = arith.constant 112 : i32
        %add3A_156 = arith.addi %mul3A_154, %add3A_155 : i32
        %multiple_of3A_157 = tpu.assume_multiple %add3A_156, 8 : i32
        %dma_wait3A_158 = tpu.memref_slice %arg10[%multiple_of3A_157] : memref<672xi32, #tpu.memory_space<vmem>> -> memref<112xi32, #tpu.memory_space<vmem>>
        %dma_wait3A_159 = arith.constant 0 : i32
        %dma_wait3A_160 = arith.constant 0 : i32
        %dma_wait3A_161 = tpu.memref_slice %arg14[%dma_wait3A_159, %dma_wait3A_160] : memref<10112x128xf32, #tpu.memory_space<vmem_shared>> -> memref<10112x128xf32, #tpu.memory_space<vmem_shared>>
        tpu.wait_indirect_dma semaphore(%arg18 : memref<!tpu.dma_semaphore, #tpu.memory_space<semaphore_mem>>) src(%arg12 : memref<112x128xf32, #tpu.memory_space<vmem>>) dst(%dma_wait3A_161 : memref<10112x128xf32, #tpu.memory_space<vmem_shared>>)
        %add3A_162 = arith.constant 1 : i32
        %add3A_163 = arith.addi %scan3A_56, %add3A_162 : i32
        %lt3A_164 = arith.constant 30 : i32
        %lt3A_165 = arith.cmpi slt, %add3A_163, %lt3A_164 : i32
        %convert_element_type3A_166 = arith.extui %lt3A_165 : i1 to i32
        %cond3A_167 = arith.constant 0 : i32
        %cond3A_168 = arith.cmpi ne, %convert_element_type3A_166, %cond3A_167 : i32
        scf.if %cond3A_168 {
          %add3A_180 = arith.constant 1 : i32
          %add3A_181 = arith.addi %scan3A_56, %add3A_180 : i32
          %rem3A_182 = arith.constant 2 : i32
          %rem3A_183 = arith.remsi %add3A_181, %rem3A_182 : i32
          %mul3A_184 = arith.constant 336 : i32
          %mul3A_185 = arith.muli %rem3A_183, %mul3A_184 : i32
          %add3A_186 = arith.constant 112 : i32
          %add3A_187 = arith.addi %mul3A_185, %add3A_186 : i32
          %multiple_of3A_188 = tpu.assume_multiple %add3A_187, 8 : i32
          %dma_start3A_189 = tpu.memref_slice %arg9[%multiple_of3A_188] : memref<672xi32, #tpu.memory_space<vmem>> -> memref<112xi32, #tpu.memory_space<vmem>>
          %dma_start3A_190 = arith.constant 0 : i32
          %dma_start3A_191 = arith.constant 0 : i32
          %dma_start3A_192 = tpu.memref_slice %arg6[%dma_start3A_190, %dma_start3A_191] : memref<10000x128xf32, #tpu.memory_space<hbm>> -> memref<10000x128xf32, #tpu.memory_space<hbm>>
          tpu.enqueue_indirect_dma source(%dma_start3A_192 : memref<10000x128xf32, #tpu.memory_space<hbm>>) target(%arg12 : memref<112x128xf32, #tpu.memory_space<vmem>>) offsets(%dma_start3A_189 : memref<112xi32, #tpu.memory_space<vmem>>) semaphore(%arg16 : memref<!tpu.dma_semaphore, #tpu.memory_space<semaphore_mem>>)
        } else {
        }
        %rem3A_169 = arith.constant 2 : i32
        %rem3A_170 = arith.remsi %scan3A_56, %rem3A_169 : i32
        %mul3A_171 = arith.constant 336 : i32
        %mul3A_172 = arith.muli %rem3A_170, %mul3A_171 : i32
        %add3A_173 = arith.constant 224 : i32
        %add3A_174 = arith.addi %mul3A_172, %add3A_173 : i32
        %multiple_of3A_175 = tpu.assume_multiple %add3A_174, 8 : i32
        %dma_start3A_176 = tpu.memref_slice %arg10[%multiple_of3A_175] : memref<672xi32, #tpu.memory_space<vmem>> -> memref<112xi32, #tpu.memory_space<vmem>>
        %dma_start3A_177 = arith.constant 0 : i32
        %dma_start3A_178 = arith.constant 0 : i32
        %dma_start3A_179 = tpu.memref_slice %arg14[%dma_start3A_177, %dma_start3A_178] : memref<10112x128xf32, #tpu.memory_space<vmem_shared>> -> memref<10112x128xf32, #tpu.memory_space<vmem_shared>>
        tpu.enqueue_indirect_dma source(%arg13 : memref<112x128xf32, #tpu.memory_space<vmem>>) target(%dma_start3A_179 : memref<10112x128xf32, #tpu.memory_space<vmem_shared>>) offsets(%dma_start3A_176 : memref<112xi32, #tpu.memory_space<vmem>>) semaphore(%arg18 : memref<!tpu.dma_semaphore, #tpu.memory_space<semaphore_mem>>) {add = true}
      }
      %scan3A_44 = arith.constant 30 : i32
      %rem3A_45 = arith.constant 29 : i32
      %rem3A_46 = arith.constant 2 : i32
      %rem3A_47 = arith.remsi %rem3A_45, %rem3A_46 : i32
      %mul3A_48 = arith.constant 336 : i32
      %mul3A_49 = arith.muli %rem3A_47, %mul3A_48 : i32
      %add3A_50 = arith.constant 224 : i32
      %add3A_51 = arith.addi %mul3A_49, %add3A_50 : i32
      %multiple_of3A_52 = tpu.assume_multiple %add3A_51, 8 : i32
      %dma_wait3A = tpu.memref_slice %arg10[%multiple_of3A_52] : memref<672xi32, #tpu.memory_space<vmem>> -> memref<112xi32, #tpu.memory_space<vmem>>
      %dma_wait3A_53 = arith.constant 0 : i32
      %dma_wait3A_54 = arith.constant 0 : i32
      %dma_wait3A_55 = tpu.memref_slice %arg14[%dma_wait3A_53, %dma_wait3A_54] : memref<10112x128xf32, #tpu.memory_space<vmem_shared>> -> memref<10112x128xf32, #tpu.memory_space<vmem_shared>>
      tpu.wait_indirect_dma semaphore(%arg18 : memref<!tpu.dma_semaphore, #tpu.memory_space<semaphore_mem>>) src(%arg13 : memref<112x128xf32, #tpu.memory_space<vmem>>) dst(%dma_wait3A_55 : memref<10112x128xf32, #tpu.memory_space<vmem_shared>>)
    } else {
    }
    %barrier3A_10 = arith.constant 0 : index
    tpu.barrier barrier_id(%barrier3A_10)
    %eq3A_11 = arith.constant 0 : i32
    %eq3A_12 = arith.cmpi eq, %arg0, %eq3A_11 : i32
    %convert_element_type3A_13 = arith.extui %eq3A_12 : i1 to i32
    %cond3A_14 = arith.constant 0 : i32
    %cond3A_15 = arith.cmpi ne, %convert_element_type3A_13, %cond3A_14 : i32
    scf.if %cond3A_15 {
      %lt3A = arith.constant 15 : i32
      %lt3A_21 = arith.cmpi slt, %arg1, %lt3A : i32
      %convert_element_type3A_22 = arith.extui %lt3A_21 : i1 to i32
      %cond3A_23 = arith.constant 0 : i32
      %cond3A_24 = arith.cmpi ne, %convert_element_type3A_22, %cond3A_23 : i32
      scf.if %cond3A_24 {
        %mul3A_30 = arith.constant 632 : i32
        %mul3A_31 = arith.muli %arg1, %mul3A_30 : i32
        %mul3A_32 = arith.constant 632 : i32
        %mul3A_33 = arith.muli %arg1, %mul3A_32 : i32
        "tpu.region"() ({
          %run_scoped3A = tpu.sem_alloc : memref<!tpu.dma_semaphore, #tpu.memory_space<semaphore_mem>>
          %dma_start3A = arith.constant 0 : i32
          %dma_start3A_34 = tpu.memref_slice %arg7[%mul3A_33, %dma_start3A] : memref<10000x128xf32, #tpu.memory_space<hbm>> -> memref<632x128xf32, #tpu.memory_space<hbm>>
          %dma_start3A_35 = arith.constant 0 : i32
          %dma_start3A_36 = tpu.memref_slice %arg14[%mul3A_31, %dma_start3A_35] : memref<10112x128xf32, #tpu.memory_space<vmem_shared>> -> memref<632x128xf32, #tpu.memory_space<vmem_shared>>
          tpu.enqueue_dma source(%dma_start3A_36 : memref<632x128xf32, #tpu.memory_space<vmem_shared>>) target(%dma_start3A_34 : memref<632x128xf32, #tpu.memory_space<hbm>>) target_semaphore(%run_scoped3A : memref<!tpu.dma_semaphore, #tpu.memory_space<semaphore_mem>>)
          %dma_wait3A = arith.constant 0 : i32
          %dma_wait3A_37 = tpu.memref_slice %arg7[%mul3A_33, %dma_wait3A] : memref<10000x128xf32, #tpu.memory_space<hbm>> -> memref<632x128xf32, #tpu.memory_space<hbm>>
          %dma_wait3A_38 = arith.constant 0 : i32
          %dma_wait3A_39 = tpu.memref_slice %arg14[%mul3A_31, %dma_wait3A_38] : memref<10112x128xf32, #tpu.memory_space<vmem_shared>> -> memref<632x128xf32, #tpu.memory_space<vmem_shared>>
          tpu.wait_dma2 semaphore(%run_scoped3A : memref<!tpu.dma_semaphore, #tpu.memory_space<semaphore_mem>>) src(%dma_wait3A_39 : memref<632x128xf32, #tpu.memory_space<vmem_shared>>) dst(%dma_wait3A_37 : memref<632x128xf32, #tpu.memory_space<hbm>>)
          tpu.yield
        }) : () -> ()
      } else {
      }
      %eq3A_25 = arith.constant 15 : i32
      %eq3A_26 = arith.cmpi eq, %arg1, %eq3A_25 : i32
      %convert_element_type3A_27 = arith.extui %eq3A_26 : i1 to i32
      %cond3A_28 = arith.constant 0 : i32
      %cond3A_29 = arith.cmpi ne, %convert_element_type3A_27, %cond3A_28 : i32
      scf.if %cond3A_29 {
        "tpu.region"() ({
          %run_scoped3A = tpu.sem_alloc : memref<!tpu.dma_semaphore, #tpu.memory_space<semaphore_mem>>
          %dma_start3A = arith.constant 9480 : i32
          %dma_start3A_30 = arith.constant 0 : i32
          %dma_start3A_31 = tpu.memref_slice %arg7[%dma_start3A, %dma_start3A_30] : memref<10000x128xf32, #tpu.memory_space<hbm>> -> memref<520x128xf32, #tpu.memory_space<hbm>>
          %dma_start3A_32 = arith.constant 9480 : i32
          %dma_start3A_33 = arith.constant 0 : i32
          %dma_start3A_34 = tpu.memref_slice %arg14[%dma_start3A_32, %dma_start3A_33] : memref<10112x128xf32, #tpu.memory_space<vmem_shared>> -> memref<520x128xf32, #tpu.memory_space<vmem_shared>>
          tpu.enqueue_dma source(%dma_start3A_34 : memref<520x128xf32, #tpu.memory_space<vmem_shared>>) target(%dma_start3A_31 : memref<520x128xf32, #tpu.memory_space<hbm>>) target_semaphore(%run_scoped3A : memref<!tpu.dma_semaphore, #tpu.memory_space<semaphore_mem>>)
          %dma_wait3A = arith.constant 9480 : i32
          %dma_wait3A_35 = arith.constant 0 : i32
          %dma_wait3A_36 = tpu.memref_slice %arg7[%dma_wait3A, %dma_wait3A_35] : memref<10000x128xf32, #tpu.memory_space<hbm>> -> memref<520x128xf32, #tpu.memory_space<hbm>>
          %dma_wait3A_37 = arith.constant 9480 : i32
          %dma_wait3A_38 = arith.constant 0 : i32
          %dma_wait3A_39 = tpu.memref_slice %arg14[%dma_wait3A_37, %dma_wait3A_38] : memref<10112x128xf32, #tpu.memory_space<vmem_shared>> -> memref<520x128xf32, #tpu.memory_space<vmem_shared>>
          tpu.wait_dma2 semaphore(%run_scoped3A : memref<!tpu.dma_semaphore, #tpu.memory_space<semaphore_mem>>) src(%dma_wait3A_39 : memref<520x128xf32, #tpu.memory_space<vmem_shared>>) dst(%dma_wait3A_36 : memref<520x128xf32, #tpu.memory_space<hbm>>)
          tpu.yield
        }) : () -> ()
      } else {
      }
    } else {
    }
    %eq3A_16 = arith.constant 1 : i32
    %eq3A_17 = arith.cmpi eq, %arg0, %eq3A_16 : i32
    %convert_element_type3A_18 = arith.extui %eq3A_17 : i1 to i32
    %cond3A_19 = arith.constant 0 : i32
    %cond3A_20 = arith.cmpi ne, %convert_element_type3A_18, %cond3A_19 : i32
    scf.if %cond3A_20 {
      %lt3A = arith.constant 15 : i32
      %lt3A_21 = arith.cmpi slt, %arg1, %lt3A : i32
      %convert_element_type3A_22 = arith.extui %lt3A_21 : i1 to i32
      %cond3A_23 = arith.constant 0 : i32
      %cond3A_24 = arith.cmpi ne, %convert_element_type3A_22, %cond3A_23 : i32
      scf.if %cond3A_24 {
        %mul3A_30 = arith.constant 632 : i32
        %mul3A_31 = arith.muli %arg1, %mul3A_30 : i32
        %mul3A_32 = arith.constant 632 : i32
        %mul3A_33 = arith.muli %arg1, %mul3A_32 : i32
        "tpu.region"() ({
          %run_scoped3A = tpu.sem_alloc : memref<!tpu.dma_semaphore, #tpu.memory_space<semaphore_mem>>
          %dma_start3A = arith.constant 0 : i32
          %dma_start3A_34 = tpu.memref_slice %arg8[%mul3A_33, %dma_start3A] : memref<10000x128xf32, #tpu.memory_space<hbm>> -> memref<632x128xf32, #tpu.memory_space<hbm>>
          %dma_start3A_35 = arith.constant 0 : i32
          %dma_start3A_36 = tpu.memref_slice %arg14[%mul3A_31, %dma_start3A_35] : memref<10112x128xf32, #tpu.memory_space<vmem_shared>> -> memref<632x128xf32, #tpu.memory_space<vmem_shared>>
          tpu.enqueue_dma source(%dma_start3A_36 : memref<632x128xf32, #tpu.memory_space<vmem_shared>>) target(%dma_start3A_34 : memref<632x128xf32, #tpu.memory_space<hbm>>) target_semaphore(%run_scoped3A : memref<!tpu.dma_semaphore, #tpu.memory_space<semaphore_mem>>)
          %dma_wait3A = arith.constant 0 : i32
          %dma_wait3A_37 = tpu.memref_slice %arg8[%mul3A_33, %dma_wait3A] : memref<10000x128xf32, #tpu.memory_space<hbm>> -> memref<632x128xf32, #tpu.memory_space<hbm>>
          %dma_wait3A_38 = arith.constant 0 : i32
          %dma_wait3A_39 = tpu.memref_slice %arg14[%mul3A_31, %dma_wait3A_38] : memref<10112x128xf32, #tpu.memory_space<vmem_shared>> -> memref<632x128xf32, #tpu.memory_space<vmem_shared>>
          tpu.wait_dma2 semaphore(%run_scoped3A : memref<!tpu.dma_semaphore, #tpu.memory_space<semaphore_mem>>) src(%dma_wait3A_39 : memref<632x128xf32, #tpu.memory_space<vmem_shared>>) dst(%dma_wait3A_37 : memref<632x128xf32, #tpu.memory_space<hbm>>)
          tpu.yield
        }) : () -> ()
      } else {
      }
      %eq3A_25 = arith.constant 15 : i32
      %eq3A_26 = arith.cmpi eq, %arg1, %eq3A_25 : i32
      %convert_element_type3A_27 = arith.extui %eq3A_26 : i1 to i32
      %cond3A_28 = arith.constant 0 : i32
      %cond3A_29 = arith.cmpi ne, %convert_element_type3A_27, %cond3A_28 : i32
      scf.if %cond3A_29 {
        "tpu.region"() ({
          %run_scoped3A = tpu.sem_alloc : memref<!tpu.dma_semaphore, #tpu.memory_space<semaphore_mem>>
          %dma_start3A = arith.constant 9480 : i32
          %dma_start3A_30 = arith.constant 0 : i32
          %dma_start3A_31 = tpu.memref_slice %arg8[%dma_start3A, %dma_start3A_30] : memref<10000x128xf32, #tpu.memory_space<hbm>> -> memref<520x128xf32, #tpu.memory_space<hbm>>
          %dma_start3A_32 = arith.constant 9480 : i32
          %dma_start3A_33 = arith.constant 0 : i32
          %dma_start3A_34 = tpu.memref_slice %arg14[%dma_start3A_32, %dma_start3A_33] : memref<10112x128xf32, #tpu.memory_space<vmem_shared>> -> memref<520x128xf32, #tpu.memory_space<vmem_shared>>
          tpu.enqueue_dma source(%dma_start3A_34 : memref<520x128xf32, #tpu.memory_space<vmem_shared>>) target(%dma_start3A_31 : memref<520x128xf32, #tpu.memory_space<hbm>>) target_semaphore(%run_scoped3A : memref<!tpu.dma_semaphore, #tpu.memory_space<semaphore_mem>>)
          %dma_wait3A = arith.constant 9480 : i32
          %dma_wait3A_35 = arith.constant 0 : i32
          %dma_wait3A_36 = tpu.memref_slice %arg8[%dma_wait3A, %dma_wait3A_35] : memref<10000x128xf32, #tpu.memory_space<hbm>> -> memref<520x128xf32, #tpu.memory_space<hbm>>
          %dma_wait3A_37 = arith.constant 9480 : i32
          %dma_wait3A_38 = arith.constant 0 : i32
          %dma_wait3A_39 = tpu.memref_slice %arg14[%dma_wait3A_37, %dma_wait3A_38] : memref<10112x128xf32, #tpu.memory_space<vmem_shared>> -> memref<520x128xf32, #tpu.memory_space<vmem_shared>>
          tpu.wait_dma2 semaphore(%run_scoped3A : memref<!tpu.dma_semaphore, #tpu.memory_space<semaphore_mem>>) src(%dma_wait3A_39 : memref<520x128xf32, #tpu.memory_space<vmem_shared>>) dst(%dma_wait3A_36 : memref<520x128xf32, #tpu.memory_space<hbm>>)
          tpu.yield
        }) : () -> ()
      } else {
      }
    } else {
    }
    return
  }
}

#map = affine_map<(d0, d1) -> (0)>
#map1 = affine_map<(d0, d1) -> (0, 0)>
module attributes {stable_mosaic.version = 14 : i64} {
  func.func @_segsum_body(%arg0: i32, %arg1: i32, %arg2: memref<161280xi32, #tpu.memory_space<hbm>>, %arg3: memref<161280xi32, #tpu.memory_space<hbm>>, %arg4: memref<632x128xf32, #tpu.memory_space<hbm>>, %arg5: memref<10000x128xf32, #tpu.memory_space<hbm>>, %arg6: memref<10000x128xf32, #tpu.memory_space<hbm>>, %arg7: memref<10000x128xf32, #tpu.memory_space<hbm>>, %arg8: memref<10000x128xf32, #tpu.memory_space<hbm>>, %arg9: memref<672xi32, #tpu.memory_space<vmem>>, %arg10: memref<672xi32, #tpu.memory_space<vmem>>, %arg11: memref<112x128xf32, #tpu.memory_space<vmem>>, %arg12: memref<112x128xf32, #tpu.memory_space<vmem>>, %arg13: memref<112x128xf32, #tpu.memory_space<vmem>>, %arg14: memref<10112x128xf32, #tpu.memory_space<vmem_shared>>, %arg15: memref<!tpu.dma_semaphore, #tpu.memory_space<semaphore_mem>>, %arg16: memref<!tpu.dma_semaphore, #tpu.memory_space<semaphore_mem>>, %arg17: memref<!tpu.dma_semaphore, #tpu.memory_space<semaphore_mem>>, %arg18: memref<!tpu.dma_semaphore, #tpu.memory_space<semaphore_mem>>, %arg19: memref<!tpu.dma_semaphore, #tpu.memory_space<semaphore_mem>>) attributes {dimension_semantics = [#tpu.dimension_semantics<core_parallel>, #tpu.dimension_semantics<subcore_parallel>], iteration_bounds = array<i64: 2, 16>, scalar_prefetch = 0 : i64, scratch_operands = 11 : i64, tpu.core_type = #tpu.core_type<sc_vector_subcore>, window_params = [{transform_indices = #map}, {transform_indices = #map}, {transform_indices = #map1}, {transform_indices = #map1}, {transform_indices = #map1}, {transform_indices = #map1}, {transform_indices = #map1}]} {
    %mul3A = arith.constant 10080 : i32
    %mul3A_0 = arith.muli %arg1, %mul3A : i32
    %mul3A_1 = arith.constant 632 : i32
    %mul3A_2 = arith.muli %arg1, %mul3A_1 : i32
    "tpu.region"() ({
      %run_scoped3A = tpu.sem_alloc : memref<!tpu.dma_semaphore, #tpu.memory_space<semaphore_mem>>
      %dma_start3A = arith.constant 0 : i32
      %dma_start3A_21 = tpu.memref_slice %arg14[%mul3A_2, %dma_start3A] : memref<10112x128xf32, #tpu.memory_space<vmem_shared>> -> memref<632x128xf32, #tpu.memory_space<vmem_shared>>
      tpu.enqueue_dma source(%arg4 : memref<632x128xf32, #tpu.memory_space<hbm>>) target(%dma_start3A_21 : memref<632x128xf32, #tpu.memory_space<vmem_shared>>) target_semaphore(%run_scoped3A : memref<!tpu.dma_semaphore, #tpu.memory_space<semaphore_mem>>)
      %dma_wait3A = arith.constant 0 : i32
      %dma_wait3A_22 = tpu.memref_slice %arg14[%mul3A_2, %dma_wait3A] : memref<10112x128xf32, #tpu.memory_space<vmem_shared>> -> memref<632x128xf32, #tpu.memory_space<vmem_shared>>
      tpu.wait_dma2 semaphore(%run_scoped3A : memref<!tpu.dma_semaphore, #tpu.memory_space<semaphore_mem>>) src(%arg4 : memref<632x128xf32, #tpu.memory_space<hbm>>) dst(%dma_wait3A_22 : memref<632x128xf32, #tpu.memory_space<vmem_shared>>)
      tpu.yield
    }) : () -> ()
    "tpu.region"() ({
      %run_scoped3A = tpu.sem_alloc : memref<!tpu.dma_semaphore, #tpu.memory_space<semaphore_mem>>
      %dma_start3A = arith.constant 0 : i32
      %dma_start3A_21 = tpu.memref_slice %arg9[%dma_start3A] : memref<672xi32, #tpu.memory_space<vmem>> -> memref<336xi32, #tpu.memory_space<vmem>>
      %dma_start3A_22 = tpu.memref_slice %arg2[%mul3A_0] : memref<161280xi32, #tpu.memory_space<hbm>> -> memref<336xi32, #tpu.memory_space<hbm>>
      %dma_start3A_23 = arith.constant 0 : i32
      %dma_start3A_24 = tpu.memref_slice %arg9[%dma_start3A_23] : memref<672xi32, #tpu.memory_space<vmem>> -> memref<336xi32, #tpu.memory_space<vmem>>
      %dma_start3A_25 = tpu.memref_slice %arg2[%mul3A_0] : memref<161280xi32, #tpu.memory_space<hbm>> -> memref<336xi32, #tpu.memory_space<hbm>>
      tpu.enqueue_dma source(%dma_start3A_25 : memref<336xi32, #tpu.memory_space<hbm>>) target(%dma_start3A_24 : memref<336xi32, #tpu.memory_space<vmem>>) target_semaphore(%run_scoped3A : memref<!tpu.dma_semaphore, #tpu.memory_space<semaphore_mem>>)
      %dma_wait3A = arith.constant 0 : i32
      %dma_wait3A_26 = tpu.memref_slice %arg9[%dma_wait3A] : memref<672xi32, #tpu.memory_space<vmem>> -> memref<336xi32, #tpu.memory_space<vmem>>
      %dma_wait3A_27 = tpu.memref_slice %arg2[%mul3A_0] : memref<161280xi32, #tpu.memory_space<hbm>> -> memref<336xi32, #tpu.memory_space<hbm>>
      %dma_wait3A_28 = arith.constant 0 : i32
      %dma_wait3A_29 = tpu.memref_slice %arg9[%dma_wait3A_28] : memref<672xi32, #tpu.memory_space<vmem>> -> memref<336xi32, #tpu.memory_space<vmem>>
      %dma_wait3A_30 = tpu.memref_slice %arg2[%mul3A_0] : memref<161280xi32, #tpu.memory_space<hbm>> -> memref<336xi32, #tpu.memory_space<hbm>>
      tpu.wait_dma2 semaphore(%run_scoped3A : memref<!tpu.dma_semaphore, #tpu.memory_space<semaphore_mem>>) src(%dma_wait3A_30 : memref<336xi32, #tpu.memory_space<hbm>>) dst(%dma_wait3A_29 : memref<336xi32, #tpu.memory_space<vmem>>)
      tpu.yield
    }) : () -> ()
    "tpu.region"() ({
      %run_scoped3A = tpu.sem_alloc : memref<!tpu.dma_semaphore, #tpu.memory_space<semaphore_mem>>
      %dma_start3A = arith.constant 0 : i32
      %dma_start3A_21 = tpu.memref_slice %arg10[%dma_start3A] : memref<672xi32, #tpu.memory_space<vmem>> -> memref<336xi32, #tpu.memory_space<vmem>>
      %dma_start3A_22 = tpu.memref_slice %arg3[%mul3A_0] : memref<161280xi32, #tpu.memory_space<hbm>> -> memref<336xi32, #tpu.memory_space<hbm>>
      %dma_start3A_23 = arith.constant 0 : i32
      %dma_start3A_24 = tpu.memref_slice %arg10[%dma_start3A_23] : memref<672xi32, #tpu.memory_space<vmem>> -> memref<336xi32, #tpu.memory_space<vmem>>
      %dma_start3A_25 = tpu.memref_slice %arg3[%mul3A_0] : memref<161280xi32, #tpu.memory_space<hbm>> -> memref<336xi32, #tpu.memory_space<hbm>>
      tpu.enqueue_dma source(%dma_start3A_25 : memref<336xi32, #tpu.memory_space<hbm>>) target(%dma_start3A_24 : memref<336xi32, #tpu.memory_space<vmem>>) target_semaphore(%run_scoped3A : memref<!tpu.dma_semaphore, #tpu.memory_space<semaphore_mem>>)
      %dma_wait3A = arith.constant 0 : i32
      %dma_wait3A_26 = tpu.memref_slice %arg10[%dma_wait3A] : memref<672xi32, #tpu.memory_space<vmem>> -> memref<336xi32, #tpu.memory_space<vmem>>
      %dma_wait3A_27 = tpu.memref_slice %arg3[%mul3A_0] : memref<161280xi32, #tpu.memory_space<hbm>> -> memref<336xi32, #tpu.memory_space<hbm>>
      %dma_wait3A_28 = arith.constant 0 : i32
      %dma_wait3A_29 = tpu.memref_slice %arg10[%dma_wait3A_28] : memref<672xi32, #tpu.memory_space<vmem>> -> memref<336xi32, #tpu.memory_space<vmem>>
      %dma_wait3A_30 = tpu.memref_slice %arg3[%mul3A_0] : memref<161280xi32, #tpu.memory_space<hbm>> -> memref<336xi32, #tpu.memory_space<hbm>>
      tpu.wait_dma2 semaphore(%run_scoped3A : memref<!tpu.dma_semaphore, #tpu.memory_space<semaphore_mem>>) src(%dma_wait3A_30 : memref<336xi32, #tpu.memory_space<hbm>>) dst(%dma_wait3A_29 : memref<336xi32, #tpu.memory_space<vmem>>)
      tpu.yield
    }) : () -> ()
    %barrier3A = arith.constant 0 : index
    tpu.barrier barrier_id(%barrier3A)
    %eq3A = arith.constant 0 : i32
    %eq3A_3 = arith.cmpi eq, %arg0, %eq3A : i32
    %convert_element_type3A = arith.extui %eq3A_3 : i1 to i32
    %cond3A = arith.constant 0 : i32
    %cond3A_4 = arith.cmpi ne, %convert_element_type3A, %cond3A : i32
    scf.if %cond3A_4 {
      %rem3A = arith.constant 0 : i32
      %rem3A_21 = arith.constant 2 : i32
      %rem3A_22 = arith.remsi %rem3A, %rem3A_21 : i32
      %mul3A_23 = arith.constant 336 : i32
      %mul3A_24 = arith.muli %rem3A_22, %mul3A_23 : i32
      %add3A = arith.constant 0 : i32
      %add3A_25 = arith.addi %mul3A_24, %add3A : i32
      %multiple_of3A = tpu.assume_multiple %add3A_25, 8 : i32
      %dma_start3A = tpu.memref_slice %arg9[%multiple_of3A] : memref<672xi32, #tpu.memory_space<vmem>> -> memref<112xi32, #tpu.memory_space<vmem>>
      %dma_start3A_26 = arith.constant 0 : i32
      %dma_start3A_27 = arith.constant 0 : i32
      %dma_start3A_28 = tpu.memref_slice %arg5[%dma_start3A_26, %dma_start3A_27] : memref<10000x128xf32, #tpu.memory_space<hbm>> -> memref<10000x128xf32, #tpu.memory_space<hbm>>
      tpu.enqueue_indirect_dma source(%dma_start3A_28 : memref<10000x128xf32, #tpu.memory_space<hbm>>) target(%arg11 : memref<112x128xf32, #tpu.memory_space<vmem>>) offsets(%dma_start3A : memref<112xi32, #tpu.memory_space<vmem>>) semaphore(%arg15 : memref<!tpu.dma_semaphore, #tpu.memory_space<semaphore_mem>>)
      %rem3A_29 = arith.constant 0 : i32
      %rem3A_30 = arith.constant 2 : i32
      %rem3A_31 = arith.remsi %rem3A_29, %rem3A_30 : i32
      %mul3A_32 = arith.constant 336 : i32
      %mul3A_33 = arith.muli %rem3A_31, %mul3A_32 : i32
      %add3A_34 = arith.constant 112 : i32
      %add3A_35 = arith.addi %mul3A_33, %add3A_34 : i32
      %multiple_of3A_36 = tpu.assume_multiple %add3A_35, 8 : i32
      %dma_start3A_37 = tpu.memref_slice %arg9[%multiple_of3A_36] : memref<672xi32, #tpu.memory_space<vmem>> -> memref<112xi32, #tpu.memory_space<vmem>>
      %dma_start3A_38 = arith.constant 0 : i32
      %dma_start3A_39 = arith.constant 0 : i32
      %dma_start3A_40 = tpu.memref_slice %arg5[%dma_start3A_38, %dma_start3A_39] : memref<10000x128xf32, #tpu.memory_space<hbm>> -> memref<10000x128xf32, #tpu.memory_space<hbm>>
      tpu.enqueue_indirect_dma source(%dma_start3A_40 : memref<10000x128xf32, #tpu.memory_space<hbm>>) target(%arg12 : memref<112x128xf32, #tpu.memory_space<vmem>>) offsets(%dma_start3A_37 : memref<112xi32, #tpu.memory_space<vmem>>) semaphore(%arg16 : memref<!tpu.dma_semaphore, #tpu.memory_space<semaphore_mem>>)
      %scan3A = arith.constant 0 : i32
      %scan3A_41 = arith.constant 30 : i32
      %scan3A_42 = arith.addi %scan3A, %scan3A_41 : i32
      %scan3A_43 = arith.constant 1 : i32
      scf.for %scan3A_56 = %scan3A to %scan3A_42 step %scan3A_43  : i32 {
        %rem3A_57 = arith.constant 2 : i32
        %rem3A_58 = arith.remsi %scan3A_56, %rem3A_57 : i32
        %mul3A_59 = arith.constant 336 : i32
        %mul3A_60 = arith.muli %rem3A_58, %mul3A_59 : i32
        %add3A_61 = arith.constant 0 : i32
        %add3A_62 = arith.addi %mul3A_60, %add3A_61 : i32
        %multiple_of3A_63 = tpu.assume_multiple %add3A_62, 8 : i32
        %dma_wait3A_64 = tpu.memref_slice %arg9[%multiple_of3A_63] : memref<672xi32, #tpu.memory_space<vmem>> -> memref<112xi32, #tpu.memory_space<vmem>>
        %dma_wait3A_65 = arith.constant 0 : i32
        %dma_wait3A_66 = arith.constant 0 : i32
        %dma_wait3A_67 = tpu.memref_slice %arg5[%dma_wait3A_65, %dma_wait3A_66] : memref<10000x128xf32, #tpu.memory_space<hbm>> -> memref<10000x128xf32, #tpu.memory_space<hbm>>
        tpu.wait_indirect_dma semaphore(%arg15 : memref<!tpu.dma_semaphore, #tpu.memory_space<semaphore_mem>>) src(%dma_wait3A_67 : memref<10000x128xf32, #tpu.memory_space<hbm>>) dst(%arg11 : memref<112x128xf32, #tpu.memory_space<vmem>>)
        %ge3A = arith.constant 1 : i32
        %ge3A_68 = arith.cmpi sge, %scan3A_56, %ge3A : i32
        %convert_element_type3A_69 = arith.extui %ge3A_68 : i1 to i32
        %cond3A_70 = arith.constant 0 : i32
        %cond3A_71 = arith.cmpi ne, %convert_element_type3A_69, %cond3A_70 : i32
        scf.if %cond3A_71 {
          %sub3A = arith.constant 1 : i32
          %sub3A_180 = arith.subi %scan3A_56, %sub3A : i32
          %rem3A_181 = arith.constant 2 : i32
          %rem3A_182 = arith.remsi %sub3A_180, %rem3A_181 : i32
          %mul3A_183 = arith.constant 336 : i32
          %mul3A_184 = arith.muli %rem3A_182, %mul3A_183 : i32
          %add3A_185 = arith.constant 224 : i32
          %add3A_186 = arith.addi %mul3A_184, %add3A_185 : i32
          %multiple_of3A_187 = tpu.assume_multiple %add3A_186, 8 : i32
          %dma_wait3A_188 = tpu.memref_slice %arg10[%multiple_of3A_187] : memref<672xi32, #tpu.memory_space<vmem>> -> memref<112xi32, #tpu.memory_space<vmem>>
          %dma_wait3A_189 = arith.constant 0 : i32
          %dma_wait3A_190 = arith.constant 0 : i32
          %dma_wait3A_191 = tpu.memref_slice %arg14[%dma_wait3A_189, %dma_wait3A_190] : memref<10112x128xf32, #tpu.memory_space<vmem_shared>> -> memref<10112x128xf32, #tpu.memory_space<vmem_shared>>
          tpu.wait_indirect_dma semaphore(%arg18 : memref<!tpu.dma_semaphore, #tpu.memory_space<semaphore_mem>>) src(%arg13 : memref<112x128xf32, #tpu.memory_space<vmem>>) dst(%dma_wait3A_191 : memref<10112x128xf32, #tpu.memory_space<vmem_shared>>)
        } else {
        }
        %add3A_72 = arith.constant 1 : i32
        %add3A_73 = arith.addi %scan3A_56, %add3A_72 : i32
        %lt3A = arith.constant 30 : i32
        %lt3A_74 = arith.cmpi slt, %add3A_73, %lt3A : i32
        %convert_element_type3A_75 = arith.extui %lt3A_74 : i1 to i32
        %cond3A_76 = arith.constant 0 : i32
        %cond3A_77 = arith.cmpi ne, %convert_element_type3A_75, %cond3A_76 : i32
        scf.if %cond3A_77 {
          %add3A_180 = arith.constant 1 : i32
          %add3A_181 = arith.addi %scan3A_56, %add3A_180 : i32
          %mul3A_182 = arith.constant 336 : i32
          %mul3A_183 = arith.muli %add3A_181, %mul3A_182 : i32
          %add3A_184 = arith.addi %mul3A_0, %mul3A_183 : i32
          %multiple_of3A_185 = tpu.assume_multiple %add3A_184, 8 : i32
          %rem3A_186 = arith.constant 2 : i32
          %rem3A_187 = arith.remsi %add3A_181, %rem3A_186 : i32
          %mul3A_188 = arith.constant 336 : i32
          %mul3A_189 = arith.muli %rem3A_187, %mul3A_188 : i32
          %multiple_of3A_190 = tpu.assume_multiple %mul3A_189, 8 : i32
          %dma_start3A_191 = tpu.memref_slice %arg9[%multiple_of3A_190] : memref<672xi32, #tpu.memory_space<vmem>> -> memref<336xi32, #tpu.memory_space<vmem>>
          %dma_start3A_192 = tpu.memref_slice %arg2[%multiple_of3A_185] : memref<161280xi32, #tpu.memory_space<hbm>> -> memref<336xi32, #tpu.memory_space<hbm>>
          %dma_start3A_193 = tpu.memref_slice %arg9[%multiple_of3A_190] : memref<672xi32, #tpu.memory_space<vmem>> -> memref<336xi32, #tpu.memory_space<vmem>>
          %dma_start3A_194 = tpu.memref_slice %arg2[%multiple_of3A_185] : memref<161280xi32, #tpu.memory_space<hbm>> -> memref<336xi32, #tpu.memory_space<hbm>>
          tpu.enqueue_dma source(%dma_start3A_194 : memref<336xi32, #tpu.memory_space<hbm>>) target(%dma_start3A_193 : memref<336xi32, #tpu.memory_space<vmem>>) target_semaphore(%arg19 : memref<!tpu.dma_semaphore, #tpu.memory_space<semaphore_mem>>)
          %dma_start3A_195 = tpu.memref_slice %arg10[%multiple_of3A_190] : memref<672xi32, #tpu.memory_space<vmem>> -> memref<336xi32, #tpu.memory_space<vmem>>
          %dma_start3A_196 = tpu.memref_slice %arg3[%multiple_of3A_185] : memref<161280xi32, #tpu.memory_space<hbm>> -> memref<336xi32, #tpu.memory_space<hbm>>
          %dma_start3A_197 = tpu.memref_slice %arg10[%multiple_of3A_190] : memref<672xi32, #tpu.memory_space<vmem>> -> memref<336xi32, #tpu.memory_space<vmem>>
          %dma_start3A_198 = tpu.memref_slice %arg3[%multiple_of3A_185] : memref<161280xi32, #tpu.memory_space<hbm>> -> memref<336xi32, #tpu.memory_space<hbm>>
          tpu.enqueue_dma source(%dma_start3A_198 : memref<336xi32, #tpu.memory_space<hbm>>) target(%dma_start3A_197 : memref<336xi32, #tpu.memory_space<vmem>>) target_semaphore(%arg19 : memref<!tpu.dma_semaphore, #tpu.memory_space<semaphore_mem>>)
        } else {
        }
        %rem3A_78 = arith.constant 2 : i32
        %rem3A_79 = arith.remsi %scan3A_56, %rem3A_78 : i32
        %mul3A_80 = arith.constant 336 : i32
        %mul3A_81 = arith.muli %rem3A_79, %mul3A_80 : i32
        %add3A_82 = arith.constant 224 : i32
        %add3A_83 = arith.addi %mul3A_81, %add3A_82 : i32
        %multiple_of3A_84 = tpu.assume_multiple %add3A_83, 8 : i32
        %dma_start3A_85 = tpu.memref_slice %arg9[%multiple_of3A_84] : memref<672xi32, #tpu.memory_space<vmem>> -> memref<112xi32, #tpu.memory_space<vmem>>
        %dma_start3A_86 = arith.constant 0 : i32
        %dma_start3A_87 = arith.constant 0 : i32
        %dma_start3A_88 = tpu.memref_slice %arg5[%dma_start3A_86, %dma_start3A_87] : memref<10000x128xf32, #tpu.memory_space<hbm>> -> memref<10000x128xf32, #tpu.memory_space<hbm>>
        tpu.enqueue_indirect_dma source(%dma_start3A_88 : memref<10000x128xf32, #tpu.memory_space<hbm>>) target(%arg13 : memref<112x128xf32, #tpu.memory_space<vmem>>) offsets(%dma_start3A_85 : memref<112xi32, #tpu.memory_space<vmem>>) semaphore(%arg17 : memref<!tpu.dma_semaphore, #tpu.memory_space<semaphore_mem>>)
        %rem3A_89 = arith.constant 2 : i32
        %rem3A_90 = arith.remsi %scan3A_56, %rem3A_89 : i32
        %mul3A_91 = arith.constant 336 : i32
        %mul3A_92 = arith.muli %rem3A_90, %mul3A_91 : i32
        %add3A_93 = arith.constant 0 : i32
        %add3A_94 = arith.addi %mul3A_92, %add3A_93 : i32
        %multiple_of3A_95 = tpu.assume_multiple %add3A_94, 8 : i32
        %dma_start3A_96 = tpu.memref_slice %arg10[%multiple_of3A_95] : memref<672xi32, #tpu.memory_space<vmem>> -> memref<112xi32, #tpu.memory_space<vmem>>
        %dma_start3A_97 = arith.constant 0 : i32
        %dma_start3A_98 = arith.constant 0 : i32
        %dma_start3A_99 = tpu.memref_slice %arg14[%dma_start3A_97, %dma_start3A_98] : memref<10112x128xf32, #tpu.memory_space<vmem_shared>> -> memref<10112x128xf32, #tpu.memory_space<vmem_shared>>
        tpu.enqueue_indirect_dma source(%arg11 : memref<112x128xf32, #tpu.memory_space<vmem>>) target(%dma_start3A_99 : memref<10112x128xf32, #tpu.memory_space<vmem_shared>>) offsets(%dma_start3A_96 : memref<112xi32, #tpu.memory_space<vmem>>) semaphore(%arg18 : memref<!tpu.dma_semaphore, #tpu.memory_space<semaphore_mem>>) {add = true}
        %rem3A_100 = arith.constant 2 : i32
        %rem3A_101 = arith.remsi %scan3A_56, %rem3A_100 : i32
        %mul3A_102 = arith.constant 336 : i32
        %mul3A_103 = arith.muli %rem3A_101, %mul3A_102 : i32
        %add3A_104 = arith.constant 112 : i32
        %add3A_105 = arith.addi %mul3A_103, %add3A_104 : i32
        %multiple_of3A_106 = tpu.assume_multiple %add3A_105, 8 : i32
        %dma_wait3A_107 = tpu.memref_slice %arg9[%multiple_of3A_106] : memref<672xi32, #tpu.memory_space<vmem>> -> memref<112xi32, #tpu.memory_space<vmem>>
        %dma_wait3A_108 = arith.constant 0 : i32
        %dma_wait3A_109 = arith.constant 0 : i32
        %dma_wait3A_110 = tpu.memref_slice %arg5[%dma_wait3A_108, %dma_wait3A_109] : memref<10000x128xf32, #tpu.memory_space<hbm>> -> memref<10000x128xf32, #tpu.memory_space<hbm>>
        tpu.wait_indirect_dma semaphore(%arg16 : memref<!tpu.dma_semaphore, #tpu.memory_space<semaphore_mem>>) src(%dma_wait3A_110 : memref<10000x128xf32, #tpu.memory_space<hbm>>) dst(%arg12 : memref<112x128xf32, #tpu.memory_space<vmem>>)
        %rem3A_111 = arith.constant 2 : i32
        %rem3A_112 = arith.remsi %scan3A_56, %rem3A_111 : i32
        %mul3A_113 = arith.constant 336 : i32
        %mul3A_114 = arith.muli %rem3A_112, %mul3A_113 : i32
        %add3A_115 = arith.constant 0 : i32
        %add3A_116 = arith.addi %mul3A_114, %add3A_115 : i32
        %multiple_of3A_117 = tpu.assume_multiple %add3A_116, 8 : i32
        %dma_wait3A_118 = tpu.memref_slice %arg10[%multiple_of3A_117] : memref<672xi32, #tpu.memory_space<vmem>> -> memref<112xi32, #tpu.memory_space<vmem>>
        %dma_wait3A_119 = arith.constant 0 : i32
        %dma_wait3A_120 = arith.constant 0 : i32
        %dma_wait3A_121 = tpu.memref_slice %arg14[%dma_wait3A_119, %dma_wait3A_120] : memref<10112x128xf32, #tpu.memory_space<vmem_shared>> -> memref<10112x128xf32, #tpu.memory_space<vmem_shared>>
        tpu.wait_indirect_dma semaphore(%arg18 : memref<!tpu.dma_semaphore, #tpu.memory_space<semaphore_mem>>) src(%arg11 : memref<112x128xf32, #tpu.memory_space<vmem>>) dst(%dma_wait3A_121 : memref<10112x128xf32, #tpu.memory_space<vmem_shared>>)
        %add3A_122 = arith.constant 1 : i32
        %add3A_123 = arith.addi %scan3A_56, %add3A_122 : i32
        %lt3A_124 = arith.constant 30 : i32
        %lt3A_125 = arith.cmpi slt, %add3A_123, %lt3A_124 : i32
        %convert_element_type3A_126 = arith.extui %lt3A_125 : i1 to i32
        %cond3A_127 = arith.constant 0 : i32
        %cond3A_128 = arith.cmpi ne, %convert_element_type3A_126, %cond3A_127 : i32
        scf.if %cond3A_128 {
          %add3A_180 = arith.constant 1 : i32
          %add3A_181 = arith.addi %scan3A_56, %add3A_180 : i32
          %mul3A_182 = arith.constant 336 : i32
          %mul3A_183 = arith.muli %add3A_181, %mul3A_182 : i32
          %add3A_184 = arith.addi %mul3A_0, %mul3A_183 : i32
          %multiple_of3A_185 = tpu.assume_multiple %add3A_184, 8 : i32
          %rem3A_186 = arith.constant 2 : i32
          %rem3A_187 = arith.remsi %add3A_181, %rem3A_186 : i32
          %mul3A_188 = arith.constant 336 : i32
          %mul3A_189 = arith.muli %rem3A_187, %mul3A_188 : i32
          %multiple_of3A_190 = tpu.assume_multiple %mul3A_189, 8 : i32
          %dma_wait3A_191 = tpu.memref_slice %arg9[%multiple_of3A_190] : memref<672xi32, #tpu.memory_space<vmem>> -> memref<336xi32, #tpu.memory_space<vmem>>
          %dma_wait3A_192 = tpu.memref_slice %arg2[%multiple_of3A_185] : memref<161280xi32, #tpu.memory_space<hbm>> -> memref<336xi32, #tpu.memory_space<hbm>>
          %dma_wait3A_193 = tpu.memref_slice %arg9[%multiple_of3A_190] : memref<672xi32, #tpu.memory_space<vmem>> -> memref<336xi32, #tpu.memory_space<vmem>>
          %dma_wait3A_194 = tpu.memref_slice %arg2[%multiple_of3A_185] : memref<161280xi32, #tpu.memory_space<hbm>> -> memref<336xi32, #tpu.memory_space<hbm>>
          tpu.wait_dma2 semaphore(%arg19 : memref<!tpu.dma_semaphore, #tpu.memory_space<semaphore_mem>>) src(%dma_wait3A_194 : memref<336xi32, #tpu.memory_space<hbm>>) dst(%dma_wait3A_193 : memref<336xi32, #tpu.memory_space<vmem>>)
          %dma_wait3A_195 = tpu.memref_slice %arg10[%multiple_of3A_190] : memref<672xi32, #tpu.memory_space<vmem>> -> memref<336xi32, #tpu.memory_space<vmem>>
          %dma_wait3A_196 = tpu.memref_slice %arg3[%multiple_of3A_185] : memref<161280xi32, #tpu.memory_space<hbm>> -> memref<336xi32, #tpu.memory_space<hbm>>
          %dma_wait3A_197 = tpu.memref_slice %arg10[%multiple_of3A_190] : memref<672xi32, #tpu.memory_space<vmem>> -> memref<336xi32, #tpu.memory_space<vmem>>
          %dma_wait3A_198 = tpu.memref_slice %arg3[%multiple_of3A_185] : memref<161280xi32, #tpu.memory_space<hbm>> -> memref<336xi32, #tpu.memory_space<hbm>>
          tpu.wait_dma2 semaphore(%arg19 : memref<!tpu.dma_semaphore, #tpu.memory_space<semaphore_mem>>) src(%dma_wait3A_198 : memref<336xi32, #tpu.memory_space<hbm>>) dst(%dma_wait3A_197 : memref<336xi32, #tpu.memory_space<vmem>>)
          %add3A_199 = arith.constant 1 : i32
          %add3A_200 = arith.addi %scan3A_56, %add3A_199 : i32
          %rem3A_201 = arith.constant 2 : i32
          %rem3A_202 = arith.remsi %add3A_200, %rem3A_201 : i32
          %mul3A_203 = arith.constant 336 : i32
          %mul3A_204 = arith.muli %rem3A_202, %mul3A_203 : i32
          %add3A_205 = arith.constant 0 : i32
          %add3A_206 = arith.addi %mul3A_204, %add3A_205 : i32
          %multiple_of3A_207 = tpu.assume_multiple %add3A_206, 8 : i32
          %dma_start3A_208 = tpu.memref_slice %arg9[%multiple_of3A_207] : memref<672xi32, #tpu.memory_space<vmem>> -> memref<112xi32, #tpu.memory_space<vmem>>
          %dma_start3A_209 = arith.constant 0 : i32
          %dma_start3A_210 = arith.constant 0 : i32
          %dma_start3A_211 = tpu.memref_slice %arg5[%dma_start3A_209, %dma_start3A_210] : memref<10000x128xf32, #tpu.memory_space<hbm>> -> memref<10000x128xf32, #tpu.memory_space<hbm>>
          tpu.enqueue_indirect_dma source(%dma_start3A_211 : memref<10000x128xf32, #tpu.memory_space<hbm>>) target(%arg11 : memref<112x128xf32, #tpu.memory_space<vmem>>) offsets(%dma_start3A_208 : memref<112xi32, #tpu.memory_space<vmem>>) semaphore(%arg15 : memref<!tpu.dma_semaphore, #tpu.memory_space<semaphore_mem>>)
        } else {
        }
        %rem3A_129 = arith.constant 2 : i32
        %rem3A_130 = arith.remsi %scan3A_56, %rem3A_129 : i32
        %mul3A_131 = arith.constant 336 : i32
        %mul3A_132 = arith.muli %rem3A_130, %mul3A_131 : i32
        %add3A_133 = arith.constant 112 : i32
        %add3A_134 = arith.addi %mul3A_132, %add3A_133 : i32
        %multiple_of3A_135 = tpu.assume_multiple %add3A_134, 8 : i32
        %dma_start3A_136 = tpu.memref_slice %arg10[%multiple_of3A_135] : memref<672xi32, #tpu.memory_space<vmem>> -> memref<112xi32, #tpu.memory_space<vmem>>
        %dma_start3A_137 = arith.constant 0 : i32
        %dma_start3A_138 = arith.constant 0 : i32
        %dma_start3A_139 = tpu.memref_slice %arg14[%dma_start3A_137, %dma_start3A_138] : memref<10112x128xf32, #tpu.memory_space<vmem_shared>> -> memref<10112x128xf32, #tpu.memory_space<vmem_shared>>
        tpu.enqueue_indirect_dma source(%arg12 : memref<112x128xf32, #tpu.memory_space<vmem>>) target(%dma_start3A_139 : memref<10112x128xf32, #tpu.memory_space<vmem_shared>>) offsets(%dma_start3A_136 : memref<112xi32, #tpu.memory_space<vmem>>) semaphore(%arg18 : memref<!tpu.dma_semaphore, #tpu.memory_space<semaphore_mem>>) {add = true}
        %rem3A_140 = arith.constant 2 : i32
        %rem3A_141 = arith.remsi %scan3A_56, %rem3A_140 : i32
        %mul3A_142 = arith.constant 336 : i32
        %mul3A_143 = arith.muli %rem3A_141, %mul3A_142 : i32
        %add3A_144 = arith.constant 224 : i32
        %add3A_145 = arith.addi %mul3A_143, %add3A_144 : i32
        %multiple_of3A_146 = tpu.assume_multiple %add3A_145, 8 : i32
        %dma_wait3A_147 = tpu.memref_slice %arg9[%multiple_of3A_146] : memref<672xi32, #tpu.memory_space<vmem>> -> memref<112xi32, #tpu.memory_space<vmem>>
        %dma_wait3A_148 = arith.constant 0 : i32
        %dma_wait3A_149 = arith.constant 0 : i32
        %dma_wait3A_150 = tpu.memref_slice %arg5[%dma_wait3A_148, %dma_wait3A_149] : memref<10000x128xf32, #tpu.memory_space<hbm>> -> memref<10000x128xf32, #tpu.memory_space<hbm>>
        tpu.wait_indirect_dma semaphore(%arg17 : memref<!tpu.dma_semaphore, #tpu.memory_space<semaphore_mem>>) src(%dma_wait3A_150 : memref<10000x128xf32, #tpu.memory_space<hbm>>) dst(%arg13 : memref<112x128xf32, #tpu.memory_space<vmem>>)
        %rem3A_151 = arith.constant 2 : i32
        %rem3A_152 = arith.remsi %scan3A_56, %rem3A_151 : i32
        %mul3A_153 = arith.constant 336 : i32
        %mul3A_154 = arith.muli %rem3A_152, %mul3A_153 : i32
        %add3A_155 = arith.constant 112 : i32
        %add3A_156 = arith.addi %mul3A_154, %add3A_155 : i32
        %multiple_of3A_157 = tpu.assume_multiple %add3A_156, 8 : i32
        %dma_wait3A_158 = tpu.memref_slice %arg10[%multiple_of3A_157] : memref<672xi32, #tpu.memory_space<vmem>> -> memref<112xi32, #tpu.memory_space<vmem>>
        %dma_wait3A_159 = arith.constant 0 : i32
        %dma_wait3A_160 = arith.constant 0 : i32
        %dma_wait3A_161 = tpu.memref_slice %arg14[%dma_wait3A_159, %dma_wait3A_160] : memref<10112x128xf32, #tpu.memory_space<vmem_shared>> -> memref<10112x128xf32, #tpu.memory_space<vmem_shared>>
        tpu.wait_indirect_dma semaphore(%arg18 : memref<!tpu.dma_semaphore, #tpu.memory_space<semaphore_mem>>) src(%arg12 : memref<112x128xf32, #tpu.memory_space<vmem>>) dst(%dma_wait3A_161 : memref<10112x128xf32, #tpu.memory_space<vmem_shared>>)
        %add3A_162 = arith.constant 1 : i32
        %add3A_163 = arith.addi %scan3A_56, %add3A_162 : i32
        %lt3A_164 = arith.constant 30 : i32
        %lt3A_165 = arith.cmpi slt, %add3A_163, %lt3A_164 : i32
        %convert_element_type3A_166 = arith.extui %lt3A_165 : i1 to i32
        %cond3A_167 = arith.constant 0 : i32
        %cond3A_168 = arith.cmpi ne, %convert_element_type3A_166, %cond3A_167 : i32
        scf.if %cond3A_168 {
          %add3A_180 = arith.constant 1 : i32
          %add3A_181 = arith.addi %scan3A_56, %add3A_180 : i32
          %rem3A_182 = arith.constant 2 : i32
          %rem3A_183 = arith.remsi %add3A_181, %rem3A_182 : i32
          %mul3A_184 = arith.constant 336 : i32
          %mul3A_185 = arith.muli %rem3A_183, %mul3A_184 : i32
          %add3A_186 = arith.constant 112 : i32
          %add3A_187 = arith.addi %mul3A_185, %add3A_186 : i32
          %multiple_of3A_188 = tpu.assume_multiple %add3A_187, 8 : i32
          %dma_start3A_189 = tpu.memref_slice %arg9[%multiple_of3A_188] : memref<672xi32, #tpu.memory_space<vmem>> -> memref<112xi32, #tpu.memory_space<vmem>>
          %dma_start3A_190 = arith.constant 0 : i32
          %dma_start3A_191 = arith.constant 0 : i32
          %dma_start3A_192 = tpu.memref_slice %arg5[%dma_start3A_190, %dma_start3A_191] : memref<10000x128xf32, #tpu.memory_space<hbm>> -> memref<10000x128xf32, #tpu.memory_space<hbm>>
          tpu.enqueue_indirect_dma source(%dma_start3A_192 : memref<10000x128xf32, #tpu.memory_space<hbm>>) target(%arg12 : memref<112x128xf32, #tpu.memory_space<vmem>>) offsets(%dma_start3A_189 : memref<112xi32, #tpu.memory_space<vmem>>) semaphore(%arg16 : memref<!tpu.dma_semaphore, #tpu.memory_space<semaphore_mem>>)
        } else {
        }
        %rem3A_169 = arith.constant 2 : i32
        %rem3A_170 = arith.remsi %scan3A_56, %rem3A_169 : i32
        %mul3A_171 = arith.constant 336 : i32
        %mul3A_172 = arith.muli %rem3A_170, %mul3A_171 : i32
        %add3A_173 = arith.constant 224 : i32
        %add3A_174 = arith.addi %mul3A_172, %add3A_173 : i32
        %multiple_of3A_175 = tpu.assume_multiple %add3A_174, 8 : i32
        %dma_start3A_176 = tpu.memref_slice %arg10[%multiple_of3A_175] : memref<672xi32, #tpu.memory_space<vmem>> -> memref<112xi32, #tpu.memory_space<vmem>>
        %dma_start3A_177 = arith.constant 0 : i32
        %dma_start3A_178 = arith.constant 0 : i32
        %dma_start3A_179 = tpu.memref_slice %arg14[%dma_start3A_177, %dma_start3A_178] : memref<10112x128xf32, #tpu.memory_space<vmem_shared>> -> memref<10112x128xf32, #tpu.memory_space<vmem_shared>>
        tpu.enqueue_indirect_dma source(%arg13 : memref<112x128xf32, #tpu.memory_space<vmem>>) target(%dma_start3A_179 : memref<10112x128xf32, #tpu.memory_space<vmem_shared>>) offsets(%dma_start3A_176 : memref<112xi32, #tpu.memory_space<vmem>>) semaphore(%arg18 : memref<!tpu.dma_semaphore, #tpu.memory_space<semaphore_mem>>) {add = true}
      }
      %scan3A_44 = arith.constant 30 : i32
      %rem3A_45 = arith.constant 29 : i32
      %rem3A_46 = arith.constant 2 : i32
      %rem3A_47 = arith.remsi %rem3A_45, %rem3A_46 : i32
      %mul3A_48 = arith.constant 336 : i32
      %mul3A_49 = arith.muli %rem3A_47, %mul3A_48 : i32
      %add3A_50 = arith.constant 224 : i32
      %add3A_51 = arith.addi %mul3A_49, %add3A_50 : i32
      %multiple_of3A_52 = tpu.assume_multiple %add3A_51, 8 : i32
      %dma_wait3A = tpu.memref_slice %arg10[%multiple_of3A_52] : memref<672xi32, #tpu.memory_space<vmem>> -> memref<112xi32, #tpu.memory_space<vmem>>
      %dma_wait3A_53 = arith.constant 0 : i32
      %dma_wait3A_54 = arith.constant 0 : i32
      %dma_wait3A_55 = tpu.memref_slice %arg14[%dma_wait3A_53, %dma_wait3A_54] : memref<10112x128xf32, #tpu.memory_space<vmem_shared>> -> memref<10112x128xf32, #tpu.memory_space<vmem_shared>>
      tpu.wait_indirect_dma semaphore(%arg18 : memref<!tpu.dma_semaphore, #tpu.memory_space<semaphore_mem>>) src(%arg13 : memref<112x128xf32, #tpu.memory_space<vmem>>) dst(%dma_wait3A_55 : memref<10112x128xf32, #tpu.memory_space<vmem_shared>>)
    } else {
    }
    %eq3A_5 = arith.constant 1 : i32
    %eq3A_6 = arith.cmpi eq, %arg0, %eq3A_5 : i32
    %convert_element_type3A_7 = arith.extui %eq3A_6 : i1 to i32
    %cond3A_8 = arith.constant 0 : i32
    %cond3A_9 = arith.cmpi ne, %convert_element_type3A_7, %cond3A_8 : i32
    scf.if %cond3A_9 {
      %rem3A = arith.constant 0 : i32
      %rem3A_21 = arith.constant 2 : i32
      %rem3A_22 = arith.remsi %rem3A, %rem3A_21 : i32
      %mul3A_23 = arith.constant 336 : i32
      %mul3A_24 = arith.muli %rem3A_22, %mul3A_23 : i32
      %add3A = arith.constant 0 : i32
      %add3A_25 = arith.addi %mul3A_24, %add3A : i32
      %multiple_of3A = tpu.assume_multiple %add3A_25, 8 : i32
      %dma_start3A = tpu.memref_slice %arg9[%multiple_of3A] : memref<672xi32, #tpu.memory_space<vmem>> -> memref<112xi32, #tpu.memory_space<vmem>>
      %dma_start3A_26 = arith.constant 0 : i32
      %dma_start3A_27 = arith.constant 0 : i32
      %dma_start3A_28 = tpu.memref_slice %arg6[%dma_start3A_26, %dma_start3A_27] : memref<10000x128xf32, #tpu.memory_space<hbm>> -> memref<10000x128xf32, #tpu.memory_space<hbm>>
      tpu.enqueue_indirect_dma source(%dma_start3A_28 : memref<10000x128xf32, #tpu.memory_space<hbm>>) target(%arg11 : memref<112x128xf32, #tpu.memory_space<vmem>>) offsets(%dma_start3A : memref<112xi32, #tpu.memory_space<vmem>>) semaphore(%arg15 : memref<!tpu.dma_semaphore, #tpu.memory_space<semaphore_mem>>)
      %rem3A_29 = arith.constant 0 : i32
      %rem3A_30 = arith.constant 2 : i32
      %rem3A_31 = arith.remsi %rem3A_29, %rem3A_30 : i32
      %mul3A_32 = arith.constant 336 : i32
      %mul3A_33 = arith.muli %rem3A_31, %mul3A_32 : i32
      %add3A_34 = arith.constant 112 : i32
      %add3A_35 = arith.addi %mul3A_33, %add3A_34 : i32
      %multiple_of3A_36 = tpu.assume_multiple %add3A_35, 8 : i32
      %dma_start3A_37 = tpu.memref_slice %arg9[%multiple_of3A_36] : memref<672xi32, #tpu.memory_space<vmem>> -> memref<112xi32, #tpu.memory_space<vmem>>
      %dma_start3A_38 = arith.constant 0 : i32
      %dma_start3A_39 = arith.constant 0 : i32
      %dma_start3A_40 = tpu.memref_slice %arg6[%dma_start3A_38, %dma_start3A_39] : memref<10000x128xf32, #tpu.memory_space<hbm>> -> memref<10000x128xf32, #tpu.memory_space<hbm>>
      tpu.enqueue_indirect_dma source(%dma_start3A_40 : memref<10000x128xf32, #tpu.memory_space<hbm>>) target(%arg12 : memref<112x128xf32, #tpu.memory_space<vmem>>) offsets(%dma_start3A_37 : memref<112xi32, #tpu.memory_space<vmem>>) semaphore(%arg16 : memref<!tpu.dma_semaphore, #tpu.memory_space<semaphore_mem>>)
      %scan3A = arith.constant 0 : i32
      %scan3A_41 = arith.constant 30 : i32
      %scan3A_42 = arith.addi %scan3A, %scan3A_41 : i32
      %scan3A_43 = arith.constant 1 : i32
      scf.for %scan3A_56 = %scan3A to %scan3A_42 step %scan3A_43  : i32 {
        %rem3A_57 = arith.constant 2 : i32
        %rem3A_58 = arith.remsi %scan3A_56, %rem3A_57 : i32
        %mul3A_59 = arith.constant 336 : i32
        %mul3A_60 = arith.muli %rem3A_58, %mul3A_59 : i32
        %add3A_61 = arith.constant 0 : i32
        %add3A_62 = arith.addi %mul3A_60, %add3A_61 : i32
        %multiple_of3A_63 = tpu.assume_multiple %add3A_62, 8 : i32
        %dma_wait3A_64 = tpu.memref_slice %arg9[%multiple_of3A_63] : memref<672xi32, #tpu.memory_space<vmem>> -> memref<112xi32, #tpu.memory_space<vmem>>
        %dma_wait3A_65 = arith.constant 0 : i32
        %dma_wait3A_66 = arith.constant 0 : i32
        %dma_wait3A_67 = tpu.memref_slice %arg6[%dma_wait3A_65, %dma_wait3A_66] : memref<10000x128xf32, #tpu.memory_space<hbm>> -> memref<10000x128xf32, #tpu.memory_space<hbm>>
        tpu.wait_indirect_dma semaphore(%arg15 : memref<!tpu.dma_semaphore, #tpu.memory_space<semaphore_mem>>) src(%dma_wait3A_67 : memref<10000x128xf32, #tpu.memory_space<hbm>>) dst(%arg11 : memref<112x128xf32, #tpu.memory_space<vmem>>)
        %ge3A = arith.constant 1 : i32
        %ge3A_68 = arith.cmpi sge, %scan3A_56, %ge3A : i32
        %convert_element_type3A_69 = arith.extui %ge3A_68 : i1 to i32
        %cond3A_70 = arith.constant 0 : i32
        %cond3A_71 = arith.cmpi ne, %convert_element_type3A_69, %cond3A_70 : i32
        scf.if %cond3A_71 {
          %sub3A = arith.constant 1 : i32
          %sub3A_180 = arith.subi %scan3A_56, %sub3A : i32
          %rem3A_181 = arith.constant 2 : i32
          %rem3A_182 = arith.remsi %sub3A_180, %rem3A_181 : i32
          %mul3A_183 = arith.constant 336 : i32
          %mul3A_184 = arith.muli %rem3A_182, %mul3A_183 : i32
          %add3A_185 = arith.constant 224 : i32
          %add3A_186 = arith.addi %mul3A_184, %add3A_185 : i32
          %multiple_of3A_187 = tpu.assume_multiple %add3A_186, 8 : i32
          %dma_wait3A_188 = tpu.memref_slice %arg10[%multiple_of3A_187] : memref<672xi32, #tpu.memory_space<vmem>> -> memref<112xi32, #tpu.memory_space<vmem>>
          %dma_wait3A_189 = arith.constant 0 : i32
          %dma_wait3A_190 = arith.constant 0 : i32
          %dma_wait3A_191 = tpu.memref_slice %arg14[%dma_wait3A_189, %dma_wait3A_190] : memref<10112x128xf32, #tpu.memory_space<vmem_shared>> -> memref<10112x128xf32, #tpu.memory_space<vmem_shared>>
          tpu.wait_indirect_dma semaphore(%arg18 : memref<!tpu.dma_semaphore, #tpu.memory_space<semaphore_mem>>) src(%arg13 : memref<112x128xf32, #tpu.memory_space<vmem>>) dst(%dma_wait3A_191 : memref<10112x128xf32, #tpu.memory_space<vmem_shared>>)
        } else {
        }
        %add3A_72 = arith.constant 1 : i32
        %add3A_73 = arith.addi %scan3A_56, %add3A_72 : i32
        %lt3A = arith.constant 30 : i32
        %lt3A_74 = arith.cmpi slt, %add3A_73, %lt3A : i32
        %convert_element_type3A_75 = arith.extui %lt3A_74 : i1 to i32
        %cond3A_76 = arith.constant 0 : i32
        %cond3A_77 = arith.cmpi ne, %convert_element_type3A_75, %cond3A_76 : i32
        scf.if %cond3A_77 {
          %add3A_180 = arith.constant 1 : i32
          %add3A_181 = arith.addi %scan3A_56, %add3A_180 : i32
          %mul3A_182 = arith.constant 336 : i32
          %mul3A_183 = arith.muli %add3A_181, %mul3A_182 : i32
          %add3A_184 = arith.addi %mul3A_0, %mul3A_183 : i32
          %multiple_of3A_185 = tpu.assume_multiple %add3A_184, 8 : i32
          %rem3A_186 = arith.constant 2 : i32
          %rem3A_187 = arith.remsi %add3A_181, %rem3A_186 : i32
          %mul3A_188 = arith.constant 336 : i32
          %mul3A_189 = arith.muli %rem3A_187, %mul3A_188 : i32
          %multiple_of3A_190 = tpu.assume_multiple %mul3A_189, 8 : i32
          %dma_start3A_191 = tpu.memref_slice %arg9[%multiple_of3A_190] : memref<672xi32, #tpu.memory_space<vmem>> -> memref<336xi32, #tpu.memory_space<vmem>>
          %dma_start3A_192 = tpu.memref_slice %arg2[%multiple_of3A_185] : memref<161280xi32, #tpu.memory_space<hbm>> -> memref<336xi32, #tpu.memory_space<hbm>>
          %dma_start3A_193 = tpu.memref_slice %arg9[%multiple_of3A_190] : memref<672xi32, #tpu.memory_space<vmem>> -> memref<336xi32, #tpu.memory_space<vmem>>
          %dma_start3A_194 = tpu.memref_slice %arg2[%multiple_of3A_185] : memref<161280xi32, #tpu.memory_space<hbm>> -> memref<336xi32, #tpu.memory_space<hbm>>
          tpu.enqueue_dma source(%dma_start3A_194 : memref<336xi32, #tpu.memory_space<hbm>>) target(%dma_start3A_193 : memref<336xi32, #tpu.memory_space<vmem>>) target_semaphore(%arg19 : memref<!tpu.dma_semaphore, #tpu.memory_space<semaphore_mem>>)
          %dma_start3A_195 = tpu.memref_slice %arg10[%multiple_of3A_190] : memref<672xi32, #tpu.memory_space<vmem>> -> memref<336xi32, #tpu.memory_space<vmem>>
          %dma_start3A_196 = tpu.memref_slice %arg3[%multiple_of3A_185] : memref<161280xi32, #tpu.memory_space<hbm>> -> memref<336xi32, #tpu.memory_space<hbm>>
          %dma_start3A_197 = tpu.memref_slice %arg10[%multiple_of3A_190] : memref<672xi32, #tpu.memory_space<vmem>> -> memref<336xi32, #tpu.memory_space<vmem>>
          %dma_start3A_198 = tpu.memref_slice %arg3[%multiple_of3A_185] : memref<161280xi32, #tpu.memory_space<hbm>> -> memref<336xi32, #tpu.memory_space<hbm>>
          tpu.enqueue_dma source(%dma_start3A_198 : memref<336xi32, #tpu.memory_space<hbm>>) target(%dma_start3A_197 : memref<336xi32, #tpu.memory_space<vmem>>) target_semaphore(%arg19 : memref<!tpu.dma_semaphore, #tpu.memory_space<semaphore_mem>>)
        } else {
        }
        %rem3A_78 = arith.constant 2 : i32
        %rem3A_79 = arith.remsi %scan3A_56, %rem3A_78 : i32
        %mul3A_80 = arith.constant 336 : i32
        %mul3A_81 = arith.muli %rem3A_79, %mul3A_80 : i32
        %add3A_82 = arith.constant 224 : i32
        %add3A_83 = arith.addi %mul3A_81, %add3A_82 : i32
        %multiple_of3A_84 = tpu.assume_multiple %add3A_83, 8 : i32
        %dma_start3A_85 = tpu.memref_slice %arg9[%multiple_of3A_84] : memref<672xi32, #tpu.memory_space<vmem>> -> memref<112xi32, #tpu.memory_space<vmem>>
        %dma_start3A_86 = arith.constant 0 : i32
        %dma_start3A_87 = arith.constant 0 : i32
        %dma_start3A_88 = tpu.memref_slice %arg6[%dma_start3A_86, %dma_start3A_87] : memref<10000x128xf32, #tpu.memory_space<hbm>> -> memref<10000x128xf32, #tpu.memory_space<hbm>>
        tpu.enqueue_indirect_dma source(%dma_start3A_88 : memref<10000x128xf32, #tpu.memory_space<hbm>>) target(%arg13 : memref<112x128xf32, #tpu.memory_space<vmem>>) offsets(%dma_start3A_85 : memref<112xi32, #tpu.memory_space<vmem>>) semaphore(%arg17 : memref<!tpu.dma_semaphore, #tpu.memory_space<semaphore_mem>>)
        %rem3A_89 = arith.constant 2 : i32
        %rem3A_90 = arith.remsi %scan3A_56, %rem3A_89 : i32
        %mul3A_91 = arith.constant 336 : i32
        %mul3A_92 = arith.muli %rem3A_90, %mul3A_91 : i32
        %add3A_93 = arith.constant 0 : i32
        %add3A_94 = arith.addi %mul3A_92, %add3A_93 : i32
        %multiple_of3A_95 = tpu.assume_multiple %add3A_94, 8 : i32
        %dma_start3A_96 = tpu.memref_slice %arg10[%multiple_of3A_95] : memref<672xi32, #tpu.memory_space<vmem>> -> memref<112xi32, #tpu.memory_space<vmem>>
        %dma_start3A_97 = arith.constant 0 : i32
        %dma_start3A_98 = arith.constant 0 : i32
        %dma_start3A_99 = tpu.memref_slice %arg14[%dma_start3A_97, %dma_start3A_98] : memref<10112x128xf32, #tpu.memory_space<vmem_shared>> -> memref<10112x128xf32, #tpu.memory_space<vmem_shared>>
        tpu.enqueue_indirect_dma source(%arg11 : memref<112x128xf32, #tpu.memory_space<vmem>>) target(%dma_start3A_99 : memref<10112x128xf32, #tpu.memory_space<vmem_shared>>) offsets(%dma_start3A_96 : memref<112xi32, #tpu.memory_space<vmem>>) semaphore(%arg18 : memref<!tpu.dma_semaphore, #tpu.memory_space<semaphore_mem>>) {add = true}
        %rem3A_100 = arith.constant 2 : i32
        %rem3A_101 = arith.remsi %scan3A_56, %rem3A_100 : i32
        %mul3A_102 = arith.constant 336 : i32
        %mul3A_103 = arith.muli %rem3A_101, %mul3A_102 : i32
        %add3A_104 = arith.constant 112 : i32
        %add3A_105 = arith.addi %mul3A_103, %add3A_104 : i32
        %multiple_of3A_106 = tpu.assume_multiple %add3A_105, 8 : i32
        %dma_wait3A_107 = tpu.memref_slice %arg9[%multiple_of3A_106] : memref<672xi32, #tpu.memory_space<vmem>> -> memref<112xi32, #tpu.memory_space<vmem>>
        %dma_wait3A_108 = arith.constant 0 : i32
        %dma_wait3A_109 = arith.constant 0 : i32
        %dma_wait3A_110 = tpu.memref_slice %arg6[%dma_wait3A_108, %dma_wait3A_109] : memref<10000x128xf32, #tpu.memory_space<hbm>> -> memref<10000x128xf32, #tpu.memory_space<hbm>>
        tpu.wait_indirect_dma semaphore(%arg16 : memref<!tpu.dma_semaphore, #tpu.memory_space<semaphore_mem>>) src(%dma_wait3A_110 : memref<10000x128xf32, #tpu.memory_space<hbm>>) dst(%arg12 : memref<112x128xf32, #tpu.memory_space<vmem>>)
        %rem3A_111 = arith.constant 2 : i32
        %rem3A_112 = arith.remsi %scan3A_56, %rem3A_111 : i32
        %mul3A_113 = arith.constant 336 : i32
        %mul3A_114 = arith.muli %rem3A_112, %mul3A_113 : i32
        %add3A_115 = arith.constant 0 : i32
        %add3A_116 = arith.addi %mul3A_114, %add3A_115 : i32
        %multiple_of3A_117 = tpu.assume_multiple %add3A_116, 8 : i32
        %dma_wait3A_118 = tpu.memref_slice %arg10[%multiple_of3A_117] : memref<672xi32, #tpu.memory_space<vmem>> -> memref<112xi32, #tpu.memory_space<vmem>>
        %dma_wait3A_119 = arith.constant 0 : i32
        %dma_wait3A_120 = arith.constant 0 : i32
        %dma_wait3A_121 = tpu.memref_slice %arg14[%dma_wait3A_119, %dma_wait3A_120] : memref<10112x128xf32, #tpu.memory_space<vmem_shared>> -> memref<10112x128xf32, #tpu.memory_space<vmem_shared>>
        tpu.wait_indirect_dma semaphore(%arg18 : memref<!tpu.dma_semaphore, #tpu.memory_space<semaphore_mem>>) src(%arg11 : memref<112x128xf32, #tpu.memory_space<vmem>>) dst(%dma_wait3A_121 : memref<10112x128xf32, #tpu.memory_space<vmem_shared>>)
        %add3A_122 = arith.constant 1 : i32
        %add3A_123 = arith.addi %scan3A_56, %add3A_122 : i32
        %lt3A_124 = arith.constant 30 : i32
        %lt3A_125 = arith.cmpi slt, %add3A_123, %lt3A_124 : i32
        %convert_element_type3A_126 = arith.extui %lt3A_125 : i1 to i32
        %cond3A_127 = arith.constant 0 : i32
        %cond3A_128 = arith.cmpi ne, %convert_element_type3A_126, %cond3A_127 : i32
        scf.if %cond3A_128 {
          %add3A_180 = arith.constant 1 : i32
          %add3A_181 = arith.addi %scan3A_56, %add3A_180 : i32
          %mul3A_182 = arith.constant 336 : i32
          %mul3A_183 = arith.muli %add3A_181, %mul3A_182 : i32
          %add3A_184 = arith.addi %mul3A_0, %mul3A_183 : i32
          %multiple_of3A_185 = tpu.assume_multiple %add3A_184, 8 : i32
          %rem3A_186 = arith.constant 2 : i32
          %rem3A_187 = arith.remsi %add3A_181, %rem3A_186 : i32
          %mul3A_188 = arith.constant 336 : i32
          %mul3A_189 = arith.muli %rem3A_187, %mul3A_188 : i32
          %multiple_of3A_190 = tpu.assume_multiple %mul3A_189, 8 : i32
          %dma_wait3A_191 = tpu.memref_slice %arg9[%multiple_of3A_190] : memref<672xi32, #tpu.memory_space<vmem>> -> memref<336xi32, #tpu.memory_space<vmem>>
          %dma_wait3A_192 = tpu.memref_slice %arg2[%multiple_of3A_185] : memref<161280xi32, #tpu.memory_space<hbm>> -> memref<336xi32, #tpu.memory_space<hbm>>
          %dma_wait3A_193 = tpu.memref_slice %arg9[%multiple_of3A_190] : memref<672xi32, #tpu.memory_space<vmem>> -> memref<336xi32, #tpu.memory_space<vmem>>
          %dma_wait3A_194 = tpu.memref_slice %arg2[%multiple_of3A_185] : memref<161280xi32, #tpu.memory_space<hbm>> -> memref<336xi32, #tpu.memory_space<hbm>>
          tpu.wait_dma2 semaphore(%arg19 : memref<!tpu.dma_semaphore, #tpu.memory_space<semaphore_mem>>) src(%dma_wait3A_194 : memref<336xi32, #tpu.memory_space<hbm>>) dst(%dma_wait3A_193 : memref<336xi32, #tpu.memory_space<vmem>>)
          %dma_wait3A_195 = tpu.memref_slice %arg10[%multiple_of3A_190] : memref<672xi32, #tpu.memory_space<vmem>> -> memref<336xi32, #tpu.memory_space<vmem>>
          %dma_wait3A_196 = tpu.memref_slice %arg3[%multiple_of3A_185] : memref<161280xi32, #tpu.memory_space<hbm>> -> memref<336xi32, #tpu.memory_space<hbm>>
          %dma_wait3A_197 = tpu.memref_slice %arg10[%multiple_of3A_190] : memref<672xi32, #tpu.memory_space<vmem>> -> memref<336xi32, #tpu.memory_space<vmem>>
          %dma_wait3A_198 = tpu.memref_slice %arg3[%multiple_of3A_185] : memref<161280xi32, #tpu.memory_space<hbm>> -> memref<336xi32, #tpu.memory_space<hbm>>
          tpu.wait_dma2 semaphore(%arg19 : memref<!tpu.dma_semaphore, #tpu.memory_space<semaphore_mem>>) src(%dma_wait3A_198 : memref<336xi32, #tpu.memory_space<hbm>>) dst(%dma_wait3A_197 : memref<336xi32, #tpu.memory_space<vmem>>)
          %add3A_199 = arith.constant 1 : i32
          %add3A_200 = arith.addi %scan3A_56, %add3A_199 : i32
          %rem3A_201 = arith.constant 2 : i32
          %rem3A_202 = arith.remsi %add3A_200, %rem3A_201 : i32
          %mul3A_203 = arith.constant 336 : i32
          %mul3A_204 = arith.muli %rem3A_202, %mul3A_203 : i32
          %add3A_205 = arith.constant 0 : i32
          %add3A_206 = arith.addi %mul3A_204, %add3A_205 : i32
          %multiple_of3A_207 = tpu.assume_multiple %add3A_206, 8 : i32
          %dma_start3A_208 = tpu.memref_slice %arg9[%multiple_of3A_207] : memref<672xi32, #tpu.memory_space<vmem>> -> memref<112xi32, #tpu.memory_space<vmem>>
          %dma_start3A_209 = arith.constant 0 : i32
          %dma_start3A_210 = arith.constant 0 : i32
          %dma_start3A_211 = tpu.memref_slice %arg6[%dma_start3A_209, %dma_start3A_210] : memref<10000x128xf32, #tpu.memory_space<hbm>> -> memref<10000x128xf32, #tpu.memory_space<hbm>>
          tpu.enqueue_indirect_dma source(%dma_start3A_211 : memref<10000x128xf32, #tpu.memory_space<hbm>>) target(%arg11 : memref<112x128xf32, #tpu.memory_space<vmem>>) offsets(%dma_start3A_208 : memref<112xi32, #tpu.memory_space<vmem>>) semaphore(%arg15 : memref<!tpu.dma_semaphore, #tpu.memory_space<semaphore_mem>>)
        } else {
        }
        %rem3A_129 = arith.constant 2 : i32
        %rem3A_130 = arith.remsi %scan3A_56, %rem3A_129 : i32
        %mul3A_131 = arith.constant 336 : i32
        %mul3A_132 = arith.muli %rem3A_130, %mul3A_131 : i32
        %add3A_133 = arith.constant 112 : i32
        %add3A_134 = arith.addi %mul3A_132, %add3A_133 : i32
        %multiple_of3A_135 = tpu.assume_multiple %add3A_134, 8 : i32
        %dma_start3A_136 = tpu.memref_slice %arg10[%multiple_of3A_135] : memref<672xi32, #tpu.memory_space<vmem>> -> memref<112xi32, #tpu.memory_space<vmem>>
        %dma_start3A_137 = arith.constant 0 : i32
        %dma_start3A_138 = arith.constant 0 : i32
        %dma_start3A_139 = tpu.memref_slice %arg14[%dma_start3A_137, %dma_start3A_138] : memref<10112x128xf32, #tpu.memory_space<vmem_shared>> -> memref<10112x128xf32, #tpu.memory_space<vmem_shared>>
        tpu.enqueue_indirect_dma source(%arg12 : memref<112x128xf32, #tpu.memory_space<vmem>>) target(%dma_start3A_139 : memref<10112x128xf32, #tpu.memory_space<vmem_shared>>) offsets(%dma_start3A_136 : memref<112xi32, #tpu.memory_space<vmem>>) semaphore(%arg18 : memref<!tpu.dma_semaphore, #tpu.memory_space<semaphore_mem>>) {add = true}
        %rem3A_140 = arith.constant 2 : i32
        %rem3A_141 = arith.remsi %scan3A_56, %rem3A_140 : i32
        %mul3A_142 = arith.constant 336 : i32
        %mul3A_143 = arith.muli %rem3A_141, %mul3A_142 : i32
        %add3A_144 = arith.constant 224 : i32
        %add3A_145 = arith.addi %mul3A_143, %add3A_144 : i32
        %multiple_of3A_146 = tpu.assume_multiple %add3A_145, 8 : i32
        %dma_wait3A_147 = tpu.memref_slice %arg9[%multiple_of3A_146] : memref<672xi32, #tpu.memory_space<vmem>> -> memref<112xi32, #tpu.memory_space<vmem>>
        %dma_wait3A_148 = arith.constant 0 : i32
        %dma_wait3A_149 = arith.constant 0 : i32
        %dma_wait3A_150 = tpu.memref_slice %arg6[%dma_wait3A_148, %dma_wait3A_149] : memref<10000x128xf32, #tpu.memory_space<hbm>> -> memref<10000x128xf32, #tpu.memory_space<hbm>>
        tpu.wait_indirect_dma semaphore(%arg17 : memref<!tpu.dma_semaphore, #tpu.memory_space<semaphore_mem>>) src(%dma_wait3A_150 : memref<10000x128xf32, #tpu.memory_space<hbm>>) dst(%arg13 : memref<112x128xf32, #tpu.memory_space<vmem>>)
        %rem3A_151 = arith.constant 2 : i32
        %rem3A_152 = arith.remsi %scan3A_56, %rem3A_151 : i32
        %mul3A_153 = arith.constant 336 : i32
        %mul3A_154 = arith.muli %rem3A_152, %mul3A_153 : i32
        %add3A_155 = arith.constant 112 : i32
        %add3A_156 = arith.addi %mul3A_154, %add3A_155 : i32
        %multiple_of3A_157 = tpu.assume_multiple %add3A_156, 8 : i32
        %dma_wait3A_158 = tpu.memref_slice %arg10[%multiple_of3A_157] : memref<672xi32, #tpu.memory_space<vmem>> -> memref<112xi32, #tpu.memory_space<vmem>>
        %dma_wait3A_159 = arith.constant 0 : i32
        %dma_wait3A_160 = arith.constant 0 : i32
        %dma_wait3A_161 = tpu.memref_slice %arg14[%dma_wait3A_159, %dma_wait3A_160] : memref<10112x128xf32, #tpu.memory_space<vmem_shared>> -> memref<10112x128xf32, #tpu.memory_space<vmem_shared>>
        tpu.wait_indirect_dma semaphore(%arg18 : memref<!tpu.dma_semaphore, #tpu.memory_space<semaphore_mem>>) src(%arg12 : memref<112x128xf32, #tpu.memory_space<vmem>>) dst(%dma_wait3A_161 : memref<10112x128xf32, #tpu.memory_space<vmem_shared>>)
        %add3A_162 = arith.constant 1 : i32
        %add3A_163 = arith.addi %scan3A_56, %add3A_162 : i32
        %lt3A_164 = arith.constant 30 : i32
        %lt3A_165 = arith.cmpi slt, %add3A_163, %lt3A_164 : i32
        %convert_element_type3A_166 = arith.extui %lt3A_165 : i1 to i32
        %cond3A_167 = arith.constant 0 : i32
        %cond3A_168 = arith.cmpi ne, %convert_element_type3A_166, %cond3A_167 : i32
        scf.if %cond3A_168 {
          %add3A_180 = arith.constant 1 : i32
          %add3A_181 = arith.addi %scan3A_56, %add3A_180 : i32
          %rem3A_182 = arith.constant 2 : i32
          %rem3A_183 = arith.remsi %add3A_181, %rem3A_182 : i32
          %mul3A_184 = arith.constant 336 : i32
          %mul3A_185 = arith.muli %rem3A_183, %mul3A_184 : i32
          %add3A_186 = arith.constant 112 : i32
          %add3A_187 = arith.addi %mul3A_185, %add3A_186 : i32
          %multiple_of3A_188 = tpu.assume_multiple %add3A_187, 8 : i32
          %dma_start3A_189 = tpu.memref_slice %arg9[%multiple_of3A_188] : memref<672xi32, #tpu.memory_space<vmem>> -> memref<112xi32, #tpu.memory_space<vmem>>
          %dma_start3A_190 = arith.constant 0 : i32
          %dma_start3A_191 = arith.constant 0 : i32
          %dma_start3A_192 = tpu.memref_slice %arg6[%dma_start3A_190, %dma_start3A_191] : memref<10000x128xf32, #tpu.memory_space<hbm>> -> memref<10000x128xf32, #tpu.memory_space<hbm>>
          tpu.enqueue_indirect_dma source(%dma_start3A_192 : memref<10000x128xf32, #tpu.memory_space<hbm>>) target(%arg12 : memref<112x128xf32, #tpu.memory_space<vmem>>) offsets(%dma_start3A_189 : memref<112xi32, #tpu.memory_space<vmem>>) semaphore(%arg16 : memref<!tpu.dma_semaphore, #tpu.memory_space<semaphore_mem>>)
        } else {
        }
        %rem3A_169 = arith.constant 2 : i32
        %rem3A_170 = arith.remsi %scan3A_56, %rem3A_169 : i32
        %mul3A_171 = arith.constant 336 : i32
        %mul3A_172 = arith.muli %rem3A_170, %mul3A_171 : i32
        %add3A_173 = arith.constant 224 : i32
        %add3A_174 = arith.addi %mul3A_172, %add3A_173 : i32
        %multiple_of3A_175 = tpu.assume_multiple %add3A_174, 8 : i32
        %dma_start3A_176 = tpu.memref_slice %arg10[%multiple_of3A_175] : memref<672xi32, #tpu.memory_space<vmem>> -> memref<112xi32, #tpu.memory_space<vmem>>
        %dma_start3A_177 = arith.constant 0 : i32
        %dma_start3A_178 = arith.constant 0 : i32
        %dma_start3A_179 = tpu.memref_slice %arg14[%dma_start3A_177, %dma_start3A_178] : memref<10112x128xf32, #tpu.memory_space<vmem_shared>> -> memref<10112x128xf32, #tpu.memory_space<vmem_shared>>
        tpu.enqueue_indirect_dma source(%arg13 : memref<112x128xf32, #tpu.memory_space<vmem>>) target(%dma_start3A_179 : memref<10112x128xf32, #tpu.memory_space<vmem_shared>>) offsets(%dma_start3A_176 : memref<112xi32, #tpu.memory_space<vmem>>) semaphore(%arg18 : memref<!tpu.dma_semaphore, #tpu.memory_space<semaphore_mem>>) {add = true}
      }
      %scan3A_44 = arith.constant 30 : i32
      %rem3A_45 = arith.constant 29 : i32
      %rem3A_46 = arith.constant 2 : i32
      %rem3A_47 = arith.remsi %rem3A_45, %rem3A_46 : i32
      %mul3A_48 = arith.constant 336 : i32
      %mul3A_49 = arith.muli %rem3A_47, %mul3A_48 : i32
      %add3A_50 = arith.constant 224 : i32
      %add3A_51 = arith.addi %mul3A_49, %add3A_50 : i32
      %multiple_of3A_52 = tpu.assume_multiple %add3A_51, 8 : i32
      %dma_wait3A = tpu.memref_slice %arg10[%multiple_of3A_52] : memref<672xi32, #tpu.memory_space<vmem>> -> memref<112xi32, #tpu.memory_space<vmem>>
      %dma_wait3A_53 = arith.constant 0 : i32
      %dma_wait3A_54 = arith.constant 0 : i32
      %dma_wait3A_55 = tpu.memref_slice %arg14[%dma_wait3A_53, %dma_wait3A_54] : memref<10112x128xf32, #tpu.memory_space<vmem_shared>> -> memref<10112x128xf32, #tpu.memory_space<vmem_shared>>
      tpu.wait_indirect_dma semaphore(%arg18 : memref<!tpu.dma_semaphore, #tpu.memory_space<semaphore_mem>>) src(%arg13 : memref<112x128xf32, #tpu.memory_space<vmem>>) dst(%dma_wait3A_55 : memref<10112x128xf32, #tpu.memory_space<vmem_shared>>)
    } else {
    }
    %barrier3A_10 = arith.constant 0 : index
    tpu.barrier barrier_id(%barrier3A_10)
    %eq3A_11 = arith.constant 0 : i32
    %eq3A_12 = arith.cmpi eq, %arg0, %eq3A_11 : i32
    %convert_element_type3A_13 = arith.extui %eq3A_12 : i1 to i32
    %cond3A_14 = arith.constant 0 : i32
    %cond3A_15 = arith.cmpi ne, %convert_element_type3A_13, %cond3A_14 : i32
    scf.if %cond3A_15 {
      %lt3A = arith.constant 15 : i32
      %lt3A_21 = arith.cmpi slt, %arg1, %lt3A : i32
      %convert_element_type3A_22 = arith.extui %lt3A_21 : i1 to i32
      %cond3A_23 = arith.constant 0 : i32
      %cond3A_24 = arith.cmpi ne, %convert_element_type3A_22, %cond3A_23 : i32
      scf.if %cond3A_24 {
        %mul3A_30 = arith.constant 632 : i32
        %mul3A_31 = arith.muli %arg1, %mul3A_30 : i32
        %mul3A_32 = arith.constant 632 : i32
        %mul3A_33 = arith.muli %arg1, %mul3A_32 : i32
        "tpu.region"() ({
          %run_scoped3A = tpu.sem_alloc : memref<!tpu.dma_semaphore, #tpu.memory_space<semaphore_mem>>
          %dma_start3A = arith.constant 0 : i32
          %dma_start3A_34 = tpu.memref_slice %arg7[%mul3A_33, %dma_start3A] : memref<10000x128xf32, #tpu.memory_space<hbm>> -> memref<632x128xf32, #tpu.memory_space<hbm>>
          %dma_start3A_35 = arith.constant 0 : i32
          %dma_start3A_36 = tpu.memref_slice %arg14[%mul3A_31, %dma_start3A_35] : memref<10112x128xf32, #tpu.memory_space<vmem_shared>> -> memref<632x128xf32, #tpu.memory_space<vmem_shared>>
          tpu.enqueue_dma source(%dma_start3A_36 : memref<632x128xf32, #tpu.memory_space<vmem_shared>>) target(%dma_start3A_34 : memref<632x128xf32, #tpu.memory_space<hbm>>) target_semaphore(%run_scoped3A : memref<!tpu.dma_semaphore, #tpu.memory_space<semaphore_mem>>)
          %dma_wait3A = arith.constant 0 : i32
          %dma_wait3A_37 = tpu.memref_slice %arg7[%mul3A_33, %dma_wait3A] : memref<10000x128xf32, #tpu.memory_space<hbm>> -> memref<632x128xf32, #tpu.memory_space<hbm>>
          %dma_wait3A_38 = arith.constant 0 : i32
          %dma_wait3A_39 = tpu.memref_slice %arg14[%mul3A_31, %dma_wait3A_38] : memref<10112x128xf32, #tpu.memory_space<vmem_shared>> -> memref<632x128xf32, #tpu.memory_space<vmem_shared>>
          tpu.wait_dma2 semaphore(%run_scoped3A : memref<!tpu.dma_semaphore, #tpu.memory_space<semaphore_mem>>) src(%dma_wait3A_39 : memref<632x128xf32, #tpu.memory_space<vmem_shared>>) dst(%dma_wait3A_37 : memref<632x128xf32, #tpu.memory_space<hbm>>)
          tpu.yield
        }) : () -> ()
      } else {
      }
      %eq3A_25 = arith.constant 15 : i32
      %eq3A_26 = arith.cmpi eq, %arg1, %eq3A_25 : i32
      %convert_element_type3A_27 = arith.extui %eq3A_26 : i1 to i32
      %cond3A_28 = arith.constant 0 : i32
      %cond3A_29 = arith.cmpi ne, %convert_element_type3A_27, %cond3A_28 : i32
      scf.if %cond3A_29 {
        "tpu.region"() ({
          %run_scoped3A = tpu.sem_alloc : memref<!tpu.dma_semaphore, #tpu.memory_space<semaphore_mem>>
          %dma_start3A = arith.constant 9480 : i32
          %dma_start3A_30 = arith.constant 0 : i32
          %dma_start3A_31 = tpu.memref_slice %arg7[%dma_start3A, %dma_start3A_30] : memref<10000x128xf32, #tpu.memory_space<hbm>> -> memref<520x128xf32, #tpu.memory_space<hbm>>
          %dma_start3A_32 = arith.constant 9480 : i32
          %dma_start3A_33 = arith.constant 0 : i32
          %dma_start3A_34 = tpu.memref_slice %arg14[%dma_start3A_32, %dma_start3A_33] : memref<10112x128xf32, #tpu.memory_space<vmem_shared>> -> memref<520x128xf32, #tpu.memory_space<vmem_shared>>
          tpu.enqueue_dma source(%dma_start3A_34 : memref<520x128xf32, #tpu.memory_space<vmem_shared>>) target(%dma_start3A_31 : memref<520x128xf32, #tpu.memory_space<hbm>>) target_semaphore(%run_scoped3A : memref<!tpu.dma_semaphore, #tpu.memory_space<semaphore_mem>>)
          %dma_wait3A = arith.constant 9480 : i32
          %dma_wait3A_35 = arith.constant 0 : i32
          %dma_wait3A_36 = tpu.memref_slice %arg7[%dma_wait3A, %dma_wait3A_35] : memref<10000x128xf32, #tpu.memory_space<hbm>> -> memref<520x128xf32, #tpu.memory_space<hbm>>
          %dma_wait3A_37 = arith.constant 9480 : i32
          %dma_wait3A_38 = arith.constant 0 : i32
          %dma_wait3A_39 = tpu.memref_slice %arg14[%dma_wait3A_37, %dma_wait3A_38] : memref<10112x128xf32, #tpu.memory_space<vmem_shared>> -> memref<520x128xf32, #tpu.memory_space<vmem_shared>>
          tpu.wait_dma2 semaphore(%run_scoped3A : memref<!tpu.dma_semaphore, #tpu.memory_space<semaphore_mem>>) src(%dma_wait3A_39 : memref<520x128xf32, #tpu.memory_space<vmem_shared>>) dst(%dma_wait3A_36 : memref<520x128xf32, #tpu.memory_space<hbm>>)
          tpu.yield
        }) : () -> ()
      } else {
      }
    } else {
    }
    %eq3A_16 = arith.constant 1 : i32
    %eq3A_17 = arith.cmpi eq, %arg0, %eq3A_16 : i32
    %convert_element_type3A_18 = arith.extui %eq3A_17 : i1 to i32
    %cond3A_19 = arith.constant 0 : i32
    %cond3A_20 = arith.cmpi ne, %convert_element_type3A_18, %cond3A_19 : i32
    scf.if %cond3A_20 {
      %lt3A = arith.constant 15 : i32
      %lt3A_21 = arith.cmpi slt, %arg1, %lt3A : i32
      %convert_element_type3A_22 = arith.extui %lt3A_21 : i1 to i32
      %cond3A_23 = arith.constant 0 : i32
      %cond3A_24 = arith.cmpi ne, %convert_element_type3A_22, %cond3A_23 : i32
      scf.if %cond3A_24 {
        %mul3A_30 = arith.constant 632 : i32
        %mul3A_31 = arith.muli %arg1, %mul3A_30 : i32
        %mul3A_32 = arith.constant 632 : i32
        %mul3A_33 = arith.muli %arg1, %mul3A_32 : i32
        "tpu.region"() ({
          %run_scoped3A = tpu.sem_alloc : memref<!tpu.dma_semaphore, #tpu.memory_space<semaphore_mem>>
          %dma_start3A = arith.constant 0 : i32
          %dma_start3A_34 = tpu.memref_slice %arg8[%mul3A_33, %dma_start3A] : memref<10000x128xf32, #tpu.memory_space<hbm>> -> memref<632x128xf32, #tpu.memory_space<hbm>>
          %dma_start3A_35 = arith.constant 0 : i32
          %dma_start3A_36 = tpu.memref_slice %arg14[%mul3A_31, %dma_start3A_35] : memref<10112x128xf32, #tpu.memory_space<vmem_shared>> -> memref<632x128xf32, #tpu.memory_space<vmem_shared>>
          tpu.enqueue_dma source(%dma_start3A_36 : memref<632x128xf32, #tpu.memory_space<vmem_shared>>) target(%dma_start3A_34 : memref<632x128xf32, #tpu.memory_space<hbm>>) target_semaphore(%run_scoped3A : memref<!tpu.dma_semaphore, #tpu.memory_space<semaphore_mem>>)
          %dma_wait3A = arith.constant 0 : i32
          %dma_wait3A_37 = tpu.memref_slice %arg8[%mul3A_33, %dma_wait3A] : memref<10000x128xf32, #tpu.memory_space<hbm>> -> memref<632x128xf32, #tpu.memory_space<hbm>>
          %dma_wait3A_38 = arith.constant 0 : i32
          %dma_wait3A_39 = tpu.memref_slice %arg14[%mul3A_31, %dma_wait3A_38] : memref<10112x128xf32, #tpu.memory_space<vmem_shared>> -> memref<632x128xf32, #tpu.memory_space<vmem_shared>>
          tpu.wait_dma2 semaphore(%run_scoped3A : memref<!tpu.dma_semaphore, #tpu.memory_space<semaphore_mem>>) src(%dma_wait3A_39 : memref<632x128xf32, #tpu.memory_space<vmem_shared>>) dst(%dma_wait3A_37 : memref<632x128xf32, #tpu.memory_space<hbm>>)
          tpu.yield
        }) : () -> ()
      } else {
      }
      %eq3A_25 = arith.constant 15 : i32
      %eq3A_26 = arith.cmpi eq, %arg1, %eq3A_25 : i32
      %convert_element_type3A_27 = arith.extui %eq3A_26 : i1 to i32
      %cond3A_28 = arith.constant 0 : i32
      %cond3A_29 = arith.cmpi ne, %convert_element_type3A_27, %cond3A_28 : i32
      scf.if %cond3A_29 {
        "tpu.region"() ({
          %run_scoped3A = tpu.sem_alloc : memref<!tpu.dma_semaphore, #tpu.memory_space<semaphore_mem>>
          %dma_start3A = arith.constant 9480 : i32
          %dma_start3A_30 = arith.constant 0 : i32
          %dma_start3A_31 = tpu.memref_slice %arg8[%dma_start3A, %dma_start3A_30] : memref<10000x128xf32, #tpu.memory_space<hbm>> -> memref<520x128xf32, #tpu.memory_space<hbm>>
          %dma_start3A_32 = arith.constant 9480 : i32
          %dma_start3A_33 = arith.constant 0 : i32
          %dma_start3A_34 = tpu.memref_slice %arg14[%dma_start3A_32, %dma_start3A_33] : memref<10112x128xf32, #tpu.memory_space<vmem_shared>> -> memref<520x128xf32, #tpu.memory_space<vmem_shared>>
          tpu.enqueue_dma source(%dma_start3A_34 : memref<520x128xf32, #tpu.memory_space<vmem_shared>>) target(%dma_start3A_31 : memref<520x128xf32, #tpu.memory_space<hbm>>) target_semaphore(%run_scoped3A : memref<!tpu.dma_semaphore, #tpu.memory_space<semaphore_mem>>)
          %dma_wait3A = arith.constant 9480 : i32
          %dma_wait3A_35 = arith.constant 0 : i32
          %dma_wait3A_36 = tpu.memref_slice %arg8[%dma_wait3A, %dma_wait3A_35] : memref<10000x128xf32, #tpu.memory_space<hbm>> -> memref<520x128xf32, #tpu.memory_space<hbm>>
          %dma_wait3A_37 = arith.constant 9480 : i32
          %dma_wait3A_38 = arith.constant 0 : i32
          %dma_wait3A_39 = tpu.memref_slice %arg14[%dma_wait3A_37, %dma_wait3A_38] : memref<10112x128xf32, #tpu.memory_space<vmem_shared>> -> memref<520x128xf32, #tpu.memory_space<vmem_shared>>
          tpu.wait_dma2 semaphore(%run_scoped3A : memref<!tpu.dma_semaphore, #tpu.memory_space<semaphore_mem>>) src(%dma_wait3A_39 : memref<520x128xf32, #tpu.memory_space<vmem_shared>>) dst(%dma_wait3A_36 : memref<520x128xf32, #tpu.memory_space<hbm>>)
          tpu.yield
        }) : () -> ()
      } else {
      }
    } else {
    }
    return
  }
}

#map = affine_map<(d0, d1) -> (0)>
#map1 = affine_map<(d0, d1) -> (0, 0)>
module attributes {stable_mosaic.version = 14 : i64} {
  func.func @_segsum_body(%arg0: i32, %arg1: i32, %arg2: memref<161280xi32, #tpu.memory_space<hbm>>, %arg3: memref<161280xi32, #tpu.memory_space<hbm>>, %arg4: memref<632x128xf32, #tpu.memory_space<hbm>>, %arg5: memref<10000x128xf32, #tpu.memory_space<hbm>>, %arg6: memref<10000x128xf32, #tpu.memory_space<hbm>>, %arg7: memref<10000x128xf32, #tpu.memory_space<hbm>>, %arg8: memref<10000x128xf32, #tpu.memory_space<hbm>>, %arg9: memref<672xi32, #tpu.memory_space<vmem>>, %arg10: memref<672xi32, #tpu.memory_space<vmem>>, %arg11: memref<112x128xf32, #tpu.memory_space<vmem>>, %arg12: memref<112x128xf32, #tpu.memory_space<vmem>>, %arg13: memref<112x128xf32, #tpu.memory_space<vmem>>, %arg14: memref<10112x128xf32, #tpu.memory_space<vmem_shared>>, %arg15: memref<!tpu.dma_semaphore, #tpu.memory_space<semaphore_mem>>, %arg16: memref<!tpu.dma_semaphore, #tpu.memory_space<semaphore_mem>>, %arg17: memref<!tpu.dma_semaphore, #tpu.memory_space<semaphore_mem>>, %arg18: memref<!tpu.dma_semaphore, #tpu.memory_space<semaphore_mem>>, %arg19: memref<!tpu.dma_semaphore, #tpu.memory_space<semaphore_mem>>) attributes {dimension_semantics = [#tpu.dimension_semantics<core_parallel>, #tpu.dimension_semantics<subcore_parallel>], iteration_bounds = array<i64: 2, 16>, scalar_prefetch = 0 : i64, scratch_operands = 11 : i64, tpu.core_type = #tpu.core_type<sc_vector_subcore>, window_params = [{transform_indices = #map}, {transform_indices = #map}, {transform_indices = #map1}, {transform_indices = #map1}, {transform_indices = #map1}, {transform_indices = #map1}, {transform_indices = #map1}]} {
    %mul3A = arith.constant 10080 : i32
    %mul3A_0 = arith.muli %arg1, %mul3A : i32
    %mul3A_1 = arith.constant 632 : i32
    %mul3A_2 = arith.muli %arg1, %mul3A_1 : i32
    "tpu.region"() ({
      %run_scoped3A = tpu.sem_alloc : memref<!tpu.dma_semaphore, #tpu.memory_space<semaphore_mem>>
      %dma_start3A = arith.constant 0 : i32
      %dma_start3A_21 = tpu.memref_slice %arg14[%mul3A_2, %dma_start3A] : memref<10112x128xf32, #tpu.memory_space<vmem_shared>> -> memref<632x128xf32, #tpu.memory_space<vmem_shared>>
      tpu.enqueue_dma source(%arg4 : memref<632x128xf32, #tpu.memory_space<hbm>>) target(%dma_start3A_21 : memref<632x128xf32, #tpu.memory_space<vmem_shared>>) target_semaphore(%run_scoped3A : memref<!tpu.dma_semaphore, #tpu.memory_space<semaphore_mem>>)
      %dma_wait3A = arith.constant 0 : i32
      %dma_wait3A_22 = tpu.memref_slice %arg14[%mul3A_2, %dma_wait3A] : memref<10112x128xf32, #tpu.memory_space<vmem_shared>> -> memref<632x128xf32, #tpu.memory_space<vmem_shared>>
      tpu.wait_dma2 semaphore(%run_scoped3A : memref<!tpu.dma_semaphore, #tpu.memory_space<semaphore_mem>>) src(%arg4 : memref<632x128xf32, #tpu.memory_space<hbm>>) dst(%dma_wait3A_22 : memref<632x128xf32, #tpu.memory_space<vmem_shared>>)
      tpu.yield
    }) : () -> ()
    "tpu.region"() ({
      %run_scoped3A = tpu.sem_alloc : memref<!tpu.dma_semaphore, #tpu.memory_space<semaphore_mem>>
      %dma_start3A = arith.constant 0 : i32
      %dma_start3A_21 = tpu.memref_slice %arg9[%dma_start3A] : memref<672xi32, #tpu.memory_space<vmem>> -> memref<336xi32, #tpu.memory_space<vmem>>
      %dma_start3A_22 = tpu.memref_slice %arg2[%mul3A_0] : memref<161280xi32, #tpu.memory_space<hbm>> -> memref<336xi32, #tpu.memory_space<hbm>>
      %dma_start3A_23 = arith.constant 0 : i32
      %dma_start3A_24 = tpu.memref_slice %arg9[%dma_start3A_23] : memref<672xi32, #tpu.memory_space<vmem>> -> memref<336xi32, #tpu.memory_space<vmem>>
      %dma_start3A_25 = tpu.memref_slice %arg2[%mul3A_0] : memref<161280xi32, #tpu.memory_space<hbm>> -> memref<336xi32, #tpu.memory_space<hbm>>
      tpu.enqueue_dma source(%dma_start3A_25 : memref<336xi32, #tpu.memory_space<hbm>>) target(%dma_start3A_24 : memref<336xi32, #tpu.memory_space<vmem>>) target_semaphore(%run_scoped3A : memref<!tpu.dma_semaphore, #tpu.memory_space<semaphore_mem>>)
      %dma_wait3A = arith.constant 0 : i32
      %dma_wait3A_26 = tpu.memref_slice %arg9[%dma_wait3A] : memref<672xi32, #tpu.memory_space<vmem>> -> memref<336xi32, #tpu.memory_space<vmem>>
      %dma_wait3A_27 = tpu.memref_slice %arg2[%mul3A_0] : memref<161280xi32, #tpu.memory_space<hbm>> -> memref<336xi32, #tpu.memory_space<hbm>>
      %dma_wait3A_28 = arith.constant 0 : i32
      %dma_wait3A_29 = tpu.memref_slice %arg9[%dma_wait3A_28] : memref<672xi32, #tpu.memory_space<vmem>> -> memref<336xi32, #tpu.memory_space<vmem>>
      %dma_wait3A_30 = tpu.memref_slice %arg2[%mul3A_0] : memref<161280xi32, #tpu.memory_space<hbm>> -> memref<336xi32, #tpu.memory_space<hbm>>
      tpu.wait_dma2 semaphore(%run_scoped3A : memref<!tpu.dma_semaphore, #tpu.memory_space<semaphore_mem>>) src(%dma_wait3A_30 : memref<336xi32, #tpu.memory_space<hbm>>) dst(%dma_wait3A_29 : memref<336xi32, #tpu.memory_space<vmem>>)
      tpu.yield
    }) : () -> ()
    "tpu.region"() ({
      %run_scoped3A = tpu.sem_alloc : memref<!tpu.dma_semaphore, #tpu.memory_space<semaphore_mem>>
      %dma_start3A = arith.constant 0 : i32
      %dma_start3A_21 = tpu.memref_slice %arg10[%dma_start3A] : memref<672xi32, #tpu.memory_space<vmem>> -> memref<336xi32, #tpu.memory_space<vmem>>
      %dma_start3A_22 = tpu.memref_slice %arg3[%mul3A_0] : memref<161280xi32, #tpu.memory_space<hbm>> -> memref<336xi32, #tpu.memory_space<hbm>>
      %dma_start3A_23 = arith.constant 0 : i32
      %dma_start3A_24 = tpu.memref_slice %arg10[%dma_start3A_23] : memref<672xi32, #tpu.memory_space<vmem>> -> memref<336xi32, #tpu.memory_space<vmem>>
      %dma_start3A_25 = tpu.memref_slice %arg3[%mul3A_0] : memref<161280xi32, #tpu.memory_space<hbm>> -> memref<336xi32, #tpu.memory_space<hbm>>
      tpu.enqueue_dma source(%dma_start3A_25 : memref<336xi32, #tpu.memory_space<hbm>>) target(%dma_start3A_24 : memref<336xi32, #tpu.memory_space<vmem>>) target_semaphore(%run_scoped3A : memref<!tpu.dma_semaphore, #tpu.memory_space<semaphore_mem>>)
      %dma_wait3A = arith.constant 0 : i32
      %dma_wait3A_26 = tpu.memref_slice %arg10[%dma_wait3A] : memref<672xi32, #tpu.memory_space<vmem>> -> memref<336xi32, #tpu.memory_space<vmem>>
      %dma_wait3A_27 = tpu.memref_slice %arg3[%mul3A_0] : memref<161280xi32, #tpu.memory_space<hbm>> -> memref<336xi32, #tpu.memory_space<hbm>>
      %dma_wait3A_28 = arith.constant 0 : i32
      %dma_wait3A_29 = tpu.memref_slice %arg10[%dma_wait3A_28] : memref<672xi32, #tpu.memory_space<vmem>> -> memref<336xi32, #tpu.memory_space<vmem>>
      %dma_wait3A_30 = tpu.memref_slice %arg3[%mul3A_0] : memref<161280xi32, #tpu.memory_space<hbm>> -> memref<336xi32, #tpu.memory_space<hbm>>
      tpu.wait_dma2 semaphore(%run_scoped3A : memref<!tpu.dma_semaphore, #tpu.memory_space<semaphore_mem>>) src(%dma_wait3A_30 : memref<336xi32, #tpu.memory_space<hbm>>) dst(%dma_wait3A_29 : memref<336xi32, #tpu.memory_space<vmem>>)
      tpu.yield
    }) : () -> ()
    %barrier3A = arith.constant 0 : index
    tpu.barrier barrier_id(%barrier3A)
    %eq3A = arith.constant 0 : i32
    %eq3A_3 = arith.cmpi eq, %arg0, %eq3A : i32
    %convert_element_type3A = arith.extui %eq3A_3 : i1 to i32
    %cond3A = arith.constant 0 : i32
    %cond3A_4 = arith.cmpi ne, %convert_element_type3A, %cond3A : i32
    scf.if %cond3A_4 {
      %rem3A = arith.constant 0 : i32
      %rem3A_21 = arith.constant 2 : i32
      %rem3A_22 = arith.remsi %rem3A, %rem3A_21 : i32
      %mul3A_23 = arith.constant 336 : i32
      %mul3A_24 = arith.muli %rem3A_22, %mul3A_23 : i32
      %add3A = arith.constant 0 : i32
      %add3A_25 = arith.addi %mul3A_24, %add3A : i32
      %multiple_of3A = tpu.assume_multiple %add3A_25, 8 : i32
      %dma_start3A = tpu.memref_slice %arg9[%multiple_of3A] : memref<672xi32, #tpu.memory_space<vmem>> -> memref<112xi32, #tpu.memory_space<vmem>>
      %dma_start3A_26 = arith.constant 0 : i32
      %dma_start3A_27 = arith.constant 0 : i32
      %dma_start3A_28 = tpu.memref_slice %arg5[%dma_start3A_26, %dma_start3A_27] : memref<10000x128xf32, #tpu.memory_space<hbm>> -> memref<10000x128xf32, #tpu.memory_space<hbm>>
      tpu.enqueue_indirect_dma source(%dma_start3A_28 : memref<10000x128xf32, #tpu.memory_space<hbm>>) target(%arg11 : memref<112x128xf32, #tpu.memory_space<vmem>>) offsets(%dma_start3A : memref<112xi32, #tpu.memory_space<vmem>>) semaphore(%arg15 : memref<!tpu.dma_semaphore, #tpu.memory_space<semaphore_mem>>)
      %rem3A_29 = arith.constant 0 : i32
      %rem3A_30 = arith.constant 2 : i32
      %rem3A_31 = arith.remsi %rem3A_29, %rem3A_30 : i32
      %mul3A_32 = arith.constant 336 : i32
      %mul3A_33 = arith.muli %rem3A_31, %mul3A_32 : i32
      %add3A_34 = arith.constant 112 : i32
      %add3A_35 = arith.addi %mul3A_33, %add3A_34 : i32
      %multiple_of3A_36 = tpu.assume_multiple %add3A_35, 8 : i32
      %dma_start3A_37 = tpu.memref_slice %arg9[%multiple_of3A_36] : memref<672xi32, #tpu.memory_space<vmem>> -> memref<112xi32, #tpu.memory_space<vmem>>
      %dma_start3A_38 = arith.constant 0 : i32
      %dma_start3A_39 = arith.constant 0 : i32
      %dma_start3A_40 = tpu.memref_slice %arg5[%dma_start3A_38, %dma_start3A_39] : memref<10000x128xf32, #tpu.memory_space<hbm>> -> memref<10000x128xf32, #tpu.memory_space<hbm>>
      tpu.enqueue_indirect_dma source(%dma_start3A_40 : memref<10000x128xf32, #tpu.memory_space<hbm>>) target(%arg12 : memref<112x128xf32, #tpu.memory_space<vmem>>) offsets(%dma_start3A_37 : memref<112xi32, #tpu.memory_space<vmem>>) semaphore(%arg16 : memref<!tpu.dma_semaphore, #tpu.memory_space<semaphore_mem>>)
      %scan3A = arith.constant 0 : i32
      %scan3A_41 = arith.constant 30 : i32
      %scan3A_42 = arith.addi %scan3A, %scan3A_41 : i32
      %scan3A_43 = arith.constant 1 : i32
      scf.for %scan3A_56 = %scan3A to %scan3A_42 step %scan3A_43  : i32 {
        %rem3A_57 = arith.constant 2 : i32
        %rem3A_58 = arith.remsi %scan3A_56, %rem3A_57 : i32
        %mul3A_59 = arith.constant 336 : i32
        %mul3A_60 = arith.muli %rem3A_58, %mul3A_59 : i32
        %add3A_61 = arith.constant 0 : i32
        %add3A_62 = arith.addi %mul3A_60, %add3A_61 : i32
        %multiple_of3A_63 = tpu.assume_multiple %add3A_62, 8 : i32
        %dma_wait3A_64 = tpu.memref_slice %arg9[%multiple_of3A_63] : memref<672xi32, #tpu.memory_space<vmem>> -> memref<112xi32, #tpu.memory_space<vmem>>
        %dma_wait3A_65 = arith.constant 0 : i32
        %dma_wait3A_66 = arith.constant 0 : i32
        %dma_wait3A_67 = tpu.memref_slice %arg5[%dma_wait3A_65, %dma_wait3A_66] : memref<10000x128xf32, #tpu.memory_space<hbm>> -> memref<10000x128xf32, #tpu.memory_space<hbm>>
        tpu.wait_indirect_dma semaphore(%arg15 : memref<!tpu.dma_semaphore, #tpu.memory_space<semaphore_mem>>) src(%dma_wait3A_67 : memref<10000x128xf32, #tpu.memory_space<hbm>>) dst(%arg11 : memref<112x128xf32, #tpu.memory_space<vmem>>)
        %ge3A = arith.constant 1 : i32
        %ge3A_68 = arith.cmpi sge, %scan3A_56, %ge3A : i32
        %convert_element_type3A_69 = arith.extui %ge3A_68 : i1 to i32
        %cond3A_70 = arith.constant 0 : i32
        %cond3A_71 = arith.cmpi ne, %convert_element_type3A_69, %cond3A_70 : i32
        scf.if %cond3A_71 {
          %sub3A = arith.constant 1 : i32
          %sub3A_180 = arith.subi %scan3A_56, %sub3A : i32
          %rem3A_181 = arith.constant 2 : i32
          %rem3A_182 = arith.remsi %sub3A_180, %rem3A_181 : i32
          %mul3A_183 = arith.constant 336 : i32
          %mul3A_184 = arith.muli %rem3A_182, %mul3A_183 : i32
          %add3A_185 = arith.constant 224 : i32
          %add3A_186 = arith.addi %mul3A_184, %add3A_185 : i32
          %multiple_of3A_187 = tpu.assume_multiple %add3A_186, 8 : i32
          %dma_wait3A_188 = tpu.memref_slice %arg10[%multiple_of3A_187] : memref<672xi32, #tpu.memory_space<vmem>> -> memref<112xi32, #tpu.memory_space<vmem>>
          %dma_wait3A_189 = arith.constant 0 : i32
          %dma_wait3A_190 = arith.constant 0 : i32
          %dma_wait3A_191 = tpu.memref_slice %arg14[%dma_wait3A_189, %dma_wait3A_190] : memref<10112x128xf32, #tpu.memory_space<vmem_shared>> -> memref<10112x128xf32, #tpu.memory_space<vmem_shared>>
          tpu.wait_indirect_dma semaphore(%arg18 : memref<!tpu.dma_semaphore, #tpu.memory_space<semaphore_mem>>) src(%arg13 : memref<112x128xf32, #tpu.memory_space<vmem>>) dst(%dma_wait3A_191 : memref<10112x128xf32, #tpu.memory_space<vmem_shared>>)
        } else {
        }
        %add3A_72 = arith.constant 1 : i32
        %add3A_73 = arith.addi %scan3A_56, %add3A_72 : i32
        %lt3A = arith.constant 30 : i32
        %lt3A_74 = arith.cmpi slt, %add3A_73, %lt3A : i32
        %convert_element_type3A_75 = arith.extui %lt3A_74 : i1 to i32
        %cond3A_76 = arith.constant 0 : i32
        %cond3A_77 = arith.cmpi ne, %convert_element_type3A_75, %cond3A_76 : i32
        scf.if %cond3A_77 {
          %add3A_180 = arith.constant 1 : i32
          %add3A_181 = arith.addi %scan3A_56, %add3A_180 : i32
          %mul3A_182 = arith.constant 336 : i32
          %mul3A_183 = arith.muli %add3A_181, %mul3A_182 : i32
          %add3A_184 = arith.addi %mul3A_0, %mul3A_183 : i32
          %multiple_of3A_185 = tpu.assume_multiple %add3A_184, 8 : i32
          %rem3A_186 = arith.constant 2 : i32
          %rem3A_187 = arith.remsi %add3A_181, %rem3A_186 : i32
          %mul3A_188 = arith.constant 336 : i32
          %mul3A_189 = arith.muli %rem3A_187, %mul3A_188 : i32
          %multiple_of3A_190 = tpu.assume_multiple %mul3A_189, 8 : i32
          %dma_start3A_191 = tpu.memref_slice %arg9[%multiple_of3A_190] : memref<672xi32, #tpu.memory_space<vmem>> -> memref<336xi32, #tpu.memory_space<vmem>>
          %dma_start3A_192 = tpu.memref_slice %arg2[%multiple_of3A_185] : memref<161280xi32, #tpu.memory_space<hbm>> -> memref<336xi32, #tpu.memory_space<hbm>>
          %dma_start3A_193 = tpu.memref_slice %arg9[%multiple_of3A_190] : memref<672xi32, #tpu.memory_space<vmem>> -> memref<336xi32, #tpu.memory_space<vmem>>
          %dma_start3A_194 = tpu.memref_slice %arg2[%multiple_of3A_185] : memref<161280xi32, #tpu.memory_space<hbm>> -> memref<336xi32, #tpu.memory_space<hbm>>
          tpu.enqueue_dma source(%dma_start3A_194 : memref<336xi32, #tpu.memory_space<hbm>>) target(%dma_start3A_193 : memref<336xi32, #tpu.memory_space<vmem>>) target_semaphore(%arg19 : memref<!tpu.dma_semaphore, #tpu.memory_space<semaphore_mem>>)
          %dma_start3A_195 = tpu.memref_slice %arg10[%multiple_of3A_190] : memref<672xi32, #tpu.memory_space<vmem>> -> memref<336xi32, #tpu.memory_space<vmem>>
          %dma_start3A_196 = tpu.memref_slice %arg3[%multiple_of3A_185] : memref<161280xi32, #tpu.memory_space<hbm>> -> memref<336xi32, #tpu.memory_space<hbm>>
          %dma_start3A_197 = tpu.memref_slice %arg10[%multiple_of3A_190] : memref<672xi32, #tpu.memory_space<vmem>> -> memref<336xi32, #tpu.memory_space<vmem>>
          %dma_start3A_198 = tpu.memref_slice %arg3[%multiple_of3A_185] : memref<161280xi32, #tpu.memory_space<hbm>> -> memref<336xi32, #tpu.memory_space<hbm>>
          tpu.enqueue_dma source(%dma_start3A_198 : memref<336xi32, #tpu.memory_space<hbm>>) target(%dma_start3A_197 : memref<336xi32, #tpu.memory_space<vmem>>) target_semaphore(%arg19 : memref<!tpu.dma_semaphore, #tpu.memory_space<semaphore_mem>>)
        } else {
        }
        %rem3A_78 = arith.constant 2 : i32
        %rem3A_79 = arith.remsi %scan3A_56, %rem3A_78 : i32
        %mul3A_80 = arith.constant 336 : i32
        %mul3A_81 = arith.muli %rem3A_79, %mul3A_80 : i32
        %add3A_82 = arith.constant 224 : i32
        %add3A_83 = arith.addi %mul3A_81, %add3A_82 : i32
        %multiple_of3A_84 = tpu.assume_multiple %add3A_83, 8 : i32
        %dma_start3A_85 = tpu.memref_slice %arg9[%multiple_of3A_84] : memref<672xi32, #tpu.memory_space<vmem>> -> memref<112xi32, #tpu.memory_space<vmem>>
        %dma_start3A_86 = arith.constant 0 : i32
        %dma_start3A_87 = arith.constant 0 : i32
        %dma_start3A_88 = tpu.memref_slice %arg5[%dma_start3A_86, %dma_start3A_87] : memref<10000x128xf32, #tpu.memory_space<hbm>> -> memref<10000x128xf32, #tpu.memory_space<hbm>>
        tpu.enqueue_indirect_dma source(%dma_start3A_88 : memref<10000x128xf32, #tpu.memory_space<hbm>>) target(%arg13 : memref<112x128xf32, #tpu.memory_space<vmem>>) offsets(%dma_start3A_85 : memref<112xi32, #tpu.memory_space<vmem>>) semaphore(%arg17 : memref<!tpu.dma_semaphore, #tpu.memory_space<semaphore_mem>>)
        %rem3A_89 = arith.constant 2 : i32
        %rem3A_90 = arith.remsi %scan3A_56, %rem3A_89 : i32
        %mul3A_91 = arith.constant 336 : i32
        %mul3A_92 = arith.muli %rem3A_90, %mul3A_91 : i32
        %add3A_93 = arith.constant 0 : i32
        %add3A_94 = arith.addi %mul3A_92, %add3A_93 : i32
        %multiple_of3A_95 = tpu.assume_multiple %add3A_94, 8 : i32
        %dma_start3A_96 = tpu.memref_slice %arg10[%multiple_of3A_95] : memref<672xi32, #tpu.memory_space<vmem>> -> memref<112xi32, #tpu.memory_space<vmem>>
        %dma_start3A_97 = arith.constant 0 : i32
        %dma_start3A_98 = arith.constant 0 : i32
        %dma_start3A_99 = tpu.memref_slice %arg14[%dma_start3A_97, %dma_start3A_98] : memref<10112x128xf32, #tpu.memory_space<vmem_shared>> -> memref<10112x128xf32, #tpu.memory_space<vmem_shared>>
        tpu.enqueue_indirect_dma source(%arg11 : memref<112x128xf32, #tpu.memory_space<vmem>>) target(%dma_start3A_99 : memref<10112x128xf32, #tpu.memory_space<vmem_shared>>) offsets(%dma_start3A_96 : memref<112xi32, #tpu.memory_space<vmem>>) semaphore(%arg18 : memref<!tpu.dma_semaphore, #tpu.memory_space<semaphore_mem>>) {add = true}
        %rem3A_100 = arith.constant 2 : i32
        %rem3A_101 = arith.remsi %scan3A_56, %rem3A_100 : i32
        %mul3A_102 = arith.constant 336 : i32
        %mul3A_103 = arith.muli %rem3A_101, %mul3A_102 : i32
        %add3A_104 = arith.constant 112 : i32
        %add3A_105 = arith.addi %mul3A_103, %add3A_104 : i32
        %multiple_of3A_106 = tpu.assume_multiple %add3A_105, 8 : i32
        %dma_wait3A_107 = tpu.memref_slice %arg9[%multiple_of3A_106] : memref<672xi32, #tpu.memory_space<vmem>> -> memref<112xi32, #tpu.memory_space<vmem>>
        %dma_wait3A_108 = arith.constant 0 : i32
        %dma_wait3A_109 = arith.constant 0 : i32
        %dma_wait3A_110 = tpu.memref_slice %arg5[%dma_wait3A_108, %dma_wait3A_109] : memref<10000x128xf32, #tpu.memory_space<hbm>> -> memref<10000x128xf32, #tpu.memory_space<hbm>>
        tpu.wait_indirect_dma semaphore(%arg16 : memref<!tpu.dma_semaphore, #tpu.memory_space<semaphore_mem>>) src(%dma_wait3A_110 : memref<10000x128xf32, #tpu.memory_space<hbm>>) dst(%arg12 : memref<112x128xf32, #tpu.memory_space<vmem>>)
        %rem3A_111 = arith.constant 2 : i32
        %rem3A_112 = arith.remsi %scan3A_56, %rem3A_111 : i32
        %mul3A_113 = arith.constant 336 : i32
        %mul3A_114 = arith.muli %rem3A_112, %mul3A_113 : i32
        %add3A_115 = arith.constant 0 : i32
        %add3A_116 = arith.addi %mul3A_114, %add3A_115 : i32
        %multiple_of3A_117 = tpu.assume_multiple %add3A_116, 8 : i32
        %dma_wait3A_118 = tpu.memref_slice %arg10[%multiple_of3A_117] : memref<672xi32, #tpu.memory_space<vmem>> -> memref<112xi32, #tpu.memory_space<vmem>>
        %dma_wait3A_119 = arith.constant 0 : i32
        %dma_wait3A_120 = arith.constant 0 : i32
        %dma_wait3A_121 = tpu.memref_slice %arg14[%dma_wait3A_119, %dma_wait3A_120] : memref<10112x128xf32, #tpu.memory_space<vmem_shared>> -> memref<10112x128xf32, #tpu.memory_space<vmem_shared>>
        tpu.wait_indirect_dma semaphore(%arg18 : memref<!tpu.dma_semaphore, #tpu.memory_space<semaphore_mem>>) src(%arg11 : memref<112x128xf32, #tpu.memory_space<vmem>>) dst(%dma_wait3A_121 : memref<10112x128xf32, #tpu.memory_space<vmem_shared>>)
        %add3A_122 = arith.constant 1 : i32
        %add3A_123 = arith.addi %scan3A_56, %add3A_122 : i32
        %lt3A_124 = arith.constant 30 : i32
        %lt3A_125 = arith.cmpi slt, %add3A_123, %lt3A_124 : i32
        %convert_element_type3A_126 = arith.extui %lt3A_125 : i1 to i32
        %cond3A_127 = arith.constant 0 : i32
        %cond3A_128 = arith.cmpi ne, %convert_element_type3A_126, %cond3A_127 : i32
        scf.if %cond3A_128 {
          %add3A_180 = arith.constant 1 : i32
          %add3A_181 = arith.addi %scan3A_56, %add3A_180 : i32
          %mul3A_182 = arith.constant 336 : i32
          %mul3A_183 = arith.muli %add3A_181, %mul3A_182 : i32
          %add3A_184 = arith.addi %mul3A_0, %mul3A_183 : i32
          %multiple_of3A_185 = tpu.assume_multiple %add3A_184, 8 : i32
          %rem3A_186 = arith.constant 2 : i32
          %rem3A_187 = arith.remsi %add3A_181, %rem3A_186 : i32
          %mul3A_188 = arith.constant 336 : i32
          %mul3A_189 = arith.muli %rem3A_187, %mul3A_188 : i32
          %multiple_of3A_190 = tpu.assume_multiple %mul3A_189, 8 : i32
          %dma_wait3A_191 = tpu.memref_slice %arg9[%multiple_of3A_190] : memref<672xi32, #tpu.memory_space<vmem>> -> memref<336xi32, #tpu.memory_space<vmem>>
          %dma_wait3A_192 = tpu.memref_slice %arg2[%multiple_of3A_185] : memref<161280xi32, #tpu.memory_space<hbm>> -> memref<336xi32, #tpu.memory_space<hbm>>
          %dma_wait3A_193 = tpu.memref_slice %arg9[%multiple_of3A_190] : memref<672xi32, #tpu.memory_space<vmem>> -> memref<336xi32, #tpu.memory_space<vmem>>
          %dma_wait3A_194 = tpu.memref_slice %arg2[%multiple_of3A_185] : memref<161280xi32, #tpu.memory_space<hbm>> -> memref<336xi32, #tpu.memory_space<hbm>>
          tpu.wait_dma2 semaphore(%arg19 : memref<!tpu.dma_semaphore, #tpu.memory_space<semaphore_mem>>) src(%dma_wait3A_194 : memref<336xi32, #tpu.memory_space<hbm>>) dst(%dma_wait3A_193 : memref<336xi32, #tpu.memory_space<vmem>>)
          %dma_wait3A_195 = tpu.memref_slice %arg10[%multiple_of3A_190] : memref<672xi32, #tpu.memory_space<vmem>> -> memref<336xi32, #tpu.memory_space<vmem>>
          %dma_wait3A_196 = tpu.memref_slice %arg3[%multiple_of3A_185] : memref<161280xi32, #tpu.memory_space<hbm>> -> memref<336xi32, #tpu.memory_space<hbm>>
          %dma_wait3A_197 = tpu.memref_slice %arg10[%multiple_of3A_190] : memref<672xi32, #tpu.memory_space<vmem>> -> memref<336xi32, #tpu.memory_space<vmem>>
          %dma_wait3A_198 = tpu.memref_slice %arg3[%multiple_of3A_185] : memref<161280xi32, #tpu.memory_space<hbm>> -> memref<336xi32, #tpu.memory_space<hbm>>
          tpu.wait_dma2 semaphore(%arg19 : memref<!tpu.dma_semaphore, #tpu.memory_space<semaphore_mem>>) src(%dma_wait3A_198 : memref<336xi32, #tpu.memory_space<hbm>>) dst(%dma_wait3A_197 : memref<336xi32, #tpu.memory_space<vmem>>)
          %add3A_199 = arith.constant 1 : i32
          %add3A_200 = arith.addi %scan3A_56, %add3A_199 : i32
          %rem3A_201 = arith.constant 2 : i32
          %rem3A_202 = arith.remsi %add3A_200, %rem3A_201 : i32
          %mul3A_203 = arith.constant 336 : i32
          %mul3A_204 = arith.muli %rem3A_202, %mul3A_203 : i32
          %add3A_205 = arith.constant 0 : i32
          %add3A_206 = arith.addi %mul3A_204, %add3A_205 : i32
          %multiple_of3A_207 = tpu.assume_multiple %add3A_206, 8 : i32
          %dma_start3A_208 = tpu.memref_slice %arg9[%multiple_of3A_207] : memref<672xi32, #tpu.memory_space<vmem>> -> memref<112xi32, #tpu.memory_space<vmem>>
          %dma_start3A_209 = arith.constant 0 : i32
          %dma_start3A_210 = arith.constant 0 : i32
          %dma_start3A_211 = tpu.memref_slice %arg5[%dma_start3A_209, %dma_start3A_210] : memref<10000x128xf32, #tpu.memory_space<hbm>> -> memref<10000x128xf32, #tpu.memory_space<hbm>>
          tpu.enqueue_indirect_dma source(%dma_start3A_211 : memref<10000x128xf32, #tpu.memory_space<hbm>>) target(%arg11 : memref<112x128xf32, #tpu.memory_space<vmem>>) offsets(%dma_start3A_208 : memref<112xi32, #tpu.memory_space<vmem>>) semaphore(%arg15 : memref<!tpu.dma_semaphore, #tpu.memory_space<semaphore_mem>>)
        } else {
        }
        %rem3A_129 = arith.constant 2 : i32
        %rem3A_130 = arith.remsi %scan3A_56, %rem3A_129 : i32
        %mul3A_131 = arith.constant 336 : i32
        %mul3A_132 = arith.muli %rem3A_130, %mul3A_131 : i32
        %add3A_133 = arith.constant 112 : i32
        %add3A_134 = arith.addi %mul3A_132, %add3A_133 : i32
        %multiple_of3A_135 = tpu.assume_multiple %add3A_134, 8 : i32
        %dma_start3A_136 = tpu.memref_slice %arg10[%multiple_of3A_135] : memref<672xi32, #tpu.memory_space<vmem>> -> memref<112xi32, #tpu.memory_space<vmem>>
        %dma_start3A_137 = arith.constant 0 : i32
        %dma_start3A_138 = arith.constant 0 : i32
        %dma_start3A_139 = tpu.memref_slice %arg14[%dma_start3A_137, %dma_start3A_138] : memref<10112x128xf32, #tpu.memory_space<vmem_shared>> -> memref<10112x128xf32, #tpu.memory_space<vmem_shared>>
        tpu.enqueue_indirect_dma source(%arg12 : memref<112x128xf32, #tpu.memory_space<vmem>>) target(%dma_start3A_139 : memref<10112x128xf32, #tpu.memory_space<vmem_shared>>) offsets(%dma_start3A_136 : memref<112xi32, #tpu.memory_space<vmem>>) semaphore(%arg18 : memref<!tpu.dma_semaphore, #tpu.memory_space<semaphore_mem>>) {add = true}
        %rem3A_140 = arith.constant 2 : i32
        %rem3A_141 = arith.remsi %scan3A_56, %rem3A_140 : i32
        %mul3A_142 = arith.constant 336 : i32
        %mul3A_143 = arith.muli %rem3A_141, %mul3A_142 : i32
        %add3A_144 = arith.constant 224 : i32
        %add3A_145 = arith.addi %mul3A_143, %add3A_144 : i32
        %multiple_of3A_146 = tpu.assume_multiple %add3A_145, 8 : i32
        %dma_wait3A_147 = tpu.memref_slice %arg9[%multiple_of3A_146] : memref<672xi32, #tpu.memory_space<vmem>> -> memref<112xi32, #tpu.memory_space<vmem>>
        %dma_wait3A_148 = arith.constant 0 : i32
        %dma_wait3A_149 = arith.constant 0 : i32
        %dma_wait3A_150 = tpu.memref_slice %arg5[%dma_wait3A_148, %dma_wait3A_149] : memref<10000x128xf32, #tpu.memory_space<hbm>> -> memref<10000x128xf32, #tpu.memory_space<hbm>>
        tpu.wait_indirect_dma semaphore(%arg17 : memref<!tpu.dma_semaphore, #tpu.memory_space<semaphore_mem>>) src(%dma_wait3A_150 : memref<10000x128xf32, #tpu.memory_space<hbm>>) dst(%arg13 : memref<112x128xf32, #tpu.memory_space<vmem>>)
        %rem3A_151 = arith.constant 2 : i32
        %rem3A_152 = arith.remsi %scan3A_56, %rem3A_151 : i32
        %mul3A_153 = arith.constant 336 : i32
        %mul3A_154 = arith.muli %rem3A_152, %mul3A_153 : i32
        %add3A_155 = arith.constant 112 : i32
        %add3A_156 = arith.addi %mul3A_154, %add3A_155 : i32
        %multiple_of3A_157 = tpu.assume_multiple %add3A_156, 8 : i32
        %dma_wait3A_158 = tpu.memref_slice %arg10[%multiple_of3A_157] : memref<672xi32, #tpu.memory_space<vmem>> -> memref<112xi32, #tpu.memory_space<vmem>>
        %dma_wait3A_159 = arith.constant 0 : i32
        %dma_wait3A_160 = arith.constant 0 : i32
        %dma_wait3A_161 = tpu.memref_slice %arg14[%dma_wait3A_159, %dma_wait3A_160] : memref<10112x128xf32, #tpu.memory_space<vmem_shared>> -> memref<10112x128xf32, #tpu.memory_space<vmem_shared>>
        tpu.wait_indirect_dma semaphore(%arg18 : memref<!tpu.dma_semaphore, #tpu.memory_space<semaphore_mem>>) src(%arg12 : memref<112x128xf32, #tpu.memory_space<vmem>>) dst(%dma_wait3A_161 : memref<10112x128xf32, #tpu.memory_space<vmem_shared>>)
        %add3A_162 = arith.constant 1 : i32
        %add3A_163 = arith.addi %scan3A_56, %add3A_162 : i32
        %lt3A_164 = arith.constant 30 : i32
        %lt3A_165 = arith.cmpi slt, %add3A_163, %lt3A_164 : i32
        %convert_element_type3A_166 = arith.extui %lt3A_165 : i1 to i32
        %cond3A_167 = arith.constant 0 : i32
        %cond3A_168 = arith.cmpi ne, %convert_element_type3A_166, %cond3A_167 : i32
        scf.if %cond3A_168 {
          %add3A_180 = arith.constant 1 : i32
          %add3A_181 = arith.addi %scan3A_56, %add3A_180 : i32
          %rem3A_182 = arith.constant 2 : i32
          %rem3A_183 = arith.remsi %add3A_181, %rem3A_182 : i32
          %mul3A_184 = arith.constant 336 : i32
          %mul3A_185 = arith.muli %rem3A_183, %mul3A_184 : i32
          %add3A_186 = arith.constant 112 : i32
          %add3A_187 = arith.addi %mul3A_185, %add3A_186 : i32
          %multiple_of3A_188 = tpu.assume_multiple %add3A_187, 8 : i32
          %dma_start3A_189 = tpu.memref_slice %arg9[%multiple_of3A_188] : memref<672xi32, #tpu.memory_space<vmem>> -> memref<112xi32, #tpu.memory_space<vmem>>
          %dma_start3A_190 = arith.constant 0 : i32
          %dma_start3A_191 = arith.constant 0 : i32
          %dma_start3A_192 = tpu.memref_slice %arg5[%dma_start3A_190, %dma_start3A_191] : memref<10000x128xf32, #tpu.memory_space<hbm>> -> memref<10000x128xf32, #tpu.memory_space<hbm>>
          tpu.enqueue_indirect_dma source(%dma_start3A_192 : memref<10000x128xf32, #tpu.memory_space<hbm>>) target(%arg12 : memref<112x128xf32, #tpu.memory_space<vmem>>) offsets(%dma_start3A_189 : memref<112xi32, #tpu.memory_space<vmem>>) semaphore(%arg16 : memref<!tpu.dma_semaphore, #tpu.memory_space<semaphore_mem>>)
        } else {
        }
        %rem3A_169 = arith.constant 2 : i32
        %rem3A_170 = arith.remsi %scan3A_56, %rem3A_169 : i32
        %mul3A_171 = arith.constant 336 : i32
        %mul3A_172 = arith.muli %rem3A_170, %mul3A_171 : i32
        %add3A_173 = arith.constant 224 : i32
        %add3A_174 = arith.addi %mul3A_172, %add3A_173 : i32
        %multiple_of3A_175 = tpu.assume_multiple %add3A_174, 8 : i32
        %dma_start3A_176 = tpu.memref_slice %arg10[%multiple_of3A_175] : memref<672xi32, #tpu.memory_space<vmem>> -> memref<112xi32, #tpu.memory_space<vmem>>
        %dma_start3A_177 = arith.constant 0 : i32
        %dma_start3A_178 = arith.constant 0 : i32
        %dma_start3A_179 = tpu.memref_slice %arg14[%dma_start3A_177, %dma_start3A_178] : memref<10112x128xf32, #tpu.memory_space<vmem_shared>> -> memref<10112x128xf32, #tpu.memory_space<vmem_shared>>
        tpu.enqueue_indirect_dma source(%arg13 : memref<112x128xf32, #tpu.memory_space<vmem>>) target(%dma_start3A_179 : memref<10112x128xf32, #tpu.memory_space<vmem_shared>>) offsets(%dma_start3A_176 : memref<112xi32, #tpu.memory_space<vmem>>) semaphore(%arg18 : memref<!tpu.dma_semaphore, #tpu.memory_space<semaphore_mem>>) {add = true}
      }
      %scan3A_44 = arith.constant 30 : i32
      %rem3A_45 = arith.constant 29 : i32
      %rem3A_46 = arith.constant 2 : i32
      %rem3A_47 = arith.remsi %rem3A_45, %rem3A_46 : i32
      %mul3A_48 = arith.constant 336 : i32
      %mul3A_49 = arith.muli %rem3A_47, %mul3A_48 : i32
      %add3A_50 = arith.constant 224 : i32
      %add3A_51 = arith.addi %mul3A_49, %add3A_50 : i32
      %multiple_of3A_52 = tpu.assume_multiple %add3A_51, 8 : i32
      %dma_wait3A = tpu.memref_slice %arg10[%multiple_of3A_52] : memref<672xi32, #tpu.memory_space<vmem>> -> memref<112xi32, #tpu.memory_space<vmem>>
      %dma_wait3A_53 = arith.constant 0 : i32
      %dma_wait3A_54 = arith.constant 0 : i32
      %dma_wait3A_55 = tpu.memref_slice %arg14[%dma_wait3A_53, %dma_wait3A_54] : memref<10112x128xf32, #tpu.memory_space<vmem_shared>> -> memref<10112x128xf32, #tpu.memory_space<vmem_shared>>
      tpu.wait_indirect_dma semaphore(%arg18 : memref<!tpu.dma_semaphore, #tpu.memory_space<semaphore_mem>>) src(%arg13 : memref<112x128xf32, #tpu.memory_space<vmem>>) dst(%dma_wait3A_55 : memref<10112x128xf32, #tpu.memory_space<vmem_shared>>)
    } else {
    }
    %eq3A_5 = arith.constant 1 : i32
    %eq3A_6 = arith.cmpi eq, %arg0, %eq3A_5 : i32
    %convert_element_type3A_7 = arith.extui %eq3A_6 : i1 to i32
    %cond3A_8 = arith.constant 0 : i32
    %cond3A_9 = arith.cmpi ne, %convert_element_type3A_7, %cond3A_8 : i32
    scf.if %cond3A_9 {
      %rem3A = arith.constant 0 : i32
      %rem3A_21 = arith.constant 2 : i32
      %rem3A_22 = arith.remsi %rem3A, %rem3A_21 : i32
      %mul3A_23 = arith.constant 336 : i32
      %mul3A_24 = arith.muli %rem3A_22, %mul3A_23 : i32
      %add3A = arith.constant 0 : i32
      %add3A_25 = arith.addi %mul3A_24, %add3A : i32
      %multiple_of3A = tpu.assume_multiple %add3A_25, 8 : i32
      %dma_start3A = tpu.memref_slice %arg9[%multiple_of3A] : memref<672xi32, #tpu.memory_space<vmem>> -> memref<112xi32, #tpu.memory_space<vmem>>
      %dma_start3A_26 = arith.constant 0 : i32
      %dma_start3A_27 = arith.constant 0 : i32
      %dma_start3A_28 = tpu.memref_slice %arg6[%dma_start3A_26, %dma_start3A_27] : memref<10000x128xf32, #tpu.memory_space<hbm>> -> memref<10000x128xf32, #tpu.memory_space<hbm>>
      tpu.enqueue_indirect_dma source(%dma_start3A_28 : memref<10000x128xf32, #tpu.memory_space<hbm>>) target(%arg11 : memref<112x128xf32, #tpu.memory_space<vmem>>) offsets(%dma_start3A : memref<112xi32, #tpu.memory_space<vmem>>) semaphore(%arg15 : memref<!tpu.dma_semaphore, #tpu.memory_space<semaphore_mem>>)
      %rem3A_29 = arith.constant 0 : i32
      %rem3A_30 = arith.constant 2 : i32
      %rem3A_31 = arith.remsi %rem3A_29, %rem3A_30 : i32
      %mul3A_32 = arith.constant 336 : i32
      %mul3A_33 = arith.muli %rem3A_31, %mul3A_32 : i32
      %add3A_34 = arith.constant 112 : i32
      %add3A_35 = arith.addi %mul3A_33, %add3A_34 : i32
      %multiple_of3A_36 = tpu.assume_multiple %add3A_35, 8 : i32
      %dma_start3A_37 = tpu.memref_slice %arg9[%multiple_of3A_36] : memref<672xi32, #tpu.memory_space<vmem>> -> memref<112xi32, #tpu.memory_space<vmem>>
      %dma_start3A_38 = arith.constant 0 : i32
      %dma_start3A_39 = arith.constant 0 : i32
      %dma_start3A_40 = tpu.memref_slice %arg6[%dma_start3A_38, %dma_start3A_39] : memref<10000x128xf32, #tpu.memory_space<hbm>> -> memref<10000x128xf32, #tpu.memory_space<hbm>>
      tpu.enqueue_indirect_dma source(%dma_start3A_40 : memref<10000x128xf32, #tpu.memory_space<hbm>>) target(%arg12 : memref<112x128xf32, #tpu.memory_space<vmem>>) offsets(%dma_start3A_37 : memref<112xi32, #tpu.memory_space<vmem>>) semaphore(%arg16 : memref<!tpu.dma_semaphore, #tpu.memory_space<semaphore_mem>>)
      %scan3A = arith.constant 0 : i32
      %scan3A_41 = arith.constant 30 : i32
      %scan3A_42 = arith.addi %scan3A, %scan3A_41 : i32
      %scan3A_43 = arith.constant 1 : i32
      scf.for %scan3A_56 = %scan3A to %scan3A_42 step %scan3A_43  : i32 {
        %rem3A_57 = arith.constant 2 : i32
        %rem3A_58 = arith.remsi %scan3A_56, %rem3A_57 : i32
        %mul3A_59 = arith.constant 336 : i32
        %mul3A_60 = arith.muli %rem3A_58, %mul3A_59 : i32
        %add3A_61 = arith.constant 0 : i32
        %add3A_62 = arith.addi %mul3A_60, %add3A_61 : i32
        %multiple_of3A_63 = tpu.assume_multiple %add3A_62, 8 : i32
        %dma_wait3A_64 = tpu.memref_slice %arg9[%multiple_of3A_63] : memref<672xi32, #tpu.memory_space<vmem>> -> memref<112xi32, #tpu.memory_space<vmem>>
        %dma_wait3A_65 = arith.constant 0 : i32
        %dma_wait3A_66 = arith.constant 0 : i32
        %dma_wait3A_67 = tpu.memref_slice %arg6[%dma_wait3A_65, %dma_wait3A_66] : memref<10000x128xf32, #tpu.memory_space<hbm>> -> memref<10000x128xf32, #tpu.memory_space<hbm>>
        tpu.wait_indirect_dma semaphore(%arg15 : memref<!tpu.dma_semaphore, #tpu.memory_space<semaphore_mem>>) src(%dma_wait3A_67 : memref<10000x128xf32, #tpu.memory_space<hbm>>) dst(%arg11 : memref<112x128xf32, #tpu.memory_space<vmem>>)
        %ge3A = arith.constant 1 : i32
        %ge3A_68 = arith.cmpi sge, %scan3A_56, %ge3A : i32
        %convert_element_type3A_69 = arith.extui %ge3A_68 : i1 to i32
        %cond3A_70 = arith.constant 0 : i32
        %cond3A_71 = arith.cmpi ne, %convert_element_type3A_69, %cond3A_70 : i32
        scf.if %cond3A_71 {
          %sub3A = arith.constant 1 : i32
          %sub3A_180 = arith.subi %scan3A_56, %sub3A : i32
          %rem3A_181 = arith.constant 2 : i32
          %rem3A_182 = arith.remsi %sub3A_180, %rem3A_181 : i32
          %mul3A_183 = arith.constant 336 : i32
          %mul3A_184 = arith.muli %rem3A_182, %mul3A_183 : i32
          %add3A_185 = arith.constant 224 : i32
          %add3A_186 = arith.addi %mul3A_184, %add3A_185 : i32
          %multiple_of3A_187 = tpu.assume_multiple %add3A_186, 8 : i32
          %dma_wait3A_188 = tpu.memref_slice %arg10[%multiple_of3A_187] : memref<672xi32, #tpu.memory_space<vmem>> -> memref<112xi32, #tpu.memory_space<vmem>>
          %dma_wait3A_189 = arith.constant 0 : i32
          %dma_wait3A_190 = arith.constant 0 : i32
          %dma_wait3A_191 = tpu.memref_slice %arg14[%dma_wait3A_189, %dma_wait3A_190] : memref<10112x128xf32, #tpu.memory_space<vmem_shared>> -> memref<10112x128xf32, #tpu.memory_space<vmem_shared>>
          tpu.wait_indirect_dma semaphore(%arg18 : memref<!tpu.dma_semaphore, #tpu.memory_space<semaphore_mem>>) src(%arg13 : memref<112x128xf32, #tpu.memory_space<vmem>>) dst(%dma_wait3A_191 : memref<10112x128xf32, #tpu.memory_space<vmem_shared>>)
        } else {
        }
        %add3A_72 = arith.constant 1 : i32
        %add3A_73 = arith.addi %scan3A_56, %add3A_72 : i32
        %lt3A = arith.constant 30 : i32
        %lt3A_74 = arith.cmpi slt, %add3A_73, %lt3A : i32
        %convert_element_type3A_75 = arith.extui %lt3A_74 : i1 to i32
        %cond3A_76 = arith.constant 0 : i32
        %cond3A_77 = arith.cmpi ne, %convert_element_type3A_75, %cond3A_76 : i32
        scf.if %cond3A_77 {
          %add3A_180 = arith.constant 1 : i32
          %add3A_181 = arith.addi %scan3A_56, %add3A_180 : i32
          %mul3A_182 = arith.constant 336 : i32
          %mul3A_183 = arith.muli %add3A_181, %mul3A_182 : i32
          %add3A_184 = arith.addi %mul3A_0, %mul3A_183 : i32
          %multiple_of3A_185 = tpu.assume_multiple %add3A_184, 8 : i32
          %rem3A_186 = arith.constant 2 : i32
          %rem3A_187 = arith.remsi %add3A_181, %rem3A_186 : i32
          %mul3A_188 = arith.constant 336 : i32
          %mul3A_189 = arith.muli %rem3A_187, %mul3A_188 : i32
          %multiple_of3A_190 = tpu.assume_multiple %mul3A_189, 8 : i32
          %dma_start3A_191 = tpu.memref_slice %arg9[%multiple_of3A_190] : memref<672xi32, #tpu.memory_space<vmem>> -> memref<336xi32, #tpu.memory_space<vmem>>
          %dma_start3A_192 = tpu.memref_slice %arg2[%multiple_of3A_185] : memref<161280xi32, #tpu.memory_space<hbm>> -> memref<336xi32, #tpu.memory_space<hbm>>
          %dma_start3A_193 = tpu.memref_slice %arg9[%multiple_of3A_190] : memref<672xi32, #tpu.memory_space<vmem>> -> memref<336xi32, #tpu.memory_space<vmem>>
          %dma_start3A_194 = tpu.memref_slice %arg2[%multiple_of3A_185] : memref<161280xi32, #tpu.memory_space<hbm>> -> memref<336xi32, #tpu.memory_space<hbm>>
          tpu.enqueue_dma source(%dma_start3A_194 : memref<336xi32, #tpu.memory_space<hbm>>) target(%dma_start3A_193 : memref<336xi32, #tpu.memory_space<vmem>>) target_semaphore(%arg19 : memref<!tpu.dma_semaphore, #tpu.memory_space<semaphore_mem>>)
          %dma_start3A_195 = tpu.memref_slice %arg10[%multiple_of3A_190] : memref<672xi32, #tpu.memory_space<vmem>> -> memref<336xi32, #tpu.memory_space<vmem>>
          %dma_start3A_196 = tpu.memref_slice %arg3[%multiple_of3A_185] : memref<161280xi32, #tpu.memory_space<hbm>> -> memref<336xi32, #tpu.memory_space<hbm>>
          %dma_start3A_197 = tpu.memref_slice %arg10[%multiple_of3A_190] : memref<672xi32, #tpu.memory_space<vmem>> -> memref<336xi32, #tpu.memory_space<vmem>>
          %dma_start3A_198 = tpu.memref_slice %arg3[%multiple_of3A_185] : memref<161280xi32, #tpu.memory_space<hbm>> -> memref<336xi32, #tpu.memory_space<hbm>>
          tpu.enqueue_dma source(%dma_start3A_198 : memref<336xi32, #tpu.memory_space<hbm>>) target(%dma_start3A_197 : memref<336xi32, #tpu.memory_space<vmem>>) target_semaphore(%arg19 : memref<!tpu.dma_semaphore, #tpu.memory_space<semaphore_mem>>)
        } else {
        }
        %rem3A_78 = arith.constant 2 : i32
        %rem3A_79 = arith.remsi %scan3A_56, %rem3A_78 : i32
        %mul3A_80 = arith.constant 336 : i32
        %mul3A_81 = arith.muli %rem3A_79, %mul3A_80 : i32
        %add3A_82 = arith.constant 224 : i32
        %add3A_83 = arith.addi %mul3A_81, %add3A_82 : i32
        %multiple_of3A_84 = tpu.assume_multiple %add3A_83, 8 : i32
        %dma_start3A_85 = tpu.memref_slice %arg9[%multiple_of3A_84] : memref<672xi32, #tpu.memory_space<vmem>> -> memref<112xi32, #tpu.memory_space<vmem>>
        %dma_start3A_86 = arith.constant 0 : i32
        %dma_start3A_87 = arith.constant 0 : i32
        %dma_start3A_88 = tpu.memref_slice %arg6[%dma_start3A_86, %dma_start3A_87] : memref<10000x128xf32, #tpu.memory_space<hbm>> -> memref<10000x128xf32, #tpu.memory_space<hbm>>
        tpu.enqueue_indirect_dma source(%dma_start3A_88 : memref<10000x128xf32, #tpu.memory_space<hbm>>) target(%arg13 : memref<112x128xf32, #tpu.memory_space<vmem>>) offsets(%dma_start3A_85 : memref<112xi32, #tpu.memory_space<vmem>>) semaphore(%arg17 : memref<!tpu.dma_semaphore, #tpu.memory_space<semaphore_mem>>)
        %rem3A_89 = arith.constant 2 : i32
        %rem3A_90 = arith.remsi %scan3A_56, %rem3A_89 : i32
        %mul3A_91 = arith.constant 336 : i32
        %mul3A_92 = arith.muli %rem3A_90, %mul3A_91 : i32
        %add3A_93 = arith.constant 0 : i32
        %add3A_94 = arith.addi %mul3A_92, %add3A_93 : i32
        %multiple_of3A_95 = tpu.assume_multiple %add3A_94, 8 : i32
        %dma_start3A_96 = tpu.memref_slice %arg10[%multiple_of3A_95] : memref<672xi32, #tpu.memory_space<vmem>> -> memref<112xi32, #tpu.memory_space<vmem>>
        %dma_start3A_97 = arith.constant 0 : i32
        %dma_start3A_98 = arith.constant 0 : i32
        %dma_start3A_99 = tpu.memref_slice %arg14[%dma_start3A_97, %dma_start3A_98] : memref<10112x128xf32, #tpu.memory_space<vmem_shared>> -> memref<10112x128xf32, #tpu.memory_space<vmem_shared>>
        tpu.enqueue_indirect_dma source(%arg11 : memref<112x128xf32, #tpu.memory_space<vmem>>) target(%dma_start3A_99 : memref<10112x128xf32, #tpu.memory_space<vmem_shared>>) offsets(%dma_start3A_96 : memref<112xi32, #tpu.memory_space<vmem>>) semaphore(%arg18 : memref<!tpu.dma_semaphore, #tpu.memory_space<semaphore_mem>>) {add = true}
        %rem3A_100 = arith.constant 2 : i32
        %rem3A_101 = arith.remsi %scan3A_56, %rem3A_100 : i32
        %mul3A_102 = arith.constant 336 : i32
        %mul3A_103 = arith.muli %rem3A_101, %mul3A_102 : i32
        %add3A_104 = arith.constant 112 : i32
        %add3A_105 = arith.addi %mul3A_103, %add3A_104 : i32
        %multiple_of3A_106 = tpu.assume_multiple %add3A_105, 8 : i32
        %dma_wait3A_107 = tpu.memref_slice %arg9[%multiple_of3A_106] : memref<672xi32, #tpu.memory_space<vmem>> -> memref<112xi32, #tpu.memory_space<vmem>>
        %dma_wait3A_108 = arith.constant 0 : i32
        %dma_wait3A_109 = arith.constant 0 : i32
        %dma_wait3A_110 = tpu.memref_slice %arg6[%dma_wait3A_108, %dma_wait3A_109] : memref<10000x128xf32, #tpu.memory_space<hbm>> -> memref<10000x128xf32, #tpu.memory_space<hbm>>
        tpu.wait_indirect_dma semaphore(%arg16 : memref<!tpu.dma_semaphore, #tpu.memory_space<semaphore_mem>>) src(%dma_wait3A_110 : memref<10000x128xf32, #tpu.memory_space<hbm>>) dst(%arg12 : memref<112x128xf32, #tpu.memory_space<vmem>>)
        %rem3A_111 = arith.constant 2 : i32
        %rem3A_112 = arith.remsi %scan3A_56, %rem3A_111 : i32
        %mul3A_113 = arith.constant 336 : i32
        %mul3A_114 = arith.muli %rem3A_112, %mul3A_113 : i32
        %add3A_115 = arith.constant 0 : i32
        %add3A_116 = arith.addi %mul3A_114, %add3A_115 : i32
        %multiple_of3A_117 = tpu.assume_multiple %add3A_116, 8 : i32
        %dma_wait3A_118 = tpu.memref_slice %arg10[%multiple_of3A_117] : memref<672xi32, #tpu.memory_space<vmem>> -> memref<112xi32, #tpu.memory_space<vmem>>
        %dma_wait3A_119 = arith.constant 0 : i32
        %dma_wait3A_120 = arith.constant 0 : i32
        %dma_wait3A_121 = tpu.memref_slice %arg14[%dma_wait3A_119, %dma_wait3A_120] : memref<10112x128xf32, #tpu.memory_space<vmem_shared>> -> memref<10112x128xf32, #tpu.memory_space<vmem_shared>>
        tpu.wait_indirect_dma semaphore(%arg18 : memref<!tpu.dma_semaphore, #tpu.memory_space<semaphore_mem>>) src(%arg11 : memref<112x128xf32, #tpu.memory_space<vmem>>) dst(%dma_wait3A_121 : memref<10112x128xf32, #tpu.memory_space<vmem_shared>>)
        %add3A_122 = arith.constant 1 : i32
        %add3A_123 = arith.addi %scan3A_56, %add3A_122 : i32
        %lt3A_124 = arith.constant 30 : i32
        %lt3A_125 = arith.cmpi slt, %add3A_123, %lt3A_124 : i32
        %convert_element_type3A_126 = arith.extui %lt3A_125 : i1 to i32
        %cond3A_127 = arith.constant 0 : i32
        %cond3A_128 = arith.cmpi ne, %convert_element_type3A_126, %cond3A_127 : i32
        scf.if %cond3A_128 {
          %add3A_180 = arith.constant 1 : i32
          %add3A_181 = arith.addi %scan3A_56, %add3A_180 : i32
          %mul3A_182 = arith.constant 336 : i32
          %mul3A_183 = arith.muli %add3A_181, %mul3A_182 : i32
          %add3A_184 = arith.addi %mul3A_0, %mul3A_183 : i32
          %multiple_of3A_185 = tpu.assume_multiple %add3A_184, 8 : i32
          %rem3A_186 = arith.constant 2 : i32
          %rem3A_187 = arith.remsi %add3A_181, %rem3A_186 : i32
          %mul3A_188 = arith.constant 336 : i32
          %mul3A_189 = arith.muli %rem3A_187, %mul3A_188 : i32
          %multiple_of3A_190 = tpu.assume_multiple %mul3A_189, 8 : i32
          %dma_wait3A_191 = tpu.memref_slice %arg9[%multiple_of3A_190] : memref<672xi32, #tpu.memory_space<vmem>> -> memref<336xi32, #tpu.memory_space<vmem>>
          %dma_wait3A_192 = tpu.memref_slice %arg2[%multiple_of3A_185] : memref<161280xi32, #tpu.memory_space<hbm>> -> memref<336xi32, #tpu.memory_space<hbm>>
          %dma_wait3A_193 = tpu.memref_slice %arg9[%multiple_of3A_190] : memref<672xi32, #tpu.memory_space<vmem>> -> memref<336xi32, #tpu.memory_space<vmem>>
          %dma_wait3A_194 = tpu.memref_slice %arg2[%multiple_of3A_185] : memref<161280xi32, #tpu.memory_space<hbm>> -> memref<336xi32, #tpu.memory_space<hbm>>
          tpu.wait_dma2 semaphore(%arg19 : memref<!tpu.dma_semaphore, #tpu.memory_space<semaphore_mem>>) src(%dma_wait3A_194 : memref<336xi32, #tpu.memory_space<hbm>>) dst(%dma_wait3A_193 : memref<336xi32, #tpu.memory_space<vmem>>)
          %dma_wait3A_195 = tpu.memref_slice %arg10[%multiple_of3A_190] : memref<672xi32, #tpu.memory_space<vmem>> -> memref<336xi32, #tpu.memory_space<vmem>>
          %dma_wait3A_196 = tpu.memref_slice %arg3[%multiple_of3A_185] : memref<161280xi32, #tpu.memory_space<hbm>> -> memref<336xi32, #tpu.memory_space<hbm>>
          %dma_wait3A_197 = tpu.memref_slice %arg10[%multiple_of3A_190] : memref<672xi32, #tpu.memory_space<vmem>> -> memref<336xi32, #tpu.memory_space<vmem>>
          %dma_wait3A_198 = tpu.memref_slice %arg3[%multiple_of3A_185] : memref<161280xi32, #tpu.memory_space<hbm>> -> memref<336xi32, #tpu.memory_space<hbm>>
          tpu.wait_dma2 semaphore(%arg19 : memref<!tpu.dma_semaphore, #tpu.memory_space<semaphore_mem>>) src(%dma_wait3A_198 : memref<336xi32, #tpu.memory_space<hbm>>) dst(%dma_wait3A_197 : memref<336xi32, #tpu.memory_space<vmem>>)
          %add3A_199 = arith.constant 1 : i32
          %add3A_200 = arith.addi %scan3A_56, %add3A_199 : i32
          %rem3A_201 = arith.constant 2 : i32
          %rem3A_202 = arith.remsi %add3A_200, %rem3A_201 : i32
          %mul3A_203 = arith.constant 336 : i32
          %mul3A_204 = arith.muli %rem3A_202, %mul3A_203 : i32
          %add3A_205 = arith.constant 0 : i32
          %add3A_206 = arith.addi %mul3A_204, %add3A_205 : i32
          %multiple_of3A_207 = tpu.assume_multiple %add3A_206, 8 : i32
          %dma_start3A_208 = tpu.memref_slice %arg9[%multiple_of3A_207] : memref<672xi32, #tpu.memory_space<vmem>> -> memref<112xi32, #tpu.memory_space<vmem>>
          %dma_start3A_209 = arith.constant 0 : i32
          %dma_start3A_210 = arith.constant 0 : i32
          %dma_start3A_211 = tpu.memref_slice %arg6[%dma_start3A_209, %dma_start3A_210] : memref<10000x128xf32, #tpu.memory_space<hbm>> -> memref<10000x128xf32, #tpu.memory_space<hbm>>
          tpu.enqueue_indirect_dma source(%dma_start3A_211 : memref<10000x128xf32, #tpu.memory_space<hbm>>) target(%arg11 : memref<112x128xf32, #tpu.memory_space<vmem>>) offsets(%dma_start3A_208 : memref<112xi32, #tpu.memory_space<vmem>>) semaphore(%arg15 : memref<!tpu.dma_semaphore, #tpu.memory_space<semaphore_mem>>)
        } else {
        }
        %rem3A_129 = arith.constant 2 : i32
        %rem3A_130 = arith.remsi %scan3A_56, %rem3A_129 : i32
        %mul3A_131 = arith.constant 336 : i32
        %mul3A_132 = arith.muli %rem3A_130, %mul3A_131 : i32
        %add3A_133 = arith.constant 112 : i32
        %add3A_134 = arith.addi %mul3A_132, %add3A_133 : i32
        %multiple_of3A_135 = tpu.assume_multiple %add3A_134, 8 : i32
        %dma_start3A_136 = tpu.memref_slice %arg10[%multiple_of3A_135] : memref<672xi32, #tpu.memory_space<vmem>> -> memref<112xi32, #tpu.memory_space<vmem>>
        %dma_start3A_137 = arith.constant 0 : i32
        %dma_start3A_138 = arith.constant 0 : i32
        %dma_start3A_139 = tpu.memref_slice %arg14[%dma_start3A_137, %dma_start3A_138] : memref<10112x128xf32, #tpu.memory_space<vmem_shared>> -> memref<10112x128xf32, #tpu.memory_space<vmem_shared>>
        tpu.enqueue_indirect_dma source(%arg12 : memref<112x128xf32, #tpu.memory_space<vmem>>) target(%dma_start3A_139 : memref<10112x128xf32, #tpu.memory_space<vmem_shared>>) offsets(%dma_start3A_136 : memref<112xi32, #tpu.memory_space<vmem>>) semaphore(%arg18 : memref<!tpu.dma_semaphore, #tpu.memory_space<semaphore_mem>>) {add = true}
        %rem3A_140 = arith.constant 2 : i32
        %rem3A_141 = arith.remsi %scan3A_56, %rem3A_140 : i32
        %mul3A_142 = arith.constant 336 : i32
        %mul3A_143 = arith.muli %rem3A_141, %mul3A_142 : i32
        %add3A_144 = arith.constant 224 : i32
        %add3A_145 = arith.addi %mul3A_143, %add3A_144 : i32
        %multiple_of3A_146 = tpu.assume_multiple %add3A_145, 8 : i32
        %dma_wait3A_147 = tpu.memref_slice %arg9[%multiple_of3A_146] : memref<672xi32, #tpu.memory_space<vmem>> -> memref<112xi32, #tpu.memory_space<vmem>>
        %dma_wait3A_148 = arith.constant 0 : i32
        %dma_wait3A_149 = arith.constant 0 : i32
        %dma_wait3A_150 = tpu.memref_slice %arg6[%dma_wait3A_148, %dma_wait3A_149] : memref<10000x128xf32, #tpu.memory_space<hbm>> -> memref<10000x128xf32, #tpu.memory_space<hbm>>
        tpu.wait_indirect_dma semaphore(%arg17 : memref<!tpu.dma_semaphore, #tpu.memory_space<semaphore_mem>>) src(%dma_wait3A_150 : memref<10000x128xf32, #tpu.memory_space<hbm>>) dst(%arg13 : memref<112x128xf32, #tpu.memory_space<vmem>>)
        %rem3A_151 = arith.constant 2 : i32
        %rem3A_152 = arith.remsi %scan3A_56, %rem3A_151 : i32
        %mul3A_153 = arith.constant 336 : i32
        %mul3A_154 = arith.muli %rem3A_152, %mul3A_153 : i32
        %add3A_155 = arith.constant 112 : i32
        %add3A_156 = arith.addi %mul3A_154, %add3A_155 : i32
        %multiple_of3A_157 = tpu.assume_multiple %add3A_156, 8 : i32
        %dma_wait3A_158 = tpu.memref_slice %arg10[%multiple_of3A_157] : memref<672xi32, #tpu.memory_space<vmem>> -> memref<112xi32, #tpu.memory_space<vmem>>
        %dma_wait3A_159 = arith.constant 0 : i32
        %dma_wait3A_160 = arith.constant 0 : i32
        %dma_wait3A_161 = tpu.memref_slice %arg14[%dma_wait3A_159, %dma_wait3A_160] : memref<10112x128xf32, #tpu.memory_space<vmem_shared>> -> memref<10112x128xf32, #tpu.memory_space<vmem_shared>>
        tpu.wait_indirect_dma semaphore(%arg18 : memref<!tpu.dma_semaphore, #tpu.memory_space<semaphore_mem>>) src(%arg12 : memref<112x128xf32, #tpu.memory_space<vmem>>) dst(%dma_wait3A_161 : memref<10112x128xf32, #tpu.memory_space<vmem_shared>>)
        %add3A_162 = arith.constant 1 : i32
        %add3A_163 = arith.addi %scan3A_56, %add3A_162 : i32
        %lt3A_164 = arith.constant 30 : i32
        %lt3A_165 = arith.cmpi slt, %add3A_163, %lt3A_164 : i32
        %convert_element_type3A_166 = arith.extui %lt3A_165 : i1 to i32
        %cond3A_167 = arith.constant 0 : i32
        %cond3A_168 = arith.cmpi ne, %convert_element_type3A_166, %cond3A_167 : i32
        scf.if %cond3A_168 {
          %add3A_180 = arith.constant 1 : i32
          %add3A_181 = arith.addi %scan3A_56, %add3A_180 : i32
          %rem3A_182 = arith.constant 2 : i32
          %rem3A_183 = arith.remsi %add3A_181, %rem3A_182 : i32
          %mul3A_184 = arith.constant 336 : i32
          %mul3A_185 = arith.muli %rem3A_183, %mul3A_184 : i32
          %add3A_186 = arith.constant 112 : i32
          %add3A_187 = arith.addi %mul3A_185, %add3A_186 : i32
          %multiple_of3A_188 = tpu.assume_multiple %add3A_187, 8 : i32
          %dma_start3A_189 = tpu.memref_slice %arg9[%multiple_of3A_188] : memref<672xi32, #tpu.memory_space<vmem>> -> memref<112xi32, #tpu.memory_space<vmem>>
          %dma_start3A_190 = arith.constant 0 : i32
          %dma_start3A_191 = arith.constant 0 : i32
          %dma_start3A_192 = tpu.memref_slice %arg6[%dma_start3A_190, %dma_start3A_191] : memref<10000x128xf32, #tpu.memory_space<hbm>> -> memref<10000x128xf32, #tpu.memory_space<hbm>>
          tpu.enqueue_indirect_dma source(%dma_start3A_192 : memref<10000x128xf32, #tpu.memory_space<hbm>>) target(%arg12 : memref<112x128xf32, #tpu.memory_space<vmem>>) offsets(%dma_start3A_189 : memref<112xi32, #tpu.memory_space<vmem>>) semaphore(%arg16 : memref<!tpu.dma_semaphore, #tpu.memory_space<semaphore_mem>>)
        } else {
        }
        %rem3A_169 = arith.constant 2 : i32
        %rem3A_170 = arith.remsi %scan3A_56, %rem3A_169 : i32
        %mul3A_171 = arith.constant 336 : i32
        %mul3A_172 = arith.muli %rem3A_170, %mul3A_171 : i32
        %add3A_173 = arith.constant 224 : i32
        %add3A_174 = arith.addi %mul3A_172, %add3A_173 : i32
        %multiple_of3A_175 = tpu.assume_multiple %add3A_174, 8 : i32
        %dma_start3A_176 = tpu.memref_slice %arg10[%multiple_of3A_175] : memref<672xi32, #tpu.memory_space<vmem>> -> memref<112xi32, #tpu.memory_space<vmem>>
        %dma_start3A_177 = arith.constant 0 : i32
        %dma_start3A_178 = arith.constant 0 : i32
        %dma_start3A_179 = tpu.memref_slice %arg14[%dma_start3A_177, %dma_start3A_178] : memref<10112x128xf32, #tpu.memory_space<vmem_shared>> -> memref<10112x128xf32, #tpu.memory_space<vmem_shared>>
        tpu.enqueue_indirect_dma source(%arg13 : memref<112x128xf32, #tpu.memory_space<vmem>>) target(%dma_start3A_179 : memref<10112x128xf32, #tpu.memory_space<vmem_shared>>) offsets(%dma_start3A_176 : memref<112xi32, #tpu.memory_space<vmem>>) semaphore(%arg18 : memref<!tpu.dma_semaphore, #tpu.memory_space<semaphore_mem>>) {add = true}
      }
      %scan3A_44 = arith.constant 30 : i32
      %rem3A_45 = arith.constant 29 : i32
      %rem3A_46 = arith.constant 2 : i32
      %rem3A_47 = arith.remsi %rem3A_45, %rem3A_46 : i32
      %mul3A_48 = arith.constant 336 : i32
      %mul3A_49 = arith.muli %rem3A_47, %mul3A_48 : i32
      %add3A_50 = arith.constant 224 : i32
      %add3A_51 = arith.addi %mul3A_49, %add3A_50 : i32
      %multiple_of3A_52 = tpu.assume_multiple %add3A_51, 8 : i32
      %dma_wait3A = tpu.memref_slice %arg10[%multiple_of3A_52] : memref<672xi32, #tpu.memory_space<vmem>> -> memref<112xi32, #tpu.memory_space<vmem>>
      %dma_wait3A_53 = arith.constant 0 : i32
      %dma_wait3A_54 = arith.constant 0 : i32
      %dma_wait3A_55 = tpu.memref_slice %arg14[%dma_wait3A_53, %dma_wait3A_54] : memref<10112x128xf32, #tpu.memory_space<vmem_shared>> -> memref<10112x128xf32, #tpu.memory_space<vmem_shared>>
      tpu.wait_indirect_dma semaphore(%arg18 : memref<!tpu.dma_semaphore, #tpu.memory_space<semaphore_mem>>) src(%arg13 : memref<112x128xf32, #tpu.memory_space<vmem>>) dst(%dma_wait3A_55 : memref<10112x128xf32, #tpu.memory_space<vmem_shared>>)
    } else {
    }
    %barrier3A_10 = arith.constant 0 : index
    tpu.barrier barrier_id(%barrier3A_10)
    %eq3A_11 = arith.constant 0 : i32
    %eq3A_12 = arith.cmpi eq, %arg0, %eq3A_11 : i32
    %convert_element_type3A_13 = arith.extui %eq3A_12 : i1 to i32
    %cond3A_14 = arith.constant 0 : i32
    %cond3A_15 = arith.cmpi ne, %convert_element_type3A_13, %cond3A_14 : i32
    scf.if %cond3A_15 {
      %lt3A = arith.constant 15 : i32
      %lt3A_21 = arith.cmpi slt, %arg1, %lt3A : i32
      %convert_element_type3A_22 = arith.extui %lt3A_21 : i1 to i32
      %cond3A_23 = arith.constant 0 : i32
      %cond3A_24 = arith.cmpi ne, %convert_element_type3A_22, %cond3A_23 : i32
      scf.if %cond3A_24 {
        %mul3A_30 = arith.constant 632 : i32
        %mul3A_31 = arith.muli %arg1, %mul3A_30 : i32
        %mul3A_32 = arith.constant 632 : i32
        %mul3A_33 = arith.muli %arg1, %mul3A_32 : i32
        "tpu.region"() ({
          %run_scoped3A = tpu.sem_alloc : memref<!tpu.dma_semaphore, #tpu.memory_space<semaphore_mem>>
          %dma_start3A = arith.constant 0 : i32
          %dma_start3A_34 = tpu.memref_slice %arg7[%mul3A_33, %dma_start3A] : memref<10000x128xf32, #tpu.memory_space<hbm>> -> memref<632x128xf32, #tpu.memory_space<hbm>>
          %dma_start3A_35 = arith.constant 0 : i32
          %dma_start3A_36 = tpu.memref_slice %arg14[%mul3A_31, %dma_start3A_35] : memref<10112x128xf32, #tpu.memory_space<vmem_shared>> -> memref<632x128xf32, #tpu.memory_space<vmem_shared>>
          tpu.enqueue_dma source(%dma_start3A_36 : memref<632x128xf32, #tpu.memory_space<vmem_shared>>) target(%dma_start3A_34 : memref<632x128xf32, #tpu.memory_space<hbm>>) target_semaphore(%run_scoped3A : memref<!tpu.dma_semaphore, #tpu.memory_space<semaphore_mem>>)
          %dma_wait3A = arith.constant 0 : i32
          %dma_wait3A_37 = tpu.memref_slice %arg7[%mul3A_33, %dma_wait3A] : memref<10000x128xf32, #tpu.memory_space<hbm>> -> memref<632x128xf32, #tpu.memory_space<hbm>>
          %dma_wait3A_38 = arith.constant 0 : i32
          %dma_wait3A_39 = tpu.memref_slice %arg14[%mul3A_31, %dma_wait3A_38] : memref<10112x128xf32, #tpu.memory_space<vmem_shared>> -> memref<632x128xf32, #tpu.memory_space<vmem_shared>>
          tpu.wait_dma2 semaphore(%run_scoped3A : memref<!tpu.dma_semaphore, #tpu.memory_space<semaphore_mem>>) src(%dma_wait3A_39 : memref<632x128xf32, #tpu.memory_space<vmem_shared>>) dst(%dma_wait3A_37 : memref<632x128xf32, #tpu.memory_space<hbm>>)
          tpu.yield
        }) : () -> ()
      } else {
      }
      %eq3A_25 = arith.constant 15 : i32
      %eq3A_26 = arith.cmpi eq, %arg1, %eq3A_25 : i32
      %convert_element_type3A_27 = arith.extui %eq3A_26 : i1 to i32
      %cond3A_28 = arith.constant 0 : i32
      %cond3A_29 = arith.cmpi ne, %convert_element_type3A_27, %cond3A_28 : i32
      scf.if %cond3A_29 {
        "tpu.region"() ({
          %run_scoped3A = tpu.sem_alloc : memref<!tpu.dma_semaphore, #tpu.memory_space<semaphore_mem>>
          %dma_start3A = arith.constant 9480 : i32
          %dma_start3A_30 = arith.constant 0 : i32
          %dma_start3A_31 = tpu.memref_slice %arg7[%dma_start3A, %dma_start3A_30] : memref<10000x128xf32, #tpu.memory_space<hbm>> -> memref<520x128xf32, #tpu.memory_space<hbm>>
          %dma_start3A_32 = arith.constant 9480 : i32
          %dma_start3A_33 = arith.constant 0 : i32
          %dma_start3A_34 = tpu.memref_slice %arg14[%dma_start3A_32, %dma_start3A_33] : memref<10112x128xf32, #tpu.memory_space<vmem_shared>> -> memref<520x128xf32, #tpu.memory_space<vmem_shared>>
          tpu.enqueue_dma source(%dma_start3A_34 : memref<520x128xf32, #tpu.memory_space<vmem_shared>>) target(%dma_start3A_31 : memref<520x128xf32, #tpu.memory_space<hbm>>) target_semaphore(%run_scoped3A : memref<!tpu.dma_semaphore, #tpu.memory_space<semaphore_mem>>)
          %dma_wait3A = arith.constant 9480 : i32
          %dma_wait3A_35 = arith.constant 0 : i32
          %dma_wait3A_36 = tpu.memref_slice %arg7[%dma_wait3A, %dma_wait3A_35] : memref<10000x128xf32, #tpu.memory_space<hbm>> -> memref<520x128xf32, #tpu.memory_space<hbm>>
          %dma_wait3A_37 = arith.constant 9480 : i32
          %dma_wait3A_38 = arith.constant 0 : i32
          %dma_wait3A_39 = tpu.memref_slice %arg14[%dma_wait3A_37, %dma_wait3A_38] : memref<10112x128xf32, #tpu.memory_space<vmem_shared>> -> memref<520x128xf32, #tpu.memory_space<vmem_shared>>
          tpu.wait_dma2 semaphore(%run_scoped3A : memref<!tpu.dma_semaphore, #tpu.memory_space<semaphore_mem>>) src(%dma_wait3A_39 : memref<520x128xf32, #tpu.memory_space<vmem_shared>>) dst(%dma_wait3A_36 : memref<520x128xf32, #tpu.memory_space<hbm>>)
          tpu.yield
        }) : () -> ()
      } else {
      }
    } else {
    }
    %eq3A_16 = arith.constant 1 : i32
    %eq3A_17 = arith.cmpi eq, %arg0, %eq3A_16 : i32
    %convert_element_type3A_18 = arith.extui %eq3A_17 : i1 to i32
    %cond3A_19 = arith.constant 0 : i32
    %cond3A_20 = arith.cmpi ne, %convert_element_type3A_18, %cond3A_19 : i32
    scf.if %cond3A_20 {
      %lt3A = arith.constant 15 : i32
      %lt3A_21 = arith.cmpi slt, %arg1, %lt3A : i32
      %convert_element_type3A_22 = arith.extui %lt3A_21 : i1 to i32
      %cond3A_23 = arith.constant 0 : i32
      %cond3A_24 = arith.cmpi ne, %convert_element_type3A_22, %cond3A_23 : i32
      scf.if %cond3A_24 {
        %mul3A_30 = arith.constant 632 : i32
        %mul3A_31 = arith.muli %arg1, %mul3A_30 : i32
        %mul3A_32 = arith.constant 632 : i32
        %mul3A_33 = arith.muli %arg1, %mul3A_32 : i32
        "tpu.region"() ({
          %run_scoped3A = tpu.sem_alloc : memref<!tpu.dma_semaphore, #tpu.memory_space<semaphore_mem>>
          %dma_start3A = arith.constant 0 : i32
          %dma_start3A_34 = tpu.memref_slice %arg8[%mul3A_33, %dma_start3A] : memref<10000x128xf32, #tpu.memory_space<hbm>> -> memref<632x128xf32, #tpu.memory_space<hbm>>
          %dma_start3A_35 = arith.constant 0 : i32
          %dma_start3A_36 = tpu.memref_slice %arg14[%mul3A_31, %dma_start3A_35] : memref<10112x128xf32, #tpu.memory_space<vmem_shared>> -> memref<632x128xf32, #tpu.memory_space<vmem_shared>>
          tpu.enqueue_dma source(%dma_start3A_36 : memref<632x128xf32, #tpu.memory_space<vmem_shared>>) target(%dma_start3A_34 : memref<632x128xf32, #tpu.memory_space<hbm>>) target_semaphore(%run_scoped3A : memref<!tpu.dma_semaphore, #tpu.memory_space<semaphore_mem>>)
          %dma_wait3A = arith.constant 0 : i32
          %dma_wait3A_37 = tpu.memref_slice %arg8[%mul3A_33, %dma_wait3A] : memref<10000x128xf32, #tpu.memory_space<hbm>> -> memref<632x128xf32, #tpu.memory_space<hbm>>
          %dma_wait3A_38 = arith.constant 0 : i32
          %dma_wait3A_39 = tpu.memref_slice %arg14[%mul3A_31, %dma_wait3A_38] : memref<10112x128xf32, #tpu.memory_space<vmem_shared>> -> memref<632x128xf32, #tpu.memory_space<vmem_shared>>
          tpu.wait_dma2 semaphore(%run_scoped3A : memref<!tpu.dma_semaphore, #tpu.memory_space<semaphore_mem>>) src(%dma_wait3A_39 : memref<632x128xf32, #tpu.memory_space<vmem_shared>>) dst(%dma_wait3A_37 : memref<632x128xf32, #tpu.memory_space<hbm>>)
          tpu.yield
        }) : () -> ()
      } else {
      }
      %eq3A_25 = arith.constant 15 : i32
      %eq3A_26 = arith.cmpi eq, %arg1, %eq3A_25 : i32
      %convert_element_type3A_27 = arith.extui %eq3A_26 : i1 to i32
      %cond3A_28 = arith.constant 0 : i32
      %cond3A_29 = arith.cmpi ne, %convert_element_type3A_27, %cond3A_28 : i32
      scf.if %cond3A_29 {
        "tpu.region"() ({
          %run_scoped3A = tpu.sem_alloc : memref<!tpu.dma_semaphore, #tpu.memory_space<semaphore_mem>>
          %dma_start3A = arith.constant 9480 : i32
          %dma_start3A_30 = arith.constant 0 : i32
          %dma_start3A_31 = tpu.memref_slice %arg8[%dma_start3A, %dma_start3A_30] : memref<10000x128xf32, #tpu.memory_space<hbm>> -> memref<520x128xf32, #tpu.memory_space<hbm>>
          %dma_start3A_32 = arith.constant 9480 : i32
          %dma_start3A_33 = arith.constant 0 : i32
          %dma_start3A_34 = tpu.memref_slice %arg14[%dma_start3A_32, %dma_start3A_33] : memref<10112x128xf32, #tpu.memory_space<vmem_shared>> -> memref<520x128xf32, #tpu.memory_space<vmem_shared>>
          tpu.enqueue_dma source(%dma_start3A_34 : memref<520x128xf32, #tpu.memory_space<vmem_shared>>) target(%dma_start3A_31 : memref<520x128xf32, #tpu.memory_space<hbm>>) target_semaphore(%run_scoped3A : memref<!tpu.dma_semaphore, #tpu.memory_space<semaphore_mem>>)
          %dma_wait3A = arith.constant 9480 : i32
          %dma_wait3A_35 = arith.constant 0 : i32
          %dma_wait3A_36 = tpu.memref_slice %arg8[%dma_wait3A, %dma_wait3A_35] : memref<10000x128xf32, #tpu.memory_space<hbm>> -> memref<520x128xf32, #tpu.memory_space<hbm>>
          %dma_wait3A_37 = arith.constant 9480 : i32
          %dma_wait3A_38 = arith.constant 0 : i32
          %dma_wait3A_39 = tpu.memref_slice %arg14[%dma_wait3A_37, %dma_wait3A_38] : memref<10112x128xf32, #tpu.memory_space<vmem_shared>> -> memref<520x128xf32, #tpu.memory_space<vmem_shared>>
          tpu.wait_dma2 semaphore(%run_scoped3A : memref<!tpu.dma_semaphore, #tpu.memory_space<semaphore_mem>>) src(%dma_wait3A_39 : memref<520x128xf32, #tpu.memory_space<vmem_shared>>) dst(%dma_wait3A_36 : memref<520x128xf32, #tpu.memory_space<hbm>>)
          tpu.yield
        }) : () -> ()
      } else {
      }
    } else {
    }
    return
  }
}

module attributes {stable_mosaic.version = 14 : i64} {
  func.func @_tc_in_kernel(%arg0: i32, %arg1: memref<400x256xf32, #tpu.memory_space<vmem>>, %arg2: memref<400x128xf32, #tpu.memory_space<vmem>>, %arg3: memref<400x128xf32, #tpu.memory_space<vmem>>, %arg4: memref<256x256xf32, #tpu.memory_space<vmem>>, %arg5: memref<1x256xf32, #tpu.memory_space<vmem>>, %arg6: memref<256x256xf32, #tpu.memory_space<vmem>>, %arg7: memref<400x256xf32, #tpu.memory_space<vmem>>, %arg8: memref<400x128xf32, #tpu.memory_space<vmem>>, %arg9: memref<400x128xf32, #tpu.memory_space<vmem>>) attributes {dimension_semantics = [#tpu.dimension_semantics<arbitrary>], iteration_bounds = array<i64: 25>, scalar_prefetch = 0 : i64, scratch_operands = 0 : i64, tpu.core_type = #tpu.core_type<tc>, window_params = [{transform_indices = @transform_0, window_bounds = array<i64: 400, 256>}, {transform_indices = @transform_1, window_bounds = array<i64: 400, 128>}, {transform_indices = @transform_2, window_bounds = array<i64: 400, 128>}, {pipeline_mode = #tpu.pipeline_mode<synchronous>, transform_indices = @transform_3, window_bounds = array<i64: 256, 256>}, {pipeline_mode = #tpu.pipeline_mode<synchronous>, transform_indices = @transform_4, window_bounds = array<i64: 1, 256>}, {pipeline_mode = #tpu.pipeline_mode<synchronous>, transform_indices = @transform_5, window_bounds = array<i64: 256, 256>}, {transform_indices = @transform_6, window_bounds = array<i64: 400, 256>}, {transform_indices = @transform_7, window_bounds = array<i64: 400, 128>}, {transform_indices = @transform_8, window_bounds = array<i64: 400, 128>}]} {
    %get3A = arith.constant 0 : index
    %get3A_0 = arith.constant 0 : index
    %get3A_1 = vector.load %arg2[%get3A, %get3A_0] : memref<400x128xf32, #tpu.memory_space<vmem>>, vector<400x1xf32>
    %get3A_2 = arith.constant 0 : index
    %get3A_3 = arith.constant 0 : index
    %get3A_4 = vector.load %arg3[%get3A_2, %get3A_3] : memref<400x128xf32, #tpu.memory_space<vmem>>, vector<400x1xf32>
    %add3A = arith.addf %get3A_1, %get3A_4 : vector<400x1xf32>
    %add3A_5 = arith.constant 1.000000e+00 : f32
    %add3A_6 = vector.broadcast %add3A_5 : f32 to vector<400x1xf32>
    %add3A_7 = arith.addf %add3A, %add3A_6 : vector<400x1xf32>
    %rsqrt3A = math.rsqrt %add3A_7 : vector<400x1xf32>
    %get3A_8 = arith.constant 0 : index
    %get3A_9 = arith.constant 0 : index
    %get3A_10 = vector.load %arg1[%get3A_8, %get3A_9] : memref<400x256xf32, #tpu.memory_space<vmem>>, vector<400x256xf32>
    %get3A_11 = arith.constant 0 : index
    %get3A_12 = arith.constant 0 : index
    %get3A_13 = vector.load %arg4[%get3A_11, %get3A_12] : memref<256x256xf32, #tpu.memory_space<vmem>>, vector<256x256xf32>
    %dot_general3A = arith.constant dense<0.000000e+00> : vector<400x256xf32>
    %dot_general3A_14 = tpu.matmul %get3A_10, %get3A_13, %dot_general3A {dimension_numbers = #tpu.dot_dimension_numbers<[1], [0], [0], [1], [0, 0, 1, 1], [], []>, transpose_lhs_hint = false} : vector<400x256xf32>, vector<256x256xf32>, vector<400x256xf32> -> vector<400x256xf32>
    %get3A_15 = arith.constant 0 : index
    %get3A_16 = arith.constant 0 : index
    %get3A_17 = vector.load %arg5[%get3A_15, %get3A_16] : memref<1x256xf32, #tpu.memory_space<vmem>>, vector<1x256xf32>
    %add3A_18 = vector.broadcast %get3A_17 : vector<1x256xf32> to vector<400x256xf32>
    %add3A_19 = arith.addf %dot_general3A_14, %add3A_18 : vector<400x256xf32>
    %get3A_20 = arith.constant 0 : index
    %get3A_21 = arith.constant 0 : index
    %get3A_22 = vector.load %arg6[%get3A_20, %get3A_21] : memref<256x256xf32, #tpu.memory_space<vmem>>, vector<256x256xf32>
    %dot_general3A_23 = arith.constant dense<0.000000e+00> : vector<400x256xf32>
    %dot_general3A_24 = tpu.matmul %add3A_19, %get3A_22, %dot_general3A_23 {dimension_numbers = #tpu.dot_dimension_numbers<[1], [0], [0], [1], [0, 0, 1, 1], [], []>, transpose_lhs_hint = false} : vector<400x256xf32>, vector<256x256xf32>, vector<400x256xf32> -> vector<400x256xf32>
    %mul3A = vector.broadcast %rsqrt3A : vector<400x1xf32> to vector<400x256xf32>
    %mul3A_25 = arith.mulf %dot_general3A_24, %mul3A : vector<400x256xf32>
    %swap3A = arith.constant 0 : index
    %swap3A_26 = arith.constant 0 : index
    %swap3A_27 = vector.load %arg7[%swap3A, %swap3A_26] : memref<400x256xf32, #tpu.memory_space<vmem>>, vector<400x256xf32>
    tpu.vector_store %arg7[%swap3A, %swap3A_26], %add3A_19 {strides = array<i32>} : memref<400x256xf32, #tpu.memory_space<vmem>>, vector<400x256xf32>,
    %slice3A = vector.extract_strided_slice %mul3A_25 {offsets = [0, 0], sizes = [400, 128], strides = [1, 1]} : vector<400x256xf32> to vector<400x128xf32>
    %swap3A_28 = arith.constant 0 : index
    %swap3A_29 = arith.constant 0 : index
    %swap3A_30 = vector.load %arg8[%swap3A_28, %swap3A_29] : memref<400x128xf32, #tpu.memory_space<vmem>>, vector<400x128xf32>
    tpu.vector_store %arg8[%swap3A_28, %swap3A_29], %slice3A {strides = array<i32>} : memref<400x128xf32, #tpu.memory_space<vmem>>, vector<400x128xf32>,
    %slice3A_31 = vector.extract_strided_slice %mul3A_25 {offsets = [0, 128], sizes = [400, 128], strides = [1, 1]} : vector<400x256xf32> to vector<400x128xf32>
    %swap3A_32 = arith.constant 0 : index
    %swap3A_33 = arith.constant 0 : index
    %swap3A_34 = vector.load %arg9[%swap3A_32, %swap3A_33] : memref<400x128xf32, #tpu.memory_space<vmem>>, vector<400x128xf32>
    tpu.vector_store %arg9[%swap3A_32, %swap3A_33], %slice3A_31 {strides = array<i32>} : memref<400x128xf32, #tpu.memory_space<vmem>>, vector<400x128xf32>,
    return
  }
  func.func @transform_0(%arg0: i32) -> (i32, i32) {
    %c0_i32 = arith.constant 0 : i32
    %c0_i32_0 = arith.constant 0 : i32
    return %arg0, %c0_i32 : i32, i32
  }
  func.func @transform_1(%arg0: i32) -> (i32, i32) {
    %c0_i32 = arith.constant 0 : i32
    %c0_i32_0 = arith.constant 0 : i32
    return %arg0, %c0_i32 : i32, i32
  }
  func.func @transform_2(%arg0: i32) -> (i32, i32) {
    %c0_i32 = arith.constant 0 : i32
    %c0_i32_0 = arith.constant 0 : i32
    return %arg0, %c0_i32 : i32, i32
  }
  func.func @transform_3(%arg0: i32) -> (i32, i32) {
    %c0_i32 = arith.constant 0 : i32
    %c0_i32_0 = arith.constant 0 : i32
    %c0_i32_1 = arith.constant 0 : i32
    return %c0_i32, %c0_i32_0 : i32, i32
  }
  func.func @transform_4(%arg0: i32) -> (i32, i32) {
    %c0_i32 = arith.constant 0 : i32
    %c0_i32_0 = arith.constant 0 : i32
    %c0_i32_1 = arith.constant 0 : i32
    return %c0_i32, %c0_i32_0 : i32, i32
  }
  func.func @transform_5(%arg0: i32) -> (i32, i32) {
    %c0_i32 = arith.constant 0 : i32
    %c0_i32_0 = arith.constant 0 : i32
    %c0_i32_1 = arith.constant 0 : i32
    return %c0_i32, %c0_i32_0 : i32, i32
  }
  func.func @transform_6(%arg0: i32) -> (i32, i32) {
    %c0_i32 = arith.constant 0 : i32
    %c0_i32_0 = arith.constant 0 : i32
    return %arg0, %c0_i32 : i32, i32
  }
  func.func @transform_7(%arg0: i32) -> (i32, i32) {
    %c0_i32 = arith.constant 0 : i32
    %c0_i32_0 = arith.constant 0 : i32
    return %arg0, %c0_i32 : i32, i32
  }
  func.func @transform_8(%arg0: i32) -> (i32, i32) {
    %c0_i32 = arith.constant 0 : i32
    %c0_i32_0 = arith.constant 0 : i32
    return %arg0, %c0_i32 : i32, i32
  }
}

module attributes {stable_mosaic.version = 14 : i64} {
  func.func @_tc_mid_kernel(%arg0: i32, %arg1: memref<400x256xf32, #tpu.memory_space<vmem>>, %arg2: memref<400x128xf32, #tpu.memory_space<vmem>>, %arg3: memref<400x128xf32, #tpu.memory_space<vmem>>, %arg4: memref<400x128xf32, #tpu.memory_space<vmem>>, %arg5: memref<400x128xf32, #tpu.memory_space<vmem>>, %arg6: memref<400x128xf32, #tpu.memory_space<vmem>>, %arg7: memref<400x128xf32, #tpu.memory_space<vmem>>, %arg8: memref<1x256xf32, #tpu.memory_space<vmem>>, %arg9: memref<1x256xf32, #tpu.memory_space<vmem>>, %arg10: memref<1x256xf32, #tpu.memory_space<vmem>>, %arg11: memref<1x256xf32, #tpu.memory_space<vmem>>, %arg12: memref<1x256xf32, #tpu.memory_space<vmem>>, %arg13: memref<256x256xf32, #tpu.memory_space<vmem>>, %arg14: memref<256x256xf32, #tpu.memory_space<vmem>>, %arg15: memref<256x256xf32, #tpu.memory_space<vmem>>, %arg16: memref<400x256xf32, #tpu.memory_space<vmem>>, %arg17: memref<400x128xf32, #tpu.memory_space<vmem>>, %arg18: memref<400x128xf32, #tpu.memory_space<vmem>>) attributes {dimension_semantics = [#tpu.dimension_semantics<arbitrary>], iteration_bounds = array<i64: 25>, scalar_prefetch = 0 : i64, scratch_operands = 0 : i64, tpu.core_type = #tpu.core_type<tc>, window_params = [{transform_indices = @transform_0, window_bounds = array<i64: 400, 256>}, {transform_indices = @transform_1, window_bounds = array<i64: 400, 128>}, {transform_indices = @transform_2, window_bounds = array<i64: 400, 128>}, {transform_indices = @transform_3, window_bounds = array<i64: 400, 128>}, {transform_indices = @transform_4, window_bounds = array<i64: 400, 128>}, {transform_indices = @transform_5, window_bounds = array<i64: 400, 128>}, {transform_indices = @transform_6, window_bounds = array<i64: 400, 128>}, {pipeline_mode = #tpu.pipeline_mode<synchronous>, transform_indices = @transform_7, window_bounds = array<i64: 1, 256>}, {pipeline_mode = #tpu.pipeline_mode<synchronous>, transform_indices = @transform_8, window_bounds = array<i64: 1, 256>}, {pipeline_mode = #tpu.pipeline_mode<synchronous>, transform_indices = @transform_9, window_bounds = array<i64: 1, 256>}, {pipeline_mode = #tpu.pipeline_mode<synchronous>, transform_indices = @transform_10, window_bounds = array<i64: 1, 256>}, {pipeline_mode = #tpu.pipeline_mode<synchronous>, transform_indices = @transform_11, window_bounds = array<i64: 1, 256>}, {pipeline_mode = #tpu.pipeline_mode<synchronous>, transform_indices = @transform_12, window_bounds = array<i64: 256, 256>}, {pipeline_mode = #tpu.pipeline_mode<synchronous>, transform_indices = @transform_13, window_bounds = array<i64: 256, 256>}, {pipeline_mode = #tpu.pipeline_mode<synchronous>, transform_indices = @transform_14, window_bounds = array<i64: 256, 256>}, {transform_indices = @transform_15, window_bounds = array<i64: 400, 256>}, {transform_indices = @transform_16, window_bounds = array<i64: 400, 128>}, {transform_indices = @transform_17, window_bounds = array<i64: 400, 128>}]} {
    %get3A = arith.constant 0 : index
    %get3A_0 = arith.constant 0 : index
    %get3A_1 = vector.load %arg6[%get3A, %get3A_0] : memref<400x128xf32, #tpu.memory_space<vmem>>, vector<400x1xf32>
    %get3A_2 = arith.constant 0 : index
    %get3A_3 = arith.constant 0 : index
    %get3A_4 = vector.load %arg7[%get3A_2, %get3A_3] : memref<400x128xf32, #tpu.memory_space<vmem>>, vector<400x1xf32>
    %add3A = arith.addf %get3A_1, %get3A_4 : vector<400x1xf32>
    %add3A_5 = arith.constant 1.000000e+00 : f32
    %add3A_6 = vector.broadcast %add3A_5 : f32 to vector<400x1xf32>
    %add3A_7 = arith.addf %add3A, %add3A_6 : vector<400x1xf32>
    %rsqrt3A = math.rsqrt %add3A_7 : vector<400x1xf32>
    %get3A_8 = arith.constant 0 : index
    %get3A_9 = arith.constant 0 : index
    %get3A_10 = vector.load %arg2[%get3A_8, %get3A_9] : memref<400x128xf32, #tpu.memory_space<vmem>>, vector<400x128xf32>
    %get3A_11 = arith.constant 0 : index
    %get3A_12 = arith.constant 0 : index
    %get3A_13 = vector.load %arg3[%get3A_11, %get3A_12] : memref<400x128xf32, #tpu.memory_space<vmem>>, vector<400x128xf32>
    %concatenate3A = tpu.concatenate %get3A_10, %get3A_13 in 1 : vector<400x128xf32>, vector<400x128xf32> -> vector<400x256xf32>
    %get3A_14 = arith.constant 0 : index
    %get3A_15 = arith.constant 0 : index
    %get3A_16 = vector.load %arg4[%get3A_14, %get3A_15] : memref<400x128xf32, #tpu.memory_space<vmem>>, vector<400x128xf32>
    %get3A_17 = arith.constant 0 : index
    %get3A_18 = arith.constant 0 : index
    %get3A_19 = vector.load %arg5[%get3A_17, %get3A_18] : memref<400x128xf32, #tpu.memory_space<vmem>>, vector<400x128xf32>
    %concatenate3A_20 = tpu.concatenate %get3A_16, %get3A_19 in 1 : vector<400x128xf32>, vector<400x128xf32> -> vector<400x256xf32>
    %add3A_21 = arith.addf %concatenate3A, %concatenate3A_20 : vector<400x256xf32>
    %mul3A = vector.broadcast %rsqrt3A : vector<400x1xf32> to vector<400x256xf32>
    %mul3A_22 = arith.mulf %mul3A, %add3A_21 : vector<400x256xf32>
    %get3A_23 = arith.constant 0 : index
    %get3A_24 = arith.constant 0 : index
    %get3A_25 = vector.load %arg8[%get3A_23, %get3A_24] : memref<1x256xf32, #tpu.memory_space<vmem>>, vector<1x256xf32>
    %add3A_26 = vector.broadcast %get3A_25 : vector<1x256xf32> to vector<400x256xf32>
    %add3A_27 = arith.addf %mul3A_22, %add3A_26 : vector<400x256xf32>
    %rsqrt3A_28 = arith.constant 1.000010e+00 : f32
    %rsqrt3A_29 = math.rsqrt %rsqrt3A_28 : f32
    %mul3A_30 = vector.broadcast %rsqrt3A_29 : f32 to vector<400x256xf32>
    %mul3A_31 = arith.mulf %add3A_27, %mul3A_30 : vector<400x256xf32>
    %get3A_32 = arith.constant 0 : index
    %get3A_33 = arith.constant 0 : index
    %get3A_34 = vector.load %arg9[%get3A_32, %get3A_33] : memref<1x256xf32, #tpu.memory_space<vmem>>, vector<1x256xf32>
    %mul3A_35 = vector.broadcast %get3A_34 : vector<1x256xf32> to vector<400x256xf32>
    %mul3A_36 = arith.mulf %mul3A_31, %mul3A_35 : vector<400x256xf32>
    %get3A_37 = arith.constant 0 : index
    %get3A_38 = arith.constant 0 : index
    %get3A_39 = vector.load %arg10[%get3A_37, %get3A_38] : memref<1x256xf32, #tpu.memory_space<vmem>>, vector<1x256xf32>
    %add3A_40 = vector.broadcast %get3A_39 : vector<1x256xf32> to vector<400x256xf32>
    %add3A_41 = arith.addf %mul3A_36, %add3A_40 : vector<400x256xf32>
    %logistic3A = arith.negf %add3A_41 : vector<400x256xf32>
    %logistic3A_42 = math.exp %logistic3A : vector<400x256xf32>
    %logistic3A_43 = arith.constant 1.000000e+00 : f32
    %logistic3A_44 = vector.broadcast %logistic3A_43 : f32 to vector<400x256xf32>
    %logistic3A_45 = arith.addf %logistic3A_44, %logistic3A_42 : vector<400x256xf32>
    %logistic3A_46 = arith.divf %logistic3A_44, %logistic3A_45 : vector<400x256xf32>
    %mul3A_47 = arith.mulf %add3A_41, %logistic3A_46 : vector<400x256xf32>
    %get3A_48 = arith.constant 0 : index
    %get3A_49 = arith.constant 0 : index
    %get3A_50 = vector.load %arg1[%get3A_48, %get3A_49] : memref<400x256xf32, #tpu.memory_space<vmem>>, vector<400x256xf32>
    %add3A_51 = arith.addf %mul3A_47, %get3A_50 : vector<400x256xf32>
    %reduce_sum3A = arith.constant dense<0.000000e+00> : vector<400xf32>
    %reduce_sum3A_52 = vector.multi_reduction <add>, %add3A_51, %reduce_sum3A [1] : vector<400x256xf32> to vector<400xf32>
    %broadcast_in_dim3A = vector.shape_cast %reduce_sum3A_52 : vector<400xf32> to vector<400x1xf32>
    %div3A = arith.constant 2.560000e+02 : f32
    %div3A_53 = vector.broadcast %div3A : f32 to vector<400x1xf32>
    %div3A_54 = arith.divf %broadcast_in_dim3A, %div3A_53 : vector<400x1xf32>
    %sub3A = vector.broadcast %div3A_54 : vector<400x1xf32> to vector<400x256xf32>
    %sub3A_55 = arith.subf %add3A_51, %sub3A : vector<400x256xf32>
    %integer_pow3A = arith.mulf %sub3A_55, %sub3A_55 : vector<400x256xf32>
    %reduce_sum3A_56 = arith.constant dense<0.000000e+00> : vector<400xf32>
    %reduce_sum3A_57 = vector.multi_reduction <add>, %integer_pow3A, %reduce_sum3A_56 [1] : vector<400x256xf32> to vector<400xf32>
    %broadcast_in_dim3A_58 = vector.shape_cast %reduce_sum3A_57 : vector<400xf32> to vector<400x1xf32>
    %div3A_59 = arith.constant 2.560000e+02 : f32
    %div3A_60 = vector.broadcast %div3A_59 : f32 to vector<400x1xf32>
    %div3A_61 = arith.divf %broadcast_in_dim3A_58, %div3A_60 : vector<400x1xf32>
    %sub3A_62 = vector.broadcast %div3A_54 : vector<400x1xf32> to vector<400x256xf32>
    %sub3A_63 = arith.subf %add3A_51, %sub3A_62 : vector<400x256xf32>
    %add3A_64 = arith.constant 9.99999974E-6 : f32
    %add3A_65 = vector.broadcast %add3A_64 : f32 to vector<400x1xf32>
    %add3A_66 = arith.addf %div3A_61, %add3A_65 : vector<400x1xf32>
    %rsqrt3A_67 = math.rsqrt %add3A_66 : vector<400x1xf32>
    %mul3A_68 = vector.broadcast %rsqrt3A_67 : vector<400x1xf32> to vector<400x256xf32>
    %mul3A_69 = arith.mulf %sub3A_63, %mul3A_68 : vector<400x256xf32>
    %get3A_70 = arith.constant 0 : index
    %get3A_71 = arith.constant 0 : index
    %get3A_72 = vector.load %arg11[%get3A_70, %get3A_71] : memref<1x256xf32, #tpu.memory_space<vmem>>, vector<1x256xf32>
    %mul3A_73 = vector.broadcast %get3A_72 : vector<1x256xf32> to vector<400x256xf32>
    %mul3A_74 = arith.mulf %mul3A_69, %mul3A_73 : vector<400x256xf32>
    %get3A_75 = arith.constant 0 : index
    %get3A_76 = arith.constant 0 : index
    %get3A_77 = vector.load %arg12[%get3A_75, %get3A_76] : memref<1x256xf32, #tpu.memory_space<vmem>>, vector<1x256xf32>
    %add3A_78 = vector.broadcast %get3A_77 : vector<1x256xf32> to vector<400x256xf32>
    %add3A_79 = arith.addf %mul3A_74, %add3A_78 : vector<400x256xf32>
    %get3A_80 = arith.constant 0 : index
    %get3A_81 = arith.constant 0 : index
    %get3A_82 = vector.load %arg13[%get3A_80, %get3A_81] : memref<256x256xf32, #tpu.memory_space<vmem>>, vector<256x256xf32>
    %dot_general3A = arith.constant dense<0.000000e+00> : vector<400x256xf32>
    %dot_general3A_83 = tpu.matmul %add3A_79, %get3A_82, %dot_general3A {dimension_numbers = #tpu.dot_dimension_numbers<[1], [0], [0], [1], [0, 0, 1, 1], [], []>, transpose_lhs_hint = false} : vector<400x256xf32>, vector<256x256xf32>, vector<400x256xf32> -> vector<400x256xf32>
    %logistic3A_84 = arith.negf %dot_general3A_83 : vector<400x256xf32>
    %logistic3A_85 = math.exp %logistic3A_84 : vector<400x256xf32>
    %logistic3A_86 = arith.constant 1.000000e+00 : f32
    %logistic3A_87 = vector.broadcast %logistic3A_86 : f32 to vector<400x256xf32>
    %logistic3A_88 = arith.addf %logistic3A_87, %logistic3A_85 : vector<400x256xf32>
    %logistic3A_89 = arith.divf %logistic3A_87, %logistic3A_88 : vector<400x256xf32>
    %mul3A_90 = arith.mulf %dot_general3A_83, %logistic3A_89 : vector<400x256xf32>
    %get3A_91 = arith.constant 0 : index
    %get3A_92 = arith.constant 0 : index
    %get3A_93 = vector.load %arg14[%get3A_91, %get3A_92] : memref<256x256xf32, #tpu.memory_space<vmem>>, vector<256x256xf32>
    %dot_general3A_94 = arith.constant dense<0.000000e+00> : vector<400x256xf32>
    %dot_general3A_95 = tpu.matmul %mul3A_90, %get3A_93, %dot_general3A_94 {dimension_numbers = #tpu.dot_dimension_numbers<[1], [0], [0], [1], [0, 0, 1, 1], [], []>, transpose_lhs_hint = false} : vector<400x256xf32>, vector<256x256xf32>, vector<400x256xf32> -> vector<400x256xf32>
    %add3A_96 = arith.addf %dot_general3A_95, %add3A_51 : vector<400x256xf32>
    %get3A_97 = arith.constant 0 : index
    %get3A_98 = arith.constant 0 : index
    %get3A_99 = vector.load %arg6[%get3A_97, %get3A_98] : memref<400x128xf32, #tpu.memory_space<vmem>>, vector<400x1xf32>
    %get3A_100 = arith.constant 0 : index
    %get3A_101 = arith.constant 0 : index
    %get3A_102 = vector.load %arg7[%get3A_100, %get3A_101] : memref<400x128xf32, #tpu.memory_space<vmem>>, vector<400x1xf32>
    %add3A_103 = arith.addf %get3A_99, %get3A_102 : vector<400x1xf32>
    %add3A_104 = arith.constant 1.000000e+00 : f32
    %add3A_105 = vector.broadcast %add3A_104 : f32 to vector<400x1xf32>
    %add3A_106 = arith.addf %add3A_103, %add3A_105 : vector<400x1xf32>
    %rsqrt3A_107 = math.rsqrt %add3A_106 : vector<400x1xf32>
    %get3A_108 = arith.constant 0 : index
    %get3A_109 = arith.constant 0 : index
    %get3A_110 = vector.load %arg15[%get3A_108, %get3A_109] : memref<256x256xf32, #tpu.memory_space<vmem>>, vector<256x256xf32>
    %dot_general3A_111 = arith.constant dense<0.000000e+00> : vector<400x256xf32>
    %dot_general3A_112 = tpu.matmul %add3A_96, %get3A_110, %dot_general3A_111 {dimension_numbers = #tpu.dot_dimension_numbers<[1], [0], [0], [1], [0, 0, 1, 1], [], []>, transpose_lhs_hint = false} : vector<400x256xf32>, vector<256x256xf32>, vector<400x256xf32> -> vector<400x256xf32>
    %mul3A_113 = vector.broadcast %rsqrt3A_107 : vector<400x1xf32> to vector<400x256xf32>
    %mul3A_114 = arith.mulf %dot_general3A_112, %mul3A_113 : vector<400x256xf32>
    %swap3A = arith.constant 0 : index
    %swap3A_115 = arith.constant 0 : index
    %swap3A_116 = vector.load %arg16[%swap3A, %swap3A_115] : memref<400x256xf32, #tpu.memory_space<vmem>>, vector<400x256xf32>
    tpu.vector_store %arg16[%swap3A, %swap3A_115], %add3A_96 {strides = array<i32>} : memref<400x256xf32, #tpu.memory_space<vmem>>, vector<400x256xf32>,
    %slice3A = vector.extract_strided_slice %mul3A_114 {offsets = [0, 0], sizes = [400, 128], strides = [1, 1]} : vector<400x256xf32> to vector<400x128xf32>
    %swap3A_117 = arith.constant 0 : index
    %swap3A_118 = arith.constant 0 : index
    %swap3A_119 = vector.load %arg17[%swap3A_117, %swap3A_118] : memref<400x128xf32, #tpu.memory_space<vmem>>, vector<400x128xf32>
    tpu.vector_store %arg17[%swap3A_117, %swap3A_118], %slice3A {strides = array<i32>} : memref<400x128xf32, #tpu.memory_space<vmem>>, vector<400x128xf32>,
    %slice3A_120 = vector.extract_strided_slice %mul3A_114 {offsets = [0, 128], sizes = [400, 128], strides = [1, 1]} : vector<400x256xf32> to vector<400x128xf32>
    %swap3A_121 = arith.constant 0 : index
    %swap3A_122 = arith.constant 0 : index
    %swap3A_123 = vector.load %arg18[%swap3A_121, %swap3A_122] : memref<400x128xf32, #tpu.memory_space<vmem>>, vector<400x128xf32>
    tpu.vector_store %arg18[%swap3A_121, %swap3A_122], %slice3A_120 {strides = array<i32>} : memref<400x128xf32, #tpu.memory_space<vmem>>, vector<400x128xf32>,
    return
  }
  func.func @transform_0(%arg0: i32) -> (i32, i32) {
    %c0_i32 = arith.constant 0 : i32
    %c0_i32_0 = arith.constant 0 : i32
    return %arg0, %c0_i32 : i32, i32
  }
  func.func @transform_1(%arg0: i32) -> (i32, i32) {
    %c0_i32 = arith.constant 0 : i32
    %c0_i32_0 = arith.constant 0 : i32
    return %arg0, %c0_i32 : i32, i32
  }
  func.func @transform_2(%arg0: i32) -> (i32, i32) {
    %c0_i32 = arith.constant 0 : i32
    %c0_i32_0 = arith.constant 0 : i32
    return %arg0, %c0_i32 : i32, i32
  }
  func.func @transform_3(%arg0: i32) -> (i32, i32) {
    %c0_i32 = arith.constant 0 : i32
    %c0_i32_0 = arith.constant 0 : i32
    return %arg0, %c0_i32 : i32, i32
  }
  func.func @transform_4(%arg0: i32) -> (i32, i32) {
    %c0_i32 = arith.constant 0 : i32
    %c0_i32_0 = arith.constant 0 : i32
    return %arg0, %c0_i32 : i32, i32
  }
  func.func @transform_5(%arg0: i32) -> (i32, i32) {
    %c0_i32 = arith.constant 0 : i32
    %c0_i32_0 = arith.constant 0 : i32
    return %arg0, %c0_i32 : i32, i32
  }
  func.func @transform_6(%arg0: i32) -> (i32, i32) {
    %c0_i32 = arith.constant 0 : i32
    %c0_i32_0 = arith.constant 0 : i32
    return %arg0, %c0_i32 : i32, i32
  }
  func.func @transform_7(%arg0: i32) -> (i32, i32) {
    %c0_i32 = arith.constant 0 : i32
    %c0_i32_0 = arith.constant 0 : i32
    %c0_i32_1 = arith.constant 0 : i32
    return %c0_i32, %c0_i32_0 : i32, i32
  }
  func.func @transform_8(%arg0: i32) -> (i32, i32) {
    %c0_i32 = arith.constant 0 : i32
    %c0_i32_0 = arith.constant 0 : i32
    %c0_i32_1 = arith.constant 0 : i32
    return %c0_i32, %c0_i32_0 : i32, i32
  }
  func.func @transform_9(%arg0: i32) -> (i32, i32) {
    %c0_i32 = arith.constant 0 : i32
    %c0_i32_0 = arith.constant 0 : i32
    %c0_i32_1 = arith.constant 0 : i32
    return %c0_i32, %c0_i32_0 : i32, i32
  }
  func.func @transform_10(%arg0: i32) -> (i32, i32) {
    %c0_i32 = arith.constant 0 : i32
    %c0_i32_0 = arith.constant 0 : i32
    %c0_i32_1 = arith.constant 0 : i32
    return %c0_i32, %c0_i32_0 : i32, i32
  }
  func.func @transform_11(%arg0: i32) -> (i32, i32) {
    %c0_i32 = arith.constant 0 : i32
    %c0_i32_0 = arith.constant 0 : i32
    %c0_i32_1 = arith.constant 0 : i32
    return %c0_i32, %c0_i32_0 : i32, i32
  }
  func.func @transform_12(%arg0: i32) -> (i32, i32) {
    %c0_i32 = arith.constant 0 : i32
    %c0_i32_0 = arith.constant 0 : i32
    %c0_i32_1 = arith.constant 0 : i32
    return %c0_i32, %c0_i32_0 : i32, i32
  }
  func.func @transform_13(%arg0: i32) -> (i32, i32) {
    %c0_i32 = arith.constant 0 : i32
    %c0_i32_0 = arith.constant 0 : i32
    %c0_i32_1 = arith.constant 0 : i32
    return %c0_i32, %c0_i32_0 : i32, i32
  }
  func.func @transform_14(%arg0: i32) -> (i32, i32) {
    %c0_i32 = arith.constant 0 : i32
    %c0_i32_0 = arith.constant 0 : i32
    %c0_i32_1 = arith.constant 0 : i32
    return %c0_i32, %c0_i32_0 : i32, i32
  }
  func.func @transform_15(%arg0: i32) -> (i32, i32) {
    %c0_i32 = arith.constant 0 : i32
    %c0_i32_0 = arith.constant 0 : i32
    return %arg0, %c0_i32 : i32, i32
  }
  func.func @transform_16(%arg0: i32) -> (i32, i32) {
    %c0_i32 = arith.constant 0 : i32
    %c0_i32_0 = arith.constant 0 : i32
    return %arg0, %c0_i32 : i32, i32
  }
  func.func @transform_17(%arg0: i32) -> (i32, i32) {
    %c0_i32 = arith.constant 0 : i32
    %c0_i32_0 = arith.constant 0 : i32
    return %arg0, %c0_i32 : i32, i32
  }
}

module attributes {stable_mosaic.version = 14 : i64} {
  func.func @_tc_last_kernel(%arg0: i32, %arg1: memref<400x256xf32, #tpu.memory_space<vmem>>, %arg2: memref<400x128xf32, #tpu.memory_space<vmem>>, %arg3: memref<400x128xf32, #tpu.memory_space<vmem>>, %arg4: memref<400x128xf32, #tpu.memory_space<vmem>>, %arg5: memref<400x128xf32, #tpu.memory_space<vmem>>, %arg6: memref<400x128xf32, #tpu.memory_space<vmem>>, %arg7: memref<400x128xf32, #tpu.memory_space<vmem>>, %arg8: memref<1x256xf32, #tpu.memory_space<vmem>>, %arg9: memref<1x256xf32, #tpu.memory_space<vmem>>, %arg10: memref<1x256xf32, #tpu.memory_space<vmem>>, %arg11: memref<1x256xf32, #tpu.memory_space<vmem>>, %arg12: memref<1x256xf32, #tpu.memory_space<vmem>>, %arg13: memref<256x256xf32, #tpu.memory_space<vmem>>, %arg14: memref<256x256xf32, #tpu.memory_space<vmem>>, %arg15: memref<256x256xf32, #tpu.memory_space<vmem>>, %arg16: memref<1x256xf32, #tpu.memory_space<vmem>>, %arg17: memref<400x256xf32, #tpu.memory_space<vmem>>) attributes {dimension_semantics = [#tpu.dimension_semantics<arbitrary>], iteration_bounds = array<i64: 25>, scalar_prefetch = 0 : i64, scratch_operands = 0 : i64, tpu.core_type = #tpu.core_type<tc>, window_params = [{transform_indices = @transform_0, window_bounds = array<i64: 400, 256>}, {transform_indices = @transform_1, window_bounds = array<i64: 400, 128>}, {transform_indices = @transform_2, window_bounds = array<i64: 400, 128>}, {transform_indices = @transform_3, window_bounds = array<i64: 400, 128>}, {transform_indices = @transform_4, window_bounds = array<i64: 400, 128>}, {transform_indices = @transform_5, window_bounds = array<i64: 400, 128>}, {transform_indices = @transform_6, window_bounds = array<i64: 400, 128>}, {pipeline_mode = #tpu.pipeline_mode<synchronous>, transform_indices = @transform_7, window_bounds = array<i64: 1, 256>}, {pipeline_mode = #tpu.pipeline_mode<synchronous>, transform_indices = @transform_8, window_bounds = array<i64: 1, 256>}, {pipeline_mode = #tpu.pipeline_mode<synchronous>, transform_indices = @transform_9, window_bounds = array<i64: 1, 256>}, {pipeline_mode = #tpu.pipeline_mode<synchronous>, transform_indices = @transform_10, window_bounds = array<i64: 1, 256>}, {pipeline_mode = #tpu.pipeline_mode<synchronous>, transform_indices = @transform_11, window_bounds = array<i64: 1, 256>}, {pipeline_mode = #tpu.pipeline_mode<synchronous>, transform_indices = @transform_12, window_bounds = array<i64: 256, 256>}, {pipeline_mode = #tpu.pipeline_mode<synchronous>, transform_indices = @transform_13, window_bounds = array<i64: 256, 256>}, {pipeline_mode = #tpu.pipeline_mode<synchronous>, transform_indices = @transform_14, window_bounds = array<i64: 256, 256>}, {pipeline_mode = #tpu.pipeline_mode<synchronous>, transform_indices = @transform_15, window_bounds = array<i64: 1, 256>}, {transform_indices = @transform_16, window_bounds = array<i64: 400, 256>}]} {
    %get3A = arith.constant 0 : index
    %get3A_0 = arith.constant 0 : index
    %get3A_1 = vector.load %arg6[%get3A, %get3A_0] : memref<400x128xf32, #tpu.memory_space<vmem>>, vector<400x1xf32>
    %get3A_2 = arith.constant 0 : index
    %get3A_3 = arith.constant 0 : index
    %get3A_4 = vector.load %arg7[%get3A_2, %get3A_3] : memref<400x128xf32, #tpu.memory_space<vmem>>, vector<400x1xf32>
    %add3A = arith.addf %get3A_1, %get3A_4 : vector<400x1xf32>
    %add3A_5 = arith.constant 1.000000e+00 : f32
    %add3A_6 = vector.broadcast %add3A_5 : f32 to vector<400x1xf32>
    %add3A_7 = arith.addf %add3A, %add3A_6 : vector<400x1xf32>
    %rsqrt3A = math.rsqrt %add3A_7 : vector<400x1xf32>
    %get3A_8 = arith.constant 0 : index
    %get3A_9 = arith.constant 0 : index
    %get3A_10 = vector.load %arg2[%get3A_8, %get3A_9] : memref<400x128xf32, #tpu.memory_space<vmem>>, vector<400x128xf32>
    %get3A_11 = arith.constant 0 : index
    %get3A_12 = arith.constant 0 : index
    %get3A_13 = vector.load %arg3[%get3A_11, %get3A_12] : memref<400x128xf32, #tpu.memory_space<vmem>>, vector<400x128xf32>
    %concatenate3A = tpu.concatenate %get3A_10, %get3A_13 in 1 : vector<400x128xf32>, vector<400x128xf32> -> vector<400x256xf32>
    %get3A_14 = arith.constant 0 : index
    %get3A_15 = arith.constant 0 : index
    %get3A_16 = vector.load %arg4[%get3A_14, %get3A_15] : memref<400x128xf32, #tpu.memory_space<vmem>>, vector<400x128xf32>
    %get3A_17 = arith.constant 0 : index
    %get3A_18 = arith.constant 0 : index
    %get3A_19 = vector.load %arg5[%get3A_17, %get3A_18] : memref<400x128xf32, #tpu.memory_space<vmem>>, vector<400x128xf32>
    %concatenate3A_20 = tpu.concatenate %get3A_16, %get3A_19 in 1 : vector<400x128xf32>, vector<400x128xf32> -> vector<400x256xf32>
    %add3A_21 = arith.addf %concatenate3A, %concatenate3A_20 : vector<400x256xf32>
    %mul3A = vector.broadcast %rsqrt3A : vector<400x1xf32> to vector<400x256xf32>
    %mul3A_22 = arith.mulf %mul3A, %add3A_21 : vector<400x256xf32>
    %get3A_23 = arith.constant 0 : index
    %get3A_24 = arith.constant 0 : index
    %get3A_25 = vector.load %arg8[%get3A_23, %get3A_24] : memref<1x256xf32, #tpu.memory_space<vmem>>, vector<1x256xf32>
    %add3A_26 = vector.broadcast %get3A_25 : vector<1x256xf32> to vector<400x256xf32>
    %add3A_27 = arith.addf %mul3A_22, %add3A_26 : vector<400x256xf32>
    %rsqrt3A_28 = arith.constant 1.000010e+00 : f32
    %rsqrt3A_29 = math.rsqrt %rsqrt3A_28 : f32
    %mul3A_30 = vector.broadcast %rsqrt3A_29 : f32 to vector<400x256xf32>
    %mul3A_31 = arith.mulf %add3A_27, %mul3A_30 : vector<400x256xf32>
    %get3A_32 = arith.constant 0 : index
    %get3A_33 = arith.constant 0 : index
    %get3A_34 = vector.load %arg9[%get3A_32, %get3A_33] : memref<1x256xf32, #tpu.memory_space<vmem>>, vector<1x256xf32>
    %mul3A_35 = vector.broadcast %get3A_34 : vector<1x256xf32> to vector<400x256xf32>
    %mul3A_36 = arith.mulf %mul3A_31, %mul3A_35 : vector<400x256xf32>
    %get3A_37 = arith.constant 0 : index
    %get3A_38 = arith.constant 0 : index
    %get3A_39 = vector.load %arg10[%get3A_37, %get3A_38] : memref<1x256xf32, #tpu.memory_space<vmem>>, vector<1x256xf32>
    %add3A_40 = vector.broadcast %get3A_39 : vector<1x256xf32> to vector<400x256xf32>
    %add3A_41 = arith.addf %mul3A_36, %add3A_40 : vector<400x256xf32>
    %logistic3A = arith.negf %add3A_41 : vector<400x256xf32>
    %logistic3A_42 = math.exp %logistic3A : vector<400x256xf32>
    %logistic3A_43 = arith.constant 1.000000e+00 : f32
    %logistic3A_44 = vector.broadcast %logistic3A_43 : f32 to vector<400x256xf32>
    %logistic3A_45 = arith.addf %logistic3A_44, %logistic3A_42 : vector<400x256xf32>
    %logistic3A_46 = arith.divf %logistic3A_44, %logistic3A_45 : vector<400x256xf32>
    %mul3A_47 = arith.mulf %add3A_41, %logistic3A_46 : vector<400x256xf32>
    %get3A_48 = arith.constant 0 : index
    %get3A_49 = arith.constant 0 : index
    %get3A_50 = vector.load %arg1[%get3A_48, %get3A_49] : memref<400x256xf32, #tpu.memory_space<vmem>>, vector<400x256xf32>
    %add3A_51 = arith.addf %mul3A_47, %get3A_50 : vector<400x256xf32>
    %reduce_sum3A = arith.constant dense<0.000000e+00> : vector<400xf32>
    %reduce_sum3A_52 = vector.multi_reduction <add>, %add3A_51, %reduce_sum3A [1] : vector<400x256xf32> to vector<400xf32>
    %broadcast_in_dim3A = vector.shape_cast %reduce_sum3A_52 : vector<400xf32> to vector<400x1xf32>
    %div3A = arith.constant 2.560000e+02 : f32
    %div3A_53 = vector.broadcast %div3A : f32 to vector<400x1xf32>
    %div3A_54 = arith.divf %broadcast_in_dim3A, %div3A_53 : vector<400x1xf32>
    %sub3A = vector.broadcast %div3A_54 : vector<400x1xf32> to vector<400x256xf32>
    %sub3A_55 = arith.subf %add3A_51, %sub3A : vector<400x256xf32>
    %integer_pow3A = arith.mulf %sub3A_55, %sub3A_55 : vector<400x256xf32>
    %reduce_sum3A_56 = arith.constant dense<0.000000e+00> : vector<400xf32>
    %reduce_sum3A_57 = vector.multi_reduction <add>, %integer_pow3A, %reduce_sum3A_56 [1] : vector<400x256xf32> to vector<400xf32>
    %broadcast_in_dim3A_58 = vector.shape_cast %reduce_sum3A_57 : vector<400xf32> to vector<400x1xf32>
    %div3A_59 = arith.constant 2.560000e+02 : f32
    %div3A_60 = vector.broadcast %div3A_59 : f32 to vector<400x1xf32>
    %div3A_61 = arith.divf %broadcast_in_dim3A_58, %div3A_60 : vector<400x1xf32>
    %sub3A_62 = vector.broadcast %div3A_54 : vector<400x1xf32> to vector<400x256xf32>
    %sub3A_63 = arith.subf %add3A_51, %sub3A_62 : vector<400x256xf32>
    %add3A_64 = arith.constant 9.99999974E-6 : f32
    %add3A_65 = vector.broadcast %add3A_64 : f32 to vector<400x1xf32>
    %add3A_66 = arith.addf %div3A_61, %add3A_65 : vector<400x1xf32>
    %rsqrt3A_67 = math.rsqrt %add3A_66 : vector<400x1xf32>
    %mul3A_68 = vector.broadcast %rsqrt3A_67 : vector<400x1xf32> to vector<400x256xf32>
    %mul3A_69 = arith.mulf %sub3A_63, %mul3A_68 : vector<400x256xf32>
    %get3A_70 = arith.constant 0 : index
    %get3A_71 = arith.constant 0 : index
    %get3A_72 = vector.load %arg11[%get3A_70, %get3A_71] : memref<1x256xf32, #tpu.memory_space<vmem>>, vector<1x256xf32>
    %mul3A_73 = vector.broadcast %get3A_72 : vector<1x256xf32> to vector<400x256xf32>
    %mul3A_74 = arith.mulf %mul3A_69, %mul3A_73 : vector<400x256xf32>
    %get3A_75 = arith.constant 0 : index
    %get3A_76 = arith.constant 0 : index
    %get3A_77 = vector.load %arg12[%get3A_75, %get3A_76] : memref<1x256xf32, #tpu.memory_space<vmem>>, vector<1x256xf32>
    %add3A_78 = vector.broadcast %get3A_77 : vector<1x256xf32> to vector<400x256xf32>
    %add3A_79 = arith.addf %mul3A_74, %add3A_78 : vector<400x256xf32>
    %get3A_80 = arith.constant 0 : index
    %get3A_81 = arith.constant 0 : index
    %get3A_82 = vector.load %arg13[%get3A_80, %get3A_81] : memref<256x256xf32, #tpu.memory_space<vmem>>, vector<256x256xf32>
    %dot_general3A = arith.constant dense<0.000000e+00> : vector<400x256xf32>
    %dot_general3A_83 = tpu.matmul %add3A_79, %get3A_82, %dot_general3A {dimension_numbers = #tpu.dot_dimension_numbers<[1], [0], [0], [1], [0, 0, 1, 1], [], []>, transpose_lhs_hint = false} : vector<400x256xf32>, vector<256x256xf32>, vector<400x256xf32> -> vector<400x256xf32>
    %logistic3A_84 = arith.negf %dot_general3A_83 : vector<400x256xf32>
    %logistic3A_85 = math.exp %logistic3A_84 : vector<400x256xf32>
    %logistic3A_86 = arith.constant 1.000000e+00 : f32
    %logistic3A_87 = vector.broadcast %logistic3A_86 : f32 to vector<400x256xf32>
    %logistic3A_88 = arith.addf %logistic3A_87, %logistic3A_85 : vector<400x256xf32>
    %logistic3A_89 = arith.divf %logistic3A_87, %logistic3A_88 : vector<400x256xf32>
    %mul3A_90 = arith.mulf %dot_general3A_83, %logistic3A_89 : vector<400x256xf32>
    %get3A_91 = arith.constant 0 : index
    %get3A_92 = arith.constant 0 : index
    %get3A_93 = vector.load %arg14[%get3A_91, %get3A_92] : memref<256x256xf32, #tpu.memory_space<vmem>>, vector<256x256xf32>
    %dot_general3A_94 = arith.constant dense<0.000000e+00> : vector<400x256xf32>
    %dot_general3A_95 = tpu.matmul %mul3A_90, %get3A_93, %dot_general3A_94 {dimension_numbers = #tpu.dot_dimension_numbers<[1], [0], [0], [1], [0, 0, 1, 1], [], []>, transpose_lhs_hint = false} : vector<400x256xf32>, vector<256x256xf32>, vector<400x256xf32> -> vector<400x256xf32>
    %add3A_96 = arith.addf %dot_general3A_95, %add3A_51 : vector<400x256xf32>
    %get3A_97 = arith.constant 0 : index
    %get3A_98 = arith.constant 0 : index
    %get3A_99 = vector.load %arg15[%get3A_97, %get3A_98] : memref<256x256xf32, #tpu.memory_space<vmem>>, vector<256x256xf32>
    %dot_general3A_100 = arith.constant dense<0.000000e+00> : vector<400x256xf32>
    %dot_general3A_101 = tpu.matmul %add3A_96, %get3A_99, %dot_general3A_100 {dimension_numbers = #tpu.dot_dimension_numbers<[1], [0], [0], [1], [0, 0, 1, 1], [], []>, transpose_lhs_hint = false} : vector<400x256xf32>, vector<256x256xf32>, vector<400x256xf32> -> vector<400x256xf32>
    %get3A_102 = arith.constant 0 : index
    %get3A_103 = arith.constant 0 : index
    %get3A_104 = vector.load %arg16[%get3A_102, %get3A_103] : memref<1x256xf32, #tpu.memory_space<vmem>>, vector<1x256xf32>
    %add3A_105 = vector.broadcast %get3A_104 : vector<1x256xf32> to vector<400x256xf32>
    %add3A_106 = arith.addf %dot_general3A_101, %add3A_105 : vector<400x256xf32>
    %swap3A = arith.constant 0 : index
    %swap3A_107 = arith.constant 0 : index
    %swap3A_108 = vector.load %arg17[%swap3A, %swap3A_107] : memref<400x256xf32, #tpu.memory_space<vmem>>, vector<400x256xf32>
    tpu.vector_store %arg17[%swap3A, %swap3A_107], %add3A_106 {strides = array<i32>} : memref<400x256xf32, #tpu.memory_space<vmem>>, vector<400x256xf32>,
    return
  }
  func.func @transform_0(%arg0: i32) -> (i32, i32) {
    %c0_i32 = arith.constant 0 : i32
    %c0_i32_0 = arith.constant 0 : i32
    return %arg0, %c0_i32 : i32, i32
  }
  func.func @transform_1(%arg0: i32) -> (i32, i32) {
    %c0_i32 = arith.constant 0 : i32
    %c0_i32_0 = arith.constant 0 : i32
    return %arg0, %c0_i32 : i32, i32
  }
  func.func @transform_2(%arg0: i32) -> (i32, i32) {
    %c0_i32 = arith.constant 0 : i32
    %c0_i32_0 = arith.constant 0 : i32
    return %arg0, %c0_i32 : i32, i32
  }
  func.func @transform_3(%arg0: i32) -> (i32, i32) {
    %c0_i32 = arith.constant 0 : i32
    %c0_i32_0 = arith.constant 0 : i32
    return %arg0, %c0_i32 : i32, i32
  }
  func.func @transform_4(%arg0: i32) -> (i32, i32) {
    %c0_i32 = arith.constant 0 : i32
    %c0_i32_0 = arith.constant 0 : i32
    return %arg0, %c0_i32 : i32, i32
  }
  func.func @transform_5(%arg0: i32) -> (i32, i32) {
    %c0_i32 = arith.constant 0 : i32
    %c0_i32_0 = arith.constant 0 : i32
    return %arg0, %c0_i32 : i32, i32
  }
  func.func @transform_6(%arg0: i32) -> (i32, i32) {
    %c0_i32 = arith.constant 0 : i32
    %c0_i32_0 = arith.constant 0 : i32
    return %arg0, %c0_i32 : i32, i32
  }
  func.func @transform_7(%arg0: i32) -> (i32, i32) {
    %c0_i32 = arith.constant 0 : i32
    %c0_i32_0 = arith.constant 0 : i32
    %c0_i32_1 = arith.constant 0 : i32
    return %c0_i32, %c0_i32_0 : i32, i32
  }
  func.func @transform_8(%arg0: i32) -> (i32, i32) {
    %c0_i32 = arith.constant 0 : i32
    %c0_i32_0 = arith.constant 0 : i32
    %c0_i32_1 = arith.constant 0 : i32
    return %c0_i32, %c0_i32_0 : i32, i32
  }
  func.func @transform_9(%arg0: i32) -> (i32, i32) {
    %c0_i32 = arith.constant 0 : i32
    %c0_i32_0 = arith.constant 0 : i32
    %c0_i32_1 = arith.constant 0 : i32
    return %c0_i32, %c0_i32_0 : i32, i32
  }
  func.func @transform_10(%arg0: i32) -> (i32, i32) {
    %c0_i32 = arith.constant 0 : i32
    %c0_i32_0 = arith.constant 0 : i32
    %c0_i32_1 = arith.constant 0 : i32
    return %c0_i32, %c0_i32_0 : i32, i32
  }
  func.func @transform_11(%arg0: i32) -> (i32, i32) {
    %c0_i32 = arith.constant 0 : i32
    %c0_i32_0 = arith.constant 0 : i32
    %c0_i32_1 = arith.constant 0 : i32
    return %c0_i32, %c0_i32_0 : i32, i32
  }
  func.func @transform_12(%arg0: i32) -> (i32, i32) {
    %c0_i32 = arith.constant 0 : i32
    %c0_i32_0 = arith.constant 0 : i32
    %c0_i32_1 = arith.constant 0 : i32
    return %c0_i32, %c0_i32_0 : i32, i32
  }
  func.func @transform_13(%arg0: i32) -> (i32, i32) {
    %c0_i32 = arith.constant 0 : i32
    %c0_i32_0 = arith.constant 0 : i32
    %c0_i32_1 = arith.constant 0 : i32
    return %c0_i32, %c0_i32_0 : i32, i32
  }
  func.func @transform_14(%arg0: i32) -> (i32, i32) {
    %c0_i32 = arith.constant 0 : i32
    %c0_i32_0 = arith.constant 0 : i32
    %c0_i32_1 = arith.constant 0 : i32
    return %c0_i32, %c0_i32_0 : i32, i32
  }
  func.func @transform_15(%arg0: i32) -> (i32, i32) {
    %c0_i32 = arith.constant 0 : i32
    %c0_i32_0 = arith.constant 0 : i32
    %c0_i32_1 = arith.constant 0 : i32
    return %c0_i32, %c0_i32_0 : i32, i32
  }
  func.func @transform_16(%arg0: i32) -> (i32, i32) {
    %c0_i32 = arith.constant 0 : i32
    %c0_i32_0 = arith.constant 0 : i32
    return %arg0, %c0_i32 : i32, i32
  }
}

</mosaic_0001>

<sc_bundles>
// kernel: kernel.12.cloned.1.call-start
scs
__scs_entry_jumppad:
0x0: {  	(pc) =	sbr.rel $0x88, $3  }
0x1: {  	(tag) =	ssettag $0x0;
	lr =	simm.s32 $0x1  }
0x2: {  	[smem:$0x3F93] =	sst lr;
	_ =	strace $0xD0000000  }
0x3: {  	_ = 	snop  }
0x4: {  	_ = 	snop  }
0x5: {  	_ = 	snop  }
0x6: {  	_ = 	snop  }
0x7: {  	_ = 	snop  }
__scs_overlays_trampoline_lowered:
0x8: {  	[smem:$0x3FA2] =	sst s0  }
0x9: {  	[smem:$0x3FA3] =	sst s1  }
0xa: {  	[smem:$0x3FA4] =	sst s2  }
0xb: {  	[smem:$0x3FA5] =	sst s3  }
0xc: {  	[smem:$0x3FA6] =	sst s4  }
0xd: {  	[smem:$0x3FA7] =	sst s5  }
0xe: {  	[smem:$0x3FA8] =	sst s6  }
0xf: {  	[smem:$0x3FA9] =	sst s7  }
0x10: {  	[smem:$0x3FAA] =	sst s8  }
0x11: {  	[smem:$0x3FAB] =	sst s9;
	s0 =	simm.s32 @!p0 $0x0  }
0x12: {  	s1 =	sld [smem:$0x3F91];
	s0 =	simm.s32 @p0 $0x1  }
0x13: {  	[smem:$0x3FAC] =	sst s0;
	s0 =	simm.s32 @!p1 $0x0  }
0x14: {  	s2 =	sld [smem:$0x3F90];
	s0 =	simm.s32 @p1 $0x1  }
0x15: {  	[smem:$0x3FAD] =	sst s0;
	s0 =	simm.s32 @!p2 $0x0  }
0x16: {  	s3 =	sld [smem:$0x3FDB];
	s0 =	simm.s32 @p2 $0x1  }
0x17: {  	s4 =	simm.s32 $0x1BF5;
	[smem:$0x3FAF] =	sst s0  }
0x18: {  	s0 =	sld [smem:$0x3F92];
	_ =	swait.ge [sflag:s4], $0x0  }
0x19: {  	s7 =	sld [smem:$0x3F93]  }
0x1a: {  	s8 =	sadd.s32 $0xFFFFE003, lr  }
0x1b: {  	s9 =	sadd.s32 $0xFFFFFEF7, lr;
	s5 =	simm.s32 $0xFFFFFFFF;
	p2 =	slt.u32 s8, $0xFFFFF086  }
0x1c: {  	p1 =	slt.u32 s9, $0xF7A;
	s5 =	simm.s32 @!p2 $0x0  }
0x1d: {  	s5 =	simm.s32 @p1 $0x1;
	p0 =	seq.s32 s7, s2  }
0x1e: {  	s7 =	smul.u32 @!p0 $0xF7A, s2;
	p2 =	seq.s32 @!p0 s5, $0x0  }
0x1f: {  	s9 =	smul.u32 $0xF7A, s1;
	s8 =	simm.s32 @!p0 $0x1BF5;
	p2 =	por !p2, p0  }
0x20: {  	[sflag:s8] =	ssyncset.s32 @!p0 $0xFFFFF086;
	s6 =	sadd.s32 @!p0 s3, s7;
	s7 =	simm.s32 @!p0 $0x108  }
0x21: {  	s3 =	sadd.s32 s3, s9;
	s6 =	sadd.s32 @!p0 $0x88, s6;
	s7 =	simm.s32 @p2 $0x1082  }
0x22: {  	[simem:s7], [sflag:s8] =	dma.local @!p0 [hbm:s6], $0xF7A  }
0x23: {  	s9 =	sor.u32 $0xD0000000, s2;
	s6 =	simm.s32 $0x108;
	_ =	swait.ge @!p0 [sflag:s8], $0x0  }
0x24: {  	s3 =	sadd.s32 $0x88, s3;
	s6 =	simm.s32 @!p1 $0x1082;
	[sflag:s4] =	ssyncset.s32 $0xFFFFF086  }
0x25: {  	[simem:s6], [sflag:s4] =	dma.local [hbm:s3], $0xF7A  }
0x26: {  	[smem:$0x3F93] =	sst s1;
	(tag) =	ssettag s2;
	_ =	strace s9  }
0x27: {  	s1 =	sld [smem:$0x3FA3]  }
0x28: {  	s2 =	sld [smem:$0x3FA4]  }
0x29: {  	s4 =	sld [smem:$0x3FA6]  }
0x2a: {  	p0 =	seq.s32 s5, $0x0;
	s5 =	sld [smem:$0x3FA7]  }
0x2b: {  	s6 =	sld [smem:$0x3FA8]  }
0x2c: {  	s7 =	sld [smem:$0x3FA9]  }
0x2d: {  	s3 =	simm.s32 $0x108;
	s8 =	sld [smem:$0x3FAA]  }
0x2e: {  	s3 =	simm.s32 @!p0 $0x1082;
	s9 =	sld [smem:$0x3FAB]  }
0x2f: {  	lr =	sadd.s32 s0, s3;
	s0 =	sld [smem:$0x3FA2]  }
0x30: {  	s3 =	sld [smem:$0x3FA5]  }
0x31: {  	[smem:$0x3FAE] =	sst s10  }
0x32: {  	s10 =	sld [smem:$0x3FAC];
	_ =	sdelay $0x3  }
0x33: {  	p0 =	seq.s32 s10, $0x1;
	s10 =	sld [smem:$0x3FAE];
	_ =	sdelay $0x3  }
0x34: {  	[smem:$0x3FAE] =	sst s10  }
0x35: {  	s10 =	sld [smem:$0x3FAD];
	_ =	sdelay $0x3  }
0x36: {  	p1 =	seq.s32 s10, $0x1;
	s10 =	sld [smem:$0x3FAE];
	_ =	sdelay $0x3  }
0x37: {  	[smem:$0x3FAE] =	sst s10  }
0x38: {  	s10 =	sld [smem:$0x3FAF]  }
0x39: {  	_ = 	snop;
	(pc) =	sbr.ind lr, $3  }
0x3a: {  	_ = 	snop  }
0x3b: {  	_ = 	snop  }
0x3c: {  	p2 =	seq.s32 s10, $0x1;
	s10 =	sld [smem:$0x3FAE]  }
0x3d: {  	_ =	shalt  }
0x3e: {  	_ =	shalt  }
0x3f: {  	_ =	shalt  }
0x40: {  	_ =	shalt  }
0x41: {  	_ =	shalt  }
0x42: {  	_ =	shalt  }
0x43: {  	_ =	shalt  }
0x44: {  	_ =	shalt  }
0x45: {  	_ =	shalt  }
0x46: {  	_ =	shalt  }
0x47: {  	_ =	shalt  }
0x48: {  	_ =	shalt  }
0x49: {  	_ =	shalt  }
0x4a: {  	_ =	shalt  }
0x4b: {  	_ =	shalt  }
0x4c: {  	_ =	shalt  }
0x4d: {  	_ =	shalt  }
0x4e: {  	_ =	shalt  }
0x4f: {  	_ =	shalt  }
0x50: {  	_ =	shalt  }
0x51: {  	_ =	shalt  }
0x52: {  	_ =	shalt  }
0x53: {  	_ =	shalt  }
0x54: {  	_ =	shalt  }
0x55: {  	_ =	shalt  }
0x56: {  	_ =	shalt  }
0x57: {  	_ =	shalt  }
0x58: {  	_ =	shalt  }
0x59: {  	_ =	shalt  }
0x5a: {  	_ =	shalt  }
0x5b: {  	_ =	shalt  }
0x5c: {  	_ =	shalt  }
0x5d: {  	_ =	shalt  }
0x5e: {  	_ =	shalt  }
0x5f: {  	_ =	shalt  }
0x60: {  	_ =	shalt  }
0x61: {  	_ =	shalt  }
0x62: {  	_ =	shalt  }
0x63: {  	_ =	shalt  }
0x64: {  	_ =	shalt  }
0x65: {  	_ =	shalt  }
0x66: {  	_ =	shalt  }
0x67: {  	_ =	shalt  }
0x68: {  	_ =	shalt  }
0x69: {  	_ =	shalt  }
0x6a: {  	_ =	shalt  }
0x6b: {  	_ =	shalt  }
0x6c: {  	_ =	shalt  }
0x6d: {  	_ =	shalt  }
0x6e: {  	_ =	shalt  }
0x6f: {  	_ =	shalt  }
0x70: {  	_ =	shalt  }
0x71: {  	_ =	shalt  }
0x72: {  	_ =	shalt  }
0x73: {  	_ =	shalt  }
0x74: {  	_ =	shalt  }
0x75: {  	_ =	shalt  }
0x76: {  	_ =	shalt  }
0x77: {  	_ =	shalt  }
0x78: {  	_ =	shalt  }
0x79: {  	_ =	shalt  }
0x7a: {  	_ =	shalt  }
0x7b: {  	_ =	shalt  }
0x7c: {  	_ =	shalt  }
0x7d: {  	_ =	shalt  }
0x7e: {  	_ =	shalt  }
0x7f: {  	_ =	shalt  }
0x80: {  	_ =	shalt  }
0x81: {  	_ =	shalt  }
0x82: {  	_ =	shalt  }
0x83: {  	_ =	shalt  }
0x84: {  	_ =	shalt  }
0x85: {  	_ =	shalt  }
0x86: {  	_ =	shalt  }
0x87: {  	_ =	shalt  }
.Lfunc_end0:
.L_simem_size_0:
called_computation_lowered:
.L_overlay_start_0:
0x88: {  	s2 =	sld [smem:$0x3FD9]  }
0x89: {  	s3 =	sld [smem:$0x3FFE];
	_ =	sdelay $0x1  }
0x8a: {  	s1 =	srdreg.scid  }
0x8b: {  	s0 =	sand.u32 $0x1, s1  }
0x8c: {  	s17 =	sshll.u32 s0, $0xA;
	s2 =	sadd.s32 s3, s2  }
0x8d: {  	s2 =	sadd.s32 s2, s17  }
0x8e: {  	[smem:$0x3FBA] =	sst s2  }
0x8f: {  	_ = 	snop  }
0x90: {  	s2 =	sld [smem:$0x3FD0];
	(tm) =	ssettm $0x1  }
0x91: {  	s18 =	sld [smem:$0x3FFB];
	_ =	sdelay $0x3  }
0x92: {  	_ =	strace s18  }
0x93: {  	s3 =	sld [smem:$0x3FFC];
	_ =	sdelay $0x3  }
0x94: {  	_ =	strace s3  }
0x95: {  	s3 =	sld [smem:$0x3FFD];
	_ =	sdelay $0x3  }
0x96: {  	_ =	strace s3  }
0x97: {  	_ =	strace $0x8FFFFFFF  }
0x98: {  	s19 =	sld [smem:$0x3FDB];
	_ =	sdelay $0x1  }
0x99: {  	s4 =	simm.s32 $_scs_section_size  }
0x9a: {  	s5 =	simm.s32 $_size__tile_overlayer_lowered;
	s6 =	simm.s32 $_tile_overlayer_lowered  }
0x9b: {  	s22 =	simm.s32 $0x1BFF;
	s21 =	sshll.u32 s6, $0x1;
	s3 =	sadd.s32 s4, s19  }
0x9c: {  	s7 =	simm.s32 $0x0;
	s20 =	sshll.u32 s5, $0x1;
	s5 =	sadd.s32 s21, s3  }
0x9d: {  	[timem:s7], [sflag:s22] =	dma.local [hbm:s5], s20  }
0x9e: {  	_ =	swait.ge [sflag:s22], s20  }
0x9f: {  	s4 =	ssub.s32 $0x0, s20;
	[sflag:s22] =	ssyncset.done $0x0  }
0xa0: {  	[sflag:s22] =	ssyncadd.s32 s4;
	_ =	sdelay $0x1  }
0xa1: {  	s23 =	simm.s32 $0x1B8B  }
0xa2: {  	_ =	swait.ge [sflag:s23], $0x1  }
0xa3: {  	[sflag:s23] =	ssyncset.done $0x0  }
0xa4: {  	s25 =	simm.s32 $0x1B8E;
	s24 =	sld [smem:$0x3FFE];
	[sflag:s23] =	ssyncadd.s32 $0xFFFFFFFF  }
0xa5: {  	s26 =	simm.s32 $execute0_lowered;
	[smem:$0x3FD2] =	sst s25  }
0xa6: {  	s5 =	sshll.u32 s26, $0x1;
	_ =	strace $0x80000046;
	[dreg:$0x1] =	wrdreg $0xFFFFFFFF  }
0xa7: {  	s28 =	simm.s32 $_size_execute0_lowered;
	s3 =	sadd.s32 s3, s5;
	[dreg:$0x0] =	wrdreg $0x0  }
0xa8: {  	s5 =	sshll.u32 s28, $0x1;
	[dreg:$0x2] =	wrdreg s3  }
0xa9: {  	[dreg:$0x3] =	wrdreg s5  }
0xaa: {  	[dreg:$0x4] =	wrdreg $0xC0  }
0xab: {  	_ =	task [dreg:s7], $0x5FFFF  }
0xac: {  	[dreg:$0x1] =	wrdreg $0xFFFFFFFF  }
0xad: {  	[dreg:$0x0] =	wrdreg $0x60  }
0xae: {  	[dreg:$0x2] =	wrdreg s2  }
0xaf: {  	[dreg:$0x3] =	wrdreg s24  }
0xb0: {  	[dreg:$0x4] =	wrdreg $0x68000  }
0xb1: {  	[dreg:$0x5] =	wrdreg $0x9  }
0xb2: {  	_ =	task.clear_ibuf [dreg:s7], $0x6FFFF;
	_ =	strace $0x90000046  }
0xb3: {  	s29 =	simm.s32 $0x9;
	_ =	strace $0x80000048  }
0xb4: {  	_ =	swait.ge [sflag:s29], $0x1  }
0xb5: {  	[sflag:s29] =	ssyncadd.s32 $0xFFFFFFFF  }
0xb6: {  	_ =	strace $0x90000048  }
0xb7: {  	_ =	sfence  }
0xb8: {  	s30 =	sld [smem:$0x0];
	_ =	sdelay $0x2  }
0xb9: {  	s31 =	sshll.u32 s1, $0xD;
	s1 =	sshrl.u32 s1, $0x2  }
0xba: {  	s3 =	sand.u32 $0x4000, s31;
	s1 =	sadd.s32 s1, s30  }
0xbb: {  	s0 =	sor.u32 s3, s0;
	s1 =	sshll.u32 s1, $0x11  }
0xbc: {  	s0 =	sor.u32 s1, s0  }
0xbd: {  	s0 =	sadd.s32 $0x8F2B, s0  }
0xbe: {  	[sflag:s0] =	ssyncadd.remote.s32 $0x1  }
0xbf: {  	_ =	sfence.sel $0xFFFF  }
0xc0: {  	[dreg:$0x0] =	wrdreg $0xFFFFFFFF;
	(pc) =	sbr.abs _section_cstart, $3  }
0xc1: {  	[dreg:$0x1] =	wrdreg $0xFFFFFFFF  }
0xc2: {  	_ =	task.clear_ibuf [dreg:s7], $0x2FFFF;
	_ =	strace $0x9FFFFFFF  }
0xc3: {  	(tm) =	ssettm $0x7FFFFFFF  }
tec
execute0_lowered:
.L_overlay_start_1:
0x0: {  	(tag) =	ssettag $0x1  }
0x1: {  	s9 =	rddreg [dreg:$0x0]  }
0x2: {  	s15 =	rddreg [dreg:$0x1]  }
0x3: {  	s1 =	rddreg [dreg:$0x2]  }
0x4: {  	s4 =	srdreg.scid;
	s2 =	stileid.u32  }
0x5: {  	s0 =	rddreg [dreg:$0x3];
	s20 =	sand.u32 $0x1, s4;
	s6 =	smul.u32 $0x2780, s2  }
0x6: {  	s10 =	smul.u32 $0x4F000, s2;
	s25 =	sshll.u32 s2, $0x6;
	s7 =	ssub.s32 $0x2, s20  }
0x7: {  	s24 =	smul.u32 $0x2D, s20;
	p0 =	seq.s32 s20, $0x0;
	p1 =	sne.s32 s20, $0x0  }
0x8: {  	s8 =	sshrl.u32 s7, $0x1;
	s14 =	sadd.s32 s6, s15;
	s23 =	sshrl.u32 s10, $0x2  }
0x9: {  	s6 =	simm.s32 $0x2D;
	p3 =	seq.s32 @p1 s2, $0xF;
	p5 =	seq.s32 @!p1 s2, $0xF  }
0xa: {  	s16 =	ssub.s32 s7, s8;
	s7 =	sadd.s32 s23, s1;
	s6 =	simm.s32 @!p0 $0x5A  }
0xb: {  	s8 =	sor.u32 $0x1C02, s25;
	s22 =	sadd.s32 $0x1, s24;
	p6 =	sge.u32 s24, s6  }
0xc: {  	s23 =	sadd.s32 $0x2, s24;
	p2 =	por !p3, !p1;
	p0 =	seq.s32 @!p6 s22, s6  }
0xd: {  	p3 =	por p3, !p1;
	p4 =	por !p5, p1;
	p0 =	por p6, p0  }
0xe: {  	p5 =	por p5, p1;
	s18 =	sshll.u32 s22, $0x7;
	p1 =	seq.s32 @!p0 s23, s6  }
0xf: {  	s22 =	sadd.s32 $0x3, s24;
	s25 =	simm.s32 @!p0 $0x0;
	p1 =	por p0, p1  }
0x10: {  	s3 =	simm.s32 $0x0;
	s25 =	simm.s32 @p0 $0x1;
	p0 =	seq.s32 @!p1 s22, s6  }
0x11: {  	s17 =	smul.u32 $0x5A00, s20;
	s20 =	sshll.u32 s22, $0x7;
	s22 =	simm.s32 @!p0 $0x0  }
0x12: {  	[smem:$0x7FF] =	sst s3;
	s4 =	sadd.s32 $0x7200, s15;
	s22 =	simm.s32 @p0 $0x1  }
0x13: {  	s5 =	sadd.s32 $0x7A00, s15;
	_ =	strace $0x80000047;
	[smem:$0x7F7] =	sst s22  }
0x14: {  	s26 =	smul.u32 $0x600, s2;
	s21 =	sadd.s32 $0xFFFFFFFC, s6;
	s30 =	sld [smem:$0x7F7]  }
0x15: {  	s12 =	sadd.s32 $0x128400, s1;
	s13 =	sadd.s32 $0x56480, s15;
	p0 =	slt.u32 s21, s24  }
0x16: {  	s9 =	sadd.s32 s9, s26;
	s28 =	sadd.s32 $0xFFFFFFFD, s6;
	s21 =	simm.s32 @!p0 $0x0  }
0x17: {  	s22 =	simm.s32 @!p1 $0x0;
	s21 =	simm.s32 @p0 $0x1;
	p0 =	seq.s32 s30, $0x1  }
0x18: {  	s22 =	simm.s32 @p1 $0x1;
	p1 =	por p1, p0;
	p0 =	slt.u32 s28, s24  }
0x19: {  	s10 =	sadd.s32 $0x4, s24;
	[smem:$0x7F6] =	sst s22;
	s22 =	simm.s32 @!p0 $0x0  }
0x1a: {  	s15 =	sadd.s32 $0x2F280, s15;
	s22 =	simm.s32 @p0 $0x1;
	p0 =	seq.s32 @!p1 s10, s6  }
0x1b: {  	s11 =	sadd.s32 $0x31400, s14;
	s19 =	sshll.u32 s23, $0x7;
	s23 =	simm.s32 @!p0 $0x0  }
0x1c: {  	s14 =	sadd.s32 $0xA200, s14;
	[smem:$0x7F4] =	sst s25;
	s23 =	simm.s32 @p0 $0x1  }
0x1d: {  	s17 =	sshrl.u32 s17, $0x2;
	s16 =	smax.u32 s16, $0x1;
	[smem:$0x7FB] =	sst s23  }
0x1e: {  	s29 =	sadd.s32 $0xFFFFFFFE, s6;
	s26 =	sadd.s32 $0xFFFFFFFF, s6;
	s31 =	sld [smem:$0x7FB]  }
0x1f: {  	[smem:$0x7F5] =	sst s21;
	s25 =	simm.s32 @!p1 $0x0;
	p0 =	slt.u32 s29, s24  }
0x20: {  	s21 =	sadd.s32 $0x200, s17;
	s25 =	simm.s32 @p1 $0x1;
	s23 =	simm.s32 @!p0 $0x0  }
0x21: {  	[smem:$0x7F8] =	sst s22;
	s23 =	simm.s32 @p0 $0x1;
	p0 =	seq.s32 s31, $0x1  }
.Ltmp0:
0x22: {  	[smem:$0x7FA] =	sst s25;
	p0 =	por p1, p0;
	(pc) =	sbr.rel .LBB2_1-.Ltmp0, $4  }
0x23: {  	s22 =	simm.s32 $0x2;
	[smem:$0x7F9] =	sst s23;
	s25 =	simm.s32 @!p0 $0x0  }
0x24: {  	s25 =	simm.s32 @p0 $0x1;
	p0 =	slt.u32 s26, s24;
	s26 =	simm.s32 @!p6 $0x0  }
0x25: {  	s23 =	simm.s32 $0x3000;
	[smem:$0x7FC] =	sst s25;
	s26 =	simm.s32 @p6 $0x1  }
0x26: {  	s24 =	simm.s32 $0x70;
	s25 =	simm.s32 $0x0;
	[smem:$0x7FD] =	sst s26  }
.LBB2_4:
0x27: {  	s26 =	sld [smem:$0x7FD];
	_ =	sdelay $0x1  }
0x28: {  	[spmem:s1] =	stream.indirect.scatter.add.f32 [tilespmem:s23], [sflag:$0x1], $0x80, s29, s24, $0xb8;
	[tilespmem:$0x1A400] =	vst v63  }
0x29: {  	p6 =	seq.s32 s26, $0x1  }
.LBB2_5:
0x2a: {  	s26 =	sld [smem:$0x7F5];
	_ =	sdelay $0x2  }
0x2b: {  	p1 =	seq.s32 s26, $0x1  }
0x2c: {  	s26 =	simm.s32 @!p1 $0x1  }
0x2d: {  	_ =	swait.ge @!p1 [sflag:s26], $0x3800  }
0x2e: {  	s30 =	sld [smem:$0x7F8];
	_ =	sdelay $0x1  }
0x2f: {  	[sflag:s26] =	ssyncset.done @!p1 $0x0  }
0x30: {  	[sflag:s26] =	ssyncadd.s32 @!p1 $0xFFFFC800;
	p1 =	seq.s32 s30, $0x1  }
0x31: {  	s26 =	simm.s32 @!p1 $0x1  }
0x32: {  	_ =	swait.ge @!p1 [sflag:s26], $0x3800  }
0x33: {  	s31 =	sld [smem:$0x7F9];
	_ =	sdelay $0x1  }
0x34: {  	[sflag:s26] =	ssyncset.done @!p1 $0x0  }
0x35: {  	[sflag:s26] =	ssyncadd.s32 @!p1 $0xFFFFC800;
	p1 =	seq.s32 s31, $0x1  }
0x36: {  	s26 =	simm.s32 @!p1 $0x1  }
0x37: {  	_ =	swait.ge @!p1 [sflag:s26], $0x3800  }
0x38: {  	[sflag:s26] =	ssyncset.done @!p1 $0x0  }
0x39: {  	[sflag:s26] =	ssyncadd.s32 @!p1 $0xFFFFC800;
	s26 =	simm.s32 @!p0 $0x1  }
0x3a: {  	_ =	swait.ge @!p0 [sflag:s26], $0x3800  }
0x3b: {  	[sflag:s26] =	ssyncset.done @!p0 $0x0  }
0x3c: {  	[sflag:s26] =	ssyncadd.s32 @!p0 $0xFFFFC800  }
0x3d: {  	s26 =	sshrl.u32 @!p2 s12, $0x3;
	[bflag:$0x0] =	sbarrier.arrive $0xFFFF  }
0x3e: {  	[hbm:s13], [sflag:s8] =	dma.local @!p2 [spmem:s26], $0x2080  }
0x3f: {  	s26 =	simm.s32 @!p2 $0x2  }
0x40: {  	_ =	swait.ge @!p2 [sflag:s26], $0x2080  }
0x41: {  	[sflag:s26] =	ssyncset.done @!p2 $0x0  }
0x42: {  	[sflag:s26] =	ssyncadd.s32 @!p2 $0xFFFFDF80;
	s26 =	sshrl.u32 @!p3 s7, $0x3  }
0x43: {  	[hbm:s11], [sflag:s8] =	dma.local @!p3 [spmem:s26], $0x2780  }
0x44: {  	s26 =	simm.s32 @!p3 $0x2  }
0x45: {  	_ =	swait.ge @!p3 [sflag:s26], $0x2780  }
0x46: {  	[sflag:s26] =	ssyncset.done @!p3 $0x0  }
0x47: {  	[sflag:s26] =	ssyncadd.s32 @!p3 $0xFFFFD880;
	s26 =	sshrl.u32 @!p4 s12, $0x3  }
0x48: {  	[hbm:s15], [sflag:s8] =	dma.local @!p4 [spmem:s26], $0x2080  }
0x49: {  	s26 =	simm.s32 @!p4 $0x2  }
0x4a: {  	_ =	swait.ge @!p4 [sflag:s26], $0x2080  }
0x4b: {  	s25 =	sadd.s32 $0x1, s25;
	[sflag:s26] =	ssyncset.done @!p4 $0x0  }
0x4c: {  	p1 =	sne.s32 s25, s16;
	[sflag:s26] =	ssyncadd.s32 @!p4 $0xFFFFDF80;
	s26 =	sshrl.u32 @!p5 s7, $0x3  }
0x4d: {  	[hbm:s14], [sflag:s8] =	dma.local @!p5 [spmem:s26], $0x2780  }
.Ltmp1:
0x4e: {  	_ = 	snop;
	(pc) =	sbr.rel @!p1 .LBB2_6-.Ltmp1, $4  }
0x4f: {  	s26 =	simm.s32 @!p5 $0x2  }
0x50: {  	_ =	swait.ge @!p5 [sflag:s26], $0x2780  }
0x51: {  	[sflag:s26] =	ssyncset.done @!p5 $0x0  }
0x52: {  	[sflag:s26] =	ssyncadd.s32 @!p5 $0xFFFFD880  }
.LBB2_1:
0x53: {  	s26 =	sshrl.u32 s7, $0x3  }
0x54: {  	[spmem:s26], [sflag:s8] =	dma.local [hbm:s5], $0x2780  }
0x55: {  	_ =	swait.ge [sflag:s22], $0x2780  }
0x56: {  	[sflag:s22] =	ssyncset.done $0x0  }
0x57: {  	[sflag:s22] =	ssyncadd.s32 $0xFFFFD880  }
0x58: {  	[tilespmem:s23], [sflag:$0x2] =	stream.linear.gather [hbm4b:s4+s3], $0x3800, $0x38;
	[tilespmem:$0x1A400] =	vst v63  }
0x59: {  	_ =	swait.ge [sflag:s22], $0x3800  }
0x5a: {  	[sflag:s22] =	ssyncset.done $0x0  }
0x5b: {  	[sflag:s22] =	ssyncadd.s32 $0xFFFFC800  }
0x5c: {  	[tilespmem:s3], [sflag:$0x2] =	stream.linear.gather [hbm4b:s9+s3], $0x2D00, $0x38;
	[tilespmem:$0x1A400] =	vst v63  }
0x5d: {  	_ =	swait.ge [sflag:s22], $0x2D00  }
0x5e: {  	[sflag:s22] =	ssyncset.done $0x0  }
0x5f: {  	[sflag:s22] =	ssyncadd.s32 $0xFFFFD300  }
0x60: {  	s28 =	simm.s32 @!p6 $0x3000;
	s26 =	simm.s32 @!p6 $0x70;
	[bflag:$0x0] =	sbarrier.arrive $0xFFFF  }
0x61: {  	[spmem:s1] =	stream.indirect.scatter.add.f32 @!p6 [tilespmem:s28], [sflag:$0x1], $0x80, s17, s26, $0xb8;
	[tilespmem:$0x1A400] =	vst v63  }
0x62: {  	s28 =	sld [smem:$0x7F4];
	_ =	sdelay $0x2  }
0x63: {  	s29 =	sld [smem:$0x7F6];
	p1 =	seq.s32 s28, $0x1  }
0x64: {  	s26 =	simm.s32 @!p1 $0x70;
	s28 =	simm.s32 @!p1 $0x3000  }
0x65: {  	[spmem:s1] =	stream.indirect.scatter.add.f32 @!p1 [tilespmem:s28], [sflag:$0x1], $0x80, s18, s26, $0xb8;
	[tilespmem:$0x1A400] =	vst v63  }
0x66: {  	s30 =	sld [smem:$0x7FA];
	p1 =	seq.s32 s29, $0x1  }
0x67: {  	s26 =	simm.s32 @!p1 $0x70;
	s28 =	simm.s32 @!p1 $0x3000  }
0x68: {  	[spmem:s1] =	stream.indirect.scatter.add.f32 @!p1 [tilespmem:s28], [sflag:$0x1], $0x80, s19, s26, $0xb8;
	[tilespmem:$0x1A400] =	vst v63  }
0x69: {  	s31 =	sld [smem:$0x7FC];
	p1 =	seq.s32 s30, $0x1  }
0x6a: {  	s26 =	simm.s32 @!p1 $0x70;
	s28 =	simm.s32 @!p1 $0x3000  }
0x6b: {  	[spmem:s1] =	stream.indirect.scatter.add.f32 @!p1 [tilespmem:s28], [sflag:$0x1], $0x80, s20, s26, $0xb8;
	[tilespmem:$0x1A400] =	vst v63  }
0x6c: {  	p1 =	seq.s32 s31, $0x1  }
.Ltmp2:
0x6d: {  	_ = 	snop;
	(pc) =	sbr.rel @p1 .LBB2_5-.Ltmp2, $1  }
0x6e: {  	_ =	sdelay $0x3  }
0x6f: {  	s26 =	sadd.s32 $0x1, s10  }
0x70: {  	p1 =	sne.s32 s6, s26  }
.Ltmp3:
0x71: {  	p6 =	slt.u32 s10, s10;
	(pc) =	sbr.rel @!p1 .LBB2_4-.Ltmp3, $4  }
0x72: {  	s28 =	simm.s32 @!p6 $0x1  }
0x73: {  	_ =	swait.ge @!p6 [sflag:s28], $0x3800  }
0x74: {  	[sflag:s28] =	ssyncset.done @!p6 $0x0  }
0x75: {  	s29 =	smov.u32 s21;
	[sflag:s28] =	ssyncadd.s32 @!p6 $0xFFFFC800;
	s28 =	sadd.s32 $0x80, s21  }
.LBB2_3:
0x76: {  	[spmem:s1] =	stream.indirect.scatter.add.f32 [tilespmem:s23], [sflag:$0x1], $0x80, s29, s24, $0xb8;
	[tilespmem:$0x1A400] =	vst v63  }
0x77: {  	p1 =	slt.u32 s26, s10;
	s26 =	sadd.s32 $0x1, s26  }
0x78: {  	p6 =	sne.s32 s6, s26  }
.Ltmp4:
0x79: {  	(pc) =	sbr.rel @p6 .LBB2_3-.Ltmp4, $4  }
0x7a: {  	s29 =	smov.u32 s28;
	s30 =	simm.s32 @!p1 $0x1  }
0x7b: {  	_ =	swait.ge @!p1 [sflag:s30], $0x3800  }
0x7c: {  	[sflag:s30] =	ssyncset.done @!p1 $0x0  }
0x7d: {  	s28 =	sadd.s32 $0x80, s28;
	[sflag:s30] =	ssyncadd.s32 @!p1 $0xFFFFC800  }
.Ltmp5:
0x7e: {  	_ = 	snop;
	(pc) =	sbr.rel .LBB2_4-.Ltmp5, $1  }
0x7f: {  	_ =	sdelay $0x3  }
.LBB2_6:
0x80: {  	_ =	sfence.sel $0x180000  }
0x81: {  	[bflag:$0x0] =	sbarrier.arrive $0xFFFF  }
0x82: {  	p0 =	sne.s32 s2, $0x0;
	_ =	strace $0x90000047  }
0x83: {  	s0 =	sadd.s32 @!p0 $0x100000, s0;
	[bflag:$0x2] =	sbarrier.arrive $0xFFFF  }
0x84: {  	[sflag:s0] =	ssyncadd.tile.s32 @!p0 $0x1;
	_ =	shalt  }
.Lfunc_end2:
_tile_overlayer_lowered:
.L_overlay_start_2:
0x85: {  	(tag) =	ssettag $0x2  }
0x86: {  	s0 =	rddreg [dreg:$0x0];
	s2 =	stileid.u32  }
0x87: {  	s1 =	rddreg [dreg:$0x1];
	p0 =	sne.s32 s2, $0x0  }
0x88: {  	s3 =	rddreg [dreg:$0x2];
	[bflag:$0x3] =	sbarrier.arrive $0xFFFF;
	s2 =	simm.s32 @!p0 $0x1C02  }
0x89: {  	[timem:s3], [sflag:s2] =	dma.local @!p0 [hbm:s0], s1  }
0x8a: {  	s0 =	simm.s32 @!p0 $0x2  }
0x8b: {  	_ =	swait.ge @!p0 [sflag:s0], s1  }
0x8c: {  	s1 =	ssub.s32 @!p0 $0x0, s1;
	[sflag:s0] =	ssyncset.done @!p0 $0x0  }
0x8d: {  	[sflag:s0] =	ssyncadd.s32 @!p0 s1  }
0x8e: {  	[bflag:$0x3] =	sbarrier.arrive $0xFFFF  }
0x8f: {  	_ =	shalt  }

// kernel: kernel.15.cloned.1.call-start
scs
__scs_entry_jumppad:
0x0: {  	(pc) =	sbr.rel $0x88, $3  }
0x1: {  	(tag) =	ssettag $0x0;
	lr =	simm.s32 $0x1  }
0x2: {  	[smem:$0x3F93] =	sst lr;
	_ =	strace $0xD0000000  }
0x3: {  	_ = 	snop  }
0x4: {  	_ = 	snop  }
0x5: {  	_ = 	snop  }
0x6: {  	_ = 	snop  }
0x7: {  	_ = 	snop  }
__scs_overlays_trampoline_lowered:
0x8: {  	[smem:$0x3FA2] =	sst s0  }
0x9: {  	[smem:$0x3FA3] =	sst s1  }
0xa: {  	[smem:$0x3FA4] =	sst s2  }
0xb: {  	[smem:$0x3FA5] =	sst s3  }
0xc: {  	[smem:$0x3FA6] =	sst s4  }
0xd: {  	[smem:$0x3FA7] =	sst s5  }
0xe: {  	[smem:$0x3FA8] =	sst s6  }
0xf: {  	[smem:$0x3FA9] =	sst s7  }
0x10: {  	[smem:$0x3FAA] =	sst s8  }
0x11: {  	[smem:$0x3FAB] =	sst s9;
	s0 =	simm.s32 @!p0 $0x0  }
0x12: {  	s1 =	sld [smem:$0x3F91];
	s0 =	simm.s32 @p0 $0x1  }
0x13: {  	[smem:$0x3FAC] =	sst s0;
	s0 =	simm.s32 @!p1 $0x0  }
0x14: {  	s2 =	sld [smem:$0x3F90];
	s0 =	simm.s32 @p1 $0x1  }
0x15: {  	[smem:$0x3FAD] =	sst s0;
	s0 =	simm.s32 @!p2 $0x0  }
0x16: {  	s3 =	sld [smem:$0x3FDB];
	s0 =	simm.s32 @p2 $0x1  }
0x17: {  	s4 =	simm.s32 $0x1BF5;
	[smem:$0x3FAF] =	sst s0  }
0x18: {  	s0 =	sld [smem:$0x3F92];
	_ =	swait.ge [sflag:s4], $0x0  }
0x19: {  	s7 =	sld [smem:$0x3F93]  }
0x1a: {  	s8 =	sadd.s32 $0xFFFFE003, lr  }
0x1b: {  	s9 =	sadd.s32 $0xFFFFFEF7, lr;
	s5 =	simm.s32 $0xFFFFFFFF;
	p2 =	slt.u32 s8, $0xFFFFF086  }
0x1c: {  	p1 =	slt.u32 s9, $0xF7A;
	s5 =	simm.s32 @!p2 $0x0  }
0x1d: {  	s5 =	simm.s32 @p1 $0x1;
	p0 =	seq.s32 s7, s2  }
0x1e: {  	s7 =	smul.u32 @!p0 $0xF7A, s2;
	p2 =	seq.s32 @!p0 s5, $0x0  }
0x1f: {  	s9 =	smul.u32 $0xF7A, s1;
	s8 =	simm.s32 @!p0 $0x1BF5;
	p2 =	por !p2, p0  }
0x20: {  	[sflag:s8] =	ssyncset.s32 @!p0 $0xFFFFF086;
	s6 =	sadd.s32 @!p0 s3, s7;
	s7 =	simm.s32 @!p0 $0x108  }
0x21: {  	s3 =	sadd.s32 s3, s9;
	s6 =	sadd.s32 @!p0 $0x88, s6;
	s7 =	simm.s32 @p2 $0x1082  }
0x22: {  	[simem:s7], [sflag:s8] =	dma.local @!p0 [hbm:s6], $0xF7A  }
0x23: {  	s9 =	sor.u32 $0xD0000000, s2;
	s6 =	simm.s32 $0x108;
	_ =	swait.ge @!p0 [sflag:s8], $0x0  }
0x24: {  	s3 =	sadd.s32 $0x88, s3;
	s6 =	simm.s32 @!p1 $0x1082;
	[sflag:s4] =	ssyncset.s32 $0xFFFFF086  }
0x25: {  	[simem:s6], [sflag:s4] =	dma.local [hbm:s3], $0xF7A  }
0x26: {  	[smem:$0x3F93] =	sst s1;
	(tag) =	ssettag s2;
	_ =	strace s9  }
0x27: {  	s1 =	sld [smem:$0x3FA3]  }
0x28: {  	s2 =	sld [smem:$0x3FA4]  }
0x29: {  	s4 =	sld [smem:$0x3FA6]  }
0x2a: {  	p0 =	seq.s32 s5, $0x0;
	s5 =	sld [smem:$0x3FA7]  }
0x2b: {  	s6 =	sld [smem:$0x3FA8]  }
0x2c: {  	s7 =	sld [smem:$0x3FA9]  }
0x2d: {  	s3 =	simm.s32 $0x108;
	s8 =	sld [smem:$0x3FAA]  }
0x2e: {  	s3 =	simm.s32 @!p0 $0x1082;
	s9 =	sld [smem:$0x3FAB]  }
0x2f: {  	lr =	sadd.s32 s0, s3;
	s0 =	sld [smem:$0x3FA2]  }
0x30: {  	s3 =	sld [smem:$0x3FA5]  }
0x31: {  	[smem:$0x3FAE] =	sst s10  }
0x32: {  	s10 =	sld [smem:$0x3FAC];
	_ =	sdelay $0x3  }
0x33: {  	p0 =	seq.s32 s10, $0x1;
	s10 =	sld [smem:$0x3FAE];
	_ =	sdelay $0x3  }
0x34: {  	[smem:$0x3FAE] =	sst s10  }
0x35: {  	s10 =	sld [smem:$0x3FAD];
	_ =	sdelay $0x3  }
0x36: {  	p1 =	seq.s32 s10, $0x1;
	s10 =	sld [smem:$0x3FAE];
	_ =	sdelay $0x3  }
0x37: {  	[smem:$0x3FAE] =	sst s10  }
0x38: {  	s10 =	sld [smem:$0x3FAF]  }
0x39: {  	_ = 	snop;
	(pc) =	sbr.ind lr, $3  }
0x3a: {  	_ = 	snop  }
0x3b: {  	_ = 	snop  }
0x3c: {  	p2 =	seq.s32 s10, $0x1;
	s10 =	sld [smem:$0x3FAE]  }
0x3d: {  	_ =	shalt  }
0x3e: {  	_ =	shalt  }
0x3f: {  	_ =	shalt  }
0x40: {  	_ =	shalt  }
0x41: {  	_ =	shalt  }
0x42: {  	_ =	shalt  }
0x43: {  	_ =	shalt  }
0x44: {  	_ =	shalt  }
0x45: {  	_ =	shalt  }
0x46: {  	_ =	shalt  }
0x47: {  	_ =	shalt  }
0x48: {  	_ =	shalt  }
0x49: {  	_ =	shalt  }
0x4a: {  	_ =	shalt  }
0x4b: {  	_ =	shalt  }
0x4c: {  	_ =	shalt  }
0x4d: {  	_ =	shalt  }
0x4e: {  	_ =	shalt  }
0x4f: {  	_ =	shalt  }
0x50: {  	_ =	shalt  }
0x51: {  	_ =	shalt  }
0x52: {  	_ =	shalt  }
0x53: {  	_ =	shalt  }
0x54: {  	_ =	shalt  }
0x55: {  	_ =	shalt  }
0x56: {  	_ =	shalt  }
0x57: {  	_ =	shalt  }
0x58: {  	_ =	shalt  }
0x59: {  	_ =	shalt  }
0x5a: {  	_ =	shalt  }
0x5b: {  	_ =	shalt  }
0x5c: {  	_ =	shalt  }
0x5d: {  	_ =	shalt  }
0x5e: {  	_ =	shalt  }
0x5f: {  	_ =	shalt  }
0x60: {  	_ =	shalt  }
0x61: {  	_ =	shalt  }
0x62: {  	_ =	shalt  }
0x63: {  	_ =	shalt  }
0x64: {  	_ =	shalt  }
0x65: {  	_ =	shalt  }
0x66: {  	_ =	shalt  }
0x67: {  	_ =	shalt  }
0x68: {  	_ =	shalt  }
0x69: {  	_ =	shalt  }
0x6a: {  	_ =	shalt  }
0x6b: {  	_ =	shalt  }
0x6c: {  	_ =	shalt  }
0x6d: {  	_ =	shalt  }
0x6e: {  	_ =	shalt  }
0x6f: {  	_ =	shalt  }
0x70: {  	_ =	shalt  }
0x71: {  	_ =	shalt  }
0x72: {  	_ =	shalt  }
0x73: {  	_ =	shalt  }
0x74: {  	_ =	shalt  }
0x75: {  	_ =	shalt  }
0x76: {  	_ =	shalt  }
0x77: {  	_ =	shalt  }
0x78: {  	_ =	shalt  }
0x79: {  	_ =	shalt  }
0x7a: {  	_ =	shalt  }
0x7b: {  	_ =	shalt  }
0x7c: {  	_ =	shalt  }
0x7d: {  	_ =	shalt  }
0x7e: {  	_ =	shalt  }
0x7f: {  	_ =	shalt  }
0x80: {  	_ =	shalt  }
0x81: {  	_ =	shalt  }
0x82: {  	_ =	shalt  }
0x83: {  	_ =	shalt  }
0x84: {  	_ =	shalt  }
0x85: {  	_ =	shalt  }
0x86: {  	_ =	shalt  }
0x87: {  	_ =	shalt  }
.Lfunc_end0:
.L_simem_size_0:
called_computation.1_lowered:
.L_overlay_start_0:
0x88: {  	s2 =	sld [smem:$0x3FD9]  }
0x89: {  	s3 =	sld [smem:$0x3FFE];
	_ =	sdelay $0x1  }
0x8a: {  	s1 =	srdreg.scid  }
0x8b: {  	s0 =	sand.u32 $0x1, s1  }
0x8c: {  	s16 =	sshll.u32 s0, $0xA;
	s2 =	sadd.s32 s3, s2  }
0x8d: {  	s2 =	sadd.s32 s2, s16  }
0x8e: {  	[smem:$0x3FBA] =	sst s2  }
0x8f: {  	_ = 	snop  }
0x90: {  	(tm) =	ssettm $0x1  }
0x91: {  	s17 =	sld [smem:$0x3FFB];
	_ =	sdelay $0x3  }
0x92: {  	_ =	strace s17  }
0x93: {  	s2 =	sld [smem:$0x3FFC];
	_ =	sdelay $0x3  }
0x94: {  	_ =	strace s2  }
0x95: {  	s2 =	sld [smem:$0x3FFD];
	_ =	sdelay $0x3  }
0x96: {  	_ =	strace s2  }
0x97: {  	_ =	strace $0x8FFFFFFF  }
0x98: {  	s18 =	sld [smem:$0x3FDB];
	_ =	sdelay $0x1  }
0x99: {  	s19 =	simm.s32 $_scs_section_size  }
0x9a: {  	s4 =	simm.s32 $_size__tile_overlayer_lowered;
	s5 =	simm.s32 $_tile_overlayer_lowered  }
0x9b: {  	s22 =	simm.s32 $0x1BFF;
	s21 =	sshll.u32 s5, $0x1;
	s2 =	sadd.s32 s19, s18  }
0x9c: {  	s6 =	simm.s32 $0x0;
	s20 =	sshll.u32 s4, $0x1;
	s4 =	sadd.s32 s21, s2  }
0x9d: {  	[timem:s6], [sflag:s22] =	dma.local [hbm:s4], s20  }
0x9e: {  	_ =	swait.ge [sflag:s22], s20  }
0x9f: {  	s3 =	ssub.s32 $0x0, s20;
	[sflag:s22] =	ssyncset.done $0x0  }
0xa0: {  	[sflag:s22] =	ssyncadd.s32 s3;
	_ =	sdelay $0x1  }
0xa1: {  	s23 =	simm.s32 $0x1B8B  }
0xa2: {  	_ =	swait.ge [sflag:s23], $0x1  }
0xa3: {  	[sflag:s23] =	ssyncset.done $0x0  }
0xa4: {  	s25 =	simm.s32 $0x1B8E;
	s24 =	sld [smem:$0x3FFE];
	[sflag:s23] =	ssyncadd.s32 $0xFFFFFFFF  }
0xa5: {  	s26 =	simm.s32 $execute0_lowered;
	[smem:$0x3FD2] =	sst s25  }
0xa6: {  	s4 =	sshll.u32 s26, $0x1;
	_ =	strace $0x80000049;
	[dreg:$0x1] =	wrdreg $0xFFFFFFFF  }
0xa7: {  	s28 =	simm.s32 $_size_execute0_lowered;
	s2 =	sadd.s32 s2, s4;
	[dreg:$0x0] =	wrdreg $0x0  }
0xa8: {  	s4 =	sshll.u32 s28, $0x1;
	[dreg:$0x2] =	wrdreg s2  }
0xa9: {  	[dreg:$0x3] =	wrdreg s4  }
0xaa: {  	[dreg:$0x4] =	wrdreg $0xC0  }
0xab: {  	_ =	task [dreg:s6], $0x5FFFF  }
0xac: {  	[dreg:$0x1] =	wrdreg $0xFFFFFFFF  }
0xad: {  	[dreg:$0x0] =	wrdreg $0x60  }
0xae: {  	[dreg:$0x2] =	wrdreg s24  }
0xaf: {  	[dreg:$0x3] =	wrdreg $0xAE000  }
0xb0: {  	[dreg:$0x4] =	wrdreg $0x9  }
0xb1: {  	_ =	task.clear_ibuf [dreg:s6], $0x5FFFF;
	_ =	strace $0x90000049  }
0xb2: {  	s29 =	simm.s32 $0x9;
	_ =	strace $0x8000004B  }
0xb3: {  	_ =	swait.ge [sflag:s29], $0x1  }
0xb4: {  	[sflag:s29] =	ssyncadd.s32 $0xFFFFFFFF  }
0xb5: {  	_ =	strace $0x9000004B  }
0xb6: {  	_ =	sfence  }
0xb7: {  	s30 =	sld [smem:$0x0];
	_ =	sdelay $0x2  }
0xb8: {  	s31 =	sshll.u32 s1, $0xD;
	s1 =	sshrl.u32 s1, $0x2  }
0xb9: {  	s3 =	sand.u32 $0x4000, s31;
	s1 =	sadd.s32 s1, s30  }
0xba: {  	s0 =	sor.u32 s3, s0;
	s1 =	sshll.u32 s1, $0x11  }
0xbb: {  	s0 =	sor.u32 s1, s0  }
0xbc: {  	s0 =	sadd.s32 $0x8F2B, s0  }
0xbd: {  	[sflag:s0] =	ssyncadd.remote.s32 $0x1  }
0xbe: {  	_ =	sfence.sel $0xFFFF  }
0xbf: {  	[dreg:$0x0] =	wrdreg $0xFFFFFFFF;
	(pc) =	sbr.abs _section_cstart, $3  }
0xc0: {  	[dreg:$0x1] =	wrdreg $0xFFFFFFFF  }
0xc1: {  	_ =	task.clear_ibuf [dreg:s6], $0x2FFFF;
	_ =	strace $0x9FFFFFFF  }
0xc2: {  	(tm) =	ssettm $0x7FFFFFFF  }
0xc3: {  	_ =	shalt  }
tec
execute0_lowered:
.L_overlay_start_1:
0x0: {  	(tag) =	ssettag $0x1  }
0x1: {  	s0 =	rddreg [dreg:$0x0]  }
0x2: {  	s1 =	rddreg [dreg:$0x1];
	s2 =	simm.s32 $0x0;
	s16 =	stileid.u32  }
0x3: {  	s3 =	srdreg.scid;
	s21 =	simm.s32 $0x6;
	s23 =	simm.s32 $0x70  }
0x4: {  	s24 =	simm.s32 $0x600;
	s28 =	simm.s32 $0x7600;
	s29 =	simm.s32 $0x2  }
0x5: {  	s30 =	simm.s32 $0x4;
	s31 =	simm.s32 $0x0;
	[smem:$0x7FF] =	sst s2  }
0x6: {  	s4 =	sadd.s32 $0x5D600, s0;
	s5 =	sadd.s32 $0x58600, s0;
	s6 =	sadd.s32 $0x7A00, s0  }
0x7: {  	s7 =	sadd.s32 $0x62600, s0;
	s9 =	smul.u32 $0x2780, s16;
	s3 =	sand.u32 $0x1, s3  }
0x8: {  	s8 =	sadd.s32 $0x89800, s0;
	s11 =	smul.u32 $0x4F000, s16;
	s26 =	sshll.u32 s16, $0x6  }
0x9: {  	s17 =	sadd.s32 $0xFCC80, s0;
	p1 =	seq.s32 s16, $0xF;
	_ =	strace $0x8000004A  }
0xa: {  	s10 =	ssub.s32 $0x2, s3;
	[dreg:$0x4] =	wrdreg s17;
	p0 =	sne.s32 s3, $0x0  }
0xb: {  	s14 =	sadd.s32 s9, s0;
	s12 =	sshrl.u32 s10, $0x1;
	s9 =	smul.u32 $0x2760, s16  }
0xc: {  	s25 =	sshrl.u32 s11, $0x2;
	s11 =	sor.u32 $0x1C06, s26;
	s0 =	sadd.s32 $0xD5A80, s0  }
.Ltmp0:
0xd: {  	s26 =	simm.s32 $0x1;
	s19 =	ssub.s32 s10, s12;
	(pc) =	sbr.rel .LBB2_1-.Ltmp0, $4  }
0xe: {  	s10 =	sadd.s32 s25, s1;
	s15 =	sadd.s32 $0xD7C00, s14;
	[dreg:$0x6] =	wrdreg s0  }
0xf: {  	s14 =	sadd.s32 $0xB0A00, s14;
	s13 =	sshrl.u32 s9, $0x3;
	[dreg:$0x3] =	wrdreg s15  }
0x10: {  	s15 =	sadd.s32 $0x128400, s1;
	[dreg:$0x5] =	wrdreg s14;
	s19 =	smax.u32 s19, $0x1  }
0x11: {  	s20 =	sshrl.u32 s10, $0x3;
	s12 =	sadd.s32 s4, s13;
	s13 =	sadd.s32 s5, s13  }
.LBB2_13:
0x12: {  	_ =	swait.ge [sflag:s30], $0x3800  }
0x13: {  	[sflag:s30] =	ssyncset.done $0x0  }
0x14: {  	[sflag:s30] =	ssyncadd.s32 $0xFFFFC800  }
0x15: {  	[bflag:$0x0] =	sbarrier.arrive $0xFFFF  }
0x16: {  	s14 =	rddreg [dreg:$0x4]  }
0x17: {  	[hbm:s14], [sflag:s11] =	dma.local @p1 [spmem:s3], $0x2080  }
0x18: {  	s3 =	simm.s32 @p1 $0x6  }
0x19: {  	_ =	swait.ge @p1 [sflag:s3], $0x2080  }
0x1a: {  	[sflag:s3] =	ssyncset.done @p1 $0x0  }
0x1b: {  	[sflag:s3] =	ssyncadd.s32 @p1 $0xFFFFDF80;
	s3 =	rddreg [dreg:$0x3]  }
0x1c: {  	[hbm:s3], [sflag:s11] =	dma.local @!p1 [spmem:s0], $0x2780  }
0x1d: {  	s0 =	simm.s32 @!p1 $0x6  }
0x1e: {  	_ =	swait.ge @!p1 [sflag:s0], $0x2780  }
0x1f: {  	[sflag:s0] =	ssyncset.done @!p1 $0x0  }
0x20: {  	[sflag:s0] =	ssyncadd.s32 @!p1 $0xFFFFD880  }
.LBB2_14:
0x21: {  	s31 =	sadd.s32 $0x1, s31  }
0x22: {  	p2 =	sne.s32 s31, s19  }
.Ltmp1:
0x23: {  	_ = 	snop;
	(pc) =	sbr.rel @!p2 .LBB2_15-.Ltmp1, $1  }
0x24: {  	_ =	sdelay $0x3  }
.LBB2_1:
0x25: {  	[spmem:s20], [sflag:s11] =	dma.local [hbm:s6], $0x2780  }
0x26: {  	_ =	swait.ge [sflag:s21], $0x2780  }
0x27: {  	[sflag:s21] =	ssyncset.done $0x0  }
0x28: {  	[sflag:s21] =	ssyncadd.s32 $0xFFFFD880  }
0x29: {  	[tilespmem:s2], [sflag:$0x6] =	stream.linear.gather [hbm4b:s12+s2], $0x150, $0x38;
	[tilespmem:$0x1EA00] =	vst v63  }
0x2a: {  	_ =	swait.ge [sflag:s21], $0x150  }
0x2b: {  	[sflag:s21] =	ssyncset.done $0x0  }
0x2c: {  	s0 =	simm.s32 $0x300;
	[sflag:s21] =	ssyncadd.s32 $0xFFFFFEB0  }
0x2d: {  	[tilespmem:s0], [sflag:$0x6] =	stream.linear.gather [hbm4b:s13+s2], $0x150, $0x38;
	[tilespmem:$0x1EA00] =	vst v63  }
.Ltmp2:
0x2e: {  	_ =	swait.ge [sflag:s21], $0x150;
	(pc) =	sbr.rel @p0 .LBB2_8-.Ltmp2, $4  }
0x2f: {  	[sflag:s21] =	ssyncset.done $0x0  }
0x30: {  	[sflag:s21] =	ssyncadd.s32 $0xFFFFFEB0  }
0x31: {  	[bflag:$0x0] =	sbarrier.arrive $0xFFFF  }
0x32: {  	s3 =	sshrl.u32 @p1 s15, $0x3;
	s0 =	sshrl.u32 @!p1 s10, $0x3  }
.Ltmp3:
0x33: {  	(pc) =	sbr.rel .LBB2_3-.Ltmp3, $4  }
0x34: {  	s14 =	simm.s32 $0x0  }
0x35: {  	[tilespmem:s24], [sflag:$0x1] =	stream.indirect.gather [hbm4b:s7+s23], $0x80, s14, s23, $0xb8;
	[tilespmem:$0x1EA00] =	vst v63  }
0x36: {  	s16 =	simm.s32 $0x3E00  }
0x37: {  	[tilespmem:s16], [sflag:$0x2] =	stream.indirect.gather [hbm4b:s7+s23], $0x80, s23, s23, $0xb8;
	[tilespmem:$0x1EA00] =	vst v63  }
.LBB2_5:
0x38: {  	s22 =	sadd.s32 @!p2 $0x1, s14  }
0x39: {  	s22 =	simm.s32 @p2 $0x1  }
0x3a: {  	s16 =	smul.u32 $0x150, s22;
	_ =	sdelay $0x1  }
0x3b: {  	s17 =	sand.u32 $0x1, s22;
	s16 =	sadd.s32 s9, s16  }
0x3c: {  	p2 =	seq.s32 s17, $0x1;
	s17 =	simm.s32 $0x150;
	s16 =	sshrl.u32 s16, $0x3  }
0x3d: {  	s17 =	simm.s32 @!p2 $0x0;
	s25 =	sadd.s32 s4, s16  }
0x3e: {  	[tilespmem:s17], [sflag:$0x5] =	stream.linear.gather [hbm4b:s25+s2], $0x150, $0x38;
	[tilespmem:$0x1EA00] =	vst v63  }
0x3f: {  	p2 =	por $0x0, $0x0;
	s16 =	sadd.s32 s5, s16;
	s17 =	sadd.s32 $0x300, s17  }
0x40: {  	[tilespmem:s17], [sflag:$0x5] =	stream.linear.gather [hbm4b:s16+s2], $0x150, $0x38;
	[tilespmem:$0x1EA00] =	vst v63  }
.LBB2_6:
0x41: {  	s14 =	sand.u32 $0x1, s14  }
0x42: {  	p3 =	seq.s32 s14, $0x1;
	s14 =	simm.s32 $0x150  }
0x43: {  	s14 =	simm.s32 @!p3 $0x0  }
0x44: {  	s16 =	sadd.s32 $0xE0, s14  }
0x45: {  	[tilespmem:s28], [sflag:$0x3] =	stream.indirect.gather [hbm4b:s7+s23], $0x80, s16, s23, $0xb8;
	[tilespmem:$0x1EA00] =	vst v63  }
0x46: {  	s17 =	sadd.s32 $0x300, s14  }
0x47: {  	[spmem:s1] =	stream.indirect.scatter.add.f32 [tilespmem:s24], [sflag:$0x4], $0x80, s17, s23, $0xb8;
	[tilespmem:$0x1EA00] =	vst v63  }
0x48: {  	_ =	swait.ge [sflag:s29], $0x3800  }
0x49: {  	[sflag:s29] =	ssyncset.done $0x0  }
0x4a: {  	[sflag:s29] =	ssyncadd.s32 $0xFFFFC800  }
0x4b: {  	_ =	swait.ge [sflag:s30], $0x3800  }
0x4c: {  	s25 =	simm.s32 @p2 $0x70;
	[sflag:s30] =	ssyncset.done $0x0  }
0x4d: {  	s18 =	simm.s32 @p2 $0x3E00;
	s17 =	sadd.s32 @p2 $0x370, s14;
	[sflag:s30] =	ssyncadd.s32 $0xFFFFC800  }
0x4e: {  	[spmem:s1] =	stream.indirect.scatter.add.f32 @p2 [tilespmem:s18], [sflag:$0x4], $0x80, s17, s25, $0xb8;
	[tilespmem:$0x1EA00] =	vst v63  }
0x4f: {  	s17 =	simm.s32 @p2 $0x3  }
0x50: {  	_ =	swait.ge @p2 [sflag:s17], $0x3800  }
0x51: {  	[sflag:s17] =	ssyncset.done @p2 $0x0  }
0x52: {  	[sflag:s17] =	ssyncadd.s32 @p2 $0xFFFFC800;
	s17 =	simm.s32 @p2 $0x4  }
0x53: {  	_ =	swait.ge @p2 [sflag:s17], $0x3800  }
0x54: {  	[sflag:s17] =	ssyncset.done @p2 $0x0  }
0x55: {  	[sflag:s17] =	ssyncadd.s32 @p2 $0xFFFFC800;
	s17 =	simm.s32 @!p2 $0x5  }
0x56: {  	_ =	swait.ge @!p2 [sflag:s17], $0x150  }
0x57: {  	[sflag:s17] =	ssyncset.done @!p2 $0x0  }
0x58: {  	[sflag:s17] =	ssyncadd.s32 @!p2 $0xFFFFFEB0  }
0x59: {  	s18 =	sand.u32 @!p2 $0x1, s22;
	_ =	swait.ge @!p2 [sflag:s17], $0x150  }
0x5a: {  	p3 =	seq.s32 @!p2 s18, $0x1;
	[sflag:s17] =	ssyncset.done @!p2 $0x0  }
0x5b: {  	p3 =	por !p3, p2;
	[sflag:s17] =	ssyncadd.s32 @!p2 $0xFFFFFEB0;
	s17 =	simm.s32 @!p2 $0x150  }
0x5c: {  	s25 =	simm.s32 @!p2 $0x600;
	s18 =	simm.s32 @!p2 $0x70;
	s17 =	simm.s32 @p3 $0x0  }
0x5d: {  	[tilespmem:s25], [sflag:$0x1] =	stream.indirect.gather @!p2 [hbm4b:s7+s18], $0x80, s17, s18, $0xb8;
	[tilespmem:$0x1EA00] =	vst v63  }
0x5e: {  	s14 =	sadd.s32 @!p2 $0x370, s14;
	s17 =	simm.s32 @!p2 $0x3E00  }
0x5f: {  	[spmem:s1] =	stream.indirect.scatter.add.f32 @!p2 [tilespmem:s17], [sflag:$0x4], $0x80, s14, s18, $0xb8;
	[tilespmem:$0x1EA00] =	vst v63  }
0x60: {  	s14 =	simm.s32 @!p2 $0x3  }
0x61: {  	_ =	swait.ge @!p2 [sflag:s14], $0x3800  }
0x62: {  	[sflag:s14] =	ssyncset.done @!p2 $0x0  }
0x63: {  	[sflag:s14] =	ssyncadd.s32 @!p2 $0xFFFFC800;
	s14 =	simm.s32 @!p2 $0x4  }
0x64: {  	_ =	swait.ge @!p2 [sflag:s14], $0x3800  }
0x65: {  	s25 =	simm.s32 @!p2 $0x1C0;
	[sflag:s14] =	ssyncset.done @!p2 $0x0  }
0x66: {  	s25 =	simm.s32 @p3 $0x70;
	[sflag:s14] =	ssyncadd.s32 @!p2 $0xFFFFC800  }
0x67: {  	[tilespmem:s17], [sflag:$0x2] =	stream.indirect.gather @!p2 [hbm4b:s7+s18], $0x80, s25, s18, $0xb8;
	[tilespmem:$0x1EA00] =	vst v63  }
0x68: {  	p2 =	slt.u32 s22, $0x1E  }
.Ltmp4:
0x69: {  	_ = 	snop;
	(pc) =	sbr.rel @!p2 .LBB2_7-.Ltmp4, $3  }
0x6a: {  	_ =	sdelay $0x1  }
0x6b: {  	s14 =	smov.u32 s22;
	s25 =	sadd.s32 $0x300, s16  }
0x6c: {  	[spmem:s1] =	stream.indirect.scatter.add.f32 [tilespmem:s28], [sflag:$0x4], $0x80, s25, s23, $0xb8;
	[tilespmem:$0x1EA00] =	vst v63  }
.LBB2_3:
0x6d: {  	p2 =	seq.s32 s14, $0x0  }
0x6e: {  	p3 =	seq.s32 @!p2 s14, $0x1D  }
0x6f: {  	_ =	swait.ge [sflag:s26], $0x3800;
	p3 =	por p2, !p3  }
.Ltmp5:
0x70: {  	[sflag:s26] =	ssyncset.done $0x0;
	(pc) =	sbr.rel @p3 .LBB2_5-.Ltmp5, $4  }
0x71: {  	s22 =	simm.s32 @!p2 $0x4;
	[sflag:s26] =	ssyncadd.s32 $0xFFFFC800  }
0x72: {  	_ =	swait.ge @!p2 [sflag:s22], $0x3800  }
0x73: {  	[sflag:s22] =	ssyncset.done @!p2 $0x0  }
0x74: {  	[sflag:s22] =	ssyncadd.s32 @!p2 $0xFFFFC800  }
.Ltmp6:
0x75: {  	(pc) =	sbr.rel .LBB2_6-.Ltmp6, $2  }
0x76: {  	_ =	sdelay $0x2  }
0x77: {  	s22 =	simm.s32 @!p2 $0x1E;
	p2 =	por @!p2 $0x1, $0x1  }
.LBB2_8:
.Ltmp7:
0x78: {  	(pc) =	sbr.rel .LBB2_9-.Ltmp7, $4  }
0x79: {  	s22 =	simm.s32 $0x0  }
0x7a: {  	[tilespmem:s24], [sflag:$0x1] =	stream.indirect.gather [hbm4b:s8+s23], $0x80, s22, s23, $0xb8;
	[tilespmem:$0x1EA00] =	vst v63  }
0x7b: {  	s14 =	simm.s32 $0x3E00  }
0x7c: {  	[tilespmem:s14], [sflag:$0x2] =	stream.indirect.gather [hbm4b:s8+s23], $0x80, s23, s23, $0xb8;
	[tilespmem:$0x1EA00] =	vst v63  }
.LBB2_10:
0x7d: {  	s14 =	simm.s32 @!p2 $0x1E;
	p2 =	por @!p2 $0x1, $0x1  }
.LBB2_12:
0x7e: {  	s16 =	sand.u32 $0x1, s22  }
0x7f: {  	p3 =	seq.s32 s16, $0x1;
	s16 =	simm.s32 $0x150  }
0x80: {  	s16 =	simm.s32 @!p3 $0x0  }
0x81: {  	s17 =	sadd.s32 $0xE0, s16  }
0x82: {  	[tilespmem:s28], [sflag:$0x3] =	stream.indirect.gather [hbm4b:s8+s23], $0x80, s17, s23, $0xb8;
	[tilespmem:$0x1EA00] =	vst v63  }
0x83: {  	s18 =	sadd.s32 $0x300, s16  }
0x84: {  	[spmem:s1] =	stream.indirect.scatter.add.f32 [tilespmem:s24], [sflag:$0x4], $0x80, s18, s23, $0xb8;
	[tilespmem:$0x1EA00] =	vst v63  }
0x85: {  	_ =	swait.ge [sflag:s29], $0x3800  }
0x86: {  	[sflag:s29] =	ssyncset.done $0x0  }
0x87: {  	[sflag:s29] =	ssyncadd.s32 $0xFFFFC800  }
0x88: {  	_ =	swait.ge [sflag:s30], $0x3800  }
0x89: {  	s22 =	simm.s32 @p2 $0x70;
	[sflag:s30] =	ssyncset.done $0x0  }
0x8a: {  	s25 =	simm.s32 @p2 $0x3E00;
	s18 =	sadd.s32 @p2 $0x370, s16;
	[sflag:s30] =	ssyncadd.s32 $0xFFFFC800  }
0x8b: {  	[spmem:s1] =	stream.indirect.scatter.add.f32 @p2 [tilespmem:s25], [sflag:$0x4], $0x80, s18, s22, $0xb8;
	[tilespmem:$0x1EA00] =	vst v63  }
0x8c: {  	s18 =	simm.s32 @p2 $0x3  }
0x8d: {  	_ =	swait.ge @p2 [sflag:s18], $0x3800  }
0x8e: {  	[sflag:s18] =	ssyncset.done @p2 $0x0  }
0x8f: {  	[sflag:s18] =	ssyncadd.s32 @p2 $0xFFFFC800;
	s18 =	simm.s32 @p2 $0x4  }
0x90: {  	_ =	swait.ge @p2 [sflag:s18], $0x3800  }
0x91: {  	[sflag:s18] =	ssyncset.done @p2 $0x0  }
0x92: {  	[sflag:s18] =	ssyncadd.s32 @p2 $0xFFFFC800;
	s18 =	simm.s32 @!p2 $0x5  }
0x93: {  	_ =	swait.ge @!p2 [sflag:s18], $0x150  }
0x94: {  	[sflag:s18] =	ssyncset.done @!p2 $0x0  }
0x95: {  	[sflag:s18] =	ssyncadd.s32 @!p2 $0xFFFFFEB0  }
0x96: {  	s22 =	sand.u32 @!p2 $0x1, s14;
	_ =	swait.ge @!p2 [sflag:s18], $0x150  }
0x97: {  	p3 =	seq.s32 @!p2 s22, $0x1;
	[sflag:s18] =	ssyncset.done @!p2 $0x0  }
0x98: {  	p3 =	por !p3, p2;
	[sflag:s18] =	ssyncadd.s32 @!p2 $0xFFFFFEB0;
	s18 =	simm.s32 @!p2 $0x150  }
0x99: {  	s25 =	simm.s32 @!p2 $0x600;
	s22 =	simm.s32 @!p2 $0x70;
	s18 =	simm.s32 @p3 $0x0  }
0x9a: {  	[tilespmem:s25], [sflag:$0x1] =	stream.indirect.gather @!p2 [hbm4b:s8+s22], $0x80, s18, s22, $0xb8;
	[tilespmem:$0x1EA00] =	vst v63  }
0x9b: {  	s16 =	sadd.s32 @!p2 $0x370, s16;
	s18 =	simm.s32 @!p2 $0x3E00  }
0x9c: {  	[spmem:s1] =	stream.indirect.scatter.add.f32 @!p2 [tilespmem:s18], [sflag:$0x4], $0x80, s16, s22, $0xb8;
	[tilespmem:$0x1EA00] =	vst v63  }
0x9d: {  	s16 =	simm.s32 @!p2 $0x3  }
0x9e: {  	_ =	swait.ge @!p2 [sflag:s16], $0x3800  }
0x9f: {  	[sflag:s16] =	ssyncset.done @!p2 $0x0  }
0xa0: {  	[sflag:s16] =	ssyncadd.s32 @!p2 $0xFFFFC800;
	s16 =	simm.s32 @!p2 $0x4  }
0xa1: {  	_ =	swait.ge @!p2 [sflag:s16], $0x3800  }
0xa2: {  	s25 =	simm.s32 @!p2 $0x1C0;
	[sflag:s16] =	ssyncset.done @!p2 $0x0  }
0xa3: {  	s25 =	simm.s32 @p3 $0x70;
	[sflag:s16] =	ssyncadd.s32 @!p2 $0xFFFFC800  }
0xa4: {  	[tilespmem:s18], [sflag:$0x2] =	stream.indirect.gather @!p2 [hbm4b:s8+s22], $0x80, s25, s22, $0xb8;
	[tilespmem:$0x1EA00] =	vst v63  }
0xa5: {  	p2 =	slt.u32 s14, $0x1E  }
.Ltmp8:
0xa6: {  	_ = 	snop;
	(pc) =	sbr.rel @!p2 .LBB2_13-.Ltmp8, $3  }
0xa7: {  	_ =	sdelay $0x1  }
0xa8: {  	s25 =	sadd.s32 $0x300, s17;
	s22 =	smov.u32 s14  }
0xa9: {  	[spmem:s1] =	stream.indirect.scatter.add.f32 [tilespmem:s28], [sflag:$0x4], $0x80, s25, s23, $0xb8;
	[tilespmem:$0x1EA00] =	vst v63  }
.LBB2_9:
0xaa: {  	p2 =	seq.s32 s22, $0x0  }
0xab: {  	p3 =	seq.s32 @!p2 s22, $0x1D  }
0xac: {  	_ =	swait.ge [sflag:s26], $0x3800;
	p3 =	por p2, !p3  }
.Ltmp9:
0xad: {  	[sflag:s26] =	ssyncset.done $0x0;
	(pc) =	sbr.rel @!p3 .LBB2_10-.Ltmp9, $4  }
0xae: {  	s14 =	simm.s32 @!p2 $0x4;
	[sflag:s26] =	ssyncadd.s32 $0xFFFFC800  }
0xaf: {  	_ =	swait.ge @!p2 [sflag:s14], $0x3800  }
0xb0: {  	[sflag:s14] =	ssyncset.done @!p2 $0x0  }
0xb1: {  	[sflag:s14] =	ssyncadd.s32 @!p2 $0xFFFFC800  }
0xb2: {  	s14 =	sadd.s32 @!p2 $0x1, s22  }
0xb3: {  	s14 =	simm.s32 @p2 $0x1  }
0xb4: {  	s16 =	smul.u32 $0x150, s14  }
0xb5: {  	s17 =	sand.u32 $0x1, s14  }
0xb6: {  	p2 =	seq.s32 s17, $0x1;
	s16 =	sadd.s32 s9, s16  }
.Ltmp10:
0xb7: {  	s17 =	simm.s32 $0x150;
	s16 =	sshrl.u32 s16, $0x3;
	(pc) =	sbr.rel .LBB2_12-.Ltmp10, $4  }
0xb8: {  	s17 =	simm.s32 @!p2 $0x0;
	s18 =	sadd.s32 s4, s16  }
0xb9: {  	[tilespmem:s17], [sflag:$0x5] =	stream.linear.gather [hbm4b:s18+s2], $0x150, $0x38;
	[tilespmem:$0x1EA00] =	vst v63  }
0xba: {  	p2 =	por $0x0, $0x0;
	s16 =	sadd.s32 s5, s16;
	s17 =	sadd.s32 $0x300, s17  }
0xbb: {  	[tilespmem:s17], [sflag:$0x5] =	stream.linear.gather [hbm4b:s16+s2], $0x150, $0x38;
	[tilespmem:$0x1EA00] =	vst v63  }
.LBB2_7:
0xbc: {  	_ =	swait.ge [sflag:s30], $0x3800  }
0xbd: {  	[sflag:s30] =	ssyncset.done $0x0  }
0xbe: {  	[sflag:s30] =	ssyncadd.s32 $0xFFFFC800  }
0xbf: {  	[bflag:$0x0] =	sbarrier.arrive $0xFFFF  }
0xc0: {  	s14 =	rddreg [dreg:$0x6]  }
0xc1: {  	[hbm:s14], [sflag:s11] =	dma.local @p1 [spmem:s3], $0x2080  }
0xc2: {  	s3 =	simm.s32 @p1 $0x6  }
0xc3: {  	_ =	swait.ge @p1 [sflag:s3], $0x2080  }
0xc4: {  	[sflag:s3] =	ssyncset.done @p1 $0x0  }
0xc5: {  	[sflag:s3] =	ssyncadd.s32 @p1 $0xFFFFDF80;
	s3 =	rddreg [dreg:$0x5]  }
0xc6: {  	[hbm:s3], [sflag:s11] =	dma.local @!p1 [spmem:s0], $0x2780  }
.Ltmp11:
0xc7: {  	_ = 	snop;
	(pc) =	sbr.rel .LBB2_14-.Ltmp11, $4  }
0xc8: {  	s0 =	simm.s32 @!p1 $0x6  }
0xc9: {  	_ =	swait.ge @!p1 [sflag:s0], $0x2780  }
0xca: {  	[sflag:s0] =	ssyncset.done @!p1 $0x0  }
0xcb: {  	[sflag:s0] =	ssyncadd.s32 @!p1 $0xFFFFD880  }
.LBB2_15:
0xcc: {  	_ =	sfence.sel $0x180000  }
0xcd: {  	[bflag:$0x0] =	sbarrier.arrive $0xFFFF  }
0xce: {  	_ =	strace $0x9000004A  }
0xcf: {  	s0 =	stileid.u32;
	[bflag:$0x2] =	sbarrier.arrive $0xFFFF  }
0xd0: {  	p0 =	sne.s32 s0, $0x0;
	s0 =	rddreg [dreg:$0x2]  }
0xd1: {  	s0 =	sadd.s32 @!p0 $0x100000, s0  }
0xd2: {  	[sflag:s0] =	ssyncadd.tile.s32 @!p0 $0x1;
	_ =	shalt  }
.Lfunc_end2:
_tile_overlayer_lowered:
.L_overlay_start_2:
0xd3: {  	(tag) =	ssettag $0x2  }
0xd4: {  	s0 =	rddreg [dreg:$0x0];
	s2 =	stileid.u32  }
0xd5: {  	s1 =	rddreg [dreg:$0x1];
	p0 =	sne.s32 s2, $0x0  }
0xd6: {  	s3 =	rddreg [dreg:$0x2];
	[bflag:$0x3] =	sbarrier.arrive $0xFFFF;
	s2 =	simm.s32 @!p0 $0x1C06  }
0xd7: {  	[timem:s3], [sflag:s2] =	dma.local @!p0 [hbm:s0], s1  }
0xd8: {  	s0 =	simm.s32 @!p0 $0x6  }
0xd9: {  	_ =	swait.ge @!p0 [sflag:s0], s1  }
0xda: {  	s1 =	ssub.s32 @!p0 $0x0, s1;
	[sflag:s0] =	ssyncset.done @!p0 $0x0  }
0xdb: {  	[sflag:s0] =	ssyncadd.s32 @!p0 s1  }
0xdc: {  	[bflag:$0x3] =	sbarrier.arrive $0xFFFF  }
0xdd: {  	_ =	shalt  }

// kernel: kernel.18.cloned.1.call-start
scs
__scs_entry_jumppad:
0x0: {  	(pc) =	sbr.rel $0x88, $3  }
0x1: {  	(tag) =	ssettag $0x0;
	lr =	simm.s32 $0x1  }
0x2: {  	[smem:$0x3F93] =	sst lr;
	_ =	strace $0xD0000000  }
0x3: {  	_ = 	snop  }
0x4: {  	_ = 	snop  }
0x5: {  	_ = 	snop  }
0x6: {  	_ = 	snop  }
0x7: {  	_ = 	snop  }
__scs_overlays_trampoline_lowered:
0x8: {  	[smem:$0x3FA2] =	sst s0  }
0x9: {  	[smem:$0x3FA3] =	sst s1  }
0xa: {  	[smem:$0x3FA4] =	sst s2  }
0xb: {  	[smem:$0x3FA5] =	sst s3  }
0xc: {  	[smem:$0x3FA6] =	sst s4  }
0xd: {  	[smem:$0x3FA7] =	sst s5  }
0xe: {  	[smem:$0x3FA8] =	sst s6  }
0xf: {  	[smem:$0x3FA9] =	sst s7  }
0x10: {  	[smem:$0x3FAA] =	sst s8  }
0x11: {  	[smem:$0x3FAB] =	sst s9;
	s0 =	simm.s32 @!p0 $0x0  }
0x12: {  	s1 =	sld [smem:$0x3F91];
	s0 =	simm.s32 @p0 $0x1  }
0x13: {  	[smem:$0x3FAC] =	sst s0;
	s0 =	simm.s32 @!p1 $0x0  }
0x14: {  	s2 =	sld [smem:$0x3F90];
	s0 =	simm.s32 @p1 $0x1  }
0x15: {  	[smem:$0x3FAD] =	sst s0;
	s0 =	simm.s32 @!p2 $0x0  }
0x16: {  	s3 =	sld [smem:$0x3FDB];
	s0 =	simm.s32 @p2 $0x1  }
0x17: {  	s4 =	simm.s32 $0x1BF5;
	[smem:$0x3FAF] =	sst s0  }
0x18: {  	s0 =	sld [smem:$0x3F92];
	_ =	swait.ge [sflag:s4], $0x0  }
0x19: {  	s7 =	sld [smem:$0x3F93]  }
0x1a: {  	s8 =	sadd.s32 $0xFFFFE003, lr  }
0x1b: {  	s9 =	sadd.s32 $0xFFFFFEF7, lr;
	s5 =	simm.s32 $0xFFFFFFFF;
	p2 =	slt.u32 s8, $0xFFFFF086  }
0x1c: {  	p1 =	slt.u32 s9, $0xF7A;
	s5 =	simm.s32 @!p2 $0x0  }
0x1d: {  	s5 =	simm.s32 @p1 $0x1;
	p0 =	seq.s32 s7, s2  }
0x1e: {  	s7 =	smul.u32 @!p0 $0xF7A, s2;
	p2 =	seq.s32 @!p0 s5, $0x0  }
0x1f: {  	s9 =	smul.u32 $0xF7A, s1;
	s8 =	simm.s32 @!p0 $0x1BF5;
	p2 =	por !p2, p0  }
0x20: {  	[sflag:s8] =	ssyncset.s32 @!p0 $0xFFFFF086;
	s6 =	sadd.s32 @!p0 s3, s7;
	s7 =	simm.s32 @!p0 $0x108  }
0x21: {  	s3 =	sadd.s32 s3, s9;
	s6 =	sadd.s32 @!p0 $0x88, s6;
	s7 =	simm.s32 @p2 $0x1082  }
0x22: {  	[simem:s7], [sflag:s8] =	dma.local @!p0 [hbm:s6], $0xF7A  }
0x23: {  	s9 =	sor.u32 $0xD0000000, s2;
	s6 =	simm.s32 $0x108;
	_ =	swait.ge @!p0 [sflag:s8], $0x0  }
0x24: {  	s3 =	sadd.s32 $0x88, s3;
	s6 =	simm.s32 @!p1 $0x1082;
	[sflag:s4] =	ssyncset.s32 $0xFFFFF086  }
0x25: {  	[simem:s6], [sflag:s4] =	dma.local [hbm:s3], $0xF7A  }
0x26: {  	[smem:$0x3F93] =	sst s1;
	(tag) =	ssettag s2;
	_ =	strace s9  }
0x27: {  	s1 =	sld [smem:$0x3FA3]  }
0x28: {  	s2 =	sld [smem:$0x3FA4]  }
0x29: {  	s4 =	sld [smem:$0x3FA6]  }
0x2a: {  	p0 =	seq.s32 s5, $0x0;
	s5 =	sld [smem:$0x3FA7]  }
0x2b: {  	s6 =	sld [smem:$0x3FA8]  }
0x2c: {  	s7 =	sld [smem:$0x3FA9]  }
0x2d: {  	s3 =	simm.s32 $0x108;
	s8 =	sld [smem:$0x3FAA]  }
0x2e: {  	s3 =	simm.s32 @!p0 $0x1082;
	s9 =	sld [smem:$0x3FAB]  }
0x2f: {  	lr =	sadd.s32 s0, s3;
	s0 =	sld [smem:$0x3FA2]  }
0x30: {  	s3 =	sld [smem:$0x3FA5]  }
0x31: {  	[smem:$0x3FAE] =	sst s10  }
0x32: {  	s10 =	sld [smem:$0x3FAC];
	_ =	sdelay $0x3  }
0x33: {  	p0 =	seq.s32 s10, $0x1;
	s10 =	sld [smem:$0x3FAE];
	_ =	sdelay $0x3  }
0x34: {  	[smem:$0x3FAE] =	sst s10  }
0x35: {  	s10 =	sld [smem:$0x3FAD];
	_ =	sdelay $0x3  }
0x36: {  	p1 =	seq.s32 s10, $0x1;
	s10 =	sld [smem:$0x3FAE];
	_ =	sdelay $0x3  }
0x37: {  	[smem:$0x3FAE] =	sst s10  }
0x38: {  	s10 =	sld [smem:$0x3FAF]  }
0x39: {  	_ = 	snop;
	(pc) =	sbr.ind lr, $3  }
0x3a: {  	_ = 	snop  }
0x3b: {  	_ = 	snop  }
0x3c: {  	p2 =	seq.s32 s10, $0x1;
	s10 =	sld [smem:$0x3FAE]  }
0x3d: {  	_ =	shalt  }
0x3e: {  	_ =	shalt  }
0x3f: {  	_ =	shalt  }
0x40: {  	_ =	shalt  }
0x41: {  	_ =	shalt  }
0x42: {  	_ =	shalt  }
0x43: {  	_ =	shalt  }
0x44: {  	_ =	shalt  }
0x45: {  	_ =	shalt  }
0x46: {  	_ =	shalt  }
0x47: {  	_ =	shalt  }
0x48: {  	_ =	shalt  }
0x49: {  	_ =	shalt  }
0x4a: {  	_ =	shalt  }
0x4b: {  	_ =	shalt  }
0x4c: {  	_ =	shalt  }
0x4d: {  	_ =	shalt  }
0x4e: {  	_ =	shalt  }
0x4f: {  	_ =	shalt  }
0x50: {  	_ =	shalt  }
0x51: {  	_ =	shalt  }
0x52: {  	_ =	shalt  }
0x53: {  	_ =	shalt  }
0x54: {  	_ =	shalt  }
0x55: {  	_ =	shalt  }
0x56: {  	_ =	shalt  }
0x57: {  	_ =	shalt  }
0x58: {  	_ =	shalt  }
0x59: {  	_ =	shalt  }
0x5a: {  	_ =	shalt  }
0x5b: {  	_ =	shalt  }
0x5c: {  	_ =	shalt  }
0x5d: {  	_ =	shalt  }
0x5e: {  	_ =	shalt  }
0x5f: {  	_ =	shalt  }
0x60: {  	_ =	shalt  }
0x61: {  	_ =	shalt  }
0x62: {  	_ =	shalt  }
0x63: {  	_ =	shalt  }
0x64: {  	_ =	shalt  }
0x65: {  	_ =	shalt  }
0x66: {  	_ =	shalt  }
0x67: {  	_ =	shalt  }
0x68: {  	_ =	shalt  }
0x69: {  	_ =	shalt  }
0x6a: {  	_ =	shalt  }
0x6b: {  	_ =	shalt  }
0x6c: {  	_ =	shalt  }
0x6d: {  	_ =	shalt  }
0x6e: {  	_ =	shalt  }
0x6f: {  	_ =	shalt  }
0x70: {  	_ =	shalt  }
0x71: {  	_ =	shalt  }
0x72: {  	_ =	shalt  }
0x73: {  	_ =	shalt  }
0x74: {  	_ =	shalt  }
0x75: {  	_ =	shalt  }
0x76: {  	_ =	shalt  }
0x77: {  	_ =	shalt  }
0x78: {  	_ =	shalt  }
0x79: {  	_ =	shalt  }
0x7a: {  	_ =	shalt  }
0x7b: {  	_ =	shalt  }
0x7c: {  	_ =	shalt  }
0x7d: {  	_ =	shalt  }
0x7e: {  	_ =	shalt  }
0x7f: {  	_ =	shalt  }
0x80: {  	_ =	shalt  }
0x81: {  	_ =	shalt  }
0x82: {  	_ =	shalt  }
0x83: {  	_ =	shalt  }
0x84: {  	_ =	shalt  }
0x85: {  	_ =	shalt  }
0x86: {  	_ =	shalt  }
0x87: {  	_ =	shalt  }
.Lfunc_end0:
.L_simem_size_0:
called_computation.2_lowered:
.L_overlay_start_0:
0x88: {  	s2 =	sld [smem:$0x3FD9]  }
0x89: {  	s3 =	sld [smem:$0x3FFE];
	_ =	sdelay $0x1  }
0x8a: {  	s1 =	srdreg.scid  }
0x8b: {  	s0 =	sand.u32 $0x1, s1  }
0x8c: {  	s17 =	sshll.u32 s0, $0xA;
	s2 =	sadd.s32 s3, s2  }
0x8d: {  	s2 =	sadd.s32 s2, s17  }
0x8e: {  	[smem:$0x3FBA] =	sst s2  }
0x8f: {  	_ = 	snop  }
0x90: {  	s2 =	sld [smem:$0x3FD0];
	(tm) =	ssettm $0x1  }
0x91: {  	s18 =	sld [smem:$0x3FFB];
	_ =	sdelay $0x3  }
0x92: {  	_ =	strace s18  }
0x93: {  	s3 =	sld [smem:$0x3FFC];
	_ =	sdelay $0x3  }
0x94: {  	_ =	strace s3  }
0x95: {  	s3 =	sld [smem:$0x3FFD];
	_ =	sdelay $0x3  }
0x96: {  	_ =	strace s3  }
0x97: {  	_ =	strace $0x8FFFFFFF  }
0x98: {  	s19 =	sld [smem:$0x3FDB];
	_ =	sdelay $0x1  }
0x99: {  	s4 =	simm.s32 $_scs_section_size  }
0x9a: {  	s5 =	simm.s32 $_size__tile_overlayer_lowered;
	s6 =	simm.s32 $_tile_overlayer_lowered  }
0x9b: {  	s22 =	simm.s32 $0x1BFF;
	s21 =	sshll.u32 s6, $0x1;
	s3 =	sadd.s32 s4, s19  }
0x9c: {  	s7 =	simm.s32 $0x0;
	s20 =	sshll.u32 s5, $0x1;
	s5 =	sadd.s32 s21, s3  }
0x9d: {  	[timem:s7], [sflag:s22] =	dma.local [hbm:s5], s20  }
0x9e: {  	_ =	swait.ge [sflag:s22], s20  }
0x9f: {  	s4 =	ssub.s32 $0x0, s20;
	[sflag:s22] =	ssyncset.done $0x0  }
0xa0: {  	[sflag:s22] =	ssyncadd.s32 s4;
	_ =	sdelay $0x1  }
0xa1: {  	s23 =	simm.s32 $0x1B8B  }
0xa2: {  	_ =	swait.ge [sflag:s23], $0x1  }
0xa3: {  	[sflag:s23] =	ssyncset.done $0x0  }
0xa4: {  	s25 =	simm.s32 $0x1B8E;
	s24 =	sld [smem:$0x3FFE];
	[sflag:s23] =	ssyncadd.s32 $0xFFFFFFFF  }
0xa5: {  	s26 =	simm.s32 $execute0_lowered;
	[smem:$0x3FD2] =	sst s25  }
0xa6: {  	s5 =	sshll.u32 s26, $0x1;
	_ =	strace $0x8000004C;
	[dreg:$0x1] =	wrdreg $0xFFFFFFFF  }
0xa7: {  	s28 =	simm.s32 $_size_execute0_lowered;
	s3 =	sadd.s32 s3, s5;
	[dreg:$0x0] =	wrdreg $0x0  }
0xa8: {  	s5 =	sshll.u32 s28, $0x1;
	[dreg:$0x2] =	wrdreg s3  }
0xa9: {  	[dreg:$0x3] =	wrdreg s5  }
0xaa: {  	[dreg:$0x4] =	wrdreg $0xC0  }
0xab: {  	_ =	task [dreg:s7], $0x5FFFF  }
0xac: {  	[dreg:$0x1] =	wrdreg $0xFFFFFFFF  }
0xad: {  	[dreg:$0x0] =	wrdreg $0x60  }
0xae: {  	[dreg:$0x2] =	wrdreg s24  }
0xaf: {  	[dreg:$0x3] =	wrdreg s2  }
0xb0: {  	[dreg:$0x4] =	wrdreg $0xAE000  }
0xb1: {  	[dreg:$0x5] =	wrdreg $0x9  }
0xb2: {  	_ =	task.clear_ibuf [dreg:s7], $0x6FFFF;
	_ =	strace $0x9000004C  }
0xb3: {  	s29 =	simm.s32 $0x9;
	_ =	strace $0x8000004E  }
0xb4: {  	_ =	swait.ge [sflag:s29], $0x1  }
0xb5: {  	[sflag:s29] =	ssyncadd.s32 $0xFFFFFFFF  }
0xb6: {  	_ =	strace $0x9000004E  }
0xb7: {  	_ =	sfence  }
0xb8: {  	s30 =	sld [smem:$0x0];
	_ =	sdelay $0x2  }
0xb9: {  	s31 =	sshll.u32 s1, $0xD;
	s1 =	sshrl.u32 s1, $0x2  }
0xba: {  	s3 =	sand.u32 $0x4000, s31;
	s1 =	sadd.s32 s1, s30  }
0xbb: {  	s0 =	sor.u32 s3, s0;
	s1 =	sshll.u32 s1, $0x11  }
0xbc: {  	s0 =	sor.u32 s1, s0  }
0xbd: {  	s0 =	sadd.s32 $0x8F2B, s0  }
0xbe: {  	[sflag:s0] =	ssyncadd.remote.s32 $0x1  }
0xbf: {  	_ =	sfence.sel $0xFFFF  }
0xc0: {  	[dreg:$0x0] =	wrdreg $0xFFFFFFFF;
	(pc) =	sbr.abs _section_cstart, $3  }
0xc1: {  	[dreg:$0x1] =	wrdreg $0xFFFFFFFF  }
0xc2: {  	_ =	task.clear_ibuf [dreg:s7], $0x2FFFF;
	_ =	strace $0x9FFFFFFF  }
0xc3: {  	(tm) =	ssettm $0x7FFFFFFF  }
tec
execute0_lowered:
.L_overlay_start_1:
0x0: {  	(tag) =	ssettag $0x1  }
0x1: {  	s0 =	rddreg [dreg:$0x0]  }
0x2: {  	s3 =	rddreg [dreg:$0x1]  }
0x3: {  	s1 =	rddreg [dreg:$0x2];
	s2 =	simm.s32 $0x0;
	s16 =	stileid.u32  }
0x4: {  	s8 =	srdreg.scid;
	s21 =	simm.s32 $0x6;
	s28 =	simm.s32 $0x7600  }
0x5: {  	s29 =	simm.s32 $0x2;
	s30 =	simm.s32 $0x4;
	s31 =	simm.s32 $0x0  }
0x6: {  	[smem:$0x7FF] =	sst s2;
	s4 =	sadd.s32 $0x5D600, s0;
	s5 =	sadd.s32 $0x58600, s0  }
0x7: {  	s6 =	sadd.s32 $0x7A00, s0;
	s7 =	sadd.s32 $0x62600, s0;
	s14 =	smul.u32 $0x2780, s16  }
0x8: {  	s20 =	sand.u32 $0x1, s8;
	s8 =	sadd.s32 $0x89800, s0;
	s11 =	smul.u32 $0x4F000, s16  }
0x9: {  	s9 =	smul.u32 $0x2760, s16;
	s24 =	sshll.u32 s16, $0x6;
	s26 =	sadd.s32 $0x25080, s3  }
0xa: {  	p1 =	seq.s32 s16, $0xF;
	_ =	strace $0x8000004D;
	s10 =	ssub.s32 $0x2, s20  }
0xb: {  	[dreg:$0x7] =	wrdreg s26;
	p0 =	sne.s32 s20, $0x0;
	s26 =	simm.s32 $0x1  }
0xc: {  	s15 =	sadd.s32 s14, s0;
	s12 =	sshrl.u32 s10, $0x1;
	s23 =	sshrl.u32 s11, $0x2  }
0xd: {  	s11 =	sor.u32 $0x1C06, s24;
	s13 =	sshrl.u32 s9, $0x3;
	s0 =	sadd.s32 $0x123C80, s0  }
.Ltmp0:
0xe: {  	s25 =	sadd.s32 s3, s14;
	s24 =	simm.s32 $0x600;
	(pc) =	sbr.rel .LBB2_1-.Ltmp0, $4  }
0xf: {  	s19 =	ssub.s32 s10, s12;
	s10 =	sadd.s32 s23, s1;
	[dreg:$0x5] =	wrdreg s0  }
0x10: {  	s12 =	sadd.s32 s4, s13;
	s15 =	sadd.s32 $0xFEC00, s15;
	[dreg:$0x6] =	wrdreg s25  }
0x11: {  	s13 =	sadd.s32 s5, s13;
	s23 =	simm.s32 $0x70;
	[dreg:$0x4] =	wrdreg s15  }
0x12: {  	s15 =	sadd.s32 $0x128400, s1;
	s19 =	smax.u32 s19, $0x1;
	s20 =	sshrl.u32 s10, $0x3  }
.LBB2_13:
0x13: {  	_ =	swait.ge [sflag:s30], $0x3800  }
0x14: {  	[sflag:s30] =	ssyncset.done $0x0  }
0x15: {  	[sflag:s30] =	ssyncadd.s32 $0xFFFFC800  }
0x16: {  	[bflag:$0x0] =	sbarrier.arrive $0xFFFF  }
0x17: {  	s14 =	rddreg [dreg:$0x5]  }
0x18: {  	[hbm:s14], [sflag:s11] =	dma.local @p1 [spmem:s3], $0x2080  }
0x19: {  	s3 =	simm.s32 @p1 $0x6  }
0x1a: {  	_ =	swait.ge @p1 [sflag:s3], $0x2080  }
0x1b: {  	[sflag:s3] =	ssyncset.done @p1 $0x0  }
0x1c: {  	[sflag:s3] =	ssyncadd.s32 @p1 $0xFFFFDF80;
	s3 =	rddreg [dreg:$0x4]  }
0x1d: {  	[hbm:s3], [sflag:s11] =	dma.local @!p1 [spmem:s0], $0x2780  }
0x1e: {  	s0 =	simm.s32 @!p1 $0x6  }
0x1f: {  	_ =	swait.ge @!p1 [sflag:s0], $0x2780  }
0x20: {  	[sflag:s0] =	ssyncset.done @!p1 $0x0  }
0x21: {  	[sflag:s0] =	ssyncadd.s32 @!p1 $0xFFFFD880  }
.LBB2_14:
0x22: {  	s31 =	sadd.s32 $0x1, s31  }
0x23: {  	p2 =	sne.s32 s31, s19  }
.Ltmp1:
0x24: {  	_ = 	snop;
	(pc) =	sbr.rel @!p2 .LBB2_15-.Ltmp1, $1  }
0x25: {  	_ =	sdelay $0x3  }
.LBB2_1:
0x26: {  	[spmem:s20], [sflag:s11] =	dma.local [hbm:s6], $0x2780  }
0x27: {  	_ =	swait.ge [sflag:s21], $0x2780  }
0x28: {  	[sflag:s21] =	ssyncset.done $0x0  }
0x29: {  	[sflag:s21] =	ssyncadd.s32 $0xFFFFD880  }
0x2a: {  	[tilespmem:s2], [sflag:$0x6] =	stream.linear.gather [hbm4b:s12+s2], $0x150, $0x38;
	[tilespmem:$0x1EA00] =	vst v63  }
0x2b: {  	_ =	swait.ge [sflag:s21], $0x150  }
0x2c: {  	[sflag:s21] =	ssyncset.done $0x0  }
0x2d: {  	s0 =	simm.s32 $0x300;
	[sflag:s21] =	ssyncadd.s32 $0xFFFFFEB0  }
0x2e: {  	[tilespmem:s0], [sflag:$0x6] =	stream.linear.gather [hbm4b:s13+s2], $0x150, $0x38;
	[tilespmem:$0x1EA00] =	vst v63  }
.Ltmp2:
0x2f: {  	_ =	swait.ge [sflag:s21], $0x150;
	(pc) =	sbr.rel @p0 .LBB2_8-.Ltmp2, $4  }
0x30: {  	[sflag:s21] =	ssyncset.done $0x0  }
0x31: {  	[sflag:s21] =	ssyncadd.s32 $0xFFFFFEB0  }
0x32: {  	[bflag:$0x0] =	sbarrier.arrive $0xFFFF  }
0x33: {  	s3 =	sshrl.u32 @p1 s15, $0x3;
	s0 =	sshrl.u32 @!p1 s10, $0x3  }
.Ltmp3:
0x34: {  	(pc) =	sbr.rel .LBB2_3-.Ltmp3, $4  }
0x35: {  	s14 =	simm.s32 $0x0  }
0x36: {  	[tilespmem:s24], [sflag:$0x1] =	stream.indirect.gather [hbm4b:s7+s23], $0x80, s14, s23, $0xb8;
	[tilespmem:$0x1EA00] =	vst v63  }
0x37: {  	s16 =	simm.s32 $0x3E00  }
0x38: {  	[tilespmem:s16], [sflag:$0x2] =	stream.indirect.gather [hbm4b:s7+s23], $0x80, s23, s23, $0xb8;
	[tilespmem:$0x1EA00] =	vst v63  }
.LBB2_5:
0x39: {  	s22 =	sadd.s32 @!p2 $0x1, s14  }
0x3a: {  	s22 =	simm.s32 @p2 $0x1  }
0x3b: {  	s16 =	smul.u32 $0x150, s22;
	_ =	sdelay $0x1  }
0x3c: {  	s17 =	sand.u32 $0x1, s22;
	s16 =	sadd.s32 s9, s16  }
0x3d: {  	p2 =	seq.s32 s17, $0x1;
	s17 =	simm.s32 $0x150;
	s16 =	sshrl.u32 s16, $0x3  }
0x3e: {  	s17 =	simm.s32 @!p2 $0x0;
	s25 =	sadd.s32 s4, s16  }
0x3f: {  	[tilespmem:s17], [sflag:$0x5] =	stream.linear.gather [hbm4b:s25+s2], $0x150, $0x38;
	[tilespmem:$0x1EA00] =	vst v63  }
0x40: {  	p2 =	por $0x0, $0x0;
	s16 =	sadd.s32 s5, s16;
	s17 =	sadd.s32 $0x300, s17  }
0x41: {  	[tilespmem:s17], [sflag:$0x5] =	stream.linear.gather [hbm4b:s16+s2], $0x150, $0x38;
	[tilespmem:$0x1EA00] =	vst v63  }
.LBB2_6:
0x42: {  	s14 =	sand.u32 $0x1, s14  }
0x43: {  	p3 =	seq.s32 s14, $0x1;
	s14 =	simm.s32 $0x150  }
0x44: {  	s14 =	simm.s32 @!p3 $0x0  }
0x45: {  	s16 =	sadd.s32 $0xE0, s14  }
0x46: {  	[tilespmem:s28], [sflag:$0x3] =	stream.indirect.gather [hbm4b:s7+s23], $0x80, s16, s23, $0xb8;
	[tilespmem:$0x1EA00] =	vst v63  }
0x47: {  	s17 =	sadd.s32 $0x300, s14  }
0x48: {  	[spmem:s1] =	stream.indirect.scatter.add.f32 [tilespmem:s24], [sflag:$0x4], $0x80, s17, s23, $0xb8;
	[tilespmem:$0x1EA00] =	vst v63  }
0x49: {  	_ =	swait.ge [sflag:s29], $0x3800  }
0x4a: {  	[sflag:s29] =	ssyncset.done $0x0  }
0x4b: {  	[sflag:s29] =	ssyncadd.s32 $0xFFFFC800  }
0x4c: {  	_ =	swait.ge [sflag:s30], $0x3800  }
0x4d: {  	s25 =	simm.s32 @p2 $0x70;
	[sflag:s30] =	ssyncset.done $0x0  }
0x4e: {  	s18 =	simm.s32 @p2 $0x3E00;
	s17 =	sadd.s32 @p2 $0x370, s14;
	[sflag:s30] =	ssyncadd.s32 $0xFFFFC800  }
0x4f: {  	[spmem:s1] =	stream.indirect.scatter.add.f32 @p2 [tilespmem:s18], [sflag:$0x4], $0x80, s17, s25, $0xb8;
	[tilespmem:$0x1EA00] =	vst v63  }
0x50: {  	s17 =	simm.s32 @p2 $0x3  }
0x51: {  	_ =	swait.ge @p2 [sflag:s17], $0x3800  }
0x52: {  	[sflag:s17] =	ssyncset.done @p2 $0x0  }
0x53: {  	[sflag:s17] =	ssyncadd.s32 @p2 $0xFFFFC800;
	s17 =	simm.s32 @p2 $0x4  }
0x54: {  	_ =	swait.ge @p2 [sflag:s17], $0x3800  }
0x55: {  	[sflag:s17] =	ssyncset.done @p2 $0x0  }
0x56: {  	[sflag:s17] =	ssyncadd.s32 @p2 $0xFFFFC800;
	s17 =	simm.s32 @!p2 $0x5  }
0x57: {  	_ =	swait.ge @!p2 [sflag:s17], $0x150  }
0x58: {  	[sflag:s17] =	ssyncset.done @!p2 $0x0  }
0x59: {  	[sflag:s17] =	ssyncadd.s32 @!p2 $0xFFFFFEB0  }
0x5a: {  	s18 =	sand.u32 @!p2 $0x1, s22;
	_ =	swait.ge @!p2 [sflag:s17], $0x150  }
0x5b: {  	p3 =	seq.s32 @!p2 s18, $0x1;
	[sflag:s17] =	ssyncset.done @!p2 $0x0  }
0x5c: {  	p3 =	por !p3, p2;
	[sflag:s17] =	ssyncadd.s32 @!p2 $0xFFFFFEB0;
	s17 =	simm.s32 @!p2 $0x150  }
0x5d: {  	s25 =	simm.s32 @!p2 $0x600;
	s18 =	simm.s32 @!p2 $0x70;
	s17 =	simm.s32 @p3 $0x0  }
0x5e: {  	[tilespmem:s25], [sflag:$0x1] =	stream.indirect.gather @!p2 [hbm4b:s7+s18], $0x80, s17, s18, $0xb8;
	[tilespmem:$0x1EA00] =	vst v63  }
0x5f: {  	s14 =	sadd.s32 @!p2 $0x370, s14;
	s17 =	simm.s32 @!p2 $0x3E00  }
0x60: {  	[spmem:s1] =	stream.indirect.scatter.add.f32 @!p2 [tilespmem:s17], [sflag:$0x4], $0x80, s14, s18, $0xb8;
	[tilespmem:$0x1EA00] =	vst v63  }
0x61: {  	s14 =	simm.s32 @!p2 $0x3  }
0x62: {  	_ =	swait.ge @!p2 [sflag:s14], $0x3800  }
0x63: {  	[sflag:s14] =	ssyncset.done @!p2 $0x0  }
0x64: {  	[sflag:s14] =	ssyncadd.s32 @!p2 $0xFFFFC800;
	s14 =	simm.s32 @!p2 $0x4  }
0x65: {  	_ =	swait.ge @!p2 [sflag:s14], $0x3800  }
0x66: {  	s25 =	simm.s32 @!p2 $0x1C0;
	[sflag:s14] =	ssyncset.done @!p2 $0x0  }
0x67: {  	s25 =	simm.s32 @p3 $0x70;
	[sflag:s14] =	ssyncadd.s32 @!p2 $0xFFFFC800  }
0x68: {  	[tilespmem:s17], [sflag:$0x2] =	stream.indirect.gather @!p2 [hbm4b:s7+s18], $0x80, s25, s18, $0xb8;
	[tilespmem:$0x1EA00] =	vst v63  }
0x69: {  	p2 =	slt.u32 s22, $0x1E  }
.Ltmp4:
0x6a: {  	_ = 	snop;
	(pc) =	sbr.rel @!p2 .LBB2_7-.Ltmp4, $3  }
0x6b: {  	_ =	sdelay $0x1  }
0x6c: {  	s14 =	smov.u32 s22;
	s25 =	sadd.s32 $0x300, s16  }
0x6d: {  	[spmem:s1] =	stream.indirect.scatter.add.f32 [tilespmem:s28], [sflag:$0x4], $0x80, s25, s23, $0xb8;
	[tilespmem:$0x1EA00] =	vst v63  }
.LBB2_3:
0x6e: {  	p2 =	seq.s32 s14, $0x0  }
0x6f: {  	p3 =	seq.s32 @!p2 s14, $0x1D  }
0x70: {  	_ =	swait.ge [sflag:s26], $0x3800;
	p3 =	por p2, !p3  }
.Ltmp5:
0x71: {  	[sflag:s26] =	ssyncset.done $0x0;
	(pc) =	sbr.rel @p3 .LBB2_5-.Ltmp5, $4  }
0x72: {  	s22 =	simm.s32 @!p2 $0x4;
	[sflag:s26] =	ssyncadd.s32 $0xFFFFC800  }
0x73: {  	_ =	swait.ge @!p2 [sflag:s22], $0x3800  }
0x74: {  	[sflag:s22] =	ssyncset.done @!p2 $0x0  }
0x75: {  	[sflag:s22] =	ssyncadd.s32 @!p2 $0xFFFFC800  }
.Ltmp6:
0x76: {  	(pc) =	sbr.rel .LBB2_6-.Ltmp6, $2  }
0x77: {  	_ =	sdelay $0x2  }
0x78: {  	s22 =	simm.s32 @!p2 $0x1E;
	p2 =	por @!p2 $0x1, $0x1  }
.LBB2_8:
.Ltmp7:
0x79: {  	(pc) =	sbr.rel .LBB2_9-.Ltmp7, $4  }
0x7a: {  	s22 =	simm.s32 $0x0  }
0x7b: {  	[tilespmem:s24], [sflag:$0x1] =	stream.indirect.gather [hbm4b:s8+s23], $0x80, s22, s23, $0xb8;
	[tilespmem:$0x1EA00] =	vst v63  }
0x7c: {  	s14 =	simm.s32 $0x3E00  }
0x7d: {  	[tilespmem:s14], [sflag:$0x2] =	stream.indirect.gather [hbm4b:s8+s23], $0x80, s23, s23, $0xb8;
	[tilespmem:$0x1EA00] =	vst v63  }
.LBB2_10:
0x7e: {  	s14 =	simm.s32 @!p2 $0x1E;
	p2 =	por @!p2 $0x1, $0x1  }
.LBB2_12:
0x7f: {  	s16 =	sand.u32 $0x1, s22  }
0x80: {  	p3 =	seq.s32 s16, $0x1;
	s16 =	simm.s32 $0x150  }
0x81: {  	s16 =	simm.s32 @!p3 $0x0  }
0x82: {  	s17 =	sadd.s32 $0xE0, s16  }
0x83: {  	[tilespmem:s28], [sflag:$0x3] =	stream.indirect.gather [hbm4b:s8+s23], $0x80, s17, s23, $0xb8;
	[tilespmem:$0x1EA00] =	vst v63  }
0x84: {  	s18 =	sadd.s32 $0x300, s16  }
0x85: {  	[spmem:s1] =	stream.indirect.scatter.add.f32 [tilespmem:s24], [sflag:$0x4], $0x80, s18, s23, $0xb8;
	[tilespmem:$0x1EA00] =	vst v63  }
0x86: {  	_ =	swait.ge [sflag:s29], $0x3800  }
0x87: {  	[sflag:s29] =	ssyncset.done $0x0  }
0x88: {  	[sflag:s29] =	ssyncadd.s32 $0xFFFFC800  }
0x89: {  	_ =	swait.ge [sflag:s30], $0x3800  }
0x8a: {  	s22 =	simm.s32 @p2 $0x70;
	[sflag:s30] =	ssyncset.done $0x0  }
0x8b: {  	s25 =	simm.s32 @p2 $0x3E00;
	s18 =	sadd.s32 @p2 $0x370, s16;
	[sflag:s30] =	ssyncadd.s32 $0xFFFFC800  }
0x8c: {  	[spmem:s1] =	stream.indirect.scatter.add.f32 @p2 [tilespmem:s25], [sflag:$0x4], $0x80, s18, s22, $0xb8;
	[tilespmem:$0x1EA00] =	vst v63  }
0x8d: {  	s18 =	simm.s32 @p2 $0x3  }
0x8e: {  	_ =	swait.ge @p2 [sflag:s18], $0x3800  }
0x8f: {  	[sflag:s18] =	ssyncset.done @p2 $0x0  }
0x90: {  	[sflag:s18] =	ssyncadd.s32 @p2 $0xFFFFC800;
	s18 =	simm.s32 @p2 $0x4  }
0x91: {  	_ =	swait.ge @p2 [sflag:s18], $0x3800  }
0x92: {  	[sflag:s18] =	ssyncset.done @p2 $0x0  }
0x93: {  	[sflag:s18] =	ssyncadd.s32 @p2 $0xFFFFC800;
	s18 =	simm.s32 @!p2 $0x5  }
0x94: {  	_ =	swait.ge @!p2 [sflag:s18], $0x150  }
0x95: {  	[sflag:s18] =	ssyncset.done @!p2 $0x0  }
0x96: {  	[sflag:s18] =	ssyncadd.s32 @!p2 $0xFFFFFEB0  }
0x97: {  	s22 =	sand.u32 @!p2 $0x1, s14;
	_ =	swait.ge @!p2 [sflag:s18], $0x150  }
0x98: {  	p3 =	seq.s32 @!p2 s22, $0x1;
	[sflag:s18] =	ssyncset.done @!p2 $0x0  }
0x99: {  	p3 =	por !p3, p2;
	[sflag:s18] =	ssyncadd.s32 @!p2 $0xFFFFFEB0;
	s18 =	simm.s32 @!p2 $0x150  }
0x9a: {  	s25 =	simm.s32 @!p2 $0x600;
	s22 =	simm.s32 @!p2 $0x70;
	s18 =	simm.s32 @p3 $0x0  }
0x9b: {  	[tilespmem:s25], [sflag:$0x1] =	stream.indirect.gather @!p2 [hbm4b:s8+s22], $0x80, s18, s22, $0xb8;
	[tilespmem:$0x1EA00] =	vst v63  }
0x9c: {  	s16 =	sadd.s32 @!p2 $0x370, s16;
	s18 =	simm.s32 @!p2 $0x3E00  }
0x9d: {  	[spmem:s1] =	stream.indirect.scatter.add.f32 @!p2 [tilespmem:s18], [sflag:$0x4], $0x80, s16, s22, $0xb8;
	[tilespmem:$0x1EA00] =	vst v63  }
0x9e: {  	s16 =	simm.s32 @!p2 $0x3  }
0x9f: {  	_ =	swait.ge @!p2 [sflag:s16], $0x3800  }
0xa0: {  	[sflag:s16] =	ssyncset.done @!p2 $0x0  }
0xa1: {  	[sflag:s16] =	ssyncadd.s32 @!p2 $0xFFFFC800;
	s16 =	simm.s32 @!p2 $0x4  }
0xa2: {  	_ =	swait.ge @!p2 [sflag:s16], $0x3800  }
0xa3: {  	s25 =	simm.s32 @!p2 $0x1C0;
	[sflag:s16] =	ssyncset.done @!p2 $0x0  }
0xa4: {  	s25 =	simm.s32 @p3 $0x70;
	[sflag:s16] =	ssyncadd.s32 @!p2 $0xFFFFC800  }
0xa5: {  	[tilespmem:s18], [sflag:$0x2] =	stream.indirect.gather @!p2 [hbm4b:s8+s22], $0x80, s25, s22, $0xb8;
	[tilespmem:$0x1EA00] =	vst v63  }
0xa6: {  	p2 =	slt.u32 s14, $0x1E  }
.Ltmp8:
0xa7: {  	_ = 	snop;
	(pc) =	sbr.rel @!p2 .LBB2_13-.Ltmp8, $3  }
0xa8: {  	_ =	sdelay $0x1  }
0xa9: {  	s25 =	sadd.s32 $0x300, s17;
	s22 =	smov.u32 s14  }
0xaa: {  	[spmem:s1] =	stream.indirect.scatter.add.f32 [tilespmem:s28], [sflag:$0x4], $0x80, s25, s23, $0xb8;
	[tilespmem:$0x1EA00] =	vst v63  }
.LBB2_9:
0xab: {  	p2 =	seq.s32 s22, $0x0  }
0xac: {  	p3 =	seq.s32 @!p2 s22, $0x1D  }
0xad: {  	_ =	swait.ge [sflag:s26], $0x3800;
	p3 =	por p2, !p3  }
.Ltmp9:
0xae: {  	[sflag:s26] =	ssyncset.done $0x0;
	(pc) =	sbr.rel @!p3 .LBB2_10-.Ltmp9, $4  }
0xaf: {  	s14 =	simm.s32 @!p2 $0x4;
	[sflag:s26] =	ssyncadd.s32 $0xFFFFC800  }
0xb0: {  	_ =	swait.ge @!p2 [sflag:s14], $0x3800  }
0xb1: {  	[sflag:s14] =	ssyncset.done @!p2 $0x0  }
0xb2: {  	[sflag:s14] =	ssyncadd.s32 @!p2 $0xFFFFC800  }
0xb3: {  	s14 =	sadd.s32 @!p2 $0x1, s22  }
0xb4: {  	s14 =	simm.s32 @p2 $0x1  }
0xb5: {  	s16 =	smul.u32 $0x150, s14  }
0xb6: {  	s17 =	sand.u32 $0x1, s14  }
0xb7: {  	p2 =	seq.s32 s17, $0x1;
	s16 =	sadd.s32 s9, s16  }
.Ltmp10:
0xb8: {  	s17 =	simm.s32 $0x150;
	s16 =	sshrl.u32 s16, $0x3;
	(pc) =	sbr.rel .LBB2_12-.Ltmp10, $4  }
0xb9: {  	s17 =	simm.s32 @!p2 $0x0;
	s18 =	sadd.s32 s4, s16  }
0xba: {  	[tilespmem:s17], [sflag:$0x5] =	stream.linear.gather [hbm4b:s18+s2], $0x150, $0x38;
	[tilespmem:$0x1EA00] =	vst v63  }
0xbb: {  	p2 =	por $0x0, $0x0;
	s16 =	sadd.s32 s5, s16;
	s17 =	sadd.s32 $0x300, s17  }
0xbc: {  	[tilespmem:s17], [sflag:$0x5] =	stream.linear.gather [hbm4b:s16+s2], $0x150, $0x38;
	[tilespmem:$0x1EA00] =	vst v63  }
.LBB2_7:
0xbd: {  	_ =	swait.ge [sflag:s30], $0x3800  }
0xbe: {  	[sflag:s30] =	ssyncset.done $0x0  }
0xbf: {  	[sflag:s30] =	ssyncadd.s32 $0xFFFFC800  }
0xc0: {  	[bflag:$0x0] =	sbarrier.arrive $0xFFFF  }
0xc1: {  	s14 =	rddreg [dreg:$0x7]  }
0xc2: {  	[hbm:s14], [sflag:s11] =	dma.local @p1 [spmem:s3], $0x2080  }
0xc3: {  	s3 =	simm.s32 @p1 $0x6  }
0xc4: {  	_ =	swait.ge @p1 [sflag:s3], $0x2080  }
0xc5: {  	[sflag:s3] =	ssyncset.done @p1 $0x0  }
0xc6: {  	[sflag:s3] =	ssyncadd.s32 @p1 $0xFFFFDF80;
	s3 =	rddreg [dreg:$0x6]  }
0xc7: {  	[hbm:s3], [sflag:s11] =	dma.local @!p1 [spmem:s0], $0x2780  }
.Ltmp11:
0xc8: {  	_ = 	snop;
	(pc) =	sbr.rel .LBB2_14-.Ltmp11, $4  }
0xc9: {  	s0 =	simm.s32 @!p1 $0x6  }
0xca: {  	_ =	swait.ge @!p1 [sflag:s0], $0x2780  }
0xcb: {  	[sflag:s0] =	ssyncset.done @!p1 $0x0  }
0xcc: {  	[sflag:s0] =	ssyncadd.s32 @!p1 $0xFFFFD880  }
.LBB2_15:
0xcd: {  	_ =	sfence.sel $0x180000  }
0xce: {  	[bflag:$0x0] =	sbarrier.arrive $0xFFFF  }
0xcf: {  	_ =	strace $0x9000004D  }
0xd0: {  	s0 =	stileid.u32;
	[bflag:$0x2] =	sbarrier.arrive $0xFFFF  }
0xd1: {  	p0 =	sne.s32 s0, $0x0;
	s0 =	rddreg [dreg:$0x3]  }
0xd2: {  	s0 =	sadd.s32 @!p0 $0x100000, s0  }
0xd3: {  	[sflag:s0] =	ssyncadd.tile.s32 @!p0 $0x1;
	_ =	shalt  }
.Lfunc_end2:
_tile_overlayer_lowered:
.L_overlay_start_2:
0xd4: {  	(tag) =	ssettag $0x2  }
0xd5: {  	s0 =	rddreg [dreg:$0x0];
	s2 =	stileid.u32  }
0xd6: {  	s1 =	rddreg [dreg:$0x1];
	p0 =	sne.s32 s2, $0x0  }
0xd7: {  	s3 =	rddreg [dreg:$0x2];
	[bflag:$0x3] =	sbarrier.arrive $0xFFFF;
	s2 =	simm.s32 @!p0 $0x1C06  }
0xd8: {  	[timem:s3], [sflag:s2] =	dma.local @!p0 [hbm:s0], s1  }
0xd9: {  	s0 =	simm.s32 @!p0 $0x6  }
0xda: {  	_ =	swait.ge @!p0 [sflag:s0], s1  }
0xdb: {  	s1 =	ssub.s32 @!p0 $0x0, s1;
	[sflag:s0] =	ssyncset.done @!p0 $0x0  }
0xdc: {  	[sflag:s0] =	ssyncadd.s32 @!p0 s1  }
0xdd: {  	[bflag:$0x3] =	sbarrier.arrive $0xFFFF  }
0xde: {  	_ =	shalt  }

// kernel: kernel.21.cloned.1.call-start
scs
__scs_entry_jumppad:
0x0: {  	(pc) =	sbr.rel $0x88, $3  }
0x1: {  	(tag) =	ssettag $0x0;
	lr =	simm.s32 $0x1  }
0x2: {  	[smem:$0x3F93] =	sst lr;
	_ =	strace $0xD0000000  }
0x3: {  	_ = 	snop  }
0x4: {  	_ = 	snop  }
0x5: {  	_ = 	snop  }
0x6: {  	_ = 	snop  }
0x7: {  	_ = 	snop  }
__scs_overlays_trampoline_lowered:
0x8: {  	[smem:$0x3FA2] =	sst s0  }
0x9: {  	[smem:$0x3FA3] =	sst s1  }
0xa: {  	[smem:$0x3FA4] =	sst s2  }
0xb: {  	[smem:$0x3FA5] =	sst s3  }
0xc: {  	[smem:$0x3FA6] =	sst s4  }
0xd: {  	[smem:$0x3FA7] =	sst s5  }
0xe: {  	[smem:$0x3FA8] =	sst s6  }
0xf: {  	[smem:$0x3FA9] =	sst s7  }
0x10: {  	[smem:$0x3FAA] =	sst s8  }
0x11: {  	[smem:$0x3FAB] =	sst s9;
	s0 =	simm.s32 @!p0 $0x0  }
0x12: {  	s1 =	sld [smem:$0x3F91];
	s0 =	simm.s32 @p0 $0x1  }
0x13: {  	[smem:$0x3FAC] =	sst s0;
	s0 =	simm.s32 @!p1 $0x0  }
0x14: {  	s2 =	sld [smem:$0x3F90];
	s0 =	simm.s32 @p1 $0x1  }
0x15: {  	[smem:$0x3FAD] =	sst s0;
	s0 =	simm.s32 @!p2 $0x0  }
0x16: {  	s3 =	sld [smem:$0x3FDB];
	s0 =	simm.s32 @p2 $0x1  }
0x17: {  	s4 =	simm.s32 $0x1BF5;
	[smem:$0x3FAF] =	sst s0  }
0x18: {  	s0 =	sld [smem:$0x3F92];
	_ =	swait.ge [sflag:s4], $0x0  }
0x19: {  	s7 =	sld [smem:$0x3F93]  }
0x1a: {  	s8 =	sadd.s32 $0xFFFFE003, lr  }
0x1b: {  	s9 =	sadd.s32 $0xFFFFFEF7, lr;
	s5 =	simm.s32 $0xFFFFFFFF;
	p2 =	slt.u32 s8, $0xFFFFF086  }
0x1c: {  	p1 =	slt.u32 s9, $0xF7A;
	s5 =	simm.s32 @!p2 $0x0  }
0x1d: {  	s5 =	simm.s32 @p1 $0x1;
	p0 =	seq.s32 s7, s2  }
0x1e: {  	s7 =	smul.u32 @!p0 $0xF7A, s2;
	p2 =	seq.s32 @!p0 s5, $0x0  }
0x1f: {  	s9 =	smul.u32 $0xF7A, s1;
	s8 =	simm.s32 @!p0 $0x1BF5;
	p2 =	por !p2, p0  }
0x20: {  	[sflag:s8] =	ssyncset.s32 @!p0 $0xFFFFF086;
	s6 =	sadd.s32 @!p0 s3, s7;
	s7 =	simm.s32 @!p0 $0x108  }
0x21: {  	s3 =	sadd.s32 s3, s9;
	s6 =	sadd.s32 @!p0 $0x88, s6;
	s7 =	simm.s32 @p2 $0x1082  }
0x22: {  	[simem:s7], [sflag:s8] =	dma.local @!p0 [hbm:s6], $0xF7A  }
0x23: {  	s9 =	sor.u32 $0xD0000000, s2;
	s6 =	simm.s32 $0x108;
	_ =	swait.ge @!p0 [sflag:s8], $0x0  }
0x24: {  	s3 =	sadd.s32 $0x88, s3;
	s6 =	simm.s32 @!p1 $0x1082;
	[sflag:s4] =	ssyncset.s32 $0xFFFFF086  }
0x25: {  	[simem:s6], [sflag:s4] =	dma.local [hbm:s3], $0xF7A  }
0x26: {  	[smem:$0x3F93] =	sst s1;
	(tag) =	ssettag s2;
	_ =	strace s9  }
0x27: {  	s1 =	sld [smem:$0x3FA3]  }
0x28: {  	s2 =	sld [smem:$0x3FA4]  }
0x29: {  	s4 =	sld [smem:$0x3FA6]  }
0x2a: {  	p0 =	seq.s32 s5, $0x0;
	s5 =	sld [smem:$0x3FA7]  }
0x2b: {  	s6 =	sld [smem:$0x3FA8]  }
0x2c: {  	s7 =	sld [smem:$0x3FA9]  }
0x2d: {  	s3 =	simm.s32 $0x108;
	s8 =	sld [smem:$0x3FAA]  }
0x2e: {  	s3 =	simm.s32 @!p0 $0x1082;
	s9 =	sld [smem:$0x3FAB]  }
0x2f: {  	lr =	sadd.s32 s0, s3;
	s0 =	sld [smem:$0x3FA2]  }
0x30: {  	s3 =	sld [smem:$0x3FA5]  }
0x31: {  	[smem:$0x3FAE] =	sst s10  }
0x32: {  	s10 =	sld [smem:$0x3FAC];
	_ =	sdelay $0x3  }
0x33: {  	p0 =	seq.s32 s10, $0x1;
	s10 =	sld [smem:$0x3FAE];
	_ =	sdelay $0x3  }
0x34: {  	[smem:$0x3FAE] =	sst s10  }
0x35: {  	s10 =	sld [smem:$0x3FAD];
	_ =	sdelay $0x3  }
0x36: {  	p1 =	seq.s32 s10, $0x1;
	s10 =	sld [smem:$0x3FAE];
	_ =	sdelay $0x3  }
0x37: {  	[smem:$0x3FAE] =	sst s10  }
0x38: {  	s10 =	sld [smem:$0x3FAF]  }
0x39: {  	_ = 	snop;
	(pc) =	sbr.ind lr, $3  }
0x3a: {  	_ = 	snop  }
0x3b: {  	_ = 	snop  }
0x3c: {  	p2 =	seq.s32 s10, $0x1;
	s10 =	sld [smem:$0x3FAE]  }
0x3d: {  	_ =	shalt  }
0x3e: {  	_ =	shalt  }
0x3f: {  	_ =	shalt  }
0x40: {  	_ =	shalt  }
0x41: {  	_ =	shalt  }
0x42: {  	_ =	shalt  }
0x43: {  	_ =	shalt  }
0x44: {  	_ =	shalt  }
0x45: {  	_ =	shalt  }
0x46: {  	_ =	shalt  }
0x47: {  	_ =	shalt  }
0x48: {  	_ =	shalt  }
0x49: {  	_ =	shalt  }
0x4a: {  	_ =	shalt  }
0x4b: {  	_ =	shalt  }
0x4c: {  	_ =	shalt  }
0x4d: {  	_ =	shalt  }
0x4e: {  	_ =	shalt  }
0x4f: {  	_ =	shalt  }
0x50: {  	_ =	shalt  }
0x51: {  	_ =	shalt  }
0x52: {  	_ =	shalt  }
0x53: {  	_ =	shalt  }
0x54: {  	_ =	shalt  }
0x55: {  	_ =	shalt  }
0x56: {  	_ =	shalt  }
0x57: {  	_ =	shalt  }
0x58: {  	_ =	shalt  }
0x59: {  	_ =	shalt  }
0x5a: {  	_ =	shalt  }
0x5b: {  	_ =	shalt  }
0x5c: {  	_ =	shalt  }
0x5d: {  	_ =	shalt  }
0x5e: {  	_ =	shalt  }
0x5f: {  	_ =	shalt  }
0x60: {  	_ =	shalt  }
0x61: {  	_ =	shalt  }
0x62: {  	_ =	shalt  }
0x63: {  	_ =	shalt  }
0x64: {  	_ =	shalt  }
0x65: {  	_ =	shalt  }
0x66: {  	_ =	shalt  }
0x67: {  	_ =	shalt  }
0x68: {  	_ =	shalt  }
0x69: {  	_ =	shalt  }
0x6a: {  	_ =	shalt  }
0x6b: {  	_ =	shalt  }
0x6c: {  	_ =	shalt  }
0x6d: {  	_ =	shalt  }
0x6e: {  	_ =	shalt  }
0x6f: {  	_ =	shalt  }
0x70: {  	_ =	shalt  }
0x71: {  	_ =	shalt  }
0x72: {  	_ =	shalt  }
0x73: {  	_ =	shalt  }
0x74: {  	_ =	shalt  }
0x75: {  	_ =	shalt  }
0x76: {  	_ =	shalt  }
0x77: {  	_ =	shalt  }
0x78: {  	_ =	shalt  }
0x79: {  	_ =	shalt  }
0x7a: {  	_ =	shalt  }
0x7b: {  	_ =	shalt  }
0x7c: {  	_ =	shalt  }
0x7d: {  	_ =	shalt  }
0x7e: {  	_ =	shalt  }
0x7f: {  	_ =	shalt  }
0x80: {  	_ =	shalt  }
0x81: {  	_ =	shalt  }
0x82: {  	_ =	shalt  }
0x83: {  	_ =	shalt  }
0x84: {  	_ =	shalt  }
0x85: {  	_ =	shalt  }
0x86: {  	_ =	shalt  }
0x87: {  	_ =	shalt  }
.Lfunc_end0:
.L_simem_size_0:
called_computation.3_lowered:
.L_overlay_start_0:
0x88: {  	s2 =	sld [smem:$0x3FD9]  }
0x89: {  	s3 =	sld [smem:$0x3FFE];
	_ =	sdelay $0x1  }
0x8a: {  	s1 =	srdreg.scid  }
0x8b: {  	s0 =	sand.u32 $0x1, s1  }
0x8c: {  	s16 =	sshll.u32 s0, $0xA;
	s2 =	sadd.s32 s3, s2  }
0x8d: {  	s2 =	sadd.s32 s2, s16  }
0x8e: {  	[smem:$0x3FBA] =	sst s2  }
0x8f: {  	_ = 	snop  }
0x90: {  	(tm) =	ssettm $0x1  }
0x91: {  	s17 =	sld [smem:$0x3FFB];
	_ =	sdelay $0x3  }
0x92: {  	_ =	strace s17  }
0x93: {  	s2 =	sld [smem:$0x3FFC];
	_ =	sdelay $0x3  }
0x94: {  	_ =	strace s2  }
0x95: {  	s2 =	sld [smem:$0x3FFD];
	_ =	sdelay $0x3  }
0x96: {  	_ =	strace s2  }
0x97: {  	_ =	strace $0x8FFFFFFF  }
0x98: {  	s18 =	sld [smem:$0x3FDB];
	_ =	sdelay $0x1  }
0x99: {  	s19 =	simm.s32 $_scs_section_size  }
0x9a: {  	s4 =	simm.s32 $_size__tile_overlayer_lowered;
	s5 =	simm.s32 $_tile_overlayer_lowered  }
0x9b: {  	s22 =	simm.s32 $0x1BFF;
	s21 =	sshll.u32 s5, $0x1;
	s2 =	sadd.s32 s19, s18  }
0x9c: {  	s6 =	simm.s32 $0x0;
	s20 =	sshll.u32 s4, $0x1;
	s4 =	sadd.s32 s21, s2  }
0x9d: {  	[timem:s6], [sflag:s22] =	dma.local [hbm:s4], s20  }
0x9e: {  	_ =	swait.ge [sflag:s22], s20  }
0x9f: {  	s3 =	ssub.s32 $0x0, s20;
	[sflag:s22] =	ssyncset.done $0x0  }
0xa0: {  	[sflag:s22] =	ssyncadd.s32 s3;
	_ =	sdelay $0x1  }
0xa1: {  	s23 =	simm.s32 $0x1B8B  }
0xa2: {  	_ =	swait.ge [sflag:s23], $0x1  }
0xa3: {  	[sflag:s23] =	ssyncset.done $0x0  }
0xa4: {  	s25 =	simm.s32 $0x1B8E;
	s24 =	sld [smem:$0x3FFE];
	[sflag:s23] =	ssyncadd.s32 $0xFFFFFFFF  }
0xa5: {  	s26 =	simm.s32 $execute0_lowered;
	[smem:$0x3FD2] =	sst s25  }
0xa6: {  	s4 =	sshll.u32 s26, $0x1;
	_ =	strace $0x8000004F;
	[dreg:$0x1] =	wrdreg $0xFFFFFFFF  }
0xa7: {  	s28 =	simm.s32 $_size_execute0_lowered;
	s2 =	sadd.s32 s2, s4;
	[dreg:$0x0] =	wrdreg $0x0  }
0xa8: {  	s4 =	sshll.u32 s28, $0x1;
	[dreg:$0x2] =	wrdreg s2  }
0xa9: {  	[dreg:$0x3] =	wrdreg s4  }
0xaa: {  	[dreg:$0x4] =	wrdreg $0xC0  }
0xab: {  	_ =	task [dreg:s6], $0x5FFFF  }
0xac: {  	[dreg:$0x1] =	wrdreg $0xFFFFFFFF  }
0xad: {  	[dreg:$0x0] =	wrdreg $0x60  }
0xae: {  	[dreg:$0x2] =	wrdreg s24  }
0xaf: {  	[dreg:$0x3] =	wrdreg $0xAE000  }
0xb0: {  	[dreg:$0x4] =	wrdreg $0x9  }
0xb1: {  	_ =	task.clear_ibuf [dreg:s6], $0x5FFFF;
	_ =	strace $0x9000004F  }
0xb2: {  	s29 =	simm.s32 $0x9;
	_ =	strace $0x80000051  }
0xb3: {  	_ =	swait.ge [sflag:s29], $0x1  }
0xb4: {  	[sflag:s29] =	ssyncadd.s32 $0xFFFFFFFF  }
0xb5: {  	_ =	strace $0x90000051  }
0xb6: {  	_ =	sfence  }
0xb7: {  	s30 =	sld [smem:$0x0];
	_ =	sdelay $0x2  }
0xb8: {  	s31 =	sshll.u32 s1, $0xD;
	s1 =	sshrl.u32 s1, $0x2  }
0xb9: {  	s3 =	sand.u32 $0x4000, s31;
	s1 =	sadd.s32 s1, s30  }
0xba: {  	s0 =	sor.u32 s3, s0;
	s1 =	sshll.u32 s1, $0x11  }
0xbb: {  	s0 =	sor.u32 s1, s0  }
0xbc: {  	s0 =	sadd.s32 $0x8F2B, s0  }
0xbd: {  	[sflag:s0] =	ssyncadd.remote.s32 $0x1  }
0xbe: {  	_ =	sfence.sel $0xFFFF  }
0xbf: {  	[dreg:$0x0] =	wrdreg $0xFFFFFFFF;
	(pc) =	sbr.abs _section_cstart, $3  }
0xc0: {  	[dreg:$0x1] =	wrdreg $0xFFFFFFFF  }
0xc1: {  	_ =	task.clear_ibuf [dreg:s6], $0x2FFFF;
	_ =	strace $0x9FFFFFFF  }
0xc2: {  	(tm) =	ssettm $0x7FFFFFFF  }
0xc3: {  	_ =	shalt  }
tec
execute0_lowered:
.L_overlay_start_1:
0x0: {  	(tag) =	ssettag $0x1  }
0x1: {  	s0 =	rddreg [dreg:$0x0]  }
0x2: {  	s1 =	rddreg [dreg:$0x1];
	s2 =	simm.s32 $0x0;
	s16 =	stileid.u32  }
0x3: {  	s3 =	srdreg.scid;
	s21 =	simm.s32 $0x6;
	s23 =	simm.s32 $0x70  }
0x4: {  	s24 =	simm.s32 $0x600;
	s28 =	simm.s32 $0x7600;
	s29 =	simm.s32 $0x2  }
0x5: {  	s30 =	simm.s32 $0x4;
	s31 =	simm.s32 $0x0;
	[smem:$0x7FF] =	sst s2  }
0x6: {  	s4 =	sadd.s32 $0x5D600, s0;
	s5 =	sadd.s32 $0x58600, s0;
	s6 =	sadd.s32 $0x7A00, s0  }
0x7: {  	s7 =	sadd.s32 $0x62600, s0;
	s9 =	smul.u32 $0x2780, s16;
	s3 =	sand.u32 $0x1, s3  }
0x8: {  	s8 =	sadd.s32 $0x89800, s0;
	s11 =	smul.u32 $0x4F000, s16;
	s26 =	sshll.u32 s16, $0x6  }
0x9: {  	s17 =	sadd.s32 $0xFCC80, s0;
	p1 =	seq.s32 s16, $0xF;
	_ =	strace $0x80000050  }
0xa: {  	s10 =	ssub.s32 $0x2, s3;
	[dreg:$0x4] =	wrdreg s17;
	p0 =	sne.s32 s3, $0x0  }
0xb: {  	s14 =	sadd.s32 s9, s0;
	s12 =	sshrl.u32 s10, $0x1;
	s9 =	smul.u32 $0x2760, s16  }
0xc: {  	s25 =	sshrl.u32 s11, $0x2;
	s11 =	sor.u32 $0x1C06, s26;
	s0 =	sadd.s32 $0xD5A80, s0  }
.Ltmp0:
0xd: {  	s26 =	simm.s32 $0x1;
	s19 =	ssub.s32 s10, s12;
	(pc) =	sbr.rel .LBB2_1-.Ltmp0, $4  }
0xe: {  	s10 =	sadd.s32 s25, s1;
	s15 =	sadd.s32 $0xD7C00, s14;
	[dreg:$0x6] =	wrdreg s0  }
0xf: {  	s14 =	sadd.s32 $0xB0A00, s14;
	s13 =	sshrl.u32 s9, $0x3;
	[dreg:$0x3] =	wrdreg s15  }
0x10: {  	s15 =	sadd.s32 $0x128400, s1;
	[dreg:$0x5] =	wrdreg s14;
	s19 =	smax.u32 s19, $0x1  }
0x11: {  	s20 =	sshrl.u32 s10, $0x3;
	s12 =	sadd.s32 s4, s13;
	s13 =	sadd.s32 s5, s13  }
.LBB2_13:
0x12: {  	_ =	swait.ge [sflag:s30], $0x3800  }
0x13: {  	[sflag:s30] =	ssyncset.done $0x0  }
0x14: {  	[sflag:s30] =	ssyncadd.s32 $0xFFFFC800  }
0x15: {  	[bflag:$0x0] =	sbarrier.arrive $0xFFFF  }
0x16: {  	s14 =	rddreg [dreg:$0x4]  }
0x17: {  	[hbm:s14], [sflag:s11] =	dma.local @p1 [spmem:s3], $0x2080  }
0x18: {  	s3 =	simm.s32 @p1 $0x6  }
0x19: {  	_ =	swait.ge @p1 [sflag:s3], $0x2080  }
0x1a: {  	[sflag:s3] =	ssyncset.done @p1 $0x0  }
0x1b: {  	[sflag:s3] =	ssyncadd.s32 @p1 $0xFFFFDF80;
	s3 =	rddreg [dreg:$0x3]  }
0x1c: {  	[hbm:s3], [sflag:s11] =	dma.local @!p1 [spmem:s0], $0x2780  }
0x1d: {  	s0 =	simm.s32 @!p1 $0x6  }
0x1e: {  	_ =	swait.ge @!p1 [sflag:s0], $0x2780  }
0x1f: {  	[sflag:s0] =	ssyncset.done @!p1 $0x0  }
0x20: {  	[sflag:s0] =	ssyncadd.s32 @!p1 $0xFFFFD880  }
.LBB2_14:
0x21: {  	s31 =	sadd.s32 $0x1, s31  }
0x22: {  	p2 =	sne.s32 s31, s19  }
.Ltmp1:
0x23: {  	_ = 	snop;
	(pc) =	sbr.rel @!p2 .LBB2_15-.Ltmp1, $1  }
0x24: {  	_ =	sdelay $0x3  }
.LBB2_1:
0x25: {  	[spmem:s20], [sflag:s11] =	dma.local [hbm:s6], $0x2780  }
0x26: {  	_ =	swait.ge [sflag:s21], $0x2780  }
0x27: {  	[sflag:s21] =	ssyncset.done $0x0  }
0x28: {  	[sflag:s21] =	ssyncadd.s32 $0xFFFFD880  }
0x29: {  	[tilespmem:s2], [sflag:$0x6] =	stream.linear.gather [hbm4b:s12+s2], $0x150, $0x38;
	[tilespmem:$0x1EA00] =	vst v63  }
0x2a: {  	_ =	swait.ge [sflag:s21], $0x150  }
0x2b: {  	[sflag:s21] =	ssyncset.done $0x0  }
0x2c: {  	s0 =	simm.s32 $0x300;
	[sflag:s21] =	ssyncadd.s32 $0xFFFFFEB0  }
0x2d: {  	[tilespmem:s0], [sflag:$0x6] =	stream.linear.gather [hbm4b:s13+s2], $0x150, $0x38;
	[tilespmem:$0x1EA00] =	vst v63  }
.Ltmp2:
0x2e: {  	_ =	swait.ge [sflag:s21], $0x150;
	(pc) =	sbr.rel @p0 .LBB2_8-.Ltmp2, $4  }
0x2f: {  	[sflag:s21] =	ssyncset.done $0x0  }
0x30: {  	[sflag:s21] =	ssyncadd.s32 $0xFFFFFEB0  }
0x31: {  	[bflag:$0x0] =	sbarrier.arrive $0xFFFF  }
0x32: {  	s3 =	sshrl.u32 @p1 s15, $0x3;
	s0 =	sshrl.u32 @!p1 s10, $0x3  }
.Ltmp3:
0x33: {  	(pc) =	sbr.rel .LBB2_3-.Ltmp3, $4  }
0x34: {  	s14 =	simm.s32 $0x0  }
0x35: {  	[tilespmem:s24], [sflag:$0x1] =	stream.indirect.gather [hbm4b:s7+s23], $0x80, s14, s23, $0xb8;
	[tilespmem:$0x1EA00] =	vst v63  }
0x36: {  	s16 =	simm.s32 $0x3E00  }
0x37: {  	[tilespmem:s16], [sflag:$0x2] =	stream.indirect.gather [hbm4b:s7+s23], $0x80, s23, s23, $0xb8;
	[tilespmem:$0x1EA00] =	vst v63  }
.LBB2_5:
0x38: {  	s22 =	sadd.s32 @!p2 $0x1, s14  }
0x39: {  	s22 =	simm.s32 @p2 $0x1  }
0x3a: {  	s16 =	smul.u32 $0x150, s22;
	_ =	sdelay $0x1  }
0x3b: {  	s17 =	sand.u32 $0x1, s22;
	s16 =	sadd.s32 s9, s16  }
0x3c: {  	p2 =	seq.s32 s17, $0x1;
	s17 =	simm.s32 $0x150;
	s16 =	sshrl.u32 s16, $0x3  }
0x3d: {  	s17 =	simm.s32 @!p2 $0x0;
	s25 =	sadd.s32 s4, s16  }
0x3e: {  	[tilespmem:s17], [sflag:$0x5] =	stream.linear.gather [hbm4b:s25+s2], $0x150, $0x38;
	[tilespmem:$0x1EA00] =	vst v63  }
0x3f: {  	p2 =	por $0x0, $0x0;
	s16 =	sadd.s32 s5, s16;
	s17 =	sadd.s32 $0x300, s17  }
0x40: {  	[tilespmem:s17], [sflag:$0x5] =	stream.linear.gather [hbm4b:s16+s2], $0x150, $0x38;
	[tilespmem:$0x1EA00] =	vst v63  }
.LBB2_6:
0x41: {  	s14 =	sand.u32 $0x1, s14  }
0x42: {  	p3 =	seq.s32 s14, $0x1;
	s14 =	simm.s32 $0x150  }
0x43: {  	s14 =	simm.s32 @!p3 $0x0  }
0x44: {  	s16 =	sadd.s32 $0xE0, s14  }
0x45: {  	[tilespmem:s28], [sflag:$0x3] =	stream.indirect.gather [hbm4b:s7+s23], $0x80, s16, s23, $0xb8;
	[tilespmem:$0x1EA00] =	vst v63  }
0x46: {  	s17 =	sadd.s32 $0x300, s14  }
0x47: {  	[spmem:s1] =	stream.indirect.scatter.add.f32 [tilespmem:s24], [sflag:$0x4], $0x80, s17, s23, $0xb8;
	[tilespmem:$0x1EA00] =	vst v63  }
0x48: {  	_ =	swait.ge [sflag:s29], $0x3800  }
0x49: {  	[sflag:s29] =	ssyncset.done $0x0  }
0x4a: {  	[sflag:s29] =	ssyncadd.s32 $0xFFFFC800  }
0x4b: {  	_ =	swait.ge [sflag:s30], $0x3800  }
0x4c: {  	s25 =	simm.s32 @p2 $0x70;
	[sflag:s30] =	ssyncset.done $0x0  }
0x4d: {  	s18 =	simm.s32 @p2 $0x3E00;
	s17 =	sadd.s32 @p2 $0x370, s14;
	[sflag:s30] =	ssyncadd.s32 $0xFFFFC800  }
0x4e: {  	[spmem:s1] =	stream.indirect.scatter.add.f32 @p2 [tilespmem:s18], [sflag:$0x4], $0x80, s17, s25, $0xb8;
	[tilespmem:$0x1EA00] =	vst v63  }
0x4f: {  	s17 =	simm.s32 @p2 $0x3  }
0x50: {  	_ =	swait.ge @p2 [sflag:s17], $0x3800  }
0x51: {  	[sflag:s17] =	ssyncset.done @p2 $0x0  }
0x52: {  	[sflag:s17] =	ssyncadd.s32 @p2 $0xFFFFC800;
	s17 =	simm.s32 @p2 $0x4  }
0x53: {  	_ =	swait.ge @p2 [sflag:s17], $0x3800  }
0x54: {  	[sflag:s17] =	ssyncset.done @p2 $0x0  }
0x55: {  	[sflag:s17] =	ssyncadd.s32 @p2 $0xFFFFC800;
	s17 =	simm.s32 @!p2 $0x5  }
0x56: {  	_ =	swait.ge @!p2 [sflag:s17], $0x150  }
0x57: {  	[sflag:s17] =	ssyncset.done @!p2 $0x0  }
0x58: {  	[sflag:s17] =	ssyncadd.s32 @!p2 $0xFFFFFEB0  }
0x59: {  	s18 =	sand.u32 @!p2 $0x1, s22;
	_ =	swait.ge @!p2 [sflag:s17], $0x150  }
0x5a: {  	p3 =	seq.s32 @!p2 s18, $0x1;
	[sflag:s17] =	ssyncset.done @!p2 $0x0  }
0x5b: {  	p3 =	por !p3, p2;
	[sflag:s17] =	ssyncadd.s32 @!p2 $0xFFFFFEB0;
	s17 =	simm.s32 @!p2 $0x150  }
0x5c: {  	s25 =	simm.s32 @!p2 $0x600;
	s18 =	simm.s32 @!p2 $0x70;
	s17 =	simm.s32 @p3 $0x0  }
0x5d: {  	[tilespmem:s25], [sflag:$0x1] =	stream.indirect.gather @!p2 [hbm4b:s7+s18], $0x80, s17, s18, $0xb8;
	[tilespmem:$0x1EA00] =	vst v63  }
0x5e: {  	s14 =	sadd.s32 @!p2 $0x370, s14;
	s17 =	simm.s32 @!p2 $0x3E00  }
0x5f: {  	[spmem:s1] =	stream.indirect.scatter.add.f32 @!p2 [tilespmem:s17], [sflag:$0x4], $0x80, s14, s18, $0xb8;
	[tilespmem:$0x1EA00] =	vst v63  }
0x60: {  	s14 =	simm.s32 @!p2 $0x3  }
0x61: {  	_ =	swait.ge @!p2 [sflag:s14], $0x3800  }
0x62: {  	[sflag:s14] =	ssyncset.done @!p2 $0x0  }
0x63: {  	[sflag:s14] =	ssyncadd.s32 @!p2 $0xFFFFC800;
	s14 =	simm.s32 @!p2 $0x4  }
0x64: {  	_ =	swait.ge @!p2 [sflag:s14], $0x3800  }
0x65: {  	s25 =	simm.s32 @!p2 $0x1C0;
	[sflag:s14] =	ssyncset.done @!p2 $0x0  }
0x66: {  	s25 =	simm.s32 @p3 $0x70;
	[sflag:s14] =	ssyncadd.s32 @!p2 $0xFFFFC800  }
0x67: {  	[tilespmem:s17], [sflag:$0x2] =	stream.indirect.gather @!p2 [hbm4b:s7+s18], $0x80, s25, s18, $0xb8;
	[tilespmem:$0x1EA00] =	vst v63  }
0x68: {  	p2 =	slt.u32 s22, $0x1E  }
.Ltmp4:
0x69: {  	_ = 	snop;
	(pc) =	sbr.rel @!p2 .LBB2_7-.Ltmp4, $3  }
0x6a: {  	_ =	sdelay $0x1  }
0x6b: {  	s14 =	smov.u32 s22;
	s25 =	sadd.s32 $0x300, s16  }
0x6c: {  	[spmem:s1] =	stream.indirect.scatter.add.f32 [tilespmem:s28], [sflag:$0x4], $0x80, s25, s23, $0xb8;
	[tilespmem:$0x1EA00] =	vst v63  }
.LBB2_3:
0x6d: {  	p2 =	seq.s32 s14, $0x0  }
0x6e: {  	p3 =	seq.s32 @!p2 s14, $0x1D  }
0x6f: {  	_ =	swait.ge [sflag:s26], $0x3800;
	p3 =	por p2, !p3  }
.Ltmp5:
0x70: {  	[sflag:s26] =	ssyncset.done $0x0;
	(pc) =	sbr.rel @p3 .LBB2_5-.Ltmp5, $4  }
0x71: {  	s22 =	simm.s32 @!p2 $0x4;
	[sflag:s26] =	ssyncadd.s32 $0xFFFFC800  }
0x72: {  	_ =	swait.ge @!p2 [sflag:s22], $0x3800  }
0x73: {  	[sflag:s22] =	ssyncset.done @!p2 $0x0  }
0x74: {  	[sflag:s22] =	ssyncadd.s32 @!p2 $0xFFFFC800  }
.Ltmp6:
0x75: {  	(pc) =	sbr.rel .LBB2_6-.Ltmp6, $2  }
0x76: {  	_ =	sdelay $0x2  }
0x77: {  	s22 =	simm.s32 @!p2 $0x1E;
	p2 =	por @!p2 $0x1, $0x1  }
.LBB2_8:
.Ltmp7:
0x78: {  	(pc) =	sbr.rel .LBB2_9-.Ltmp7, $4  }
0x79: {  	s22 =	simm.s32 $0x0  }
0x7a: {  	[tilespmem:s24], [sflag:$0x1] =	stream.indirect.gather [hbm4b:s8+s23], $0x80, s22, s23, $0xb8;
	[tilespmem:$0x1EA00] =	vst v63  }
0x7b: {  	s14 =	simm.s32 $0x3E00  }
0x7c: {  	[tilespmem:s14], [sflag:$0x2] =	stream.indirect.gather [hbm4b:s8+s23], $0x80, s23, s23, $0xb8;
	[tilespmem:$0x1EA00] =	vst v63  }
.LBB2_10:
0x7d: {  	s14 =	simm.s32 @!p2 $0x1E;
	p2 =	por @!p2 $0x1, $0x1  }
.LBB2_12:
0x7e: {  	s16 =	sand.u32 $0x1, s22  }
0x7f: {  	p3 =	seq.s32 s16, $0x1;
	s16 =	simm.s32 $0x150  }
0x80: {  	s16 =	simm.s32 @!p3 $0x0  }
0x81: {  	s17 =	sadd.s32 $0xE0, s16  }
0x82: {  	[tilespmem:s28], [sflag:$0x3] =	stream.indirect.gather [hbm4b:s8+s23], $0x80, s17, s23, $0xb8;
	[tilespmem:$0x1EA00] =	vst v63  }
0x83: {  	s18 =	sadd.s32 $0x300, s16  }
0x84: {  	[spmem:s1] =	stream.indirect.scatter.add.f32 [tilespmem:s24], [sflag:$0x4], $0x80, s18, s23, $0xb8;
	[tilespmem:$0x1EA00] =	vst v63  }
0x85: {  	_ =	swait.ge [sflag:s29], $0x3800  }
0x86: {  	[sflag:s29] =	ssyncset.done $0x0  }
0x87: {  	[sflag:s29] =	ssyncadd.s32 $0xFFFFC800  }
0x88: {  	_ =	swait.ge [sflag:s30], $0x3800  }
0x89: {  	s22 =	simm.s32 @p2 $0x70;
	[sflag:s30] =	ssyncset.done $0x0  }
0x8a: {  	s25 =	simm.s32 @p2 $0x3E00;
	s18 =	sadd.s32 @p2 $0x370, s16;
	[sflag:s30] =	ssyncadd.s32 $0xFFFFC800  }
0x8b: {  	[spmem:s1] =	stream.indirect.scatter.add.f32 @p2 [tilespmem:s25], [sflag:$0x4], $0x80, s18, s22, $0xb8;
	[tilespmem:$0x1EA00] =	vst v63  }
0x8c: {  	s18 =	simm.s32 @p2 $0x3  }
0x8d: {  	_ =	swait.ge @p2 [sflag:s18], $0x3800  }
0x8e: {  	[sflag:s18] =	ssyncset.done @p2 $0x0  }
0x8f: {  	[sflag:s18] =	ssyncadd.s32 @p2 $0xFFFFC800;
	s18 =	simm.s32 @p2 $0x4  }
0x90: {  	_ =	swait.ge @p2 [sflag:s18], $0x3800  }
0x91: {  	[sflag:s18] =	ssyncset.done @p2 $0x0  }
0x92: {  	[sflag:s18] =	ssyncadd.s32 @p2 $0xFFFFC800;
	s18 =	simm.s32 @!p2 $0x5  }
0x93: {  	_ =	swait.ge @!p2 [sflag:s18], $0x150  }
0x94: {  	[sflag:s18] =	ssyncset.done @!p2 $0x0  }
0x95: {  	[sflag:s18] =	ssyncadd.s32 @!p2 $0xFFFFFEB0  }
0x96: {  	s22 =	sand.u32 @!p2 $0x1, s14;
	_ =	swait.ge @!p2 [sflag:s18], $0x150  }
0x97: {  	p3 =	seq.s32 @!p2 s22, $0x1;
	[sflag:s18] =	ssyncset.done @!p2 $0x0  }
0x98: {  	p3 =	por !p3, p2;
	[sflag:s18] =	ssyncadd.s32 @!p2 $0xFFFFFEB0;
	s18 =	simm.s32 @!p2 $0x150  }
0x99: {  	s25 =	simm.s32 @!p2 $0x600;
	s22 =	simm.s32 @!p2 $0x70;
	s18 =	simm.s32 @p3 $0x0  }
0x9a: {  	[tilespmem:s25], [sflag:$0x1] =	stream.indirect.gather @!p2 [hbm4b:s8+s22], $0x80, s18, s22, $0xb8;
	[tilespmem:$0x1EA00] =	vst v63  }
0x9b: {  	s16 =	sadd.s32 @!p2 $0x370, s16;
	s18 =	simm.s32 @!p2 $0x3E00  }
0x9c: {  	[spmem:s1] =	stream.indirect.scatter.add.f32 @!p2 [tilespmem:s18], [sflag:$0x4], $0x80, s16, s22, $0xb8;
	[tilespmem:$0x1EA00] =	vst v63  }
0x9d: {  	s16 =	simm.s32 @!p2 $0x3  }
0x9e: {  	_ =	swait.ge @!p2 [sflag:s16], $0x3800  }
0x9f: {  	[sflag:s16] =	ssyncset.done @!p2 $0x0  }
0xa0: {  	[sflag:s16] =	ssyncadd.s32 @!p2 $0xFFFFC800;
	s16 =	simm.s32 @!p2 $0x4  }
0xa1: {  	_ =	swait.ge @!p2 [sflag:s16], $0x3800  }
0xa2: {  	s25 =	simm.s32 @!p2 $0x1C0;
	[sflag:s16] =	ssyncset.done @!p2 $0x0  }
0xa3: {  	s25 =	simm.s32 @p3 $0x70;
	[sflag:s16] =	ssyncadd.s32 @!p2 $0xFFFFC800  }
0xa4: {  	[tilespmem:s18], [sflag:$0x2] =	stream.indirect.gather @!p2 [hbm4b:s8+s22], $0x80, s25, s22, $0xb8;
	[tilespmem:$0x1EA00] =	vst v63  }
0xa5: {  	p2 =	slt.u32 s14, $0x1E  }
.Ltmp8:
0xa6: {  	_ = 	snop;
	(pc) =	sbr.rel @!p2 .LBB2_13-.Ltmp8, $3  }
0xa7: {  	_ =	sdelay $0x1  }
0xa8: {  	s25 =	sadd.s32 $0x300, s17;
	s22 =	smov.u32 s14  }
0xa9: {  	[spmem:s1] =	stream.indirect.scatter.add.f32 [tilespmem:s28], [sflag:$0x4], $0x80, s25, s23, $0xb8;
	[tilespmem:$0x1EA00] =	vst v63  }
.LBB2_9:
0xaa: {  	p2 =	seq.s32 s22, $0x0  }
0xab: {  	p3 =	seq.s32 @!p2 s22, $0x1D  }
0xac: {  	_ =	swait.ge [sflag:s26], $0x3800;
	p3 =	por p2, !p3  }
.Ltmp9:
0xad: {  	[sflag:s26] =	ssyncset.done $0x0;
	(pc) =	sbr.rel @!p3 .LBB2_10-.Ltmp9, $4  }
0xae: {  	s14 =	simm.s32 @!p2 $0x4;
	[sflag:s26] =	ssyncadd.s32 $0xFFFFC800  }
0xaf: {  	_ =	swait.ge @!p2 [sflag:s14], $0x3800  }
0xb0: {  	[sflag:s14] =	ssyncset.done @!p2 $0x0  }
0xb1: {  	[sflag:s14] =	ssyncadd.s32 @!p2 $0xFFFFC800  }
0xb2: {  	s14 =	sadd.s32 @!p2 $0x1, s22  }
0xb3: {  	s14 =	simm.s32 @p2 $0x1  }
0xb4: {  	s16 =	smul.u32 $0x150, s14  }
0xb5: {  	s17 =	sand.u32 $0x1, s14  }
0xb6: {  	p2 =	seq.s32 s17, $0x1;
	s16 =	sadd.s32 s9, s16  }
.Ltmp10:
0xb7: {  	s17 =	simm.s32 $0x150;
	s16 =	sshrl.u32 s16, $0x3;
	(pc) =	sbr.rel .LBB2_12-.Ltmp10, $4  }
0xb8: {  	s17 =	simm.s32 @!p2 $0x0;
	s18 =	sadd.s32 s4, s16  }
0xb9: {  	[tilespmem:s17], [sflag:$0x5] =	stream.linear.gather [hbm4b:s18+s2], $0x150, $0x38;
	[tilespmem:$0x1EA00] =	vst v63  }
0xba: {  	p2 =	por $0x0, $0x0;
	s16 =	sadd.s32 s5, s16;
	s17 =	sadd.s32 $0x300, s17  }
0xbb: {  	[tilespmem:s17], [sflag:$0x5] =	stream.linear.gather [hbm4b:s16+s2], $0x150, $0x38;
	[tilespmem:$0x1EA00] =	vst v63  }
.LBB2_7:
0xbc: {  	_ =	swait.ge [sflag:s30], $0x3800  }
0xbd: {  	[sflag:s30] =	ssyncset.done $0x0  }
0xbe: {  	[sflag:s30] =	ssyncadd.s32 $0xFFFFC800  }
0xbf: {  	[bflag:$0x0] =	sbarrier.arrive $0xFFFF  }
0xc0: {  	s14 =	rddreg [dreg:$0x6]  }
0xc1: {  	[hbm:s14], [sflag:s11] =	dma.local @p1 [spmem:s3], $0x2080  }
0xc2: {  	s3 =	simm.s32 @p1 $0x6  }
0xc3: {  	_ =	swait.ge @p1 [sflag:s3], $0x2080  }
0xc4: {  	[sflag:s3] =	ssyncset.done @p1 $0x0  }
0xc5: {  	[sflag:s3] =	ssyncadd.s32 @p1 $0xFFFFDF80;
	s3 =	rddreg [dreg:$0x5]  }
0xc6: {  	[hbm:s3], [sflag:s11] =	dma.local @!p1 [spmem:s0], $0x2780  }
.Ltmp11:
0xc7: {  	_ = 	snop;
	(pc) =	sbr.rel .LBB2_14-.Ltmp11, $4  }
0xc8: {  	s0 =	simm.s32 @!p1 $0x6  }
0xc9: {  	_ =	swait.ge @!p1 [sflag:s0], $0x2780  }
0xca: {  	[sflag:s0] =	ssyncset.done @!p1 $0x0  }
0xcb: {  	[sflag:s0] =	ssyncadd.s32 @!p1 $0xFFFFD880  }
.LBB2_15:
0xcc: {  	_ =	sfence.sel $0x180000  }
0xcd: {  	[bflag:$0x0] =	sbarrier.arrive $0xFFFF  }
0xce: {  	_ =	strace $0x90000050  }
0xcf: {  	s0 =	stileid.u32;
	[bflag:$0x2] =	sbarrier.arrive $0xFFFF  }
0xd0: {  	p0 =	sne.s32 s0, $0x0;
	s0 =	rddreg [dreg:$0x2]  }
0xd1: {  	s0 =	sadd.s32 @!p0 $0x100000, s0  }
0xd2: {  	[sflag:s0] =	ssyncadd.tile.s32 @!p0 $0x1;
	_ =	shalt  }
.Lfunc_end2:
_tile_overlayer_lowered:
.L_overlay_start_2:
0xd3: {  	(tag) =	ssettag $0x2  }
0xd4: {  	s0 =	rddreg [dreg:$0x0];
	s2 =	stileid.u32  }
0xd5: {  	s1 =	rddreg [dreg:$0x1];
	p0 =	sne.s32 s2, $0x0  }
0xd6: {  	s3 =	rddreg [dreg:$0x2];
	[bflag:$0x3] =	sbarrier.arrive $0xFFFF;
	s2 =	simm.s32 @!p0 $0x1C06  }
0xd7: {  	[timem:s3], [sflag:s2] =	dma.local @!p0 [hbm:s0], s1  }
0xd8: {  	s0 =	simm.s32 @!p0 $0x6  }
0xd9: {  	_ =	swait.ge @!p0 [sflag:s0], s1  }
0xda: {  	s1 =	ssub.s32 @!p0 $0x0, s1;
	[sflag:s0] =	ssyncset.done @!p0 $0x0  }
0xdb: {  	[sflag:s0] =	ssyncadd.s32 @!p0 s1  }
0xdc: {  	[bflag:$0x3] =	sbarrier.arrive $0xFFFF  }
0xdd: {  	_ =	shalt  }

// kernel: kernel.24.cloned.1.call-start
scs
__scs_entry_jumppad:
0x0: {  	(pc) =	sbr.rel $0x88, $3  }
0x1: {  	(tag) =	ssettag $0x0;
	lr =	simm.s32 $0x1  }
0x2: {  	[smem:$0x3F93] =	sst lr;
	_ =	strace $0xD0000000  }
0x3: {  	_ = 	snop  }
0x4: {  	_ = 	snop  }
0x5: {  	_ = 	snop  }
0x6: {  	_ = 	snop  }
0x7: {  	_ = 	snop  }
__scs_overlays_trampoline_lowered:
0x8: {  	[smem:$0x3FA2] =	sst s0  }
0x9: {  	[smem:$0x3FA3] =	sst s1  }
0xa: {  	[smem:$0x3FA4] =	sst s2  }
0xb: {  	[smem:$0x3FA5] =	sst s3  }
0xc: {  	[smem:$0x3FA6] =	sst s4  }
0xd: {  	[smem:$0x3FA7] =	sst s5  }
0xe: {  	[smem:$0x3FA8] =	sst s6  }
0xf: {  	[smem:$0x3FA9] =	sst s7  }
0x10: {  	[smem:$0x3FAA] =	sst s8  }
0x11: {  	[smem:$0x3FAB] =	sst s9;
	s0 =	simm.s32 @!p0 $0x0  }
0x12: {  	s1 =	sld [smem:$0x3F91];
	s0 =	simm.s32 @p0 $0x1  }
0x13: {  	[smem:$0x3FAC] =	sst s0;
	s0 =	simm.s32 @!p1 $0x0  }
0x14: {  	s2 =	sld [smem:$0x3F90];
	s0 =	simm.s32 @p1 $0x1  }
0x15: {  	[smem:$0x3FAD] =	sst s0;
	s0 =	simm.s32 @!p2 $0x0  }
0x16: {  	s3 =	sld [smem:$0x3FDB];
	s0 =	simm.s32 @p2 $0x1  }
0x17: {  	s4 =	simm.s32 $0x1BF5;
	[smem:$0x3FAF] =	sst s0  }
0x18: {  	s0 =	sld [smem:$0x3F92];
	_ =	swait.ge [sflag:s4], $0x0  }
0x19: {  	s7 =	sld [smem:$0x3F93]  }
0x1a: {  	s8 =	sadd.s32 $0xFFFFE003, lr  }
0x1b: {  	s9 =	sadd.s32 $0xFFFFFEF7, lr;
	s5 =	simm.s32 $0xFFFFFFFF;
	p2 =	slt.u32 s8, $0xFFFFF086  }
0x1c: {  	p1 =	slt.u32 s9, $0xF7A;
	s5 =	simm.s32 @!p2 $0x0  }
0x1d: {  	s5 =	simm.s32 @p1 $0x1;
	p0 =	seq.s32 s7, s2  }
0x1e: {  	s7 =	smul.u32 @!p0 $0xF7A, s2;
	p2 =	seq.s32 @!p0 s5, $0x0  }
0x1f: {  	s9 =	smul.u32 $0xF7A, s1;
	s8 =	simm.s32 @!p0 $0x1BF5;
	p2 =	por !p2, p0  }
0x20: {  	[sflag:s8] =	ssyncset.s32 @!p0 $0xFFFFF086;
	s6 =	sadd.s32 @!p0 s3, s7;
	s7 =	simm.s32 @!p0 $0x108  }
0x21: {  	s3 =	sadd.s32 s3, s9;
	s6 =	sadd.s32 @!p0 $0x88, s6;
	s7 =	simm.s32 @p2 $0x1082  }
0x22: {  	[simem:s7], [sflag:s8] =	dma.local @!p0 [hbm:s6], $0xF7A  }
0x23: {  	s9 =	sor.u32 $0xD0000000, s2;
	s6 =	simm.s32 $0x108;
	_ =	swait.ge @!p0 [sflag:s8], $0x0  }
0x24: {  	s3 =	sadd.s32 $0x88, s3;
	s6 =	simm.s32 @!p1 $0x1082;
	[sflag:s4] =	ssyncset.s32 $0xFFFFF086  }
0x25: {  	[simem:s6], [sflag:s4] =	dma.local [hbm:s3], $0xF7A  }
0x26: {  	[smem:$0x3F93] =	sst s1;
	(tag) =	ssettag s2;
	_ =	strace s9  }
0x27: {  	s1 =	sld [smem:$0x3FA3]  }
0x28: {  	s2 =	sld [smem:$0x3FA4]  }
0x29: {  	s4 =	sld [smem:$0x3FA6]  }
0x2a: {  	p0 =	seq.s32 s5, $0x0;
	s5 =	sld [smem:$0x3FA7]  }
0x2b: {  	s6 =	sld [smem:$0x3FA8]  }
0x2c: {  	s7 =	sld [smem:$0x3FA9]  }
0x2d: {  	s3 =	simm.s32 $0x108;
	s8 =	sld [smem:$0x3FAA]  }
0x2e: {  	s3 =	simm.s32 @!p0 $0x1082;
	s9 =	sld [smem:$0x3FAB]  }
0x2f: {  	lr =	sadd.s32 s0, s3;
	s0 =	sld [smem:$0x3FA2]  }
0x30: {  	s3 =	sld [smem:$0x3FA5]  }
0x31: {  	[smem:$0x3FAE] =	sst s10  }
0x32: {  	s10 =	sld [smem:$0x3FAC];
	_ =	sdelay $0x3  }
0x33: {  	p0 =	seq.s32 s10, $0x1;
	s10 =	sld [smem:$0x3FAE];
	_ =	sdelay $0x3  }
0x34: {  	[smem:$0x3FAE] =	sst s10  }
0x35: {  	s10 =	sld [smem:$0x3FAD];
	_ =	sdelay $0x3  }
0x36: {  	p1 =	seq.s32 s10, $0x1;
	s10 =	sld [smem:$0x3FAE];
	_ =	sdelay $0x3  }
0x37: {  	[smem:$0x3FAE] =	sst s10  }
0x38: {  	s10 =	sld [smem:$0x3FAF]  }
0x39: {  	_ = 	snop;
	(pc) =	sbr.ind lr, $3  }
0x3a: {  	_ = 	snop  }
0x3b: {  	_ = 	snop  }
0x3c: {  	p2 =	seq.s32 s10, $0x1;
	s10 =	sld [smem:$0x3FAE]  }
0x3d: {  	_ =	shalt  }
0x3e: {  	_ =	shalt  }
0x3f: {  	_ =	shalt  }
0x40: {  	_ =	shalt  }
0x41: {  	_ =	shalt  }
0x42: {  	_ =	shalt  }
0x43: {  	_ =	shalt  }
0x44: {  	_ =	shalt  }
0x45: {  	_ =	shalt  }
0x46: {  	_ =	shalt  }
0x47: {  	_ =	shalt  }
0x48: {  	_ =	shalt  }
0x49: {  	_ =	shalt  }
0x4a: {  	_ =	shalt  }
0x4b: {  	_ =	shalt  }
0x4c: {  	_ =	shalt  }
0x4d: {  	_ =	shalt  }
0x4e: {  	_ =	shalt  }
0x4f: {  	_ =	shalt  }
0x50: {  	_ =	shalt  }
0x51: {  	_ =	shalt  }
0x52: {  	_ =	shalt  }
0x53: {  	_ =	shalt  }
0x54: {  	_ =	shalt  }
0x55: {  	_ =	shalt  }
0x56: {  	_ =	shalt  }
0x57: {  	_ =	shalt  }
0x58: {  	_ =	shalt  }
0x59: {  	_ =	shalt  }
0x5a: {  	_ =	shalt  }
0x5b: {  	_ =	shalt  }
0x5c: {  	_ =	shalt  }
0x5d: {  	_ =	shalt  }
0x5e: {  	_ =	shalt  }
0x5f: {  	_ =	shalt  }
0x60: {  	_ =	shalt  }
0x61: {  	_ =	shalt  }
0x62: {  	_ =	shalt  }
0x63: {  	_ =	shalt  }
0x64: {  	_ =	shalt  }
0x65: {  	_ =	shalt  }
0x66: {  	_ =	shalt  }
0x67: {  	_ =	shalt  }
0x68: {  	_ =	shalt  }
0x69: {  	_ =	shalt  }
0x6a: {  	_ =	shalt  }
0x6b: {  	_ =	shalt  }
0x6c: {  	_ =	shalt  }
0x6d: {  	_ =	shalt  }
0x6e: {  	_ =	shalt  }
0x6f: {  	_ =	shalt  }
0x70: {  	_ =	shalt  }
0x71: {  	_ =	shalt  }
0x72: {  	_ =	shalt  }
0x73: {  	_ =	shalt  }
0x74: {  	_ =	shalt  }
0x75: {  	_ =	shalt  }
0x76: {  	_ =	shalt  }
0x77: {  	_ =	shalt  }
0x78: {  	_ =	shalt  }
0x79: {  	_ =	shalt  }
0x7a: {  	_ =	shalt  }
0x7b: {  	_ =	shalt  }
0x7c: {  	_ =	shalt  }
0x7d: {  	_ =	shalt  }
0x7e: {  	_ =	shalt  }
0x7f: {  	_ =	shalt  }
0x80: {  	_ =	shalt  }
0x81: {  	_ =	shalt  }
0x82: {  	_ =	shalt  }
0x83: {  	_ =	shalt  }
0x84: {  	_ =	shalt  }
0x85: {  	_ =	shalt  }
0x86: {  	_ =	shalt  }
0x87: {  	_ =	shalt  }
.Lfunc_end0:
.L_simem_size_0:
called_computation.4_lowered:
.L_overlay_start_0:
0x88: {  	s2 =	sld [smem:$0x3FD9]  }
0x89: {  	s3 =	sld [smem:$0x3FFE];
	_ =	sdelay $0x1  }
0x8a: {  	s1 =	srdreg.scid  }
0x8b: {  	s0 =	sand.u32 $0x1, s1  }
0x8c: {  	s17 =	sshll.u32 s0, $0xA;
	s2 =	sadd.s32 s3, s2  }
0x8d: {  	s2 =	sadd.s32 s2, s17  }
0x8e: {  	[smem:$0x3FBA] =	sst s2  }
0x8f: {  	_ = 	snop  }
0x90: {  	s2 =	sld [smem:$0x3FD0];
	(tm) =	ssettm $0x1  }
0x91: {  	s18 =	sld [smem:$0x3FFB];
	_ =	sdelay $0x3  }
0x92: {  	_ =	strace s18  }
0x93: {  	s3 =	sld [smem:$0x3FFC];
	_ =	sdelay $0x3  }
0x94: {  	_ =	strace s3  }
0x95: {  	s3 =	sld [smem:$0x3FFD];
	_ =	sdelay $0x3  }
0x96: {  	_ =	strace s3  }
0x97: {  	_ =	strace $0x8FFFFFFF  }
0x98: {  	s19 =	sld [smem:$0x3FDB];
	_ =	sdelay $0x1  }
0x99: {  	s4 =	simm.s32 $_scs_section_size  }
0x9a: {  	s5 =	simm.s32 $_size__tile_overlayer_lowered;
	s6 =	simm.s32 $_tile_overlayer_lowered  }
0x9b: {  	s22 =	simm.s32 $0x1BFF;
	s21 =	sshll.u32 s6, $0x1;
	s3 =	sadd.s32 s4, s19  }
0x9c: {  	s7 =	simm.s32 $0x0;
	s20 =	sshll.u32 s5, $0x1;
	s5 =	sadd.s32 s21, s3  }
0x9d: {  	[timem:s7], [sflag:s22] =	dma.local [hbm:s5], s20  }
0x9e: {  	_ =	swait.ge [sflag:s22], s20  }
0x9f: {  	s4 =	ssub.s32 $0x0, s20;
	[sflag:s22] =	ssyncset.done $0x0  }
0xa0: {  	[sflag:s22] =	ssyncadd.s32 s4;
	_ =	sdelay $0x1  }
0xa1: {  	s23 =	simm.s32 $0x1B8B  }
0xa2: {  	_ =	swait.ge [sflag:s23], $0x1  }
0xa3: {  	[sflag:s23] =	ssyncset.done $0x0  }
0xa4: {  	s25 =	simm.s32 $0x1B8E;
	s24 =	sld [smem:$0x3FFE];
	[sflag:s23] =	ssyncadd.s32 $0xFFFFFFFF  }
0xa5: {  	s26 =	simm.s32 $execute0_lowered;
	[smem:$0x3FD2] =	sst s25  }
0xa6: {  	s5 =	sshll.u32 s26, $0x1;
	_ =	strace $0x80000052;
	[dreg:$0x1] =	wrdreg $0xFFFFFFFF  }
0xa7: {  	s28 =	simm.s32 $_size_execute0_lowered;
	s3 =	sadd.s32 s3, s5;
	[dreg:$0x0] =	wrdreg $0x0  }
0xa8: {  	s5 =	sshll.u32 s28, $0x1;
	[dreg:$0x2] =	wrdreg s3  }
0xa9: {  	[dreg:$0x3] =	wrdreg s5  }
0xaa: {  	[dreg:$0x4] =	wrdreg $0xC0  }
0xab: {  	_ =	task [dreg:s7], $0x5FFFF  }
0xac: {  	[dreg:$0x1] =	wrdreg $0xFFFFFFFF  }
0xad: {  	[dreg:$0x0] =	wrdreg $0x60  }
0xae: {  	[dreg:$0x2] =	wrdreg s24  }
0xaf: {  	[dreg:$0x3] =	wrdreg s2  }
0xb0: {  	[dreg:$0x4] =	wrdreg $0xAE000  }
0xb1: {  	[dreg:$0x5] =	wrdreg $0x9  }
0xb2: {  	_ =	task.clear_ibuf [dreg:s7], $0x6FFFF;
	_ =	strace $0x90000052  }
0xb3: {  	s29 =	simm.s32 $0x9;
	_ =	strace $0x80000054  }
0xb4: {  	_ =	swait.ge [sflag:s29], $0x1  }
0xb5: {  	[sflag:s29] =	ssyncadd.s32 $0xFFFFFFFF  }
0xb6: {  	_ =	strace $0x90000054  }
0xb7: {  	_ =	sfence  }
0xb8: {  	s30 =	sld [smem:$0x0];
	_ =	sdelay $0x2  }
0xb9: {  	s31 =	sshll.u32 s1, $0xD;
	s1 =	sshrl.u32 s1, $0x2  }
0xba: {  	s3 =	sand.u32 $0x4000, s31;
	s1 =	sadd.s32 s1, s30  }
0xbb: {  	s0 =	sor.u32 s3, s0;
	s1 =	sshll.u32 s1, $0x11  }
0xbc: {  	s0 =	sor.u32 s1, s0  }
0xbd: {  	s0 =	sadd.s32 $0x8F2B, s0  }
0xbe: {  	[sflag:s0] =	ssyncadd.remote.s32 $0x1  }
0xbf: {  	_ =	sfence.sel $0xFFFF  }
0xc0: {  	[dreg:$0x0] =	wrdreg $0xFFFFFFFF;
	(pc) =	sbr.abs _section_cstart, $3  }
0xc1: {  	[dreg:$0x1] =	wrdreg $0xFFFFFFFF  }
0xc2: {  	_ =	task.clear_ibuf [dreg:s7], $0x2FFFF;
	_ =	strace $0x9FFFFFFF  }
0xc3: {  	(tm) =	ssettm $0x7FFFFFFF  }
tec
execute0_lowered:
.L_overlay_start_1:
0x0: {  	(tag) =	ssettag $0x1  }
0x1: {  	s0 =	rddreg [dreg:$0x0]  }
0x2: {  	s1 =	rddreg [dreg:$0x1]  }
0x3: {  	s2 =	rddreg [dreg:$0x2];
	s3 =	simm.s32 $0x0  }
0x4: {  	s16 =	stileid.u32;
	s4 =	srdreg.scid;
	s21 =	simm.s32 $0x6  }
0x5: {  	s23 =	simm.s32 $0x70;
	s28 =	simm.s32 $0x7600;
	s29 =	simm.s32 $0x2  }
0x6: {  	s30 =	simm.s32 $0x4;
	s31 =	simm.s32 $0x0;
	[smem:$0x7FF] =	sst s3  }
0x7: {  	s5 =	sadd.s32 $0x5D600, s0;
	s6 =	sadd.s32 $0x58600, s0;
	s9 =	smul.u32 $0x2780, s16  }
0x8: {  	s7 =	sadd.s32 $0x7A00, s0;
	s8 =	sadd.s32 $0x62600, s0;
	s11 =	smul.u32 $0x4F000, s16  }
0x9: {  	s4 =	sand.u32 $0x1, s4;
	s14 =	sadd.s32 $0x128400, s2;
	s26 =	sadd.s32 $0x123C80, s0  }
0xa: {  	s25 =	sshll.u32 s16, $0x6;
	p1 =	seq.s32 s16, $0xF;
	_ =	strace $0x80000053  }
0xb: {  	s10 =	ssub.s32 $0x2, s4;
	[dreg:$0x5] =	wrdreg s26;
	p0 =	sne.s32 s4, $0x0  }
0xc: {  	s26 =	simm.s32 $0x1;
	s15 =	sadd.s32 s9, s0;
	s12 =	sshrl.u32 s10, $0x1  }
0xd: {  	s9 =	smul.u32 $0x2760, s16;
	s24 =	sshrl.u32 s11, $0x2;
	s11 =	sor.u32 $0x1C06, s25  }
.Ltmp0:
0xe: {  	s0 =	sadd.s32 $0xAE880, s0;
	s19 =	ssub.s32 s10, s12;
	(pc) =	sbr.rel .LBB2_1-.Ltmp0, $4  }
0xf: {  	s10 =	sadd.s32 s24, s2;
	s17 =	sadd.s32 $0xFEC00, s15;
	[dreg:$0x7] =	wrdreg s0  }
0x10: {  	s15 =	sadd.s32 $0x89800, s15;
	s24 =	simm.s32 $0x600;
	[dreg:$0x4] =	wrdreg s17  }
0x11: {  	s13 =	sshrl.u32 s9, $0x3;
	[dreg:$0x6] =	wrdreg s15;
	s19 =	smax.u32 s19, $0x1  }
0x12: {  	s20 =	sshrl.u32 s10, $0x3;
	s12 =	sadd.s32 s5, s13;
	s13 =	sadd.s32 s6, s13  }
.LBB2_13:
0x13: {  	_ =	swait.ge [sflag:s30], $0x3800  }
0x14: {  	[sflag:s30] =	ssyncset.done $0x0  }
0x15: {  	[sflag:s30] =	ssyncadd.s32 $0xFFFFC800  }
0x16: {  	[bflag:$0x0] =	sbarrier.arrive $0xFFFF  }
0x17: {  	s15 =	rddreg [dreg:$0x5]  }
0x18: {  	[hbm:s15], [sflag:s11] =	dma.local @p1 [spmem:s4], $0x2080  }
0x19: {  	s4 =	simm.s32 @p1 $0x6  }
0x1a: {  	_ =	swait.ge @p1 [sflag:s4], $0x2080  }
0x1b: {  	[sflag:s4] =	ssyncset.done @p1 $0x0  }
0x1c: {  	[sflag:s4] =	ssyncadd.s32 @p1 $0xFFFFDF80;
	s4 =	rddreg [dreg:$0x4]  }
0x1d: {  	[hbm:s4], [sflag:s11] =	dma.local @!p1 [spmem:s0], $0x2780  }
0x1e: {  	s0 =	simm.s32 @!p1 $0x6  }
0x1f: {  	_ =	swait.ge @!p1 [sflag:s0], $0x2780  }
0x20: {  	[sflag:s0] =	ssyncset.done @!p1 $0x0  }
0x21: {  	[sflag:s0] =	ssyncadd.s32 @!p1 $0xFFFFD880  }
.LBB2_14:
0x22: {  	s31 =	sadd.s32 $0x1, s31  }
0x23: {  	p2 =	sne.s32 s31, s19  }
.Ltmp1:
0x24: {  	_ = 	snop;
	(pc) =	sbr.rel @!p2 .LBB2_15-.Ltmp1, $1  }
0x25: {  	_ =	sdelay $0x3  }
.LBB2_1:
0x26: {  	[spmem:s20], [sflag:s11] =	dma.local [hbm:s7], $0x2780  }
0x27: {  	_ =	swait.ge [sflag:s21], $0x2780  }
0x28: {  	[sflag:s21] =	ssyncset.done $0x0  }
0x29: {  	[sflag:s21] =	ssyncadd.s32 $0xFFFFD880  }
0x2a: {  	[tilespmem:s3], [sflag:$0x6] =	stream.linear.gather [hbm4b:s12+s3], $0x150, $0x38;
	[tilespmem:$0x1EA00] =	vst v63  }
0x2b: {  	_ =	swait.ge [sflag:s21], $0x150  }
0x2c: {  	[sflag:s21] =	ssyncset.done $0x0  }
0x2d: {  	s0 =	simm.s32 $0x300;
	[sflag:s21] =	ssyncadd.s32 $0xFFFFFEB0  }
0x2e: {  	[tilespmem:s0], [sflag:$0x6] =	stream.linear.gather [hbm4b:s13+s3], $0x150, $0x38;
	[tilespmem:$0x1EA00] =	vst v63  }
.Ltmp2:
0x2f: {  	_ =	swait.ge [sflag:s21], $0x150;
	(pc) =	sbr.rel @p0 .LBB2_8-.Ltmp2, $4  }
0x30: {  	[sflag:s21] =	ssyncset.done $0x0  }
0x31: {  	[sflag:s21] =	ssyncadd.s32 $0xFFFFFEB0  }
0x32: {  	[bflag:$0x0] =	sbarrier.arrive $0xFFFF  }
0x33: {  	s4 =	sshrl.u32 @p1 s14, $0x3;
	s0 =	sshrl.u32 @!p1 s10, $0x3  }
.Ltmp3:
0x34: {  	(pc) =	sbr.rel .LBB2_3-.Ltmp3, $4  }
0x35: {  	s22 =	simm.s32 $0x0  }
0x36: {  	[tilespmem:s24], [sflag:$0x1] =	stream.indirect.gather [hbm4b:s1+s23], $0x80, s22, s23, $0xb8;
	[tilespmem:$0x1EA00] =	vst v63  }
0x37: {  	s15 =	simm.s32 $0x3E00  }
0x38: {  	[tilespmem:s15], [sflag:$0x2] =	stream.indirect.gather [hbm4b:s1+s23], $0x80, s23, s23, $0xb8;
	[tilespmem:$0x1EA00] =	vst v63  }
.LBB2_5:
0x39: {  	s15 =	sadd.s32 @!p2 $0x1, s22  }
0x3a: {  	s15 =	simm.s32 @p2 $0x1  }
0x3b: {  	s16 =	smul.u32 $0x150, s15;
	_ =	sdelay $0x1  }
0x3c: {  	s17 =	sand.u32 $0x1, s15;
	s16 =	sadd.s32 s9, s16  }
0x3d: {  	p2 =	seq.s32 s17, $0x1;
	s17 =	simm.s32 $0x150;
	s16 =	sshrl.u32 s16, $0x3  }
0x3e: {  	s17 =	simm.s32 @!p2 $0x0;
	s25 =	sadd.s32 s5, s16  }
0x3f: {  	[tilespmem:s17], [sflag:$0x5] =	stream.linear.gather [hbm4b:s25+s3], $0x150, $0x38;
	[tilespmem:$0x1EA00] =	vst v63  }
0x40: {  	p2 =	por $0x0, $0x0;
	s16 =	sadd.s32 s6, s16;
	s17 =	sadd.s32 $0x300, s17  }
0x41: {  	[tilespmem:s17], [sflag:$0x5] =	stream.linear.gather [hbm4b:s16+s3], $0x150, $0x38;
	[tilespmem:$0x1EA00] =	vst v63  }
.LBB2_6:
0x42: {  	s16 =	sand.u32 $0x1, s22  }
0x43: {  	p3 =	seq.s32 s16, $0x1;
	s16 =	simm.s32 $0x150  }
0x44: {  	s16 =	simm.s32 @!p3 $0x0  }
0x45: {  	s17 =	sadd.s32 $0xE0, s16  }
0x46: {  	[tilespmem:s28], [sflag:$0x3] =	stream.indirect.gather [hbm4b:s1+s23], $0x80, s17, s23, $0xb8;
	[tilespmem:$0x1EA00] =	vst v63  }
0x47: {  	s18 =	sadd.s32 $0x300, s16  }
0x48: {  	[spmem:s2] =	stream.indirect.scatter.add.f32 [tilespmem:s24], [sflag:$0x4], $0x80, s18, s23, $0xb8;
	[tilespmem:$0x1EA00] =	vst v63  }
0x49: {  	_ =	swait.ge [sflag:s29], $0x3800  }
0x4a: {  	[sflag:s29] =	ssyncset.done $0x0  }
0x4b: {  	[sflag:s29] =	ssyncadd.s32 $0xFFFFC800  }
0x4c: {  	_ =	swait.ge [sflag:s30], $0x3800  }
0x4d: {  	s25 =	simm.s32 @p2 $0x70;
	[sflag:s30] =	ssyncset.done $0x0  }
0x4e: {  	s22 =	sadd.s32 @p2 $0x370, s16;
	s18 =	simm.s32 @p2 $0x3E00;
	[sflag:s30] =	ssyncadd.s32 $0xFFFFC800  }
0x4f: {  	[spmem:s2] =	stream.indirect.scatter.add.f32 @p2 [tilespmem:s18], [sflag:$0x4], $0x80, s22, s25, $0xb8;
	[tilespmem:$0x1EA00] =	vst v63  }
0x50: {  	s18 =	simm.s32 @p2 $0x3  }
0x51: {  	_ =	swait.ge @p2 [sflag:s18], $0x3800  }
0x52: {  	[sflag:s18] =	ssyncset.done @p2 $0x0  }
0x53: {  	[sflag:s18] =	ssyncadd.s32 @p2 $0xFFFFC800;
	s18 =	simm.s32 @p2 $0x4  }
0x54: {  	_ =	swait.ge @p2 [sflag:s18], $0x3800  }
0x55: {  	[sflag:s18] =	ssyncset.done @p2 $0x0  }
0x56: {  	[sflag:s18] =	ssyncadd.s32 @p2 $0xFFFFC800;
	s18 =	simm.s32 @!p2 $0x5  }
0x57: {  	_ =	swait.ge @!p2 [sflag:s18], $0x150  }
0x58: {  	[sflag:s18] =	ssyncset.done @!p2 $0x0  }
0x59: {  	[sflag:s18] =	ssyncadd.s32 @!p2 $0xFFFFFEB0  }
0x5a: {  	s22 =	sand.u32 @!p2 $0x1, s15;
	_ =	swait.ge @!p2 [sflag:s18], $0x150  }
0x5b: {  	p3 =	seq.s32 @!p2 s22, $0x1;
	[sflag:s18] =	ssyncset.done @!p2 $0x0  }
0x5c: {  	p3 =	por !p3, p2;
	[sflag:s18] =	ssyncadd.s32 @!p2 $0xFFFFFEB0;
	s18 =	simm.s32 @!p2 $0x150  }
0x5d: {  	s25 =	simm.s32 @!p2 $0x600;
	s22 =	simm.s32 @!p2 $0x70;
	s18 =	simm.s32 @p3 $0x0  }
0x5e: {  	[tilespmem:s25], [sflag:$0x1] =	stream.indirect.gather @!p2 [hbm4b:s1+s22], $0x80, s18, s22, $0xb8;
	[tilespmem:$0x1EA00] =	vst v63  }
0x5f: {  	s16 =	sadd.s32 @!p2 $0x370, s16;
	s18 =	simm.s32 @!p2 $0x3E00  }
0x60: {  	[spmem:s2] =	stream.indirect.scatter.add.f32 @!p2 [tilespmem:s18], [sflag:$0x4], $0x80, s16, s22, $0xb8;
	[tilespmem:$0x1EA00] =	vst v63  }
0x61: {  	s16 =	simm.s32 @!p2 $0x3  }
0x62: {  	_ =	swait.ge @!p2 [sflag:s16], $0x3800  }
0x63: {  	[sflag:s16] =	ssyncset.done @!p2 $0x0  }
0x64: {  	[sflag:s16] =	ssyncadd.s32 @!p2 $0xFFFFC800;
	s16 =	simm.s32 @!p2 $0x4  }
0x65: {  	_ =	swait.ge @!p2 [sflag:s16], $0x3800  }
0x66: {  	s25 =	simm.s32 @!p2 $0x1C0;
	[sflag:s16] =	ssyncset.done @!p2 $0x0  }
0x67: {  	s25 =	simm.s32 @p3 $0x70;
	[sflag:s16] =	ssyncadd.s32 @!p2 $0xFFFFC800  }
0x68: {  	[tilespmem:s18], [sflag:$0x2] =	stream.indirect.gather @!p2 [hbm4b:s1+s22], $0x80, s25, s22, $0xb8;
	[tilespmem:$0x1EA00] =	vst v63  }
0x69: {  	p2 =	slt.u32 s15, $0x1E  }
.Ltmp4:
0x6a: {  	_ = 	snop;
	(pc) =	sbr.rel @!p2 .LBB2_7-.Ltmp4, $3  }
0x6b: {  	_ =	sdelay $0x1  }
0x6c: {  	s25 =	sadd.s32 $0x300, s17;
	s22 =	smov.u32 s15  }
0x6d: {  	[spmem:s2] =	stream.indirect.scatter.add.f32 [tilespmem:s28], [sflag:$0x4], $0x80, s25, s23, $0xb8;
	[tilespmem:$0x1EA00] =	vst v63  }
.LBB2_3:
0x6e: {  	p2 =	seq.s32 s22, $0x0  }
0x6f: {  	p3 =	seq.s32 @!p2 s22, $0x1D  }
0x70: {  	_ =	swait.ge [sflag:s26], $0x3800;
	p3 =	por p2, !p3  }
.Ltmp5:
0x71: {  	[sflag:s26] =	ssyncset.done $0x0;
	(pc) =	sbr.rel @p3 .LBB2_5-.Ltmp5, $4  }
0x72: {  	s15 =	simm.s32 @!p2 $0x4;
	[sflag:s26] =	ssyncadd.s32 $0xFFFFC800  }
0x73: {  	_ =	swait.ge @!p2 [sflag:s15], $0x3800  }
0x74: {  	[sflag:s15] =	ssyncset.done @!p2 $0x0  }
0x75: {  	[sflag:s15] =	ssyncadd.s32 @!p2 $0xFFFFC800  }
.Ltmp6:
0x76: {  	(pc) =	sbr.rel .LBB2_6-.Ltmp6, $2  }
0x77: {  	_ =	sdelay $0x2  }
0x78: {  	s15 =	simm.s32 @!p2 $0x1E;
	p2 =	por @!p2 $0x1, $0x1  }
.LBB2_8:
.Ltmp7:
0x79: {  	(pc) =	sbr.rel .LBB2_9-.Ltmp7, $4  }
0x7a: {  	s15 =	simm.s32 $0x0  }
0x7b: {  	[tilespmem:s24], [sflag:$0x1] =	stream.indirect.gather [hbm4b:s8+s23], $0x80, s15, s23, $0xb8;
	[tilespmem:$0x1EA00] =	vst v63  }
0x7c: {  	s16 =	simm.s32 $0x3E00  }
0x7d: {  	[tilespmem:s16], [sflag:$0x2] =	stream.indirect.gather [hbm4b:s8+s23], $0x80, s23, s23, $0xb8;
	[tilespmem:$0x1EA00] =	vst v63  }
.LBB2_10:
0x7e: {  	s22 =	simm.s32 @!p2 $0x1E;
	p2 =	por @!p2 $0x1, $0x1  }
.LBB2_12:
0x7f: {  	s15 =	sand.u32 $0x1, s15  }
0x80: {  	p3 =	seq.s32 s15, $0x1;
	s15 =	simm.s32 $0x150  }
0x81: {  	s15 =	simm.s32 @!p3 $0x0  }
0x82: {  	s16 =	sadd.s32 $0xE0, s15  }
0x83: {  	[tilespmem:s28], [sflag:$0x3] =	stream.indirect.gather [hbm4b:s8+s23], $0x80, s16, s23, $0xb8;
	[tilespmem:$0x1EA00] =	vst v63  }
0x84: {  	s17 =	sadd.s32 $0x300, s15  }
0x85: {  	[spmem:s2] =	stream.indirect.scatter.add.f32 [tilespmem:s24], [sflag:$0x4], $0x80, s17, s23, $0xb8;
	[tilespmem:$0x1EA00] =	vst v63  }
0x86: {  	_ =	swait.ge [sflag:s29], $0x3800  }
0x87: {  	[sflag:s29] =	ssyncset.done $0x0  }
0x88: {  	[sflag:s29] =	ssyncadd.s32 $0xFFFFC800  }
0x89: {  	_ =	swait.ge [sflag:s30], $0x3800  }
0x8a: {  	s18 =	simm.s32 @p2 $0x70;
	[sflag:s30] =	ssyncset.done $0x0  }
0x8b: {  	s25 =	simm.s32 @p2 $0x3E00;
	s17 =	sadd.s32 @p2 $0x370, s15;
	[sflag:s30] =	ssyncadd.s32 $0xFFFFC800  }
0x8c: {  	[spmem:s2] =	stream.indirect.scatter.add.f32 @p2 [tilespmem:s25], [sflag:$0x4], $0x80, s17, s18, $0xb8;
	[tilespmem:$0x1EA00] =	vst v63  }
0x8d: {  	s17 =	simm.s32 @p2 $0x3  }
0x8e: {  	_ =	swait.ge @p2 [sflag:s17], $0x3800  }
0x8f: {  	[sflag:s17] =	ssyncset.done @p2 $0x0  }
0x90: {  	[sflag:s17] =	ssyncadd.s32 @p2 $0xFFFFC800;
	s17 =	simm.s32 @p2 $0x4  }
0x91: {  	_ =	swait.ge @p2 [sflag:s17], $0x3800  }
0x92: {  	[sflag:s17] =	ssyncset.done @p2 $0x0  }
0x93: {  	[sflag:s17] =	ssyncadd.s32 @p2 $0xFFFFC800;
	s17 =	simm.s32 @!p2 $0x5  }
0x94: {  	_ =	swait.ge @!p2 [sflag:s17], $0x150  }
0x95: {  	[sflag:s17] =	ssyncset.done @!p2 $0x0  }
0x96: {  	[sflag:s17] =	ssyncadd.s32 @!p2 $0xFFFFFEB0  }
0x97: {  	s18 =	sand.u32 @!p2 $0x1, s22;
	_ =	swait.ge @!p2 [sflag:s17], $0x150  }
0x98: {  	p3 =	seq.s32 @!p2 s18, $0x1;
	[sflag:s17] =	ssyncset.done @!p2 $0x0  }
0x99: {  	p3 =	por !p3, p2;
	[sflag:s17] =	ssyncadd.s32 @!p2 $0xFFFFFEB0;
	s17 =	simm.s32 @!p2 $0x150  }
0x9a: {  	s25 =	simm.s32 @!p2 $0x600;
	s18 =	simm.s32 @!p2 $0x70;
	s17 =	simm.s32 @p3 $0x0  }
0x9b: {  	[tilespmem:s25], [sflag:$0x1] =	stream.indirect.gather @!p2 [hbm4b:s8+s18], $0x80, s17, s18, $0xb8;
	[tilespmem:$0x1EA00] =	vst v63  }
0x9c: {  	s15 =	sadd.s32 @!p2 $0x370, s15;
	s17 =	simm.s32 @!p2 $0x3E00  }
0x9d: {  	[spmem:s2] =	stream.indirect.scatter.add.f32 @!p2 [tilespmem:s17], [sflag:$0x4], $0x80, s15, s18, $0xb8;
	[tilespmem:$0x1EA00] =	vst v63  }
0x9e: {  	s15 =	simm.s32 @!p2 $0x3  }
0x9f: {  	_ =	swait.ge @!p2 [sflag:s15], $0x3800  }
0xa0: {  	[sflag:s15] =	ssyncset.done @!p2 $0x0  }
0xa1: {  	[sflag:s15] =	ssyncadd.s32 @!p2 $0xFFFFC800;
	s15 =	simm.s32 @!p2 $0x4  }
0xa2: {  	_ =	swait.ge @!p2 [sflag:s15], $0x3800  }
0xa3: {  	s25 =	simm.s32 @!p2 $0x1C0;
	[sflag:s15] =	ssyncset.done @!p2 $0x0  }
0xa4: {  	s25 =	simm.s32 @p3 $0x70;
	[sflag:s15] =	ssyncadd.s32 @!p2 $0xFFFFC800  }
0xa5: {  	[tilespmem:s17], [sflag:$0x2] =	stream.indirect.gather @!p2 [hbm4b:s8+s18], $0x80, s25, s18, $0xb8;
	[tilespmem:$0x1EA00] =	vst v63  }
0xa6: {  	p2 =	slt.u32 s22, $0x1E  }
.Ltmp8:
0xa7: {  	_ = 	snop;
	(pc) =	sbr.rel @!p2 .LBB2_13-.Ltmp8, $3  }
0xa8: {  	_ =	sdelay $0x1  }
0xa9: {  	s15 =	smov.u32 s22;
	s25 =	sadd.s32 $0x300, s16  }
0xaa: {  	[spmem:s2] =	stream.indirect.scatter.add.f32 [tilespmem:s28], [sflag:$0x4], $0x80, s25, s23, $0xb8;
	[tilespmem:$0x1EA00] =	vst v63  }
.LBB2_9:
0xab: {  	p2 =	seq.s32 s15, $0x0  }
0xac: {  	p3 =	seq.s32 @!p2 s15, $0x1D  }
0xad: {  	_ =	swait.ge [sflag:s26], $0x3800;
	p3 =	por p2, !p3  }
.Ltmp9:
0xae: {  	[sflag:s26] =	ssyncset.done $0x0;
	(pc) =	sbr.rel @!p3 .LBB2_10-.Ltmp9, $4  }
0xaf: {  	s16 =	simm.s32 @!p2 $0x4;
	[sflag:s26] =	ssyncadd.s32 $0xFFFFC800  }
0xb0: {  	_ =	swait.ge @!p2 [sflag:s16], $0x3800  }
0xb1: {  	[sflag:s16] =	ssyncset.done @!p2 $0x0  }
0xb2: {  	[sflag:s16] =	ssyncadd.s32 @!p2 $0xFFFFC800  }
0xb3: {  	s22 =	sadd.s32 @!p2 $0x1, s15  }
0xb4: {  	s22 =	simm.s32 @p2 $0x1  }
0xb5: {  	s16 =	smul.u32 $0x150, s22  }
0xb6: {  	s17 =	sand.u32 $0x1, s22  }
0xb7: {  	p2 =	seq.s32 s17, $0x1;
	s16 =	sadd.s32 s9, s16  }
.Ltmp10:
0xb8: {  	s17 =	simm.s32 $0x150;
	s16 =	sshrl.u32 s16, $0x3;
	(pc) =	sbr.rel .LBB2_12-.Ltmp10, $4  }
0xb9: {  	s17 =	simm.s32 @!p2 $0x0;
	s18 =	sadd.s32 s5, s16  }
0xba: {  	[tilespmem:s17], [sflag:$0x5] =	stream.linear.gather [hbm4b:s18+s3], $0x150, $0x38;
	[tilespmem:$0x1EA00] =	vst v63  }
0xbb: {  	p2 =	por $0x0, $0x0;
	s16 =	sadd.s32 s6, s16;
	s17 =	sadd.s32 $0x300, s17  }
0xbc: {  	[tilespmem:s17], [sflag:$0x5] =	stream.linear.gather [hbm4b:s16+s3], $0x150, $0x38;
	[tilespmem:$0x1EA00] =	vst v63  }
.LBB2_7:
0xbd: {  	_ =	swait.ge [sflag:s30], $0x3800  }
0xbe: {  	[sflag:s30] =	ssyncset.done $0x0  }
0xbf: {  	[sflag:s30] =	ssyncadd.s32 $0xFFFFC800  }
0xc0: {  	[bflag:$0x0] =	sbarrier.arrive $0xFFFF  }
0xc1: {  	s15 =	rddreg [dreg:$0x7]  }
0xc2: {  	[hbm:s15], [sflag:s11] =	dma.local @p1 [spmem:s4], $0x2080  }
0xc3: {  	s4 =	simm.s32 @p1 $0x6  }
0xc4: {  	_ =	swait.ge @p1 [sflag:s4], $0x2080  }
0xc5: {  	[sflag:s4] =	ssyncset.done @p1 $0x0  }
0xc6: {  	[sflag:s4] =	ssyncadd.s32 @p1 $0xFFFFDF80;
	s4 =	rddreg [dreg:$0x6]  }
0xc7: {  	[hbm:s4], [sflag:s11] =	dma.local @!p1 [spmem:s0], $0x2780  }
.Ltmp11:
0xc8: {  	_ = 	snop;
	(pc) =	sbr.rel .LBB2_14-.Ltmp11, $4  }
0xc9: {  	s0 =	simm.s32 @!p1 $0x6  }
0xca: {  	_ =	swait.ge @!p1 [sflag:s0], $0x2780  }
0xcb: {  	[sflag:s0] =	ssyncset.done @!p1 $0x0  }
0xcc: {  	[sflag:s0] =	ssyncadd.s32 @!p1 $0xFFFFD880  }
.LBB2_15:
0xcd: {  	_ =	sfence.sel $0x180000  }
0xce: {  	[bflag:$0x0] =	sbarrier.arrive $0xFFFF  }
0xcf: {  	_ =	strace $0x90000053  }
0xd0: {  	s0 =	stileid.u32;
	[bflag:$0x2] =	sbarrier.arrive $0xFFFF  }
0xd1: {  	p0 =	sne.s32 s0, $0x0;
	s0 =	rddreg [dreg:$0x3]  }
0xd2: {  	s0 =	sadd.s32 @!p0 $0x100000, s0  }
0xd3: {  	[sflag:s0] =	ssyncadd.tile.s32 @!p0 $0x1;
	_ =	shalt  }
.Lfunc_end2:
_tile_overlayer_lowered:
.L_overlay_start_2:
0xd4: {  	(tag) =	ssettag $0x2  }
0xd5: {  	s0 =	rddreg [dreg:$0x0];
	s2 =	stileid.u32  }
0xd6: {  	s1 =	rddreg [dreg:$0x1];
	p0 =	sne.s32 s2, $0x0  }
0xd7: {  	s3 =	rddreg [dreg:$0x2];
	[bflag:$0x3] =	sbarrier.arrive $0xFFFF;
	s2 =	simm.s32 @!p0 $0x1C06  }
0xd8: {  	[timem:s3], [sflag:s2] =	dma.local @!p0 [hbm:s0], s1  }
0xd9: {  	s0 =	simm.s32 @!p0 $0x6  }
0xda: {  	_ =	swait.ge @!p0 [sflag:s0], s1  }
0xdb: {  	s1 =	ssub.s32 @!p0 $0x0, s1;
	[sflag:s0] =	ssyncset.done @!p0 $0x0  }
0xdc: {  	[sflag:s0] =	ssyncadd.s32 @!p0 s1  }
0xdd: {  	[bflag:$0x3] =	sbarrier.arrive $0xFFFF  }
0xde: {  	_ =	shalt  }

</sc_bundles>
